<compile_context>
chip_gen: v7x
topology: tpu7x:2x2x1
jax: 0.10.2.dev20260603
libtpu: 0.0.44.dev20260713+nightly
codegen_flags: <defaults>
</compile_context>

<pallas_src>
import functools

import jax
import jax.numpy as jnp
from jax import lax
from jax.experimental import pallas as pl
from jax.experimental.pallas import tpu as pltpu
from jax.experimental.pallas import tpu_sc as plsc

VOCAB = 100000
EMBED = 64
CTX = 50
HID = 128

VT = 61600
VS = VOCAB - VT

VBLK = 1400
NSTREAM = 4
NBLK = VT // VBLK
NSTEP = NBLK // NSTREAM

NW = 32
RW = VS // NW
CHUNK = 400
NCHUNK = RW // CHUNK
GRP = 16
G_PER_CHUNK = CHUNK // GRP


def _a_body(idx_ref, table_ref, w1_ref, b1_ref, h_ref, sem, emb_ref):
    copies = [
        pltpu.make_async_copy(
            table_ref.at[pl.ds(idx_ref[t], 1), :],
            emb_ref.at[pl.ds(t, 1), :],
            sem,
        )
        for t in range(CTX)
    ]
    for c in copies:
        c.start()
    for c in copies:
        c.wait()
    acc = jnp.zeros((1, HID), jnp.float32)
    for t in range(CTX):
        acc = acc + lax.dot_general(
            emb_ref[t:t + 1, :].astype(jnp.bfloat16),
            w1_ref[:, t * EMBED:(t + 1) * EMBED].astype(jnp.bfloat16),
            (((1,), (1,)), ((), ())), preferred_element_type=jnp.float32)
    h_ref[...] = jnp.maximum(acc + b1_ref[...], 0.0)


_a_call = pl.pallas_call(
    _a_body,
    in_specs=[
        pl.BlockSpec(memory_space=pltpu.SMEM),
        pl.BlockSpec(memory_space=pl.ANY),
        pl.BlockSpec((HID, CTX * EMBED), lambda: (0, 0)),
        pl.BlockSpec((1, HID), lambda: (0, 0)),
    ],
    out_specs=pl.BlockSpec((1, HID), lambda: (0, 0)),
    out_shape=jax.ShapeDtypeStruct((1, HID), jnp.float32),
    scratch_shapes=[
        pltpu.SemaphoreType.DMA,
        pltpu.VMEM((CTX, EMBED), jnp.float32),
    ],
)


def _b_body(h_hbm, w2_hbm, b2_hbm, out_hbm, h_v, chunk_v, b2_v, log_v, sem):
    wid = lax.axis_index("s") * 2 + lax.axis_index("c")
    base = wid * RW
    pltpu.sync_copy(h_hbm, h_v)
    pltpu.sync_copy(b2_hbm.at[pl.ds(base, RW)], b2_v)

    for c in range(NCHUNK):
        pltpu.sync_copy(
            w2_hbm.at[pl.ds((VT + base + c * CHUNK) * HID, CHUNK * HID)],
            chunk_v)

        lane = lax.iota(jnp.int32, GRP)
        h_vecs = [h_v[pl.ds(GRP * i, GRP)] for i in range(HID // GRP)]

        def group(g, carry, c=c):
            row0 = g * GRP
            acc = b2_v[pl.ds(c * CHUNK + row0, GRP)]
            for r in range(GRP):
                addr = (row0 + r) * HID
                prod = chunk_v[pl.ds(addr, GRP)] * h_vecs[0]
                for i in range(1, HID // GRP):
                    prod = prod + chunk_v[pl.ds(addr + GRP * i, GRP)] * h_vecs[i]
                s = jnp.sum(prod)
                acc = jnp.where(lane == r, acc + s, acc)
            log_v[pl.ds(c * CHUNK + row0, GRP)] = acc
            return carry

        lax.fori_loop(0, G_PER_CHUNK, group, 0)

    pltpu.sync_copy(log_v, out_hbm.at[pl.ds(base, RW)])


@functools.cache
def _b_call():
    return pl.kernel(
        _b_body,
        out_type=jax.ShapeDtypeStruct((VS,), jnp.float32),
        mesh=plsc.VectorSubcoreMesh(core_axis_name="c", subcore_axis_name="s"),
        scratch_types=[
            pltpu.VMEM((HID,), jnp.float32),
            pltpu.VMEM((CHUNK * HID,), jnp.float32),
            pltpu.VMEM((RW,), jnp.float32),
            pltpu.VMEM((RW,), jnp.float32),
            pltpu.SemaphoreType.DMA,
        ],
        compiler_params=pltpu.CompilerParams(needs_layout_passes=False),
    )


def _c_body(h_ref, *rest):
    w2_refs = rest[:NSTREAM]
    b2_ref, out_ref = rest[NSTREAM:]
    j = pl.program_id(0)
    hb = h_ref[...].astype(jnp.bfloat16)
    for g in range(NSTREAM):
        logits = lax.dot_general(
            hb, w2_refs[g][...].astype(jnp.bfloat16),
            (((1,), (1,)), ((), ())),
            preferred_element_type=jnp.float32,
        ) + b2_ref[:, 0, g * VBLK:(g + 1) * VBLK]
        out_ref[pl.ds(j * NSTREAM + g, 1)] = logits[None]


def _w2_spec(g):
    return pl.BlockSpec((VBLK, HID), lambda j, g=g: (j * NSTREAM + g, 0))


_c_call = pl.pallas_call(
    _c_body,
    grid=(NSTEP,),
    in_specs=[
        pl.BlockSpec((1, HID), lambda j: (0, 0)),
    ] + [_w2_spec(g) for g in range(NSTREAM)] + [
        pl.BlockSpec((1, 1, NSTREAM * VBLK), lambda j: (j, 0, 0)),
    ],
    out_specs=pl.BlockSpec((NBLK, 1, VBLK), lambda j: (0, 0, 0)),
    out_shape=jax.ShapeDtypeStruct((NBLK, 1, VBLK), jnp.float32),
    compiler_params=pltpu.CompilerParams(
        dimension_semantics=("arbitrary",)),
)


def _d_body(a_ref, b_ref, oa_ref, ob_ref):
    a = a_ref[...]
    b = b_ref[...]
    m = jnp.maximum(jnp.max(a), jnp.max(b))
    s = jnp.sum(jnp.exp(a - m)) + jnp.sum(jnp.exp(b - m))
    lse = m + jnp.log(s)
    oa_ref[...] = a - lse
    ob_ref[...] = b - lse


_d_call = pl.pallas_call(
    _d_body,
    in_specs=[
        pl.BlockSpec((NBLK, 1, VBLK), lambda: (0, 0, 0)),
        pl.BlockSpec((1, VS), lambda: (0, 0)),
    ],
    out_specs=[
        pl.BlockSpec((NBLK, 1, VBLK), lambda: (0, 0, 0)),
        pl.BlockSpec((1, VS), lambda: (0, 0)),
    ],
    out_shape=[
        jax.ShapeDtypeStruct((NBLK, 1, VBLK), jnp.float32),
        jax.ShapeDtypeStruct((1, VS), jnp.float32),
    ],
)


def kernel(inputs, emb_table, W1, b1, W2, b2):
    idx = inputs.astype(jnp.int32)
    h = _a_call(idx, emb_table, W1, b1.reshape(1, HID))
    logits_sc = _b_call()(h.reshape(HID), W2.reshape(VOCAB * HID),
                          lax.slice(b2, (VT,), (VOCAB,)))
    logits_tc = _c_call(
        h,
        *([W2] * NSTREAM),
        lax.slice(b2, (0,), (VT,)).reshape(NSTEP, 1, NSTREAM * VBLK),
    )
    out_a, out_b = _d_call(logits_tc, logits_sc.reshape(1, VS))
    return jnp.concatenate(
        [out_a.reshape(1, VT), out_b], axis=1)

# --- scband reference (transcript-rebuilt; emitter-appended) ---
"""Pipeline reference for scband-embed-32753420600018 (READ-ONLY COPY).

The authoritative reference and input builder live on the scoring server;
editing this copy changes nothing except your own understanding.
"""

import jax, jax.numpy as jnp
import numpy as np

VOCAB = 100000
EMBED = 64
CTX = 50
HID = 128

def setup_inputs(seed: int = 0) -> dict:
    key = jax.random.key(seed)
    k0, k1, k2, k3, k4, k5 = jax.random.split(key, 6)
    inputs = jax.random.randint(k0, (CTX,), 0, VOCAB, dtype=jnp.int64 if jax.config.jax_enable_x64 else jnp.int32)
    emb_table = jax.random.normal(k1, (VOCAB, EMBED), dtype=jnp.float32)
    # linear1: in = CTX*EMBED, out = HID
    W1 = jax.random.normal(k2, (HID, CTX * EMBED), dtype=jnp.float32) * (1.0 / np.sqrt(CTX * EMBED))
    b1 = jax.random.normal(k3, (HID,), dtype=jnp.float32) * 0.01
    # linear2: in = HID, out = VOCAB
    W2 = jax.random.normal(k4, (VOCAB, HID), dtype=jnp.float32) * (1.0 / np.sqrt(HID))
    b2 = jax.random.normal(k5, (VOCAB,), dtype=jnp.float32) * 0.01
    return {"inputs": inputs, "emb_table": emb_table, "W1": W1, "b1": b1, "W2": W2, "b2": b2}

def reference(inputs, emb_table, W1, b1, W2, b2):
    embeds = jnp.take(emb_table, inputs, axis=0).reshape(1, -1)  # [1, CTX*EMBED]
    out = jax.nn.relu(embeds @ W1.T + b1)                        # [1, HID]
    out = out @ W2.T + b2                                        # [1, VOCAB]
    return jax.nn.log_softmax(out, axis=1)

if __name__ == "__main__":
    import jax
    _d = setup_inputs()
    print(jax.jit(kernel)(*tuple(_d.values())))

</pallas_src>

<mosaic_0001>
#map = affine_map<(d0, d1) -> (0)>
module attributes {stable_mosaic.version = 14 : i64} {
  func.func @_b_body(%arg0: i32, %arg1: i32, %arg2: memref<128xf32, #tpu.memory_space<hbm>>, %arg3: memref<12800000xf32, #tpu.memory_space<hbm>>, %arg4: memref<38400xf32, #tpu.memory_space<hbm>>, %arg5: memref<38400xf32, #tpu.memory_space<hbm>>, %arg6: memref<128xf32, #tpu.memory_space<vmem>>, %arg7: memref<51200xf32, #tpu.memory_space<vmem>>, %arg8: memref<1200xf32, #tpu.memory_space<vmem>>, %arg9: memref<1200xf32, #tpu.memory_space<vmem>>, %arg10: memref<!tpu.dma_semaphore, #tpu.memory_space<semaphore_mem>>) attributes {dimension_semantics = [#tpu.dimension_semantics<core_parallel>, #tpu.dimension_semantics<subcore_parallel>], iteration_bounds = array<i64: 2, 16>, scalar_prefetch = 0 : i64, scratch_operands = 5 : i64, tpu.core_type = #tpu.core_type<sc_vector_subcore>, window_params = [{transform_indices = #map}, {transform_indices = #map}, {transform_indices = #map}, {transform_indices = #map}]} {
    %mul3A = arith.constant 2 : i32
    %mul3A_0 = arith.muli %arg1, %mul3A : i32
    %add3A = arith.addi %mul3A_0, %arg0 : i32
    %mul3A_1 = arith.constant 1200 : i32
    %mul3A_2 = arith.muli %add3A, %mul3A_1 : i32
    "tpu.region"() ({
      %run_scoped3A = tpu.sem_alloc : memref<!tpu.dma_semaphore, #tpu.memory_space<semaphore_mem>>
      tpu.enqueue_dma source(%arg2 : memref<128xf32, #tpu.memory_space<hbm>>) target(%arg6 : memref<128xf32, #tpu.memory_space<vmem>>) target_semaphore(%run_scoped3A : memref<!tpu.dma_semaphore, #tpu.memory_space<semaphore_mem>>)
      tpu.wait_dma2 semaphore(%run_scoped3A : memref<!tpu.dma_semaphore, #tpu.memory_space<semaphore_mem>>) src(%arg2 : memref<128xf32, #tpu.memory_space<hbm>>) dst(%arg6 : memref<128xf32, #tpu.memory_space<vmem>>)
      tpu.yield
    }) : () -> ()
    "tpu.region"() ({
      %run_scoped3A = tpu.sem_alloc : memref<!tpu.dma_semaphore, #tpu.memory_space<semaphore_mem>>
      %dma_start3A = tpu.memref_slice %arg4[%mul3A_2] : memref<38400xf32, #tpu.memory_space<hbm>> -> memref<1200xf32, #tpu.memory_space<hbm>>
      %dma_start3A_87 = tpu.memref_slice %arg4[%mul3A_2] : memref<38400xf32, #tpu.memory_space<hbm>> -> memref<1200xf32, #tpu.memory_space<hbm>>
      tpu.enqueue_dma source(%dma_start3A_87 : memref<1200xf32, #tpu.memory_space<hbm>>) target(%arg8 : memref<1200xf32, #tpu.memory_space<vmem>>) target_semaphore(%run_scoped3A : memref<!tpu.dma_semaphore, #tpu.memory_space<semaphore_mem>>)
      %dma_wait3A = tpu.memref_slice %arg4[%mul3A_2] : memref<38400xf32, #tpu.memory_space<hbm>> -> memref<1200xf32, #tpu.memory_space<hbm>>
      %dma_wait3A_88 = tpu.memref_slice %arg4[%mul3A_2] : memref<38400xf32, #tpu.memory_space<hbm>> -> memref<1200xf32, #tpu.memory_space<hbm>>
      tpu.wait_dma2 semaphore(%run_scoped3A : memref<!tpu.dma_semaphore, #tpu.memory_space<semaphore_mem>>) src(%dma_wait3A_88 : memref<1200xf32, #tpu.memory_space<hbm>>) dst(%arg8 : memref<1200xf32, #tpu.memory_space<vmem>>)
      tpu.yield
    }) : () -> ()
    %add3A_3 = arith.constant 61600 : i32
    %add3A_4 = arith.addi %add3A_3, %mul3A_2 : i32
    %add3A_5 = arith.constant 0 : i32
    %add3A_6 = arith.addi %add3A_4, %add3A_5 : i32
    %mul3A_7 = arith.constant 128 : i32
    %mul3A_8 = arith.muli %add3A_6, %mul3A_7 : i32
    "tpu.region"() ({
      %run_scoped3A = tpu.sem_alloc : memref<!tpu.dma_semaphore, #tpu.memory_space<semaphore_mem>>
      %dma_start3A = tpu.memref_slice %arg3[%mul3A_8] : memref<12800000xf32, #tpu.memory_space<hbm>> -> memref<51200xf32, #tpu.memory_space<hbm>>
      %dma_start3A_87 = tpu.memref_slice %arg3[%mul3A_8] : memref<12800000xf32, #tpu.memory_space<hbm>> -> memref<51200xf32, #tpu.memory_space<hbm>>
      tpu.enqueue_dma source(%dma_start3A_87 : memref<51200xf32, #tpu.memory_space<hbm>>) target(%arg7 : memref<51200xf32, #tpu.memory_space<vmem>>) target_semaphore(%run_scoped3A : memref<!tpu.dma_semaphore, #tpu.memory_space<semaphore_mem>>)
      %dma_wait3A = tpu.memref_slice %arg3[%mul3A_8] : memref<12800000xf32, #tpu.memory_space<hbm>> -> memref<51200xf32, #tpu.memory_space<hbm>>
      %dma_wait3A_88 = tpu.memref_slice %arg3[%mul3A_8] : memref<12800000xf32, #tpu.memory_space<hbm>> -> memref<51200xf32, #tpu.memory_space<hbm>>
      tpu.wait_dma2 semaphore(%run_scoped3A : memref<!tpu.dma_semaphore, #tpu.memory_space<semaphore_mem>>) src(%dma_wait3A_88 : memref<51200xf32, #tpu.memory_space<hbm>>) dst(%arg7 : memref<51200xf32, #tpu.memory_space<vmem>>)
      tpu.yield
    }) : () -> ()
    %iota3A = tpu.iota {dimensions = array<i32: 0>} : vector<16xi32>
    %get3A = arith.constant 0 : index
    %get3A_9 = tpu.vector_load %arg6[%get3A] {strides = array<i32>} : memref<128xf32, #tpu.memory_space<vmem>>, vector<16xf32>,
    %get3A_10 = arith.constant 16 : index
    %get3A_11 = tpu.vector_load %arg6[%get3A_10] {strides = array<i32>} : memref<128xf32, #tpu.memory_space<vmem>>, vector<16xf32>,
    %get3A_12 = arith.constant 32 : index
    %get3A_13 = tpu.vector_load %arg6[%get3A_12] {strides = array<i32>} : memref<128xf32, #tpu.memory_space<vmem>>, vector<16xf32>,
    %get3A_14 = arith.constant 48 : index
    %get3A_15 = tpu.vector_load %arg6[%get3A_14] {strides = array<i32>} : memref<128xf32, #tpu.memory_space<vmem>>, vector<16xf32>,
    %get3A_16 = arith.constant 64 : index
    %get3A_17 = tpu.vector_load %arg6[%get3A_16] {strides = array<i32>} : memref<128xf32, #tpu.memory_space<vmem>>, vector<16xf32>,
    %get3A_18 = arith.constant 80 : index
    %get3A_19 = tpu.vector_load %arg6[%get3A_18] {strides = array<i32>} : memref<128xf32, #tpu.memory_space<vmem>>, vector<16xf32>,
    %get3A_20 = arith.constant 96 : index
    %get3A_21 = tpu.vector_load %arg6[%get3A_20] {strides = array<i32>} : memref<128xf32, #tpu.memory_space<vmem>>, vector<16xf32>,
    %get3A_22 = arith.constant 112 : index
    %get3A_23 = tpu.vector_load %arg6[%get3A_22] {strides = array<i32>} : memref<128xf32, #tpu.memory_space<vmem>>, vector<16xf32>,
    %scan3A = arith.constant 0 : i32
    %scan3A_24 = arith.constant 0 : i32
    %scan3A_25 = arith.constant 25 : i32
    %scan3A_26 = arith.addi %scan3A_24, %scan3A_25 : i32
    %scan3A_27 = arith.constant 1 : i32
    scf.for %scan3A_87 = %scan3A_24 to %scan3A_26 step %scan3A_27  : i32 {
      %mul3A_88 = arith.constant 16 : i32
      %mul3A_89 = arith.muli %scan3A_87, %mul3A_88 : i32
      %add3A_90 = arith.constant 0 : i32
      %add3A_91 = arith.addi %add3A_90, %mul3A_89 : i32
      %get3A_92 = arith.index_cast %add3A_91 : i32 to index
      %get3A_93 = tpu.vector_load %arg8[%get3A_92] {strides = array<i32>} : memref<1200xf32, #tpu.memory_space<vmem>>, vector<16xf32>,
      %add3A_94 = arith.constant 0 : i32
      %add3A_95 = arith.addi %mul3A_89, %add3A_94 : i32
      %mul3A_96 = arith.constant 128 : i32
      %mul3A_97 = arith.muli %add3A_95, %mul3A_96 : i32
      %get3A_98 = arith.index_cast %mul3A_97 : i32 to index
      %get3A_99 = tpu.vector_load %arg7[%get3A_98] {strides = array<i32>} : memref<51200xf32, #tpu.memory_space<vmem>>, vector<16xf32>,
      %mul3A_100 = arith.mulf %get3A_99, %get3A_9 : vector<16xf32>
      %add3A_101 = arith.constant 16 : i32
      %add3A_102 = arith.addi %mul3A_97, %add3A_101 : i32
      %get3A_103 = arith.index_cast %add3A_102 : i32 to index
      %get3A_104 = tpu.vector_load %arg7[%get3A_103] {strides = array<i32>} : memref<51200xf32, #tpu.memory_space<vmem>>, vector<16xf32>,
      %mul3A_105 = arith.mulf %get3A_104, %get3A_11 : vector<16xf32>
      %add3A_106 = arith.addf %mul3A_100, %mul3A_105 : vector<16xf32>
      %add3A_107 = arith.constant 32 : i32
      %add3A_108 = arith.addi %mul3A_97, %add3A_107 : i32
      %get3A_109 = arith.index_cast %add3A_108 : i32 to index
      %get3A_110 = tpu.vector_load %arg7[%get3A_109] {strides = array<i32>} : memref<51200xf32, #tpu.memory_space<vmem>>, vector<16xf32>,
      %mul3A_111 = arith.mulf %get3A_110, %get3A_13 : vector<16xf32>
      %add3A_112 = arith.addf %add3A_106, %mul3A_111 : vector<16xf32>
      %add3A_113 = arith.constant 48 : i32
      %add3A_114 = arith.addi %mul3A_97, %add3A_113 : i32
      %get3A_115 = arith.index_cast %add3A_114 : i32 to index
      %get3A_116 = tpu.vector_load %arg7[%get3A_115] {strides = array<i32>} : memref<51200xf32, #tpu.memory_space<vmem>>, vector<16xf32>,
      %mul3A_117 = arith.mulf %get3A_116, %get3A_15 : vector<16xf32>
      %add3A_118 = arith.addf %add3A_112, %mul3A_117 : vector<16xf32>
      %add3A_119 = arith.constant 64 : i32
      %add3A_120 = arith.addi %mul3A_97, %add3A_119 : i32
      %get3A_121 = arith.index_cast %add3A_120 : i32 to index
      %get3A_122 = tpu.vector_load %arg7[%get3A_121] {strides = array<i32>} : memref<51200xf32, #tpu.memory_space<vmem>>, vector<16xf32>,
      %mul3A_123 = arith.mulf %get3A_122, %get3A_17 : vector<16xf32>
      %add3A_124 = arith.addf %add3A_118, %mul3A_123 : vector<16xf32>
      %add3A_125 = arith.constant 80 : i32
      %add3A_126 = arith.addi %mul3A_97, %add3A_125 : i32
      %get3A_127 = arith.index_cast %add3A_126 : i32 to index
      %get3A_128 = tpu.vector_load %arg7[%get3A_127] {strides = array<i32>} : memref<51200xf32, #tpu.memory_space<vmem>>, vector<16xf32>,
      %mul3A_129 = arith.mulf %get3A_128, %get3A_19 : vector<16xf32>
      %add3A_130 = arith.addf %add3A_124, %mul3A_129 : vector<16xf32>
      %add3A_131 = arith.constant 96 : i32
      %add3A_132 = arith.addi %mul3A_97, %add3A_131 : i32
      %get3A_133 = arith.index_cast %add3A_132 : i32 to index
      %get3A_134 = tpu.vector_load %arg7[%get3A_133] {strides = array<i32>} : memref<51200xf32, #tpu.memory_space<vmem>>, vector<16xf32>,
      %mul3A_135 = arith.mulf %get3A_134, %get3A_21 : vector<16xf32>
      %add3A_136 = arith.addf %add3A_130, %mul3A_135 : vector<16xf32>
      %add3A_137 = arith.constant 112 : i32
      %add3A_138 = arith.addi %mul3A_97, %add3A_137 : i32
      %get3A_139 = arith.index_cast %add3A_138 : i32 to index
      %get3A_140 = tpu.vector_load %arg7[%get3A_139] {strides = array<i32>} : memref<51200xf32, #tpu.memory_space<vmem>>, vector<16xf32>,
      %mul3A_141 = arith.mulf %get3A_140, %get3A_23 : vector<16xf32>
      %add3A_142 = arith.addf %add3A_136, %mul3A_141 : vector<16xf32>
      %reduce_sum3A = arith.constant true
      %reduce_sum3A_143 = vector.broadcast %reduce_sum3A : i1 to vector<16xi1>
      %reduce_sum3A_144 = tpu.scan <sum>, %add3A_142 masked %reduce_sum3A_143 : vector<16xf32>, vector<16xi1> -> vector<16xf32>
      %reduce_sum3A_145 = vector.extract %reduce_sum3A_144[15] : f32 from vector<16xf32>
      %eq3A = arith.constant 0 : i32
      %eq3A_146 = vector.broadcast %eq3A : i32 to vector<16xi32>
      %eq3A_147 = arith.cmpi eq, %iota3A, %eq3A_146 : vector<16xi32>
      %add3A_148 = vector.broadcast %reduce_sum3A_145 : f32 to vector<16xf32>
      %add3A_149 = arith.addf %get3A_93, %add3A_148 : vector<16xf32>
      %select_n3A = arith.select %eq3A_147, %add3A_149, %get3A_93 : vector<16xi1>, vector<16xf32>
      %add3A_150 = arith.constant 1 : i32
      %add3A_151 = arith.addi %mul3A_89, %add3A_150 : i32
      %mul3A_152 = arith.constant 128 : i32
      %mul3A_153 = arith.muli %add3A_151, %mul3A_152 : i32
      %get3A_154 = arith.index_cast %mul3A_153 : i32 to index
      %get3A_155 = tpu.vector_load %arg7[%get3A_154] {strides = array<i32>} : memref<51200xf32, #tpu.memory_space<vmem>>, vector<16xf32>,
      %mul3A_156 = arith.mulf %get3A_155, %get3A_9 : vector<16xf32>
      %add3A_157 = arith.constant 16 : i32
      %add3A_158 = arith.addi %mul3A_153, %add3A_157 : i32
      %get3A_159 = arith.index_cast %add3A_158 : i32 to index
      %get3A_160 = tpu.vector_load %arg7[%get3A_159] {strides = array<i32>} : memref<51200xf32, #tpu.memory_space<vmem>>, vector<16xf32>,
      %mul3A_161 = arith.mulf %get3A_160, %get3A_11 : vector<16xf32>
      %add3A_162 = arith.addf %mul3A_156, %mul3A_161 : vector<16xf32>
      %add3A_163 = arith.constant 32 : i32
      %add3A_164 = arith.addi %mul3A_153, %add3A_163 : i32
      %get3A_165 = arith.index_cast %add3A_164 : i32 to index
      %get3A_166 = tpu.vector_load %arg7[%get3A_165] {strides = array<i32>} : memref<51200xf32, #tpu.memory_space<vmem>>, vector<16xf32>,
      %mul3A_167 = arith.mulf %get3A_166, %get3A_13 : vector<16xf32>
      %add3A_168 = arith.addf %add3A_162, %mul3A_167 : vector<16xf32>
      %add3A_169 = arith.constant 48 : i32
      %add3A_170 = arith.addi %mul3A_153, %add3A_169 : i32
      %get3A_171 = arith.index_cast %add3A_170 : i32 to index
      %get3A_172 = tpu.vector_load %arg7[%get3A_171] {strides = array<i32>} : memref<51200xf32, #tpu.memory_space<vmem>>, vector<16xf32>,
      %mul3A_173 = arith.mulf %get3A_172, %get3A_15 : vector<16xf32>
      %add3A_174 = arith.addf %add3A_168, %mul3A_173 : vector<16xf32>
      %add3A_175 = arith.constant 64 : i32
      %add3A_176 = arith.addi %mul3A_153, %add3A_175 : i32
      %get3A_177 = arith.index_cast %add3A_176 : i32 to index
      %get3A_178 = tpu.vector_load %arg7[%get3A_177] {strides = array<i32>} : memref<51200xf32, #tpu.memory_space<vmem>>, vector<16xf32>,
      %mul3A_179 = arith.mulf %get3A_178, %get3A_17 : vector<16xf32>
      %add3A_180 = arith.addf %add3A_174, %mul3A_179 : vector<16xf32>
      %add3A_181 = arith.constant 80 : i32
      %add3A_182 = arith.addi %mul3A_153, %add3A_181 : i32
      %get3A_183 = arith.index_cast %add3A_182 : i32 to index
      %get3A_184 = tpu.vector_load %arg7[%get3A_183] {strides = array<i32>} : memref<51200xf32, #tpu.memory_space<vmem>>, vector<16xf32>,
      %mul3A_185 = arith.mulf %get3A_184, %get3A_19 : vector<16xf32>
      %add3A_186 = arith.addf %add3A_180, %mul3A_185 : vector<16xf32>
      %add3A_187 = arith.constant 96 : i32
      %add3A_188 = arith.addi %mul3A_153, %add3A_187 : i32
      %get3A_189 = arith.index_cast %add3A_188 : i32 to index
      %get3A_190 = tpu.vector_load %arg7[%get3A_189] {strides = array<i32>} : memref<51200xf32, #tpu.memory_space<vmem>>, vector<16xf32>,
      %mul3A_191 = arith.mulf %get3A_190, %get3A_21 : vector<16xf32>
      %add3A_192 = arith.addf %add3A_186, %mul3A_191 : vector<16xf32>
      %add3A_193 = arith.constant 112 : i32
      %add3A_194 = arith.addi %mul3A_153, %add3A_193 : i32
      %get3A_195 = arith.index_cast %add3A_194 : i32 to index
      %get3A_196 = tpu.vector_load %arg7[%get3A_195] {strides = array<i32>} : memref<51200xf32, #tpu.memory_space<vmem>>, vector<16xf32>,
      %mul3A_197 = arith.mulf %get3A_196, %get3A_23 : vector<16xf32>
      %add3A_198 = arith.addf %add3A_192, %mul3A_197 : vector<16xf32>
      %reduce_sum3A_199 = arith.constant true
      %reduce_sum3A_200 = vector.broadcast %reduce_sum3A_199 : i1 to vector<16xi1>
      %reduce_sum3A_201 = tpu.scan <sum>, %add3A_198 masked %reduce_sum3A_200 : vector<16xf32>, vector<16xi1> -> vector<16xf32>
      %reduce_sum3A_202 = vector.extract %reduce_sum3A_201[15] : f32 from vector<16xf32>
      %eq3A_203 = arith.constant 1 : i32
      %eq3A_204 = vector.broadcast %eq3A_203 : i32 to vector<16xi32>
      %eq3A_205 = arith.cmpi eq, %iota3A, %eq3A_204 : vector<16xi32>
      %add3A_206 = vector.broadcast %reduce_sum3A_202 : f32 to vector<16xf32>
      %add3A_207 = arith.addf %select_n3A, %add3A_206 : vector<16xf32>
      %select_n3A_208 = arith.select %eq3A_205, %add3A_207, %select_n3A : vector<16xi1>, vector<16xf32>
      %add3A_209 = arith.constant 2 : i32
      %add3A_210 = arith.addi %mul3A_89, %add3A_209 : i32
      %mul3A_211 = arith.constant 128 : i32
      %mul3A_212 = arith.muli %add3A_210, %mul3A_211 : i32
      %get3A_213 = arith.index_cast %mul3A_212 : i32 to index
      %get3A_214 = tpu.vector_load %arg7[%get3A_213] {strides = array<i32>} : memref<51200xf32, #tpu.memory_space<vmem>>, vector<16xf32>,
      %mul3A_215 = arith.mulf %get3A_214, %get3A_9 : vector<16xf32>
      %add3A_216 = arith.constant 16 : i32
      %add3A_217 = arith.addi %mul3A_212, %add3A_216 : i32
      %get3A_218 = arith.index_cast %add3A_217 : i32 to index
      %get3A_219 = tpu.vector_load %arg7[%get3A_218] {strides = array<i32>} : memref<51200xf32, #tpu.memory_space<vmem>>, vector<16xf32>,
      %mul3A_220 = arith.mulf %get3A_219, %get3A_11 : vector<16xf32>
      %add3A_221 = arith.addf %mul3A_215, %mul3A_220 : vector<16xf32>
      %add3A_222 = arith.constant 32 : i32
      %add3A_223 = arith.addi %mul3A_212, %add3A_222 : i32
      %get3A_224 = arith.index_cast %add3A_223 : i32 to index
      %get3A_225 = tpu.vector_load %arg7[%get3A_224] {strides = array<i32>} : memref<51200xf32, #tpu.memory_space<vmem>>, vector<16xf32>,
      %mul3A_226 = arith.mulf %get3A_225, %get3A_13 : vector<16xf32>
      %add3A_227 = arith.addf %add3A_221, %mul3A_226 : vector<16xf32>
      %add3A_228 = arith.constant 48 : i32
      %add3A_229 = arith.addi %mul3A_212, %add3A_228 : i32
      %get3A_230 = arith.index_cast %add3A_229 : i32 to index
      %get3A_231 = tpu.vector_load %arg7[%get3A_230] {strides = array<i32>} : memref<51200xf32, #tpu.memory_space<vmem>>, vector<16xf32>,
      %mul3A_232 = arith.mulf %get3A_231, %get3A_15 : vector<16xf32>
      %add3A_233 = arith.addf %add3A_227, %mul3A_232 : vector<16xf32>
      %add3A_234 = arith.constant 64 : i32
      %add3A_235 = arith.addi %mul3A_212, %add3A_234 : i32
      %get3A_236 = arith.index_cast %add3A_235 : i32 to index
      %get3A_237 = tpu.vector_load %arg7[%get3A_236] {strides = array<i32>} : memref<51200xf32, #tpu.memory_space<vmem>>, vector<16xf32>,
      %mul3A_238 = arith.mulf %get3A_237, %get3A_17 : vector<16xf32>
      %add3A_239 = arith.addf %add3A_233, %mul3A_238 : vector<16xf32>
      %add3A_240 = arith.constant 80 : i32
      %add3A_241 = arith.addi %mul3A_212, %add3A_240 : i32
      %get3A_242 = arith.index_cast %add3A_241 : i32 to index
      %get3A_243 = tpu.vector_load %arg7[%get3A_242] {strides = array<i32>} : memref<51200xf32, #tpu.memory_space<vmem>>, vector<16xf32>,
      %mul3A_244 = arith.mulf %get3A_243, %get3A_19 : vector<16xf32>
      %add3A_245 = arith.addf %add3A_239, %mul3A_244 : vector<16xf32>
      %add3A_246 = arith.constant 96 : i32
      %add3A_247 = arith.addi %mul3A_212, %add3A_246 : i32
      %get3A_248 = arith.index_cast %add3A_247 : i32 to index
      %get3A_249 = tpu.vector_load %arg7[%get3A_248] {strides = array<i32>} : memref<51200xf32, #tpu.memory_space<vmem>>, vector<16xf32>,
      %mul3A_250 = arith.mulf %get3A_249, %get3A_21 : vector<16xf32>
      %add3A_251 = arith.addf %add3A_245, %mul3A_250 : vector<16xf32>
      %add3A_252 = arith.constant 112 : i32
      %add3A_253 = arith.addi %mul3A_212, %add3A_252 : i32
      %get3A_254 = arith.index_cast %add3A_253 : i32 to index
      %get3A_255 = tpu.vector_load %arg7[%get3A_254] {strides = array<i32>} : memref<51200xf32, #tpu.memory_space<vmem>>, vector<16xf32>,
      %mul3A_256 = arith.mulf %get3A_255, %get3A_23 : vector<16xf32>
      %add3A_257 = arith.addf %add3A_251, %mul3A_256 : vector<16xf32>
      %reduce_sum3A_258 = arith.constant true
      %reduce_sum3A_259 = vector.broadcast %reduce_sum3A_258 : i1 to vector<16xi1>
      %reduce_sum3A_260 = tpu.scan <sum>, %add3A_257 masked %reduce_sum3A_259 : vector<16xf32>, vector<16xi1> -> vector<16xf32>
      %reduce_sum3A_261 = vector.extract %reduce_sum3A_260[15] : f32 from vector<16xf32>
      %eq3A_262 = arith.constant 2 : i32
      %eq3A_263 = vector.broadcast %eq3A_262 : i32 to vector<16xi32>
      %eq3A_264 = arith.cmpi eq, %iota3A, %eq3A_263 : vector<16xi32>
      %add3A_265 = vector.broadcast %reduce_sum3A_261 : f32 to vector<16xf32>
      %add3A_266 = arith.addf %select_n3A_208, %add3A_265 : vector<16xf32>
      %select_n3A_267 = arith.select %eq3A_264, %add3A_266, %select_n3A_208 : vector<16xi1>, vector<16xf32>
      %add3A_268 = arith.constant 3 : i32
      %add3A_269 = arith.addi %mul3A_89, %add3A_268 : i32
      %mul3A_270 = arith.constant 128 : i32
      %mul3A_271 = arith.muli %add3A_269, %mul3A_270 : i32
      %get3A_272 = arith.index_cast %mul3A_271 : i32 to index
      %get3A_273 = tpu.vector_load %arg7[%get3A_272] {strides = array<i32>} : memref<51200xf32, #tpu.memory_space<vmem>>, vector<16xf32>,
      %mul3A_274 = arith.mulf %get3A_273, %get3A_9 : vector<16xf32>
      %add3A_275 = arith.constant 16 : i32
      %add3A_276 = arith.addi %mul3A_271, %add3A_275 : i32
      %get3A_277 = arith.index_cast %add3A_276 : i32 to index
      %get3A_278 = tpu.vector_load %arg7[%get3A_277] {strides = array<i32>} : memref<51200xf32, #tpu.memory_space<vmem>>, vector<16xf32>,
      %mul3A_279 = arith.mulf %get3A_278, %get3A_11 : vector<16xf32>
      %add3A_280 = arith.addf %mul3A_274, %mul3A_279 : vector<16xf32>
      %add3A_281 = arith.constant 32 : i32
      %add3A_282 = arith.addi %mul3A_271, %add3A_281 : i32
      %get3A_283 = arith.index_cast %add3A_282 : i32 to index
      %get3A_284 = tpu.vector_load %arg7[%get3A_283] {strides = array<i32>} : memref<51200xf32, #tpu.memory_space<vmem>>, vector<16xf32>,
      %mul3A_285 = arith.mulf %get3A_284, %get3A_13 : vector<16xf32>
      %add3A_286 = arith.addf %add3A_280, %mul3A_285 : vector<16xf32>
      %add3A_287 = arith.constant 48 : i32
      %add3A_288 = arith.addi %mul3A_271, %add3A_287 : i32
      %get3A_289 = arith.index_cast %add3A_288 : i32 to index
      %get3A_290 = tpu.vector_load %arg7[%get3A_289] {strides = array<i32>} : memref<51200xf32, #tpu.memory_space<vmem>>, vector<16xf32>,
      %mul3A_291 = arith.mulf %get3A_290, %get3A_15 : vector<16xf32>
      %add3A_292 = arith.addf %add3A_286, %mul3A_291 : vector<16xf32>
      %add3A_293 = arith.constant 64 : i32
      %add3A_294 = arith.addi %mul3A_271, %add3A_293 : i32
      %get3A_295 = arith.index_cast %add3A_294 : i32 to index
      %get3A_296 = tpu.vector_load %arg7[%get3A_295] {strides = array<i32>} : memref<51200xf32, #tpu.memory_space<vmem>>, vector<16xf32>,
      %mul3A_297 = arith.mulf %get3A_296, %get3A_17 : vector<16xf32>
      %add3A_298 = arith.addf %add3A_292, %mul3A_297 : vector<16xf32>
      %add3A_299 = arith.constant 80 : i32
      %add3A_300 = arith.addi %mul3A_271, %add3A_299 : i32
      %get3A_301 = arith.index_cast %add3A_300 : i32 to index
      %get3A_302 = tpu.vector_load %arg7[%get3A_301] {strides = array<i32>} : memref<51200xf32, #tpu.memory_space<vmem>>, vector<16xf32>,
      %mul3A_303 = arith.mulf %get3A_302, %get3A_19 : vector<16xf32>
      %add3A_304 = arith.addf %add3A_298, %mul3A_303 : vector<16xf32>
      %add3A_305 = arith.constant 96 : i32
      %add3A_306 = arith.addi %mul3A_271, %add3A_305 : i32
      %get3A_307 = arith.index_cast %add3A_306 : i32 to index
      %get3A_308 = tpu.vector_load %arg7[%get3A_307] {strides = array<i32>} : memref<51200xf32, #tpu.memory_space<vmem>>, vector<16xf32>,
      %mul3A_309 = arith.mulf %get3A_308, %get3A_21 : vector<16xf32>
      %add3A_310 = arith.addf %add3A_304, %mul3A_309 : vector<16xf32>
      %add3A_311 = arith.constant 112 : i32
      %add3A_312 = arith.addi %mul3A_271, %add3A_311 : i32
      %get3A_313 = arith.index_cast %add3A_312 : i32 to index
      %get3A_314 = tpu.vector_load %arg7[%get3A_313] {strides = array<i32>} : memref<51200xf32, #tpu.memory_space<vmem>>, vector<16xf32>,
      %mul3A_315 = arith.mulf %get3A_314, %get3A_23 : vector<16xf32>
      %add3A_316 = arith.addf %add3A_310, %mul3A_315 : vector<16xf32>
      %reduce_sum3A_317 = arith.constant true
      %reduce_sum3A_318 = vector.broadcast %reduce_sum3A_317 : i1 to vector<16xi1>
      %reduce_sum3A_319 = tpu.scan <sum>, %add3A_316 masked %reduce_sum3A_318 : vector<16xf32>, vector<16xi1> -> vector<16xf32>
      %reduce_sum3A_320 = vector.extract %reduce_sum3A_319[15] : f32 from vector<16xf32>
      %eq3A_321 = arith.constant 3 : i32
      %eq3A_322 = vector.broadcast %eq3A_321 : i32 to vector<16xi32>
      %eq3A_323 = arith.cmpi eq, %iota3A, %eq3A_322 : vector<16xi32>
      %add3A_324 = vector.broadcast %reduce_sum3A_320 : f32 to vector<16xf32>
      %add3A_325 = arith.addf %select_n3A_267, %add3A_324 : vector<16xf32>
      %select_n3A_326 = arith.select %eq3A_323, %add3A_325, %select_n3A_267 : vector<16xi1>, vector<16xf32>
      %add3A_327 = arith.constant 4 : i32
      %add3A_328 = arith.addi %mul3A_89, %add3A_327 : i32
      %mul3A_329 = arith.constant 128 : i32
      %mul3A_330 = arith.muli %add3A_328, %mul3A_329 : i32
      %get3A_331 = arith.index_cast %mul3A_330 : i32 to index
      %get3A_332 = tpu.vector_load %arg7[%get3A_331] {strides = array<i32>} : memref<51200xf32, #tpu.memory_space<vmem>>, vector<16xf32>,
      %mul3A_333 = arith.mulf %get3A_332, %get3A_9 : vector<16xf32>
      %add3A_334 = arith.constant 16 : i32
      %add3A_335 = arith.addi %mul3A_330, %add3A_334 : i32
      %get3A_336 = arith.index_cast %add3A_335 : i32 to index
      %get3A_337 = tpu.vector_load %arg7[%get3A_336] {strides = array<i32>} : memref<51200xf32, #tpu.memory_space<vmem>>, vector<16xf32>,
      %mul3A_338 = arith.mulf %get3A_337, %get3A_11 : vector<16xf32>
      %add3A_339 = arith.addf %mul3A_333, %mul3A_338 : vector<16xf32>
      %add3A_340 = arith.constant 32 : i32
      %add3A_341 = arith.addi %mul3A_330, %add3A_340 : i32
      %get3A_342 = arith.index_cast %add3A_341 : i32 to index
      %get3A_343 = tpu.vector_load %arg7[%get3A_342] {strides = array<i32>} : memref<51200xf32, #tpu.memory_space<vmem>>, vector<16xf32>,
      %mul3A_344 = arith.mulf %get3A_343, %get3A_13 : vector<16xf32>
      %add3A_345 = arith.addf %add3A_339, %mul3A_344 : vector<16xf32>
      %add3A_346 = arith.constant 48 : i32
      %add3A_347 = arith.addi %mul3A_330, %add3A_346 : i32
      %get3A_348 = arith.index_cast %add3A_347 : i32 to index
      %get3A_349 = tpu.vector_load %arg7[%get3A_348] {strides = array<i32>} : memref<51200xf32, #tpu.memory_space<vmem>>, vector<16xf32>,
      %mul3A_350 = arith.mulf %get3A_349, %get3A_15 : vector<16xf32>
      %add3A_351 = arith.addf %add3A_345, %mul3A_350 : vector<16xf32>
      %add3A_352 = arith.constant 64 : i32
      %add3A_353 = arith.addi %mul3A_330, %add3A_352 : i32
      %get3A_354 = arith.index_cast %add3A_353 : i32 to index
      %get3A_355 = tpu.vector_load %arg7[%get3A_354] {strides = array<i32>} : memref<51200xf32, #tpu.memory_space<vmem>>, vector<16xf32>,
      %mul3A_356 = arith.mulf %get3A_355, %get3A_17 : vector<16xf32>
      %add3A_357 = arith.addf %add3A_351, %mul3A_356 : vector<16xf32>
      %add3A_358 = arith.constant 80 : i32
      %add3A_359 = arith.addi %mul3A_330, %add3A_358 : i32
      %get3A_360 = arith.index_cast %add3A_359 : i32 to index
      %get3A_361 = tpu.vector_load %arg7[%get3A_360] {strides = array<i32>} : memref<51200xf32, #tpu.memory_space<vmem>>, vector<16xf32>,
      %mul3A_362 = arith.mulf %get3A_361, %get3A_19 : vector<16xf32>
      %add3A_363 = arith.addf %add3A_357, %mul3A_362 : vector<16xf32>
      %add3A_364 = arith.constant 96 : i32
      %add3A_365 = arith.addi %mul3A_330, %add3A_364 : i32
      %get3A_366 = arith.index_cast %add3A_365 : i32 to index
      %get3A_367 = tpu.vector_load %arg7[%get3A_366] {strides = array<i32>} : memref<51200xf32, #tpu.memory_space<vmem>>, vector<16xf32>,
      %mul3A_368 = arith.mulf %get3A_367, %get3A_21 : vector<16xf32>
      %add3A_369 = arith.addf %add3A_363, %mul3A_368 : vector<16xf32>
      %add3A_370 = arith.constant 112 : i32
      %add3A_371 = arith.addi %mul3A_330, %add3A_370 : i32
      %get3A_372 = arith.index_cast %add3A_371 : i32 to index
      %get3A_373 = tpu.vector_load %arg7[%get3A_372] {strides = array<i32>} : memref<51200xf32, #tpu.memory_space<vmem>>, vector<16xf32>,
      %mul3A_374 = arith.mulf %get3A_373, %get3A_23 : vector<16xf32>
      %add3A_375 = arith.addf %add3A_369, %mul3A_374 : vector<16xf32>
      %reduce_sum3A_376 = arith.constant true
      %reduce_sum3A_377 = vector.broadcast %reduce_sum3A_376 : i1 to vector<16xi1>
      %reduce_sum3A_378 = tpu.scan <sum>, %add3A_375 masked %reduce_sum3A_377 : vector<16xf32>, vector<16xi1> -> vector<16xf32>
      %reduce_sum3A_379 = vector.extract %reduce_sum3A_378[15] : f32 from vector<16xf32>
      %eq3A_380 = arith.constant 4 : i32
      %eq3A_381 = vector.broadcast %eq3A_380 : i32 to vector<16xi32>
      %eq3A_382 = arith.cmpi eq, %iota3A, %eq3A_381 : vector<16xi32>
      %add3A_383 = vector.broadcast %reduce_sum3A_379 : f32 to vector<16xf32>
      %add3A_384 = arith.addf %select_n3A_326, %add3A_383 : vector<16xf32>
      %select_n3A_385 = arith.select %eq3A_382, %add3A_384, %select_n3A_326 : vector<16xi1>, vector<16xf32>
      %add3A_386 = arith.constant 5 : i32
      %add3A_387 = arith.addi %mul3A_89, %add3A_386 : i32
      %mul3A_388 = arith.constant 128 : i32
      %mul3A_389 = arith.muli %add3A_387, %mul3A_388 : i32
      %get3A_390 = arith.index_cast %mul3A_389 : i32 to index
      %get3A_391 = tpu.vector_load %arg7[%get3A_390] {strides = array<i32>} : memref<51200xf32, #tpu.memory_space<vmem>>, vector<16xf32>,
      %mul3A_392 = arith.mulf %get3A_391, %get3A_9 : vector<16xf32>
      %add3A_393 = arith.constant 16 : i32
      %add3A_394 = arith.addi %mul3A_389, %add3A_393 : i32
      %get3A_395 = arith.index_cast %add3A_394 : i32 to index
      %get3A_396 = tpu.vector_load %arg7[%get3A_395] {strides = array<i32>} : memref<51200xf32, #tpu.memory_space<vmem>>, vector<16xf32>,
      %mul3A_397 = arith.mulf %get3A_396, %get3A_11 : vector<16xf32>
      %add3A_398 = arith.addf %mul3A_392, %mul3A_397 : vector<16xf32>
      %add3A_399 = arith.constant 32 : i32
      %add3A_400 = arith.addi %mul3A_389, %add3A_399 : i32
      %get3A_401 = arith.index_cast %add3A_400 : i32 to index
      %get3A_402 = tpu.vector_load %arg7[%get3A_401] {strides = array<i32>} : memref<51200xf32, #tpu.memory_space<vmem>>, vector<16xf32>,
      %mul3A_403 = arith.mulf %get3A_402, %get3A_13 : vector<16xf32>
      %add3A_404 = arith.addf %add3A_398, %mul3A_403 : vector<16xf32>
      %add3A_405 = arith.constant 48 : i32
      %add3A_406 = arith.addi %mul3A_389, %add3A_405 : i32
      %get3A_407 = arith.index_cast %add3A_406 : i32 to index
      %get3A_408 = tpu.vector_load %arg7[%get3A_407] {strides = array<i32>} : memref<51200xf32, #tpu.memory_space<vmem>>, vector<16xf32>,
      %mul3A_409 = arith.mulf %get3A_408, %get3A_15 : vector<16xf32>
      %add3A_410 = arith.addf %add3A_404, %mul3A_409 : vector<16xf32>
      %add3A_411 = arith.constant 64 : i32
      %add3A_412 = arith.addi %mul3A_389, %add3A_411 : i32
      %get3A_413 = arith.index_cast %add3A_412 : i32 to index
      %get3A_414 = tpu.vector_load %arg7[%get3A_413] {strides = array<i32>} : memref<51200xf32, #tpu.memory_space<vmem>>, vector<16xf32>,
      %mul3A_415 = arith.mulf %get3A_414, %get3A_17 : vector<16xf32>
      %add3A_416 = arith.addf %add3A_410, %mul3A_415 : vector<16xf32>
      %add3A_417 = arith.constant 80 : i32
      %add3A_418 = arith.addi %mul3A_389, %add3A_417 : i32
      %get3A_419 = arith.index_cast %add3A_418 : i32 to index
      %get3A_420 = tpu.vector_load %arg7[%get3A_419] {strides = array<i32>} : memref<51200xf32, #tpu.memory_space<vmem>>, vector<16xf32>,
      %mul3A_421 = arith.mulf %get3A_420, %get3A_19 : vector<16xf32>
      %add3A_422 = arith.addf %add3A_416, %mul3A_421 : vector<16xf32>
      %add3A_423 = arith.constant 96 : i32
      %add3A_424 = arith.addi %mul3A_389, %add3A_423 : i32
      %get3A_425 = arith.index_cast %add3A_424 : i32 to index
      %get3A_426 = tpu.vector_load %arg7[%get3A_425] {strides = array<i32>} : memref<51200xf32, #tpu.memory_space<vmem>>, vector<16xf32>,
      %mul3A_427 = arith.mulf %get3A_426, %get3A_21 : vector<16xf32>
      %add3A_428 = arith.addf %add3A_422, %mul3A_427 : vector<16xf32>
      %add3A_429 = arith.constant 112 : i32
      %add3A_430 = arith.addi %mul3A_389, %add3A_429 : i32
      %get3A_431 = arith.index_cast %add3A_430 : i32 to index
      %get3A_432 = tpu.vector_load %arg7[%get3A_431] {strides = array<i32>} : memref<51200xf32, #tpu.memory_space<vmem>>, vector<16xf32>,
      %mul3A_433 = arith.mulf %get3A_432, %get3A_23 : vector<16xf32>
      %add3A_434 = arith.addf %add3A_428, %mul3A_433 : vector<16xf32>
      %reduce_sum3A_435 = arith.constant true
      %reduce_sum3A_436 = vector.broadcast %reduce_sum3A_435 : i1 to vector<16xi1>
      %reduce_sum3A_437 = tpu.scan <sum>, %add3A_434 masked %reduce_sum3A_436 : vector<16xf32>, vector<16xi1> -> vector<16xf32>
      %reduce_sum3A_438 = vector.extract %reduce_sum3A_437[15] : f32 from vector<16xf32>
      %eq3A_439 = arith.constant 5 : i32
      %eq3A_440 = vector.broadcast %eq3A_439 : i32 to vector<16xi32>
      %eq3A_441 = arith.cmpi eq, %iota3A, %eq3A_440 : vector<16xi32>
      %add3A_442 = vector.broadcast %reduce_sum3A_438 : f32 to vector<16xf32>
      %add3A_443 = arith.addf %select_n3A_385, %add3A_442 : vector<16xf32>
      %select_n3A_444 = arith.select %eq3A_441, %add3A_443, %select_n3A_385 : vector<16xi1>, vector<16xf32>
      %add3A_445 = arith.constant 6 : i32
      %add3A_446 = arith.addi %mul3A_89, %add3A_445 : i32
      %mul3A_447 = arith.constant 128 : i32
      %mul3A_448 = arith.muli %add3A_446, %mul3A_447 : i32
      %get3A_449 = arith.index_cast %mul3A_448 : i32 to index
      %get3A_450 = tpu.vector_load %arg7[%get3A_449] {strides = array<i32>} : memref<51200xf32, #tpu.memory_space<vmem>>, vector<16xf32>,
      %mul3A_451 = arith.mulf %get3A_450, %get3A_9 : vector<16xf32>
      %add3A_452 = arith.constant 16 : i32
      %add3A_453 = arith.addi %mul3A_448, %add3A_452 : i32
      %get3A_454 = arith.index_cast %add3A_453 : i32 to index
      %get3A_455 = tpu.vector_load %arg7[%get3A_454] {strides = array<i32>} : memref<51200xf32, #tpu.memory_space<vmem>>, vector<16xf32>,
      %mul3A_456 = arith.mulf %get3A_455, %get3A_11 : vector<16xf32>
      %add3A_457 = arith.addf %mul3A_451, %mul3A_456 : vector<16xf32>
      %add3A_458 = arith.constant 32 : i32
      %add3A_459 = arith.addi %mul3A_448, %add3A_458 : i32
      %get3A_460 = arith.index_cast %add3A_459 : i32 to index
      %get3A_461 = tpu.vector_load %arg7[%get3A_460] {strides = array<i32>} : memref<51200xf32, #tpu.memory_space<vmem>>, vector<16xf32>,
      %mul3A_462 = arith.mulf %get3A_461, %get3A_13 : vector<16xf32>
      %add3A_463 = arith.addf %add3A_457, %mul3A_462 : vector<16xf32>
      %add3A_464 = arith.constant 48 : i32
      %add3A_465 = arith.addi %mul3A_448, %add3A_464 : i32
      %get3A_466 = arith.index_cast %add3A_465 : i32 to index
      %get3A_467 = tpu.vector_load %arg7[%get3A_466] {strides = array<i32>} : memref<51200xf32, #tpu.memory_space<vmem>>, vector<16xf32>,
      %mul3A_468 = arith.mulf %get3A_467, %get3A_15 : vector<16xf32>
      %add3A_469 = arith.addf %add3A_463, %mul3A_468 : vector<16xf32>
      %add3A_470 = arith.constant 64 : i32
      %add3A_471 = arith.addi %mul3A_448, %add3A_470 : i32
      %get3A_472 = arith.index_cast %add3A_471 : i32 to index
      %get3A_473 = tpu.vector_load %arg7[%get3A_472] {strides = array<i32>} : memref<51200xf32, #tpu.memory_space<vmem>>, vector<16xf32>,
      %mul3A_474 = arith.mulf %get3A_473, %get3A_17 : vector<16xf32>
      %add3A_475 = arith.addf %add3A_469, %mul3A_474 : vector<16xf32>
      %add3A_476 = arith.constant 80 : i32
      %add3A_477 = arith.addi %mul3A_448, %add3A_476 : i32
      %get3A_478 = arith.index_cast %add3A_477 : i32 to index
      %get3A_479 = tpu.vector_load %arg7[%get3A_478] {strides = array<i32>} : memref<51200xf32, #tpu.memory_space<vmem>>, vector<16xf32>,
      %mul3A_480 = arith.mulf %get3A_479, %get3A_19 : vector<16xf32>
      %add3A_481 = arith.addf %add3A_475, %mul3A_480 : vector<16xf32>
      %add3A_482 = arith.constant 96 : i32
      %add3A_483 = arith.addi %mul3A_448, %add3A_482 : i32
      %get3A_484 = arith.index_cast %add3A_483 : i32 to index
      %get3A_485 = tpu.vector_load %arg7[%get3A_484] {strides = array<i32>} : memref<51200xf32, #tpu.memory_space<vmem>>, vector<16xf32>,
      %mul3A_486 = arith.mulf %get3A_485, %get3A_21 : vector<16xf32>
      %add3A_487 = arith.addf %add3A_481, %mul3A_486 : vector<16xf32>
      %add3A_488 = arith.constant 112 : i32
      %add3A_489 = arith.addi %mul3A_448, %add3A_488 : i32
      %get3A_490 = arith.index_cast %add3A_489 : i32 to index
      %get3A_491 = tpu.vector_load %arg7[%get3A_490] {strides = array<i32>} : memref<51200xf32, #tpu.memory_space<vmem>>, vector<16xf32>,
      %mul3A_492 = arith.mulf %get3A_491, %get3A_23 : vector<16xf32>
      %add3A_493 = arith.addf %add3A_487, %mul3A_492 : vector<16xf32>
      %reduce_sum3A_494 = arith.constant true
      %reduce_sum3A_495 = vector.broadcast %reduce_sum3A_494 : i1 to vector<16xi1>
      %reduce_sum3A_496 = tpu.scan <sum>, %add3A_493 masked %reduce_sum3A_495 : vector<16xf32>, vector<16xi1> -> vector<16xf32>
      %reduce_sum3A_497 = vector.extract %reduce_sum3A_496[15] : f32 from vector<16xf32>
      %eq3A_498 = arith.constant 6 : i32
      %eq3A_499 = vector.broadcast %eq3A_498 : i32 to vector<16xi32>
      %eq3A_500 = arith.cmpi eq, %iota3A, %eq3A_499 : vector<16xi32>
      %add3A_501 = vector.broadcast %reduce_sum3A_497 : f32 to vector<16xf32>
      %add3A_502 = arith.addf %select_n3A_444, %add3A_501 : vector<16xf32>
      %select_n3A_503 = arith.select %eq3A_500, %add3A_502, %select_n3A_444 : vector<16xi1>, vector<16xf32>
      %add3A_504 = arith.constant 7 : i32
      %add3A_505 = arith.addi %mul3A_89, %add3A_504 : i32
      %mul3A_506 = arith.constant 128 : i32
      %mul3A_507 = arith.muli %add3A_505, %mul3A_506 : i32
      %get3A_508 = arith.index_cast %mul3A_507 : i32 to index
      %get3A_509 = tpu.vector_load %arg7[%get3A_508] {strides = array<i32>} : memref<51200xf32, #tpu.memory_space<vmem>>, vector<16xf32>,
      %mul3A_510 = arith.mulf %get3A_509, %get3A_9 : vector<16xf32>
      %add3A_511 = arith.constant 16 : i32
      %add3A_512 = arith.addi %mul3A_507, %add3A_511 : i32
      %get3A_513 = arith.index_cast %add3A_512 : i32 to index
      %get3A_514 = tpu.vector_load %arg7[%get3A_513] {strides = array<i32>} : memref<51200xf32, #tpu.memory_space<vmem>>, vector<16xf32>,
      %mul3A_515 = arith.mulf %get3A_514, %get3A_11 : vector<16xf32>
      %add3A_516 = arith.addf %mul3A_510, %mul3A_515 : vector<16xf32>
      %add3A_517 = arith.constant 32 : i32
      %add3A_518 = arith.addi %mul3A_507, %add3A_517 : i32
      %get3A_519 = arith.index_cast %add3A_518 : i32 to index
      %get3A_520 = tpu.vector_load %arg7[%get3A_519] {strides = array<i32>} : memref<51200xf32, #tpu.memory_space<vmem>>, vector<16xf32>,
      %mul3A_521 = arith.mulf %get3A_520, %get3A_13 : vector<16xf32>
      %add3A_522 = arith.addf %add3A_516, %mul3A_521 : vector<16xf32>
      %add3A_523 = arith.constant 48 : i32
      %add3A_524 = arith.addi %mul3A_507, %add3A_523 : i32
      %get3A_525 = arith.index_cast %add3A_524 : i32 to index
      %get3A_526 = tpu.vector_load %arg7[%get3A_525] {strides = array<i32>} : memref<51200xf32, #tpu.memory_space<vmem>>, vector<16xf32>,
      %mul3A_527 = arith.mulf %get3A_526, %get3A_15 : vector<16xf32>
      %add3A_528 = arith.addf %add3A_522, %mul3A_527 : vector<16xf32>
      %add3A_529 = arith.constant 64 : i32
      %add3A_530 = arith.addi %mul3A_507, %add3A_529 : i32
      %get3A_531 = arith.index_cast %add3A_530 : i32 to index
      %get3A_532 = tpu.vector_load %arg7[%get3A_531] {strides = array<i32>} : memref<51200xf32, #tpu.memory_space<vmem>>, vector<16xf32>,
      %mul3A_533 = arith.mulf %get3A_532, %get3A_17 : vector<16xf32>
      %add3A_534 = arith.addf %add3A_528, %mul3A_533 : vector<16xf32>
      %add3A_535 = arith.constant 80 : i32
      %add3A_536 = arith.addi %mul3A_507, %add3A_535 : i32
      %get3A_537 = arith.index_cast %add3A_536 : i32 to index
      %get3A_538 = tpu.vector_load %arg7[%get3A_537] {strides = array<i32>} : memref<51200xf32, #tpu.memory_space<vmem>>, vector<16xf32>,
      %mul3A_539 = arith.mulf %get3A_538, %get3A_19 : vector<16xf32>
      %add3A_540 = arith.addf %add3A_534, %mul3A_539 : vector<16xf32>
      %add3A_541 = arith.constant 96 : i32
      %add3A_542 = arith.addi %mul3A_507, %add3A_541 : i32
      %get3A_543 = arith.index_cast %add3A_542 : i32 to index
      %get3A_544 = tpu.vector_load %arg7[%get3A_543] {strides = array<i32>} : memref<51200xf32, #tpu.memory_space<vmem>>, vector<16xf32>,
      %mul3A_545 = arith.mulf %get3A_544, %get3A_21 : vector<16xf32>
      %add3A_546 = arith.addf %add3A_540, %mul3A_545 : vector<16xf32>
      %add3A_547 = arith.constant 112 : i32
      %add3A_548 = arith.addi %mul3A_507, %add3A_547 : i32
      %get3A_549 = arith.index_cast %add3A_548 : i32 to index
      %get3A_550 = tpu.vector_load %arg7[%get3A_549] {strides = array<i32>} : memref<51200xf32, #tpu.memory_space<vmem>>, vector<16xf32>,
      %mul3A_551 = arith.mulf %get3A_550, %get3A_23 : vector<16xf32>
      %add3A_552 = arith.addf %add3A_546, %mul3A_551 : vector<16xf32>
      %reduce_sum3A_553 = arith.constant true
      %reduce_sum3A_554 = vector.broadcast %reduce_sum3A_553 : i1 to vector<16xi1>
      %reduce_sum3A_555 = tpu.scan <sum>, %add3A_552 masked %reduce_sum3A_554 : vector<16xf32>, vector<16xi1> -> vector<16xf32>
      %reduce_sum3A_556 = vector.extract %reduce_sum3A_555[15] : f32 from vector<16xf32>
      %eq3A_557 = arith.constant 7 : i32
      %eq3A_558 = vector.broadcast %eq3A_557 : i32 to vector<16xi32>
      %eq3A_559 = arith.cmpi eq, %iota3A, %eq3A_558 : vector<16xi32>
      %add3A_560 = vector.broadcast %reduce_sum3A_556 : f32 to vector<16xf32>
      %add3A_561 = arith.addf %select_n3A_503, %add3A_560 : vector<16xf32>
      %select_n3A_562 = arith.select %eq3A_559, %add3A_561, %select_n3A_503 : vector<16xi1>, vector<16xf32>
      %add3A_563 = arith.constant 8 : i32
      %add3A_564 = arith.addi %mul3A_89, %add3A_563 : i32
      %mul3A_565 = arith.constant 128 : i32
      %mul3A_566 = arith.muli %add3A_564, %mul3A_565 : i32
      %get3A_567 = arith.index_cast %mul3A_566 : i32 to index
      %get3A_568 = tpu.vector_load %arg7[%get3A_567] {strides = array<i32>} : memref<51200xf32, #tpu.memory_space<vmem>>, vector<16xf32>,
      %mul3A_569 = arith.mulf %get3A_568, %get3A_9 : vector<16xf32>
      %add3A_570 = arith.constant 16 : i32
      %add3A_571 = arith.addi %mul3A_566, %add3A_570 : i32
      %get3A_572 = arith.index_cast %add3A_571 : i32 to index
      %get3A_573 = tpu.vector_load %arg7[%get3A_572] {strides = array<i32>} : memref<51200xf32, #tpu.memory_space<vmem>>, vector<16xf32>,
      %mul3A_574 = arith.mulf %get3A_573, %get3A_11 : vector<16xf32>
      %add3A_575 = arith.addf %mul3A_569, %mul3A_574 : vector<16xf32>
      %add3A_576 = arith.constant 32 : i32
      %add3A_577 = arith.addi %mul3A_566, %add3A_576 : i32
      %get3A_578 = arith.index_cast %add3A_577 : i32 to index
      %get3A_579 = tpu.vector_load %arg7[%get3A_578] {strides = array<i32>} : memref<51200xf32, #tpu.memory_space<vmem>>, vector<16xf32>,
      %mul3A_580 = arith.mulf %get3A_579, %get3A_13 : vector<16xf32>
      %add3A_581 = arith.addf %add3A_575, %mul3A_580 : vector<16xf32>
      %add3A_582 = arith.constant 48 : i32
      %add3A_583 = arith.addi %mul3A_566, %add3A_582 : i32
      %get3A_584 = arith.index_cast %add3A_583 : i32 to index
      %get3A_585 = tpu.vector_load %arg7[%get3A_584] {strides = array<i32>} : memref<51200xf32, #tpu.memory_space<vmem>>, vector<16xf32>,
      %mul3A_586 = arith.mulf %get3A_585, %get3A_15 : vector<16xf32>
      %add3A_587 = arith.addf %add3A_581, %mul3A_586 : vector<16xf32>
      %add3A_588 = arith.constant 64 : i32
      %add3A_589 = arith.addi %mul3A_566, %add3A_588 : i32
      %get3A_590 = arith.index_cast %add3A_589 : i32 to index
      %get3A_591 = tpu.vector_load %arg7[%get3A_590] {strides = array<i32>} : memref<51200xf32, #tpu.memory_space<vmem>>, vector<16xf32>,
      %mul3A_592 = arith.mulf %get3A_591, %get3A_17 : vector<16xf32>
      %add3A_593 = arith.addf %add3A_587, %mul3A_592 : vector<16xf32>
      %add3A_594 = arith.constant 80 : i32
      %add3A_595 = arith.addi %mul3A_566, %add3A_594 : i32
      %get3A_596 = arith.index_cast %add3A_595 : i32 to index
      %get3A_597 = tpu.vector_load %arg7[%get3A_596] {strides = array<i32>} : memref<51200xf32, #tpu.memory_space<vmem>>, vector<16xf32>,
      %mul3A_598 = arith.mulf %get3A_597, %get3A_19 : vector<16xf32>
      %add3A_599 = arith.addf %add3A_593, %mul3A_598 : vector<16xf32>
      %add3A_600 = arith.constant 96 : i32
      %add3A_601 = arith.addi %mul3A_566, %add3A_600 : i32
      %get3A_602 = arith.index_cast %add3A_601 : i32 to index
      %get3A_603 = tpu.vector_load %arg7[%get3A_602] {strides = array<i32>} : memref<51200xf32, #tpu.memory_space<vmem>>, vector<16xf32>,
      %mul3A_604 = arith.mulf %get3A_603, %get3A_21 : vector<16xf32>
      %add3A_605 = arith.addf %add3A_599, %mul3A_604 : vector<16xf32>
      %add3A_606 = arith.constant 112 : i32
      %add3A_607 = arith.addi %mul3A_566, %add3A_606 : i32
      %get3A_608 = arith.index_cast %add3A_607 : i32 to index
      %get3A_609 = tpu.vector_load %arg7[%get3A_608] {strides = array<i32>} : memref<51200xf32, #tpu.memory_space<vmem>>, vector<16xf32>,
      %mul3A_610 = arith.mulf %get3A_609, %get3A_23 : vector<16xf32>
      %add3A_611 = arith.addf %add3A_605, %mul3A_610 : vector<16xf32>
      %reduce_sum3A_612 = arith.constant true
      %reduce_sum3A_613 = vector.broadcast %reduce_sum3A_612 : i1 to vector<16xi1>
      %reduce_sum3A_614 = tpu.scan <sum>, %add3A_611 masked %reduce_sum3A_613 : vector<16xf32>, vector<16xi1> -> vector<16xf32>
      %reduce_sum3A_615 = vector.extract %reduce_sum3A_614[15] : f32 from vector<16xf32>
      %eq3A_616 = arith.constant 8 : i32
      %eq3A_617 = vector.broadcast %eq3A_616 : i32 to vector<16xi32>
      %eq3A_618 = arith.cmpi eq, %iota3A, %eq3A_617 : vector<16xi32>
      %add3A_619 = vector.broadcast %reduce_sum3A_615 : f32 to vector<16xf32>
      %add3A_620 = arith.addf %select_n3A_562, %add3A_619 : vector<16xf32>
      %select_n3A_621 = arith.select %eq3A_618, %add3A_620, %select_n3A_562 : vector<16xi1>, vector<16xf32>
      %add3A_622 = arith.constant 9 : i32
      %add3A_623 = arith.addi %mul3A_89, %add3A_622 : i32
      %mul3A_624 = arith.constant 128 : i32
      %mul3A_625 = arith.muli %add3A_623, %mul3A_624 : i32
      %get3A_626 = arith.index_cast %mul3A_625 : i32 to index
      %get3A_627 = tpu.vector_load %arg7[%get3A_626] {strides = array<i32>} : memref<51200xf32, #tpu.memory_space<vmem>>, vector<16xf32>,
      %mul3A_628 = arith.mulf %get3A_627, %get3A_9 : vector<16xf32>
      %add3A_629 = arith.constant 16 : i32
      %add3A_630 = arith.addi %mul3A_625, %add3A_629 : i32
      %get3A_631 = arith.index_cast %add3A_630 : i32 to index
      %get3A_632 = tpu.vector_load %arg7[%get3A_631] {strides = array<i32>} : memref<51200xf32, #tpu.memory_space<vmem>>, vector<16xf32>,
      %mul3A_633 = arith.mulf %get3A_632, %get3A_11 : vector<16xf32>
      %add3A_634 = arith.addf %mul3A_628, %mul3A_633 : vector<16xf32>
      %add3A_635 = arith.constant 32 : i32
      %add3A_636 = arith.addi %mul3A_625, %add3A_635 : i32
      %get3A_637 = arith.index_cast %add3A_636 : i32 to index
      %get3A_638 = tpu.vector_load %arg7[%get3A_637] {strides = array<i32>} : memref<51200xf32, #tpu.memory_space<vmem>>, vector<16xf32>,
      %mul3A_639 = arith.mulf %get3A_638, %get3A_13 : vector<16xf32>
      %add3A_640 = arith.addf %add3A_634, %mul3A_639 : vector<16xf32>
      %add3A_641 = arith.constant 48 : i32
      %add3A_642 = arith.addi %mul3A_625, %add3A_641 : i32
      %get3A_643 = arith.index_cast %add3A_642 : i32 to index
      %get3A_644 = tpu.vector_load %arg7[%get3A_643] {strides = array<i32>} : memref<51200xf32, #tpu.memory_space<vmem>>, vector<16xf32>,
      %mul3A_645 = arith.mulf %get3A_644, %get3A_15 : vector<16xf32>
      %add3A_646 = arith.addf %add3A_640, %mul3A_645 : vector<16xf32>
      %add3A_647 = arith.constant 64 : i32
      %add3A_648 = arith.addi %mul3A_625, %add3A_647 : i32
      %get3A_649 = arith.index_cast %add3A_648 : i32 to index
      %get3A_650 = tpu.vector_load %arg7[%get3A_649] {strides = array<i32>} : memref<51200xf32, #tpu.memory_space<vmem>>, vector<16xf32>,
      %mul3A_651 = arith.mulf %get3A_650, %get3A_17 : vector<16xf32>
      %add3A_652 = arith.addf %add3A_646, %mul3A_651 : vector<16xf32>
      %add3A_653 = arith.constant 80 : i32
      %add3A_654 = arith.addi %mul3A_625, %add3A_653 : i32
      %get3A_655 = arith.index_cast %add3A_654 : i32 to index
      %get3A_656 = tpu.vector_load %arg7[%get3A_655] {strides = array<i32>} : memref<51200xf32, #tpu.memory_space<vmem>>, vector<16xf32>,
      %mul3A_657 = arith.mulf %get3A_656, %get3A_19 : vector<16xf32>
      %add3A_658 = arith.addf %add3A_652, %mul3A_657 : vector<16xf32>
      %add3A_659 = arith.constant 96 : i32
      %add3A_660 = arith.addi %mul3A_625, %add3A_659 : i32
      %get3A_661 = arith.index_cast %add3A_660 : i32 to index
      %get3A_662 = tpu.vector_load %arg7[%get3A_661] {strides = array<i32>} : memref<51200xf32, #tpu.memory_space<vmem>>, vector<16xf32>,
      %mul3A_663 = arith.mulf %get3A_662, %get3A_21 : vector<16xf32>
      %add3A_664 = arith.addf %add3A_658, %mul3A_663 : vector<16xf32>
      %add3A_665 = arith.constant 112 : i32
      %add3A_666 = arith.addi %mul3A_625, %add3A_665 : i32
      %get3A_667 = arith.index_cast %add3A_666 : i32 to index
      %get3A_668 = tpu.vector_load %arg7[%get3A_667] {strides = array<i32>} : memref<51200xf32, #tpu.memory_space<vmem>>, vector<16xf32>,
      %mul3A_669 = arith.mulf %get3A_668, %get3A_23 : vector<16xf32>
      %add3A_670 = arith.addf %add3A_664, %mul3A_669 : vector<16xf32>
      %reduce_sum3A_671 = arith.constant true
      %reduce_sum3A_672 = vector.broadcast %reduce_sum3A_671 : i1 to vector<16xi1>
      %reduce_sum3A_673 = tpu.scan <sum>, %add3A_670 masked %reduce_sum3A_672 : vector<16xf32>, vector<16xi1> -> vector<16xf32>
      %reduce_sum3A_674 = vector.extract %reduce_sum3A_673[15] : f32 from vector<16xf32>
      %eq3A_675 = arith.constant 9 : i32
      %eq3A_676 = vector.broadcast %eq3A_675 : i32 to vector<16xi32>
      %eq3A_677 = arith.cmpi eq, %iota3A, %eq3A_676 : vector<16xi32>
      %add3A_678 = vector.broadcast %reduce_sum3A_674 : f32 to vector<16xf32>
      %add3A_679 = arith.addf %select_n3A_621, %add3A_678 : vector<16xf32>
      %select_n3A_680 = arith.select %eq3A_677, %add3A_679, %select_n3A_621 : vector<16xi1>, vector<16xf32>
      %add3A_681 = arith.constant 10 : i32
      %add3A_682 = arith.addi %mul3A_89, %add3A_681 : i32
      %mul3A_683 = arith.constant 128 : i32
      %mul3A_684 = arith.muli %add3A_682, %mul3A_683 : i32
      %get3A_685 = arith.index_cast %mul3A_684 : i32 to index
      %get3A_686 = tpu.vector_load %arg7[%get3A_685] {strides = array<i32>} : memref<51200xf32, #tpu.memory_space<vmem>>, vector<16xf32>,
      %mul3A_687 = arith.mulf %get3A_686, %get3A_9 : vector<16xf32>
      %add3A_688 = arith.constant 16 : i32
      %add3A_689 = arith.addi %mul3A_684, %add3A_688 : i32
      %get3A_690 = arith.index_cast %add3A_689 : i32 to index
      %get3A_691 = tpu.vector_load %arg7[%get3A_690] {strides = array<i32>} : memref<51200xf32, #tpu.memory_space<vmem>>, vector<16xf32>,
      %mul3A_692 = arith.mulf %get3A_691, %get3A_11 : vector<16xf32>
      %add3A_693 = arith.addf %mul3A_687, %mul3A_692 : vector<16xf32>
      %add3A_694 = arith.constant 32 : i32
      %add3A_695 = arith.addi %mul3A_684, %add3A_694 : i32
      %get3A_696 = arith.index_cast %add3A_695 : i32 to index
      %get3A_697 = tpu.vector_load %arg7[%get3A_696] {strides = array<i32>} : memref<51200xf32, #tpu.memory_space<vmem>>, vector<16xf32>,
      %mul3A_698 = arith.mulf %get3A_697, %get3A_13 : vector<16xf32>
      %add3A_699 = arith.addf %add3A_693, %mul3A_698 : vector<16xf32>
      %add3A_700 = arith.constant 48 : i32
      %add3A_701 = arith.addi %mul3A_684, %add3A_700 : i32
      %get3A_702 = arith.index_cast %add3A_701 : i32 to index
      %get3A_703 = tpu.vector_load %arg7[%get3A_702] {strides = array<i32>} : memref<51200xf32, #tpu.memory_space<vmem>>, vector<16xf32>,
      %mul3A_704 = arith.mulf %get3A_703, %get3A_15 : vector<16xf32>
      %add3A_705 = arith.addf %add3A_699, %mul3A_704 : vector<16xf32>
      %add3A_706 = arith.constant 64 : i32
      %add3A_707 = arith.addi %mul3A_684, %add3A_706 : i32
      %get3A_708 = arith.index_cast %add3A_707 : i32 to index
      %get3A_709 = tpu.vector_load %arg7[%get3A_708] {strides = array<i32>} : memref<51200xf32, #tpu.memory_space<vmem>>, vector<16xf32>,
      %mul3A_710 = arith.mulf %get3A_709, %get3A_17 : vector<16xf32>
      %add3A_711 = arith.addf %add3A_705, %mul3A_710 : vector<16xf32>
      %add3A_712 = arith.constant 80 : i32
      %add3A_713 = arith.addi %mul3A_684, %add3A_712 : i32
      %get3A_714 = arith.index_cast %add3A_713 : i32 to index
      %get3A_715 = tpu.vector_load %arg7[%get3A_714] {strides = array<i32>} : memref<51200xf32, #tpu.memory_space<vmem>>, vector<16xf32>,
      %mul3A_716 = arith.mulf %get3A_715, %get3A_19 : vector<16xf32>
      %add3A_717 = arith.addf %add3A_711, %mul3A_716 : vector<16xf32>
      %add3A_718 = arith.constant 96 : i32
      %add3A_719 = arith.addi %mul3A_684, %add3A_718 : i32
      %get3A_720 = arith.index_cast %add3A_719 : i32 to index
      %get3A_721 = tpu.vector_load %arg7[%get3A_720] {strides = array<i32>} : memref<51200xf32, #tpu.memory_space<vmem>>, vector<16xf32>,
      %mul3A_722 = arith.mulf %get3A_721, %get3A_21 : vector<16xf32>
      %add3A_723 = arith.addf %add3A_717, %mul3A_722 : vector<16xf32>
      %add3A_724 = arith.constant 112 : i32
      %add3A_725 = arith.addi %mul3A_684, %add3A_724 : i32
      %get3A_726 = arith.index_cast %add3A_725 : i32 to index
      %get3A_727 = tpu.vector_load %arg7[%get3A_726] {strides = array<i32>} : memref<51200xf32, #tpu.memory_space<vmem>>, vector<16xf32>,
      %mul3A_728 = arith.mulf %get3A_727, %get3A_23 : vector<16xf32>
      %add3A_729 = arith.addf %add3A_723, %mul3A_728 : vector<16xf32>
      %reduce_sum3A_730 = arith.constant true
      %reduce_sum3A_731 = vector.broadcast %reduce_sum3A_730 : i1 to vector<16xi1>
      %reduce_sum3A_732 = tpu.scan <sum>, %add3A_729 masked %reduce_sum3A_731 : vector<16xf32>, vector<16xi1> -> vector<16xf32>
      %reduce_sum3A_733 = vector.extract %reduce_sum3A_732[15] : f32 from vector<16xf32>
      %eq3A_734 = arith.constant 10 : i32
      %eq3A_735 = vector.broadcast %eq3A_734 : i32 to vector<16xi32>
      %eq3A_736 = arith.cmpi eq, %iota3A, %eq3A_735 : vector<16xi32>
      %add3A_737 = vector.broadcast %reduce_sum3A_733 : f32 to vector<16xf32>
      %add3A_738 = arith.addf %select_n3A_680, %add3A_737 : vector<16xf32>
      %select_n3A_739 = arith.select %eq3A_736, %add3A_738, %select_n3A_680 : vector<16xi1>, vector<16xf32>
      %add3A_740 = arith.constant 11 : i32
      %add3A_741 = arith.addi %mul3A_89, %add3A_740 : i32
      %mul3A_742 = arith.constant 128 : i32
      %mul3A_743 = arith.muli %add3A_741, %mul3A_742 : i32
      %get3A_744 = arith.index_cast %mul3A_743 : i32 to index
      %get3A_745 = tpu.vector_load %arg7[%get3A_744] {strides = array<i32>} : memref<51200xf32, #tpu.memory_space<vmem>>, vector<16xf32>,
      %mul3A_746 = arith.mulf %get3A_745, %get3A_9 : vector<16xf32>
      %add3A_747 = arith.constant 16 : i32
      %add3A_748 = arith.addi %mul3A_743, %add3A_747 : i32
      %get3A_749 = arith.index_cast %add3A_748 : i32 to index
      %get3A_750 = tpu.vector_load %arg7[%get3A_749] {strides = array<i32>} : memref<51200xf32, #tpu.memory_space<vmem>>, vector<16xf32>,
      %mul3A_751 = arith.mulf %get3A_750, %get3A_11 : vector<16xf32>
      %add3A_752 = arith.addf %mul3A_746, %mul3A_751 : vector<16xf32>
      %add3A_753 = arith.constant 32 : i32
      %add3A_754 = arith.addi %mul3A_743, %add3A_753 : i32
      %get3A_755 = arith.index_cast %add3A_754 : i32 to index
      %get3A_756 = tpu.vector_load %arg7[%get3A_755] {strides = array<i32>} : memref<51200xf32, #tpu.memory_space<vmem>>, vector<16xf32>,
      %mul3A_757 = arith.mulf %get3A_756, %get3A_13 : vector<16xf32>
      %add3A_758 = arith.addf %add3A_752, %mul3A_757 : vector<16xf32>
      %add3A_759 = arith.constant 48 : i32
      %add3A_760 = arith.addi %mul3A_743, %add3A_759 : i32
      %get3A_761 = arith.index_cast %add3A_760 : i32 to index
      %get3A_762 = tpu.vector_load %arg7[%get3A_761] {strides = array<i32>} : memref<51200xf32, #tpu.memory_space<vmem>>, vector<16xf32>,
      %mul3A_763 = arith.mulf %get3A_762, %get3A_15 : vector<16xf32>
      %add3A_764 = arith.addf %add3A_758, %mul3A_763 : vector<16xf32>
      %add3A_765 = arith.constant 64 : i32
      %add3A_766 = arith.addi %mul3A_743, %add3A_765 : i32
      %get3A_767 = arith.index_cast %add3A_766 : i32 to index
      %get3A_768 = tpu.vector_load %arg7[%get3A_767] {strides = array<i32>} : memref<51200xf32, #tpu.memory_space<vmem>>, vector<16xf32>,
      %mul3A_769 = arith.mulf %get3A_768, %get3A_17 : vector<16xf32>
      %add3A_770 = arith.addf %add3A_764, %mul3A_769 : vector<16xf32>
      %add3A_771 = arith.constant 80 : i32
      %add3A_772 = arith.addi %mul3A_743, %add3A_771 : i32
      %get3A_773 = arith.index_cast %add3A_772 : i32 to index
      %get3A_774 = tpu.vector_load %arg7[%get3A_773] {strides = array<i32>} : memref<51200xf32, #tpu.memory_space<vmem>>, vector<16xf32>,
      %mul3A_775 = arith.mulf %get3A_774, %get3A_19 : vector<16xf32>
      %add3A_776 = arith.addf %add3A_770, %mul3A_775 : vector<16xf32>
      %add3A_777 = arith.constant 96 : i32
      %add3A_778 = arith.addi %mul3A_743, %add3A_777 : i32
      %get3A_779 = arith.index_cast %add3A_778 : i32 to index
      %get3A_780 = tpu.vector_load %arg7[%get3A_779] {strides = array<i32>} : memref<51200xf32, #tpu.memory_space<vmem>>, vector<16xf32>,
      %mul3A_781 = arith.mulf %get3A_780, %get3A_21 : vector<16xf32>
      %add3A_782 = arith.addf %add3A_776, %mul3A_781 : vector<16xf32>
      %add3A_783 = arith.constant 112 : i32
      %add3A_784 = arith.addi %mul3A_743, %add3A_783 : i32
      %get3A_785 = arith.index_cast %add3A_784 : i32 to index
      %get3A_786 = tpu.vector_load %arg7[%get3A_785] {strides = array<i32>} : memref<51200xf32, #tpu.memory_space<vmem>>, vector<16xf32>,
      %mul3A_787 = arith.mulf %get3A_786, %get3A_23 : vector<16xf32>
      %add3A_788 = arith.addf %add3A_782, %mul3A_787 : vector<16xf32>
      %reduce_sum3A_789 = arith.constant true
      %reduce_sum3A_790 = vector.broadcast %reduce_sum3A_789 : i1 to vector<16xi1>
      %reduce_sum3A_791 = tpu.scan <sum>, %add3A_788 masked %reduce_sum3A_790 : vector<16xf32>, vector<16xi1> -> vector<16xf32>
      %reduce_sum3A_792 = vector.extract %reduce_sum3A_791[15] : f32 from vector<16xf32>
      %eq3A_793 = arith.constant 11 : i32
      %eq3A_794 = vector.broadcast %eq3A_793 : i32 to vector<16xi32>
      %eq3A_795 = arith.cmpi eq, %iota3A, %eq3A_794 : vector<16xi32>
      %add3A_796 = vector.broadcast %reduce_sum3A_792 : f32 to vector<16xf32>
      %add3A_797 = arith.addf %select_n3A_739, %add3A_796 : vector<16xf32>
      %select_n3A_798 = arith.select %eq3A_795, %add3A_797, %select_n3A_739 : vector<16xi1>, vector<16xf32>
      %add3A_799 = arith.constant 12 : i32
      %add3A_800 = arith.addi %mul3A_89, %add3A_799 : i32
      %mul3A_801 = arith.constant 128 : i32
      %mul3A_802 = arith.muli %add3A_800, %mul3A_801 : i32
      %get3A_803 = arith.index_cast %mul3A_802 : i32 to index
      %get3A_804 = tpu.vector_load %arg7[%get3A_803] {strides = array<i32>} : memref<51200xf32, #tpu.memory_space<vmem>>, vector<16xf32>,
      %mul3A_805 = arith.mulf %get3A_804, %get3A_9 : vector<16xf32>
      %add3A_806 = arith.constant 16 : i32
      %add3A_807 = arith.addi %mul3A_802, %add3A_806 : i32
      %get3A_808 = arith.index_cast %add3A_807 : i32 to index
      %get3A_809 = tpu.vector_load %arg7[%get3A_808] {strides = array<i32>} : memref<51200xf32, #tpu.memory_space<vmem>>, vector<16xf32>,
      %mul3A_810 = arith.mulf %get3A_809, %get3A_11 : vector<16xf32>
      %add3A_811 = arith.addf %mul3A_805, %mul3A_810 : vector<16xf32>
      %add3A_812 = arith.constant 32 : i32
      %add3A_813 = arith.addi %mul3A_802, %add3A_812 : i32
      %get3A_814 = arith.index_cast %add3A_813 : i32 to index
      %get3A_815 = tpu.vector_load %arg7[%get3A_814] {strides = array<i32>} : memref<51200xf32, #tpu.memory_space<vmem>>, vector<16xf32>,
      %mul3A_816 = arith.mulf %get3A_815, %get3A_13 : vector<16xf32>
      %add3A_817 = arith.addf %add3A_811, %mul3A_816 : vector<16xf32>
      %add3A_818 = arith.constant 48 : i32
      %add3A_819 = arith.addi %mul3A_802, %add3A_818 : i32
      %get3A_820 = arith.index_cast %add3A_819 : i32 to index
      %get3A_821 = tpu.vector_load %arg7[%get3A_820] {strides = array<i32>} : memref<51200xf32, #tpu.memory_space<vmem>>, vector<16xf32>,
      %mul3A_822 = arith.mulf %get3A_821, %get3A_15 : vector<16xf32>
      %add3A_823 = arith.addf %add3A_817, %mul3A_822 : vector<16xf32>
      %add3A_824 = arith.constant 64 : i32
      %add3A_825 = arith.addi %mul3A_802, %add3A_824 : i32
      %get3A_826 = arith.index_cast %add3A_825 : i32 to index
      %get3A_827 = tpu.vector_load %arg7[%get3A_826] {strides = array<i32>} : memref<51200xf32, #tpu.memory_space<vmem>>, vector<16xf32>,
      %mul3A_828 = arith.mulf %get3A_827, %get3A_17 : vector<16xf32>
      %add3A_829 = arith.addf %add3A_823, %mul3A_828 : vector<16xf32>
      %add3A_830 = arith.constant 80 : i32
      %add3A_831 = arith.addi %mul3A_802, %add3A_830 : i32
      %get3A_832 = arith.index_cast %add3A_831 : i32 to index
      %get3A_833 = tpu.vector_load %arg7[%get3A_832] {strides = array<i32>} : memref<51200xf32, #tpu.memory_space<vmem>>, vector<16xf32>,
      %mul3A_834 = arith.mulf %get3A_833, %get3A_19 : vector<16xf32>
      %add3A_835 = arith.addf %add3A_829, %mul3A_834 : vector<16xf32>
      %add3A_836 = arith.constant 96 : i32
      %add3A_837 = arith.addi %mul3A_802, %add3A_836 : i32
      %get3A_838 = arith.index_cast %add3A_837 : i32 to index
      %get3A_839 = tpu.vector_load %arg7[%get3A_838] {strides = array<i32>} : memref<51200xf32, #tpu.memory_space<vmem>>, vector<16xf32>,
      %mul3A_840 = arith.mulf %get3A_839, %get3A_21 : vector<16xf32>
      %add3A_841 = arith.addf %add3A_835, %mul3A_840 : vector<16xf32>
      %add3A_842 = arith.constant 112 : i32
      %add3A_843 = arith.addi %mul3A_802, %add3A_842 : i32
      %get3A_844 = arith.index_cast %add3A_843 : i32 to index
      %get3A_845 = tpu.vector_load %arg7[%get3A_844] {strides = array<i32>} : memref<51200xf32, #tpu.memory_space<vmem>>, vector<16xf32>,
      %mul3A_846 = arith.mulf %get3A_845, %get3A_23 : vector<16xf32>
      %add3A_847 = arith.addf %add3A_841, %mul3A_846 : vector<16xf32>
      %reduce_sum3A_848 = arith.constant true
      %reduce_sum3A_849 = vector.broadcast %reduce_sum3A_848 : i1 to vector<16xi1>
      %reduce_sum3A_850 = tpu.scan <sum>, %add3A_847 masked %reduce_sum3A_849 : vector<16xf32>, vector<16xi1> -> vector<16xf32>
      %reduce_sum3A_851 = vector.extract %reduce_sum3A_850[15] : f32 from vector<16xf32>
      %eq3A_852 = arith.constant 12 : i32
      %eq3A_853 = vector.broadcast %eq3A_852 : i32 to vector<16xi32>
      %eq3A_854 = arith.cmpi eq, %iota3A, %eq3A_853 : vector<16xi32>
      %add3A_855 = vector.broadcast %reduce_sum3A_851 : f32 to vector<16xf32>
      %add3A_856 = arith.addf %select_n3A_798, %add3A_855 : vector<16xf32>
      %select_n3A_857 = arith.select %eq3A_854, %add3A_856, %select_n3A_798 : vector<16xi1>, vector<16xf32>
      %add3A_858 = arith.constant 13 : i32
      %add3A_859 = arith.addi %mul3A_89, %add3A_858 : i32
      %mul3A_860 = arith.constant 128 : i32
      %mul3A_861 = arith.muli %add3A_859, %mul3A_860 : i32
      %get3A_862 = arith.index_cast %mul3A_861 : i32 to index
      %get3A_863 = tpu.vector_load %arg7[%get3A_862] {strides = array<i32>} : memref<51200xf32, #tpu.memory_space<vmem>>, vector<16xf32>,
      %mul3A_864 = arith.mulf %get3A_863, %get3A_9 : vector<16xf32>
      %add3A_865 = arith.constant 16 : i32
      %add3A_866 = arith.addi %mul3A_861, %add3A_865 : i32
      %get3A_867 = arith.index_cast %add3A_866 : i32 to index
      %get3A_868 = tpu.vector_load %arg7[%get3A_867] {strides = array<i32>} : memref<51200xf32, #tpu.memory_space<vmem>>, vector<16xf32>,
      %mul3A_869 = arith.mulf %get3A_868, %get3A_11 : vector<16xf32>
      %add3A_870 = arith.addf %mul3A_864, %mul3A_869 : vector<16xf32>
      %add3A_871 = arith.constant 32 : i32
      %add3A_872 = arith.addi %mul3A_861, %add3A_871 : i32
      %get3A_873 = arith.index_cast %add3A_872 : i32 to index
      %get3A_874 = tpu.vector_load %arg7[%get3A_873] {strides = array<i32>} : memref<51200xf32, #tpu.memory_space<vmem>>, vector<16xf32>,
      %mul3A_875 = arith.mulf %get3A_874, %get3A_13 : vector<16xf32>
      %add3A_876 = arith.addf %add3A_870, %mul3A_875 : vector<16xf32>
      %add3A_877 = arith.constant 48 : i32
      %add3A_878 = arith.addi %mul3A_861, %add3A_877 : i32
      %get3A_879 = arith.index_cast %add3A_878 : i32 to index
      %get3A_880 = tpu.vector_load %arg7[%get3A_879] {strides = array<i32>} : memref<51200xf32, #tpu.memory_space<vmem>>, vector<16xf32>,
      %mul3A_881 = arith.mulf %get3A_880, %get3A_15 : vector<16xf32>
      %add3A_882 = arith.addf %add3A_876, %mul3A_881 : vector<16xf32>
      %add3A_883 = arith.constant 64 : i32
      %add3A_884 = arith.addi %mul3A_861, %add3A_883 : i32
      %get3A_885 = arith.index_cast %add3A_884 : i32 to index
      %get3A_886 = tpu.vector_load %arg7[%get3A_885] {strides = array<i32>} : memref<51200xf32, #tpu.memory_space<vmem>>, vector<16xf32>,
      %mul3A_887 = arith.mulf %get3A_886, %get3A_17 : vector<16xf32>
      %add3A_888 = arith.addf %add3A_882, %mul3A_887 : vector<16xf32>
      %add3A_889 = arith.constant 80 : i32
      %add3A_890 = arith.addi %mul3A_861, %add3A_889 : i32
      %get3A_891 = arith.index_cast %add3A_890 : i32 to index
      %get3A_892 = tpu.vector_load %arg7[%get3A_891] {strides = array<i32>} : memref<51200xf32, #tpu.memory_space<vmem>>, vector<16xf32>,
      %mul3A_893 = arith.mulf %get3A_892, %get3A_19 : vector<16xf32>
      %add3A_894 = arith.addf %add3A_888, %mul3A_893 : vector<16xf32>
      %add3A_895 = arith.constant 96 : i32
      %add3A_896 = arith.addi %mul3A_861, %add3A_895 : i32
      %get3A_897 = arith.index_cast %add3A_896 : i32 to index
      %get3A_898 = tpu.vector_load %arg7[%get3A_897] {strides = array<i32>} : memref<51200xf32, #tpu.memory_space<vmem>>, vector<16xf32>,
      %mul3A_899 = arith.mulf %get3A_898, %get3A_21 : vector<16xf32>
      %add3A_900 = arith.addf %add3A_894, %mul3A_899 : vector<16xf32>
      %add3A_901 = arith.constant 112 : i32
      %add3A_902 = arith.addi %mul3A_861, %add3A_901 : i32
      %get3A_903 = arith.index_cast %add3A_902 : i32 to index
      %get3A_904 = tpu.vector_load %arg7[%get3A_903] {strides = array<i32>} : memref<51200xf32, #tpu.memory_space<vmem>>, vector<16xf32>,
      %mul3A_905 = arith.mulf %get3A_904, %get3A_23 : vector<16xf32>
      %add3A_906 = arith.addf %add3A_900, %mul3A_905 : vector<16xf32>
      %reduce_sum3A_907 = arith.constant true
      %reduce_sum3A_908 = vector.broadcast %reduce_sum3A_907 : i1 to vector<16xi1>
      %reduce_sum3A_909 = tpu.scan <sum>, %add3A_906 masked %reduce_sum3A_908 : vector<16xf32>, vector<16xi1> -> vector<16xf32>
      %reduce_sum3A_910 = vector.extract %reduce_sum3A_909[15] : f32 from vector<16xf32>
      %eq3A_911 = arith.constant 13 : i32
      %eq3A_912 = vector.broadcast %eq3A_911 : i32 to vector<16xi32>
      %eq3A_913 = arith.cmpi eq, %iota3A, %eq3A_912 : vector<16xi32>
      %add3A_914 = vector.broadcast %reduce_sum3A_910 : f32 to vector<16xf32>
      %add3A_915 = arith.addf %select_n3A_857, %add3A_914 : vector<16xf32>
      %select_n3A_916 = arith.select %eq3A_913, %add3A_915, %select_n3A_857 : vector<16xi1>, vector<16xf32>
      %add3A_917 = arith.constant 14 : i32
      %add3A_918 = arith.addi %mul3A_89, %add3A_917 : i32
      %mul3A_919 = arith.constant 128 : i32
      %mul3A_920 = arith.muli %add3A_918, %mul3A_919 : i32
      %get3A_921 = arith.index_cast %mul3A_920 : i32 to index
      %get3A_922 = tpu.vector_load %arg7[%get3A_921] {strides = array<i32>} : memref<51200xf32, #tpu.memory_space<vmem>>, vector<16xf32>,
      %mul3A_923 = arith.mulf %get3A_922, %get3A_9 : vector<16xf32>
      %add3A_924 = arith.constant 16 : i32
      %add3A_925 = arith.addi %mul3A_920, %add3A_924 : i32
      %get3A_926 = arith.index_cast %add3A_925 : i32 to index
      %get3A_927 = tpu.vector_load %arg7[%get3A_926] {strides = array<i32>} : memref<51200xf32, #tpu.memory_space<vmem>>, vector<16xf32>,
      %mul3A_928 = arith.mulf %get3A_927, %get3A_11 : vector<16xf32>
      %add3A_929 = arith.addf %mul3A_923, %mul3A_928 : vector<16xf32>
      %add3A_930 = arith.constant 32 : i32
      %add3A_931 = arith.addi %mul3A_920, %add3A_930 : i32
      %get3A_932 = arith.index_cast %add3A_931 : i32 to index
      %get3A_933 = tpu.vector_load %arg7[%get3A_932] {strides = array<i32>} : memref<51200xf32, #tpu.memory_space<vmem>>, vector<16xf32>,
      %mul3A_934 = arith.mulf %get3A_933, %get3A_13 : vector<16xf32>
      %add3A_935 = arith.addf %add3A_929, %mul3A_934 : vector<16xf32>
      %add3A_936 = arith.constant 48 : i32
      %add3A_937 = arith.addi %mul3A_920, %add3A_936 : i32
      %get3A_938 = arith.index_cast %add3A_937 : i32 to index
      %get3A_939 = tpu.vector_load %arg7[%get3A_938] {strides = array<i32>} : memref<51200xf32, #tpu.memory_space<vmem>>, vector<16xf32>,
      %mul3A_940 = arith.mulf %get3A_939, %get3A_15 : vector<16xf32>
      %add3A_941 = arith.addf %add3A_935, %mul3A_940 : vector<16xf32>
      %add3A_942 = arith.constant 64 : i32
      %add3A_943 = arith.addi %mul3A_920, %add3A_942 : i32
      %get3A_944 = arith.index_cast %add3A_943 : i32 to index
      %get3A_945 = tpu.vector_load %arg7[%get3A_944] {strides = array<i32>} : memref<51200xf32, #tpu.memory_space<vmem>>, vector<16xf32>,
      %mul3A_946 = arith.mulf %get3A_945, %get3A_17 : vector<16xf32>
      %add3A_947 = arith.addf %add3A_941, %mul3A_946 : vector<16xf32>
      %add3A_948 = arith.constant 80 : i32
      %add3A_949 = arith.addi %mul3A_920, %add3A_948 : i32
      %get3A_950 = arith.index_cast %add3A_949 : i32 to index
      %get3A_951 = tpu.vector_load %arg7[%get3A_950] {strides = array<i32>} : memref<51200xf32, #tpu.memory_space<vmem>>, vector<16xf32>,
      %mul3A_952 = arith.mulf %get3A_951, %get3A_19 : vector<16xf32>
      %add3A_953 = arith.addf %add3A_947, %mul3A_952 : vector<16xf32>
      %add3A_954 = arith.constant 96 : i32
      %add3A_955 = arith.addi %mul3A_920, %add3A_954 : i32
      %get3A_956 = arith.index_cast %add3A_955 : i32 to index
      %get3A_957 = tpu.vector_load %arg7[%get3A_956] {strides = array<i32>} : memref<51200xf32, #tpu.memory_space<vmem>>, vector<16xf32>,
      %mul3A_958 = arith.mulf %get3A_957, %get3A_21 : vector<16xf32>
      %add3A_959 = arith.addf %add3A_953, %mul3A_958 : vector<16xf32>
      %add3A_960 = arith.constant 112 : i32
      %add3A_961 = arith.addi %mul3A_920, %add3A_960 : i32
      %get3A_962 = arith.index_cast %add3A_961 : i32 to index
      %get3A_963 = tpu.vector_load %arg7[%get3A_962] {strides = array<i32>} : memref<51200xf32, #tpu.memory_space<vmem>>, vector<16xf32>,
      %mul3A_964 = arith.mulf %get3A_963, %get3A_23 : vector<16xf32>
      %add3A_965 = arith.addf %add3A_959, %mul3A_964 : vector<16xf32>
      %reduce_sum3A_966 = arith.constant true
      %reduce_sum3A_967 = vector.broadcast %reduce_sum3A_966 : i1 to vector<16xi1>
      %reduce_sum3A_968 = tpu.scan <sum>, %add3A_965 masked %reduce_sum3A_967 : vector<16xf32>, vector<16xi1> -> vector<16xf32>
      %reduce_sum3A_969 = vector.extract %reduce_sum3A_968[15] : f32 from vector<16xf32>
      %eq3A_970 = arith.constant 14 : i32
      %eq3A_971 = vector.broadcast %eq3A_970 : i32 to vector<16xi32>
      %eq3A_972 = arith.cmpi eq, %iota3A, %eq3A_971 : vector<16xi32>
      %add3A_973 = vector.broadcast %reduce_sum3A_969 : f32 to vector<16xf32>
      %add3A_974 = arith.addf %select_n3A_916, %add3A_973 : vector<16xf32>
      %select_n3A_975 = arith.select %eq3A_972, %add3A_974, %select_n3A_916 : vector<16xi1>, vector<16xf32>
      %add3A_976 = arith.constant 15 : i32
      %add3A_977 = arith.addi %mul3A_89, %add3A_976 : i32
      %mul3A_978 = arith.constant 128 : i32
      %mul3A_979 = arith.muli %add3A_977, %mul3A_978 : i32
      %get3A_980 = arith.index_cast %mul3A_979 : i32 to index
      %get3A_981 = tpu.vector_load %arg7[%get3A_980] {strides = array<i32>} : memref<51200xf32, #tpu.memory_space<vmem>>, vector<16xf32>,
      %mul3A_982 = arith.mulf %get3A_981, %get3A_9 : vector<16xf32>
      %add3A_983 = arith.constant 16 : i32
      %add3A_984 = arith.addi %mul3A_979, %add3A_983 : i32
      %get3A_985 = arith.index_cast %add3A_984 : i32 to index
      %get3A_986 = tpu.vector_load %arg7[%get3A_985] {strides = array<i32>} : memref<51200xf32, #tpu.memory_space<vmem>>, vector<16xf32>,
      %mul3A_987 = arith.mulf %get3A_986, %get3A_11 : vector<16xf32>
      %add3A_988 = arith.addf %mul3A_982, %mul3A_987 : vector<16xf32>
      %add3A_989 = arith.constant 32 : i32
      %add3A_990 = arith.addi %mul3A_979, %add3A_989 : i32
      %get3A_991 = arith.index_cast %add3A_990 : i32 to index
      %get3A_992 = tpu.vector_load %arg7[%get3A_991] {strides = array<i32>} : memref<51200xf32, #tpu.memory_space<vmem>>, vector<16xf32>,
      %mul3A_993 = arith.mulf %get3A_992, %get3A_13 : vector<16xf32>
      %add3A_994 = arith.addf %add3A_988, %mul3A_993 : vector<16xf32>
      %add3A_995 = arith.constant 48 : i32
      %add3A_996 = arith.addi %mul3A_979, %add3A_995 : i32
      %get3A_997 = arith.index_cast %add3A_996 : i32 to index
      %get3A_998 = tpu.vector_load %arg7[%get3A_997] {strides = array<i32>} : memref<51200xf32, #tpu.memory_space<vmem>>, vector<16xf32>,
      %mul3A_999 = arith.mulf %get3A_998, %get3A_15 : vector<16xf32>
      %add3A_1000 = arith.addf %add3A_994, %mul3A_999 : vector<16xf32>
      %add3A_1001 = arith.constant 64 : i32
      %add3A_1002 = arith.addi %mul3A_979, %add3A_1001 : i32
      %get3A_1003 = arith.index_cast %add3A_1002 : i32 to index
      %get3A_1004 = tpu.vector_load %arg7[%get3A_1003] {strides = array<i32>} : memref<51200xf32, #tpu.memory_space<vmem>>, vector<16xf32>,
      %mul3A_1005 = arith.mulf %get3A_1004, %get3A_17 : vector<16xf32>
      %add3A_1006 = arith.addf %add3A_1000, %mul3A_1005 : vector<16xf32>
      %add3A_1007 = arith.constant 80 : i32
      %add3A_1008 = arith.addi %mul3A_979, %add3A_1007 : i32
      %get3A_1009 = arith.index_cast %add3A_1008 : i32 to index
      %get3A_1010 = tpu.vector_load %arg7[%get3A_1009] {strides = array<i32>} : memref<51200xf32, #tpu.memory_space<vmem>>, vector<16xf32>,
      %mul3A_1011 = arith.mulf %get3A_1010, %get3A_19 : vector<16xf32>
      %add3A_1012 = arith.addf %add3A_1006, %mul3A_1011 : vector<16xf32>
      %add3A_1013 = arith.constant 96 : i32
      %add3A_1014 = arith.addi %mul3A_979, %add3A_1013 : i32
      %get3A_1015 = arith.index_cast %add3A_1014 : i32 to index
      %get3A_1016 = tpu.vector_load %arg7[%get3A_1015] {strides = array<i32>} : memref<51200xf32, #tpu.memory_space<vmem>>, vector<16xf32>,
      %mul3A_1017 = arith.mulf %get3A_1016, %get3A_21 : vector<16xf32>
      %add3A_1018 = arith.addf %add3A_1012, %mul3A_1017 : vector<16xf32>
      %add3A_1019 = arith.constant 112 : i32
      %add3A_1020 = arith.addi %mul3A_979, %add3A_1019 : i32
      %get3A_1021 = arith.index_cast %add3A_1020 : i32 to index
      %get3A_1022 = tpu.vector_load %arg7[%get3A_1021] {strides = array<i32>} : memref<51200xf32, #tpu.memory_space<vmem>>, vector<16xf32>,
      %mul3A_1023 = arith.mulf %get3A_1022, %get3A_23 : vector<16xf32>
      %add3A_1024 = arith.addf %add3A_1018, %mul3A_1023 : vector<16xf32>
      %reduce_sum3A_1025 = arith.constant true
      %reduce_sum3A_1026 = vector.broadcast %reduce_sum3A_1025 : i1 to vector<16xi1>
      %reduce_sum3A_1027 = tpu.scan <sum>, %add3A_1024 masked %reduce_sum3A_1026 : vector<16xf32>, vector<16xi1> -> vector<16xf32>
      %reduce_sum3A_1028 = vector.extract %reduce_sum3A_1027[15] : f32 from vector<16xf32>
      %eq3A_1029 = arith.constant 15 : i32
      %eq3A_1030 = vector.broadcast %eq3A_1029 : i32 to vector<16xi32>
      %eq3A_1031 = arith.cmpi eq, %iota3A, %eq3A_1030 : vector<16xi32>
      %add3A_1032 = vector.broadcast %reduce_sum3A_1028 : f32 to vector<16xf32>
      %add3A_1033 = arith.addf %select_n3A_975, %add3A_1032 : vector<16xf32>
      %select_n3A_1034 = arith.select %eq3A_1031, %add3A_1033, %select_n3A_975 : vector<16xi1>, vector<16xf32>
      %add3A_1035 = arith.constant 0 : i32
      %add3A_1036 = arith.addi %add3A_1035, %mul3A_89 : i32
      %swap3A = arith.index_cast %add3A_1036 : i32 to index
      %swap3A_1037 = tpu.vector_load %arg9[%swap3A] {strides = array<i32>} : memref<1200xf32, #tpu.memory_space<vmem>>, vector<16xf32>,
      tpu.vector_store %arg9[%swap3A], %select_n3A_1034 {strides = array<i32>} : memref<1200xf32, #tpu.memory_space<vmem>>, vector<16xf32>,
    }
    %scan3A_28 = arith.constant 25 : i32
    %add3A_29 = arith.constant 61600 : i32
    %add3A_30 = arith.addi %add3A_29, %mul3A_2 : i32
    %add3A_31 = arith.constant 400 : i32
    %add3A_32 = arith.addi %add3A_30, %add3A_31 : i32
    %mul3A_33 = arith.constant 128 : i32
    %mul3A_34 = arith.muli %add3A_32, %mul3A_33 : i32
    "tpu.region"() ({
      %run_scoped3A = tpu.sem_alloc : memref<!tpu.dma_semaphore, #tpu.memory_space<semaphore_mem>>
      %dma_start3A = tpu.memref_slice %arg3[%mul3A_34] : memref<12800000xf32, #tpu.memory_space<hbm>> -> memref<51200xf32, #tpu.memory_space<hbm>>
      %dma_start3A_87 = tpu.memref_slice %arg3[%mul3A_34] : memref<12800000xf32, #tpu.memory_space<hbm>> -> memref<51200xf32, #tpu.memory_space<hbm>>
      tpu.enqueue_dma source(%dma_start3A_87 : memref<51200xf32, #tpu.memory_space<hbm>>) target(%arg7 : memref<51200xf32, #tpu.memory_space<vmem>>) target_semaphore(%run_scoped3A : memref<!tpu.dma_semaphore, #tpu.memory_space<semaphore_mem>>)
      %dma_wait3A = tpu.memref_slice %arg3[%mul3A_34] : memref<12800000xf32, #tpu.memory_space<hbm>> -> memref<51200xf32, #tpu.memory_space<hbm>>
      %dma_wait3A_88 = tpu.memref_slice %arg3[%mul3A_34] : memref<12800000xf32, #tpu.memory_space<hbm>> -> memref<51200xf32, #tpu.memory_space<hbm>>
      tpu.wait_dma2 semaphore(%run_scoped3A : memref<!tpu.dma_semaphore, #tpu.memory_space<semaphore_mem>>) src(%dma_wait3A_88 : memref<51200xf32, #tpu.memory_space<hbm>>) dst(%arg7 : memref<51200xf32, #tpu.memory_space<vmem>>)
      tpu.yield
    }) : () -> ()
    %iota3A_35 = tpu.iota {dimensions = array<i32: 0>} : vector<16xi32>
    %get3A_36 = arith.constant 0 : index
    %get3A_37 = tpu.vector_load %arg6[%get3A_36] {strides = array<i32>} : memref<128xf32, #tpu.memory_space<vmem>>, vector<16xf32>,
    %get3A_38 = arith.constant 16 : index
    %get3A_39 = tpu.vector_load %arg6[%get3A_38] {strides = array<i32>} : memref<128xf32, #tpu.memory_space<vmem>>, vector<16xf32>,
    %get3A_40 = arith.constant 32 : index
    %get3A_41 = tpu.vector_load %arg6[%get3A_40] {strides = array<i32>} : memref<128xf32, #tpu.memory_space<vmem>>, vector<16xf32>,
    %get3A_42 = arith.constant 48 : index
    %get3A_43 = tpu.vector_load %arg6[%get3A_42] {strides = array<i32>} : memref<128xf32, #tpu.memory_space<vmem>>, vector<16xf32>,
    %get3A_44 = arith.constant 64 : index
    %get3A_45 = tpu.vector_load %arg6[%get3A_44] {strides = array<i32>} : memref<128xf32, #tpu.memory_space<vmem>>, vector<16xf32>,
    %get3A_46 = arith.constant 80 : index
    %get3A_47 = tpu.vector_load %arg6[%get3A_46] {strides = array<i32>} : memref<128xf32, #tpu.memory_space<vmem>>, vector<16xf32>,
    %get3A_48 = arith.constant 96 : index
    %get3A_49 = tpu.vector_load %arg6[%get3A_48] {strides = array<i32>} : memref<128xf32, #tpu.memory_space<vmem>>, vector<16xf32>,
    %get3A_50 = arith.constant 112 : index
    %get3A_51 = tpu.vector_load %arg6[%get3A_50] {strides = array<i32>} : memref<128xf32, #tpu.memory_space<vmem>>, vector<16xf32>,
    %scan3A_52 = arith.constant 0 : i32
    %scan3A_53 = arith.constant 0 : i32
    %scan3A_54 = arith.constant 25 : i32
    %scan3A_55 = arith.addi %scan3A_53, %scan3A_54 : i32
    %scan3A_56 = arith.constant 1 : i32
    scf.for %scan3A_87 = %scan3A_53 to %scan3A_55 step %scan3A_56  : i32 {
      %mul3A_88 = arith.constant 16 : i32
      %mul3A_89 = arith.muli %scan3A_87, %mul3A_88 : i32
      %add3A_90 = arith.constant 400 : i32
      %add3A_91 = arith.addi %add3A_90, %mul3A_89 : i32
      %get3A_92 = arith.index_cast %add3A_91 : i32 to index
      %get3A_93 = tpu.vector_load %arg8[%get3A_92] {strides = array<i32>} : memref<1200xf32, #tpu.memory_space<vmem>>, vector<16xf32>,
      %add3A_94 = arith.constant 0 : i32
      %add3A_95 = arith.addi %mul3A_89, %add3A_94 : i32
      %mul3A_96 = arith.constant 128 : i32
      %mul3A_97 = arith.muli %add3A_95, %mul3A_96 : i32
      %get3A_98 = arith.index_cast %mul3A_97 : i32 to index
      %get3A_99 = tpu.vector_load %arg7[%get3A_98] {strides = array<i32>} : memref<51200xf32, #tpu.memory_space<vmem>>, vector<16xf32>,
      %mul3A_100 = arith.mulf %get3A_99, %get3A_37 : vector<16xf32>
      %add3A_101 = arith.constant 16 : i32
      %add3A_102 = arith.addi %mul3A_97, %add3A_101 : i32
      %get3A_103 = arith.index_cast %add3A_102 : i32 to index
      %get3A_104 = tpu.vector_load %arg7[%get3A_103] {strides = array<i32>} : memref<51200xf32, #tpu.memory_space<vmem>>, vector<16xf32>,
      %mul3A_105 = arith.mulf %get3A_104, %get3A_39 : vector<16xf32>
      %add3A_106 = arith.addf %mul3A_100, %mul3A_105 : vector<16xf32>
      %add3A_107 = arith.constant 32 : i32
      %add3A_108 = arith.addi %mul3A_97, %add3A_107 : i32
      %get3A_109 = arith.index_cast %add3A_108 : i32 to index
      %get3A_110 = tpu.vector_load %arg7[%get3A_109] {strides = array<i32>} : memref<51200xf32, #tpu.memory_space<vmem>>, vector<16xf32>,
      %mul3A_111 = arith.mulf %get3A_110, %get3A_41 : vector<16xf32>
      %add3A_112 = arith.addf %add3A_106, %mul3A_111 : vector<16xf32>
      %add3A_113 = arith.constant 48 : i32
      %add3A_114 = arith.addi %mul3A_97, %add3A_113 : i32
      %get3A_115 = arith.index_cast %add3A_114 : i32 to index
      %get3A_116 = tpu.vector_load %arg7[%get3A_115] {strides = array<i32>} : memref<51200xf32, #tpu.memory_space<vmem>>, vector<16xf32>,
      %mul3A_117 = arith.mulf %get3A_116, %get3A_43 : vector<16xf32>
      %add3A_118 = arith.addf %add3A_112, %mul3A_117 : vector<16xf32>
      %add3A_119 = arith.constant 64 : i32
      %add3A_120 = arith.addi %mul3A_97, %add3A_119 : i32
      %get3A_121 = arith.index_cast %add3A_120 : i32 to index
      %get3A_122 = tpu.vector_load %arg7[%get3A_121] {strides = array<i32>} : memref<51200xf32, #tpu.memory_space<vmem>>, vector<16xf32>,
      %mul3A_123 = arith.mulf %get3A_122, %get3A_45 : vector<16xf32>
      %add3A_124 = arith.addf %add3A_118, %mul3A_123 : vector<16xf32>
      %add3A_125 = arith.constant 80 : i32
      %add3A_126 = arith.addi %mul3A_97, %add3A_125 : i32
      %get3A_127 = arith.index_cast %add3A_126 : i32 to index
      %get3A_128 = tpu.vector_load %arg7[%get3A_127] {strides = array<i32>} : memref<51200xf32, #tpu.memory_space<vmem>>, vector<16xf32>,
      %mul3A_129 = arith.mulf %get3A_128, %get3A_47 : vector<16xf32>
      %add3A_130 = arith.addf %add3A_124, %mul3A_129 : vector<16xf32>
      %add3A_131 = arith.constant 96 : i32
      %add3A_132 = arith.addi %mul3A_97, %add3A_131 : i32
      %get3A_133 = arith.index_cast %add3A_132 : i32 to index
      %get3A_134 = tpu.vector_load %arg7[%get3A_133] {strides = array<i32>} : memref<51200xf32, #tpu.memory_space<vmem>>, vector<16xf32>,
      %mul3A_135 = arith.mulf %get3A_134, %get3A_49 : vector<16xf32>
      %add3A_136 = arith.addf %add3A_130, %mul3A_135 : vector<16xf32>
      %add3A_137 = arith.constant 112 : i32
      %add3A_138 = arith.addi %mul3A_97, %add3A_137 : i32
      %get3A_139 = arith.index_cast %add3A_138 : i32 to index
      %get3A_140 = tpu.vector_load %arg7[%get3A_139] {strides = array<i32>} : memref<51200xf32, #tpu.memory_space<vmem>>, vector<16xf32>,
      %mul3A_141 = arith.mulf %get3A_140, %get3A_51 : vector<16xf32>
      %add3A_142 = arith.addf %add3A_136, %mul3A_141 : vector<16xf32>
      %reduce_sum3A = arith.constant true
      %reduce_sum3A_143 = vector.broadcast %reduce_sum3A : i1 to vector<16xi1>
      %reduce_sum3A_144 = tpu.scan <sum>, %add3A_142 masked %reduce_sum3A_143 : vector<16xf32>, vector<16xi1> -> vector<16xf32>
      %reduce_sum3A_145 = vector.extract %reduce_sum3A_144[15] : f32 from vector<16xf32>
      %eq3A = arith.constant 0 : i32
      %eq3A_146 = vector.broadcast %eq3A : i32 to vector<16xi32>
      %eq3A_147 = arith.cmpi eq, %iota3A_35, %eq3A_146 : vector<16xi32>
      %add3A_148 = vector.broadcast %reduce_sum3A_145 : f32 to vector<16xf32>
      %add3A_149 = arith.addf %get3A_93, %add3A_148 : vector<16xf32>
      %select_n3A = arith.select %eq3A_147, %add3A_149, %get3A_93 : vector<16xi1>, vector<16xf32>
      %add3A_150 = arith.constant 1 : i32
      %add3A_151 = arith.addi %mul3A_89, %add3A_150 : i32
      %mul3A_152 = arith.constant 128 : i32
      %mul3A_153 = arith.muli %add3A_151, %mul3A_152 : i32
      %get3A_154 = arith.index_cast %mul3A_153 : i32 to index
      %get3A_155 = tpu.vector_load %arg7[%get3A_154] {strides = array<i32>} : memref<51200xf32, #tpu.memory_space<vmem>>, vector<16xf32>,
      %mul3A_156 = arith.mulf %get3A_155, %get3A_37 : vector<16xf32>
      %add3A_157 = arith.constant 16 : i32
      %add3A_158 = arith.addi %mul3A_153, %add3A_157 : i32
      %get3A_159 = arith.index_cast %add3A_158 : i32 to index
      %get3A_160 = tpu.vector_load %arg7[%get3A_159] {strides = array<i32>} : memref<51200xf32, #tpu.memory_space<vmem>>, vector<16xf32>,
      %mul3A_161 = arith.mulf %get3A_160, %get3A_39 : vector<16xf32>
      %add3A_162 = arith.addf %mul3A_156, %mul3A_161 : vector<16xf32>
      %add3A_163 = arith.constant 32 : i32
      %add3A_164 = arith.addi %mul3A_153, %add3A_163 : i32
      %get3A_165 = arith.index_cast %add3A_164 : i32 to index
      %get3A_166 = tpu.vector_load %arg7[%get3A_165] {strides = array<i32>} : memref<51200xf32, #tpu.memory_space<vmem>>, vector<16xf32>,
      %mul3A_167 = arith.mulf %get3A_166, %get3A_41 : vector<16xf32>
      %add3A_168 = arith.addf %add3A_162, %mul3A_167 : vector<16xf32>
      %add3A_169 = arith.constant 48 : i32
      %add3A_170 = arith.addi %mul3A_153, %add3A_169 : i32
      %get3A_171 = arith.index_cast %add3A_170 : i32 to index
      %get3A_172 = tpu.vector_load %arg7[%get3A_171] {strides = array<i32>} : memref<51200xf32, #tpu.memory_space<vmem>>, vector<16xf32>,
      %mul3A_173 = arith.mulf %get3A_172, %get3A_43 : vector<16xf32>
      %add3A_174 = arith.addf %add3A_168, %mul3A_173 : vector<16xf32>
      %add3A_175 = arith.constant 64 : i32
      %add3A_176 = arith.addi %mul3A_153, %add3A_175 : i32
      %get3A_177 = arith.index_cast %add3A_176 : i32 to index
      %get3A_178 = tpu.vector_load %arg7[%get3A_177] {strides = array<i32>} : memref<51200xf32, #tpu.memory_space<vmem>>, vector<16xf32>,
      %mul3A_179 = arith.mulf %get3A_178, %get3A_45 : vector<16xf32>
      %add3A_180 = arith.addf %add3A_174, %mul3A_179 : vector<16xf32>
      %add3A_181 = arith.constant 80 : i32
      %add3A_182 = arith.addi %mul3A_153, %add3A_181 : i32
      %get3A_183 = arith.index_cast %add3A_182 : i32 to index
      %get3A_184 = tpu.vector_load %arg7[%get3A_183] {strides = array<i32>} : memref<51200xf32, #tpu.memory_space<vmem>>, vector<16xf32>,
      %mul3A_185 = arith.mulf %get3A_184, %get3A_47 : vector<16xf32>
      %add3A_186 = arith.addf %add3A_180, %mul3A_185 : vector<16xf32>
      %add3A_187 = arith.constant 96 : i32
      %add3A_188 = arith.addi %mul3A_153, %add3A_187 : i32
      %get3A_189 = arith.index_cast %add3A_188 : i32 to index
      %get3A_190 = tpu.vector_load %arg7[%get3A_189] {strides = array<i32>} : memref<51200xf32, #tpu.memory_space<vmem>>, vector<16xf32>,
      %mul3A_191 = arith.mulf %get3A_190, %get3A_49 : vector<16xf32>
      %add3A_192 = arith.addf %add3A_186, %mul3A_191 : vector<16xf32>
      %add3A_193 = arith.constant 112 : i32
      %add3A_194 = arith.addi %mul3A_153, %add3A_193 : i32
      %get3A_195 = arith.index_cast %add3A_194 : i32 to index
      %get3A_196 = tpu.vector_load %arg7[%get3A_195] {strides = array<i32>} : memref<51200xf32, #tpu.memory_space<vmem>>, vector<16xf32>,
      %mul3A_197 = arith.mulf %get3A_196, %get3A_51 : vector<16xf32>
      %add3A_198 = arith.addf %add3A_192, %mul3A_197 : vector<16xf32>
      %reduce_sum3A_199 = arith.constant true
      %reduce_sum3A_200 = vector.broadcast %reduce_sum3A_199 : i1 to vector<16xi1>
      %reduce_sum3A_201 = tpu.scan <sum>, %add3A_198 masked %reduce_sum3A_200 : vector<16xf32>, vector<16xi1> -> vector<16xf32>
      %reduce_sum3A_202 = vector.extract %reduce_sum3A_201[15] : f32 from vector<16xf32>
      %eq3A_203 = arith.constant 1 : i32
      %eq3A_204 = vector.broadcast %eq3A_203 : i32 to vector<16xi32>
      %eq3A_205 = arith.cmpi eq, %iota3A_35, %eq3A_204 : vector<16xi32>
      %add3A_206 = vector.broadcast %reduce_sum3A_202 : f32 to vector<16xf32>
      %add3A_207 = arith.addf %select_n3A, %add3A_206 : vector<16xf32>
      %select_n3A_208 = arith.select %eq3A_205, %add3A_207, %select_n3A : vector<16xi1>, vector<16xf32>
      %add3A_209 = arith.constant 2 : i32
      %add3A_210 = arith.addi %mul3A_89, %add3A_209 : i32
      %mul3A_211 = arith.constant 128 : i32
      %mul3A_212 = arith.muli %add3A_210, %mul3A_211 : i32
      %get3A_213 = arith.index_cast %mul3A_212 : i32 to index
      %get3A_214 = tpu.vector_load %arg7[%get3A_213] {strides = array<i32>} : memref<51200xf32, #tpu.memory_space<vmem>>, vector<16xf32>,
      %mul3A_215 = arith.mulf %get3A_214, %get3A_37 : vector<16xf32>
      %add3A_216 = arith.constant 16 : i32
      %add3A_217 = arith.addi %mul3A_212, %add3A_216 : i32
      %get3A_218 = arith.index_cast %add3A_217 : i32 to index
      %get3A_219 = tpu.vector_load %arg7[%get3A_218] {strides = array<i32>} : memref<51200xf32, #tpu.memory_space<vmem>>, vector<16xf32>,
      %mul3A_220 = arith.mulf %get3A_219, %get3A_39 : vector<16xf32>
      %add3A_221 = arith.addf %mul3A_215, %mul3A_220 : vector<16xf32>
      %add3A_222 = arith.constant 32 : i32
      %add3A_223 = arith.addi %mul3A_212, %add3A_222 : i32
      %get3A_224 = arith.index_cast %add3A_223 : i32 to index
      %get3A_225 = tpu.vector_load %arg7[%get3A_224] {strides = array<i32>} : memref<51200xf32, #tpu.memory_space<vmem>>, vector<16xf32>,
      %mul3A_226 = arith.mulf %get3A_225, %get3A_41 : vector<16xf32>
      %add3A_227 = arith.addf %add3A_221, %mul3A_226 : vector<16xf32>
      %add3A_228 = arith.constant 48 : i32
      %add3A_229 = arith.addi %mul3A_212, %add3A_228 : i32
      %get3A_230 = arith.index_cast %add3A_229 : i32 to index
      %get3A_231 = tpu.vector_load %arg7[%get3A_230] {strides = array<i32>} : memref<51200xf32, #tpu.memory_space<vmem>>, vector<16xf32>,
      %mul3A_232 = arith.mulf %get3A_231, %get3A_43 : vector<16xf32>
      %add3A_233 = arith.addf %add3A_227, %mul3A_232 : vector<16xf32>
      %add3A_234 = arith.constant 64 : i32
      %add3A_235 = arith.addi %mul3A_212, %add3A_234 : i32
      %get3A_236 = arith.index_cast %add3A_235 : i32 to index
      %get3A_237 = tpu.vector_load %arg7[%get3A_236] {strides = array<i32>} : memref<51200xf32, #tpu.memory_space<vmem>>, vector<16xf32>,
      %mul3A_238 = arith.mulf %get3A_237, %get3A_45 : vector<16xf32>
      %add3A_239 = arith.addf %add3A_233, %mul3A_238 : vector<16xf32>
      %add3A_240 = arith.constant 80 : i32
      %add3A_241 = arith.addi %mul3A_212, %add3A_240 : i32
      %get3A_242 = arith.index_cast %add3A_241 : i32 to index
      %get3A_243 = tpu.vector_load %arg7[%get3A_242] {strides = array<i32>} : memref<51200xf32, #tpu.memory_space<vmem>>, vector<16xf32>,
      %mul3A_244 = arith.mulf %get3A_243, %get3A_47 : vector<16xf32>
      %add3A_245 = arith.addf %add3A_239, %mul3A_244 : vector<16xf32>
      %add3A_246 = arith.constant 96 : i32
      %add3A_247 = arith.addi %mul3A_212, %add3A_246 : i32
      %get3A_248 = arith.index_cast %add3A_247 : i32 to index
      %get3A_249 = tpu.vector_load %arg7[%get3A_248] {strides = array<i32>} : memref<51200xf32, #tpu.memory_space<vmem>>, vector<16xf32>,
      %mul3A_250 = arith.mulf %get3A_249, %get3A_49 : vector<16xf32>
      %add3A_251 = arith.addf %add3A_245, %mul3A_250 : vector<16xf32>
      %add3A_252 = arith.constant 112 : i32
      %add3A_253 = arith.addi %mul3A_212, %add3A_252 : i32
      %get3A_254 = arith.index_cast %add3A_253 : i32 to index
      %get3A_255 = tpu.vector_load %arg7[%get3A_254] {strides = array<i32>} : memref<51200xf32, #tpu.memory_space<vmem>>, vector<16xf32>,
      %mul3A_256 = arith.mulf %get3A_255, %get3A_51 : vector<16xf32>
      %add3A_257 = arith.addf %add3A_251, %mul3A_256 : vector<16xf32>
      %reduce_sum3A_258 = arith.constant true
      %reduce_sum3A_259 = vector.broadcast %reduce_sum3A_258 : i1 to vector<16xi1>
      %reduce_sum3A_260 = tpu.scan <sum>, %add3A_257 masked %reduce_sum3A_259 : vector<16xf32>, vector<16xi1> -> vector<16xf32>
      %reduce_sum3A_261 = vector.extract %reduce_sum3A_260[15] : f32 from vector<16xf32>
      %eq3A_262 = arith.constant 2 : i32
      %eq3A_263 = vector.broadcast %eq3A_262 : i32 to vector<16xi32>
      %eq3A_264 = arith.cmpi eq, %iota3A_35, %eq3A_263 : vector<16xi32>
      %add3A_265 = vector.broadcast %reduce_sum3A_261 : f32 to vector<16xf32>
      %add3A_266 = arith.addf %select_n3A_208, %add3A_265 : vector<16xf32>
      %select_n3A_267 = arith.select %eq3A_264, %add3A_266, %select_n3A_208 : vector<16xi1>, vector<16xf32>
      %add3A_268 = arith.constant 3 : i32
      %add3A_269 = arith.addi %mul3A_89, %add3A_268 : i32
      %mul3A_270 = arith.constant 128 : i32
      %mul3A_271 = arith.muli %add3A_269, %mul3A_270 : i32
      %get3A_272 = arith.index_cast %mul3A_271 : i32 to index
      %get3A_273 = tpu.vector_load %arg7[%get3A_272] {strides = array<i32>} : memref<51200xf32, #tpu.memory_space<vmem>>, vector<16xf32>,
      %mul3A_274 = arith.mulf %get3A_273, %get3A_37 : vector<16xf32>
      %add3A_275 = arith.constant 16 : i32
      %add3A_276 = arith.addi %mul3A_271, %add3A_275 : i32
      %get3A_277 = arith.index_cast %add3A_276 : i32 to index
      %get3A_278 = tpu.vector_load %arg7[%get3A_277] {strides = array<i32>} : memref<51200xf32, #tpu.memory_space<vmem>>, vector<16xf32>,
      %mul3A_279 = arith.mulf %get3A_278, %get3A_39 : vector<16xf32>
      %add3A_280 = arith.addf %mul3A_274, %mul3A_279 : vector<16xf32>
      %add3A_281 = arith.constant 32 : i32
      %add3A_282 = arith.addi %mul3A_271, %add3A_281 : i32
      %get3A_283 = arith.index_cast %add3A_282 : i32 to index
      %get3A_284 = tpu.vector_load %arg7[%get3A_283] {strides = array<i32>} : memref<51200xf32, #tpu.memory_space<vmem>>, vector<16xf32>,
      %mul3A_285 = arith.mulf %get3A_284, %get3A_41 : vector<16xf32>
      %add3A_286 = arith.addf %add3A_280, %mul3A_285 : vector<16xf32>
      %add3A_287 = arith.constant 48 : i32
      %add3A_288 = arith.addi %mul3A_271, %add3A_287 : i32
      %get3A_289 = arith.index_cast %add3A_288 : i32 to index
      %get3A_290 = tpu.vector_load %arg7[%get3A_289] {strides = array<i32>} : memref<51200xf32, #tpu.memory_space<vmem>>, vector<16xf32>,
      %mul3A_291 = arith.mulf %get3A_290, %get3A_43 : vector<16xf32>
      %add3A_292 = arith.addf %add3A_286, %mul3A_291 : vector<16xf32>
      %add3A_293 = arith.constant 64 : i32
      %add3A_294 = arith.addi %mul3A_271, %add3A_293 : i32
      %get3A_295 = arith.index_cast %add3A_294 : i32 to index
      %get3A_296 = tpu.vector_load %arg7[%get3A_295] {strides = array<i32>} : memref<51200xf32, #tpu.memory_space<vmem>>, vector<16xf32>,
      %mul3A_297 = arith.mulf %get3A_296, %get3A_45 : vector<16xf32>
      %add3A_298 = arith.addf %add3A_292, %mul3A_297 : vector<16xf32>
      %add3A_299 = arith.constant 80 : i32
      %add3A_300 = arith.addi %mul3A_271, %add3A_299 : i32
      %get3A_301 = arith.index_cast %add3A_300 : i32 to index
      %get3A_302 = tpu.vector_load %arg7[%get3A_301] {strides = array<i32>} : memref<51200xf32, #tpu.memory_space<vmem>>, vector<16xf32>,
      %mul3A_303 = arith.mulf %get3A_302, %get3A_47 : vector<16xf32>
      %add3A_304 = arith.addf %add3A_298, %mul3A_303 : vector<16xf32>
      %add3A_305 = arith.constant 96 : i32
      %add3A_306 = arith.addi %mul3A_271, %add3A_305 : i32
      %get3A_307 = arith.index_cast %add3A_306 : i32 to index
      %get3A_308 = tpu.vector_load %arg7[%get3A_307] {strides = array<i32>} : memref<51200xf32, #tpu.memory_space<vmem>>, vector<16xf32>,
      %mul3A_309 = arith.mulf %get3A_308, %get3A_49 : vector<16xf32>
      %add3A_310 = arith.addf %add3A_304, %mul3A_309 : vector<16xf32>
      %add3A_311 = arith.constant 112 : i32
      %add3A_312 = arith.addi %mul3A_271, %add3A_311 : i32
      %get3A_313 = arith.index_cast %add3A_312 : i32 to index
      %get3A_314 = tpu.vector_load %arg7[%get3A_313] {strides = array<i32>} : memref<51200xf32, #tpu.memory_space<vmem>>, vector<16xf32>,
      %mul3A_315 = arith.mulf %get3A_314, %get3A_51 : vector<16xf32>
      %add3A_316 = arith.addf %add3A_310, %mul3A_315 : vector<16xf32>
      %reduce_sum3A_317 = arith.constant true
      %reduce_sum3A_318 = vector.broadcast %reduce_sum3A_317 : i1 to vector<16xi1>
      %reduce_sum3A_319 = tpu.scan <sum>, %add3A_316 masked %reduce_sum3A_318 : vector<16xf32>, vector<16xi1> -> vector<16xf32>
      %reduce_sum3A_320 = vector.extract %reduce_sum3A_319[15] : f32 from vector<16xf32>
      %eq3A_321 = arith.constant 3 : i32
      %eq3A_322 = vector.broadcast %eq3A_321 : i32 to vector<16xi32>
      %eq3A_323 = arith.cmpi eq, %iota3A_35, %eq3A_322 : vector<16xi32>
      %add3A_324 = vector.broadcast %reduce_sum3A_320 : f32 to vector<16xf32>
      %add3A_325 = arith.addf %select_n3A_267, %add3A_324 : vector<16xf32>
      %select_n3A_326 = arith.select %eq3A_323, %add3A_325, %select_n3A_267 : vector<16xi1>, vector<16xf32>
      %add3A_327 = arith.constant 4 : i32
      %add3A_328 = arith.addi %mul3A_89, %add3A_327 : i32
      %mul3A_329 = arith.constant 128 : i32
      %mul3A_330 = arith.muli %add3A_328, %mul3A_329 : i32
      %get3A_331 = arith.index_cast %mul3A_330 : i32 to index
      %get3A_332 = tpu.vector_load %arg7[%get3A_331] {strides = array<i32>} : memref<51200xf32, #tpu.memory_space<vmem>>, vector<16xf32>,
      %mul3A_333 = arith.mulf %get3A_332, %get3A_37 : vector<16xf32>
      %add3A_334 = arith.constant 16 : i32
      %add3A_335 = arith.addi %mul3A_330, %add3A_334 : i32
      %get3A_336 = arith.index_cast %add3A_335 : i32 to index
      %get3A_337 = tpu.vector_load %arg7[%get3A_336] {strides = array<i32>} : memref<51200xf32, #tpu.memory_space<vmem>>, vector<16xf32>,
      %mul3A_338 = arith.mulf %get3A_337, %get3A_39 : vector<16xf32>
      %add3A_339 = arith.addf %mul3A_333, %mul3A_338 : vector<16xf32>
      %add3A_340 = arith.constant 32 : i32
      %add3A_341 = arith.addi %mul3A_330, %add3A_340 : i32
      %get3A_342 = arith.index_cast %add3A_341 : i32 to index
      %get3A_343 = tpu.vector_load %arg7[%get3A_342] {strides = array<i32>} : memref<51200xf32, #tpu.memory_space<vmem>>, vector<16xf32>,
      %mul3A_344 = arith.mulf %get3A_343, %get3A_41 : vector<16xf32>
      %add3A_345 = arith.addf %add3A_339, %mul3A_344 : vector<16xf32>
      %add3A_346 = arith.constant 48 : i32
      %add3A_347 = arith.addi %mul3A_330, %add3A_346 : i32
      %get3A_348 = arith.index_cast %add3A_347 : i32 to index
      %get3A_349 = tpu.vector_load %arg7[%get3A_348] {strides = array<i32>} : memref<51200xf32, #tpu.memory_space<vmem>>, vector<16xf32>,
      %mul3A_350 = arith.mulf %get3A_349, %get3A_43 : vector<16xf32>
      %add3A_351 = arith.addf %add3A_345, %mul3A_350 : vector<16xf32>
      %add3A_352 = arith.constant 64 : i32
      %add3A_353 = arith.addi %mul3A_330, %add3A_352 : i32
      %get3A_354 = arith.index_cast %add3A_353 : i32 to index
      %get3A_355 = tpu.vector_load %arg7[%get3A_354] {strides = array<i32>} : memref<51200xf32, #tpu.memory_space<vmem>>, vector<16xf32>,
      %mul3A_356 = arith.mulf %get3A_355, %get3A_45 : vector<16xf32>
      %add3A_357 = arith.addf %add3A_351, %mul3A_356 : vector<16xf32>
      %add3A_358 = arith.constant 80 : i32
      %add3A_359 = arith.addi %mul3A_330, %add3A_358 : i32
      %get3A_360 = arith.index_cast %add3A_359 : i32 to index
      %get3A_361 = tpu.vector_load %arg7[%get3A_360] {strides = array<i32>} : memref<51200xf32, #tpu.memory_space<vmem>>, vector<16xf32>,
      %mul3A_362 = arith.mulf %get3A_361, %get3A_47 : vector<16xf32>
      %add3A_363 = arith.addf %add3A_357, %mul3A_362 : vector<16xf32>
      %add3A_364 = arith.constant 96 : i32
      %add3A_365 = arith.addi %mul3A_330, %add3A_364 : i32
      %get3A_366 = arith.index_cast %add3A_365 : i32 to index
      %get3A_367 = tpu.vector_load %arg7[%get3A_366] {strides = array<i32>} : memref<51200xf32, #tpu.memory_space<vmem>>, vector<16xf32>,
      %mul3A_368 = arith.mulf %get3A_367, %get3A_49 : vector<16xf32>
      %add3A_369 = arith.addf %add3A_363, %mul3A_368 : vector<16xf32>
      %add3A_370 = arith.constant 112 : i32
      %add3A_371 = arith.addi %mul3A_330, %add3A_370 : i32
      %get3A_372 = arith.index_cast %add3A_371 : i32 to index
      %get3A_373 = tpu.vector_load %arg7[%get3A_372] {strides = array<i32>} : memref<51200xf32, #tpu.memory_space<vmem>>, vector<16xf32>,
      %mul3A_374 = arith.mulf %get3A_373, %get3A_51 : vector<16xf32>
      %add3A_375 = arith.addf %add3A_369, %mul3A_374 : vector<16xf32>
      %reduce_sum3A_376 = arith.constant true
      %reduce_sum3A_377 = vector.broadcast %reduce_sum3A_376 : i1 to vector<16xi1>
      %reduce_sum3A_378 = tpu.scan <sum>, %add3A_375 masked %reduce_sum3A_377 : vector<16xf32>, vector<16xi1> -> vector<16xf32>
      %reduce_sum3A_379 = vector.extract %reduce_sum3A_378[15] : f32 from vector<16xf32>
      %eq3A_380 = arith.constant 4 : i32
      %eq3A_381 = vector.broadcast %eq3A_380 : i32 to vector<16xi32>
      %eq3A_382 = arith.cmpi eq, %iota3A_35, %eq3A_381 : vector<16xi32>
      %add3A_383 = vector.broadcast %reduce_sum3A_379 : f32 to vector<16xf32>
      %add3A_384 = arith.addf %select_n3A_326, %add3A_383 : vector<16xf32>
      %select_n3A_385 = arith.select %eq3A_382, %add3A_384, %select_n3A_326 : vector<16xi1>, vector<16xf32>
      %add3A_386 = arith.constant 5 : i32
      %add3A_387 = arith.addi %mul3A_89, %add3A_386 : i32
      %mul3A_388 = arith.constant 128 : i32
      %mul3A_389 = arith.muli %add3A_387, %mul3A_388 : i32
      %get3A_390 = arith.index_cast %mul3A_389 : i32 to index
      %get3A_391 = tpu.vector_load %arg7[%get3A_390] {strides = array<i32>} : memref<51200xf32, #tpu.memory_space<vmem>>, vector<16xf32>,
      %mul3A_392 = arith.mulf %get3A_391, %get3A_37 : vector<16xf32>
      %add3A_393 = arith.constant 16 : i32
      %add3A_394 = arith.addi %mul3A_389, %add3A_393 : i32
      %get3A_395 = arith.index_cast %add3A_394 : i32 to index
      %get3A_396 = tpu.vector_load %arg7[%get3A_395] {strides = array<i32>} : memref<51200xf32, #tpu.memory_space<vmem>>, vector<16xf32>,
      %mul3A_397 = arith.mulf %get3A_396, %get3A_39 : vector<16xf32>
      %add3A_398 = arith.addf %mul3A_392, %mul3A_397 : vector<16xf32>
      %add3A_399 = arith.constant 32 : i32
      %add3A_400 = arith.addi %mul3A_389, %add3A_399 : i32
      %get3A_401 = arith.index_cast %add3A_400 : i32 to index
      %get3A_402 = tpu.vector_load %arg7[%get3A_401] {strides = array<i32>} : memref<51200xf32, #tpu.memory_space<vmem>>, vector<16xf32>,
      %mul3A_403 = arith.mulf %get3A_402, %get3A_41 : vector<16xf32>
      %add3A_404 = arith.addf %add3A_398, %mul3A_403 : vector<16xf32>
      %add3A_405 = arith.constant 48 : i32
      %add3A_406 = arith.addi %mul3A_389, %add3A_405 : i32
      %get3A_407 = arith.index_cast %add3A_406 : i32 to index
      %get3A_408 = tpu.vector_load %arg7[%get3A_407] {strides = array<i32>} : memref<51200xf32, #tpu.memory_space<vmem>>, vector<16xf32>,
      %mul3A_409 = arith.mulf %get3A_408, %get3A_43 : vector<16xf32>
      %add3A_410 = arith.addf %add3A_404, %mul3A_409 : vector<16xf32>
      %add3A_411 = arith.constant 64 : i32
      %add3A_412 = arith.addi %mul3A_389, %add3A_411 : i32
      %get3A_413 = arith.index_cast %add3A_412 : i32 to index
      %get3A_414 = tpu.vector_load %arg7[%get3A_413] {strides = array<i32>} : memref<51200xf32, #tpu.memory_space<vmem>>, vector<16xf32>,
      %mul3A_415 = arith.mulf %get3A_414, %get3A_45 : vector<16xf32>
      %add3A_416 = arith.addf %add3A_410, %mul3A_415 : vector<16xf32>
      %add3A_417 = arith.constant 80 : i32
      %add3A_418 = arith.addi %mul3A_389, %add3A_417 : i32
      %get3A_419 = arith.index_cast %add3A_418 : i32 to index
      %get3A_420 = tpu.vector_load %arg7[%get3A_419] {strides = array<i32>} : memref<51200xf32, #tpu.memory_space<vmem>>, vector<16xf32>,
      %mul3A_421 = arith.mulf %get3A_420, %get3A_47 : vector<16xf32>
      %add3A_422 = arith.addf %add3A_416, %mul3A_421 : vector<16xf32>
      %add3A_423 = arith.constant 96 : i32
      %add3A_424 = arith.addi %mul3A_389, %add3A_423 : i32
      %get3A_425 = arith.index_cast %add3A_424 : i32 to index
      %get3A_426 = tpu.vector_load %arg7[%get3A_425] {strides = array<i32>} : memref<51200xf32, #tpu.memory_space<vmem>>, vector<16xf32>,
      %mul3A_427 = arith.mulf %get3A_426, %get3A_49 : vector<16xf32>
      %add3A_428 = arith.addf %add3A_422, %mul3A_427 : vector<16xf32>
      %add3A_429 = arith.constant 112 : i32
      %add3A_430 = arith.addi %mul3A_389, %add3A_429 : i32
      %get3A_431 = arith.index_cast %add3A_430 : i32 to index
      %get3A_432 = tpu.vector_load %arg7[%get3A_431] {strides = array<i32>} : memref<51200xf32, #tpu.memory_space<vmem>>, vector<16xf32>,
      %mul3A_433 = arith.mulf %get3A_432, %get3A_51 : vector<16xf32>
      %add3A_434 = arith.addf %add3A_428, %mul3A_433 : vector<16xf32>
      %reduce_sum3A_435 = arith.constant true
      %reduce_sum3A_436 = vector.broadcast %reduce_sum3A_435 : i1 to vector<16xi1>
      %reduce_sum3A_437 = tpu.scan <sum>, %add3A_434 masked %reduce_sum3A_436 : vector<16xf32>, vector<16xi1> -> vector<16xf32>
      %reduce_sum3A_438 = vector.extract %reduce_sum3A_437[15] : f32 from vector<16xf32>
      %eq3A_439 = arith.constant 5 : i32
      %eq3A_440 = vector.broadcast %eq3A_439 : i32 to vector<16xi32>
      %eq3A_441 = arith.cmpi eq, %iota3A_35, %eq3A_440 : vector<16xi32>
      %add3A_442 = vector.broadcast %reduce_sum3A_438 : f32 to vector<16xf32>
      %add3A_443 = arith.addf %select_n3A_385, %add3A_442 : vector<16xf32>
      %select_n3A_444 = arith.select %eq3A_441, %add3A_443, %select_n3A_385 : vector<16xi1>, vector<16xf32>
      %add3A_445 = arith.constant 6 : i32
      %add3A_446 = arith.addi %mul3A_89, %add3A_445 : i32
      %mul3A_447 = arith.constant 128 : i32
      %mul3A_448 = arith.muli %add3A_446, %mul3A_447 : i32
      %get3A_449 = arith.index_cast %mul3A_448 : i32 to index
      %get3A_450 = tpu.vector_load %arg7[%get3A_449] {strides = array<i32>} : memref<51200xf32, #tpu.memory_space<vmem>>, vector<16xf32>,
      %mul3A_451 = arith.mulf %get3A_450, %get3A_37 : vector<16xf32>
      %add3A_452 = arith.constant 16 : i32
      %add3A_453 = arith.addi %mul3A_448, %add3A_452 : i32
      %get3A_454 = arith.index_cast %add3A_453 : i32 to index
      %get3A_455 = tpu.vector_load %arg7[%get3A_454] {strides = array<i32>} : memref<51200xf32, #tpu.memory_space<vmem>>, vector<16xf32>,
      %mul3A_456 = arith.mulf %get3A_455, %get3A_39 : vector<16xf32>
      %add3A_457 = arith.addf %mul3A_451, %mul3A_456 : vector<16xf32>
      %add3A_458 = arith.constant 32 : i32
      %add3A_459 = arith.addi %mul3A_448, %add3A_458 : i32
      %get3A_460 = arith.index_cast %add3A_459 : i32 to index
      %get3A_461 = tpu.vector_load %arg7[%get3A_460] {strides = array<i32>} : memref<51200xf32, #tpu.memory_space<vmem>>, vector<16xf32>,
      %mul3A_462 = arith.mulf %get3A_461, %get3A_41 : vector<16xf32>
      %add3A_463 = arith.addf %add3A_457, %mul3A_462 : vector<16xf32>
      %add3A_464 = arith.constant 48 : i32
      %add3A_465 = arith.addi %mul3A_448, %add3A_464 : i32
      %get3A_466 = arith.index_cast %add3A_465 : i32 to index
      %get3A_467 = tpu.vector_load %arg7[%get3A_466] {strides = array<i32>} : memref<51200xf32, #tpu.memory_space<vmem>>, vector<16xf32>,
      %mul3A_468 = arith.mulf %get3A_467, %get3A_43 : vector<16xf32>
      %add3A_469 = arith.addf %add3A_463, %mul3A_468 : vector<16xf32>
      %add3A_470 = arith.constant 64 : i32
      %add3A_471 = arith.addi %mul3A_448, %add3A_470 : i32
      %get3A_472 = arith.index_cast %add3A_471 : i32 to index
      %get3A_473 = tpu.vector_load %arg7[%get3A_472] {strides = array<i32>} : memref<51200xf32, #tpu.memory_space<vmem>>, vector<16xf32>,
      %mul3A_474 = arith.mulf %get3A_473, %get3A_45 : vector<16xf32>
      %add3A_475 = arith.addf %add3A_469, %mul3A_474 : vector<16xf32>
      %add3A_476 = arith.constant 80 : i32
      %add3A_477 = arith.addi %mul3A_448, %add3A_476 : i32
      %get3A_478 = arith.index_cast %add3A_477 : i32 to index
      %get3A_479 = tpu.vector_load %arg7[%get3A_478] {strides = array<i32>} : memref<51200xf32, #tpu.memory_space<vmem>>, vector<16xf32>,
      %mul3A_480 = arith.mulf %get3A_479, %get3A_47 : vector<16xf32>
      %add3A_481 = arith.addf %add3A_475, %mul3A_480 : vector<16xf32>
      %add3A_482 = arith.constant 96 : i32
      %add3A_483 = arith.addi %mul3A_448, %add3A_482 : i32
      %get3A_484 = arith.index_cast %add3A_483 : i32 to index
      %get3A_485 = tpu.vector_load %arg7[%get3A_484] {strides = array<i32>} : memref<51200xf32, #tpu.memory_space<vmem>>, vector<16xf32>,
      %mul3A_486 = arith.mulf %get3A_485, %get3A_49 : vector<16xf32>
      %add3A_487 = arith.addf %add3A_481, %mul3A_486 : vector<16xf32>
      %add3A_488 = arith.constant 112 : i32
      %add3A_489 = arith.addi %mul3A_448, %add3A_488 : i32
      %get3A_490 = arith.index_cast %add3A_489 : i32 to index
      %get3A_491 = tpu.vector_load %arg7[%get3A_490] {strides = array<i32>} : memref<51200xf32, #tpu.memory_space<vmem>>, vector<16xf32>,
      %mul3A_492 = arith.mulf %get3A_491, %get3A_51 : vector<16xf32>
      %add3A_493 = arith.addf %add3A_487, %mul3A_492 : vector<16xf32>
      %reduce_sum3A_494 = arith.constant true
      %reduce_sum3A_495 = vector.broadcast %reduce_sum3A_494 : i1 to vector<16xi1>
      %reduce_sum3A_496 = tpu.scan <sum>, %add3A_493 masked %reduce_sum3A_495 : vector<16xf32>, vector<16xi1> -> vector<16xf32>
      %reduce_sum3A_497 = vector.extract %reduce_sum3A_496[15] : f32 from vector<16xf32>
      %eq3A_498 = arith.constant 6 : i32
      %eq3A_499 = vector.broadcast %eq3A_498 : i32 to vector<16xi32>
      %eq3A_500 = arith.cmpi eq, %iota3A_35, %eq3A_499 : vector<16xi32>
      %add3A_501 = vector.broadcast %reduce_sum3A_497 : f32 to vector<16xf32>
      %add3A_502 = arith.addf %select_n3A_444, %add3A_501 : vector<16xf32>
      %select_n3A_503 = arith.select %eq3A_500, %add3A_502, %select_n3A_444 : vector<16xi1>, vector<16xf32>
      %add3A_504 = arith.constant 7 : i32
      %add3A_505 = arith.addi %mul3A_89, %add3A_504 : i32
      %mul3A_506 = arith.constant 128 : i32
      %mul3A_507 = arith.muli %add3A_505, %mul3A_506 : i32
      %get3A_508 = arith.index_cast %mul3A_507 : i32 to index
      %get3A_509 = tpu.vector_load %arg7[%get3A_508] {strides = array<i32>} : memref<51200xf32, #tpu.memory_space<vmem>>, vector<16xf32>,
      %mul3A_510 = arith.mulf %get3A_509, %get3A_37 : vector<16xf32>
      %add3A_511 = arith.constant 16 : i32
      %add3A_512 = arith.addi %mul3A_507, %add3A_511 : i32
      %get3A_513 = arith.index_cast %add3A_512 : i32 to index
      %get3A_514 = tpu.vector_load %arg7[%get3A_513] {strides = array<i32>} : memref<51200xf32, #tpu.memory_space<vmem>>, vector<16xf32>,
      %mul3A_515 = arith.mulf %get3A_514, %get3A_39 : vector<16xf32>
      %add3A_516 = arith.addf %mul3A_510, %mul3A_515 : vector<16xf32>
      %add3A_517 = arith.constant 32 : i32
      %add3A_518 = arith.addi %mul3A_507, %add3A_517 : i32
      %get3A_519 = arith.index_cast %add3A_518 : i32 to index
      %get3A_520 = tpu.vector_load %arg7[%get3A_519] {strides = array<i32>} : memref<51200xf32, #tpu.memory_space<vmem>>, vector<16xf32>,
      %mul3A_521 = arith.mulf %get3A_520, %get3A_41 : vector<16xf32>
      %add3A_522 = arith.addf %add3A_516, %mul3A_521 : vector<16xf32>
      %add3A_523 = arith.constant 48 : i32
      %add3A_524 = arith.addi %mul3A_507, %add3A_523 : i32
      %get3A_525 = arith.index_cast %add3A_524 : i32 to index
      %get3A_526 = tpu.vector_load %arg7[%get3A_525] {strides = array<i32>} : memref<51200xf32, #tpu.memory_space<vmem>>, vector<16xf32>,
      %mul3A_527 = arith.mulf %get3A_526, %get3A_43 : vector<16xf32>
      %add3A_528 = arith.addf %add3A_522, %mul3A_527 : vector<16xf32>
      %add3A_529 = arith.constant 64 : i32
      %add3A_530 = arith.addi %mul3A_507, %add3A_529 : i32
      %get3A_531 = arith.index_cast %add3A_530 : i32 to index
      %get3A_532 = tpu.vector_load %arg7[%get3A_531] {strides = array<i32>} : memref<51200xf32, #tpu.memory_space<vmem>>, vector<16xf32>,
      %mul3A_533 = arith.mulf %get3A_532, %get3A_45 : vector<16xf32>
      %add3A_534 = arith.addf %add3A_528, %mul3A_533 : vector<16xf32>
      %add3A_535 = arith.constant 80 : i32
      %add3A_536 = arith.addi %mul3A_507, %add3A_535 : i32
      %get3A_537 = arith.index_cast %add3A_536 : i32 to index
      %get3A_538 = tpu.vector_load %arg7[%get3A_537] {strides = array<i32>} : memref<51200xf32, #tpu.memory_space<vmem>>, vector<16xf32>,
      %mul3A_539 = arith.mulf %get3A_538, %get3A_47 : vector<16xf32>
      %add3A_540 = arith.addf %add3A_534, %mul3A_539 : vector<16xf32>
      %add3A_541 = arith.constant 96 : i32
      %add3A_542 = arith.addi %mul3A_507, %add3A_541 : i32
      %get3A_543 = arith.index_cast %add3A_542 : i32 to index
      %get3A_544 = tpu.vector_load %arg7[%get3A_543] {strides = array<i32>} : memref<51200xf32, #tpu.memory_space<vmem>>, vector<16xf32>,
      %mul3A_545 = arith.mulf %get3A_544, %get3A_49 : vector<16xf32>
      %add3A_546 = arith.addf %add3A_540, %mul3A_545 : vector<16xf32>
      %add3A_547 = arith.constant 112 : i32
      %add3A_548 = arith.addi %mul3A_507, %add3A_547 : i32
      %get3A_549 = arith.index_cast %add3A_548 : i32 to index
      %get3A_550 = tpu.vector_load %arg7[%get3A_549] {strides = array<i32>} : memref<51200xf32, #tpu.memory_space<vmem>>, vector<16xf32>,
      %mul3A_551 = arith.mulf %get3A_550, %get3A_51 : vector<16xf32>
      %add3A_552 = arith.addf %add3A_546, %mul3A_551 : vector<16xf32>
      %reduce_sum3A_553 = arith.constant true
      %reduce_sum3A_554 = vector.broadcast %reduce_sum3A_553 : i1 to vector<16xi1>
      %reduce_sum3A_555 = tpu.scan <sum>, %add3A_552 masked %reduce_sum3A_554 : vector<16xf32>, vector<16xi1> -> vector<16xf32>
      %reduce_sum3A_556 = vector.extract %reduce_sum3A_555[15] : f32 from vector<16xf32>
      %eq3A_557 = arith.constant 7 : i32
      %eq3A_558 = vector.broadcast %eq3A_557 : i32 to vector<16xi32>
      %eq3A_559 = arith.cmpi eq, %iota3A_35, %eq3A_558 : vector<16xi32>
      %add3A_560 = vector.broadcast %reduce_sum3A_556 : f32 to vector<16xf32>
      %add3A_561 = arith.addf %select_n3A_503, %add3A_560 : vector<16xf32>
      %select_n3A_562 = arith.select %eq3A_559, %add3A_561, %select_n3A_503 : vector<16xi1>, vector<16xf32>
      %add3A_563 = arith.constant 8 : i32
      %add3A_564 = arith.addi %mul3A_89, %add3A_563 : i32
      %mul3A_565 = arith.constant 128 : i32
      %mul3A_566 = arith.muli %add3A_564, %mul3A_565 : i32
      %get3A_567 = arith.index_cast %mul3A_566 : i32 to index
      %get3A_568 = tpu.vector_load %arg7[%get3A_567] {strides = array<i32>} : memref<51200xf32, #tpu.memory_space<vmem>>, vector<16xf32>,
      %mul3A_569 = arith.mulf %get3A_568, %get3A_37 : vector<16xf32>
      %add3A_570 = arith.constant 16 : i32
      %add3A_571 = arith.addi %mul3A_566, %add3A_570 : i32
      %get3A_572 = arith.index_cast %add3A_571 : i32 to index
      %get3A_573 = tpu.vector_load %arg7[%get3A_572] {strides = array<i32>} : memref<51200xf32, #tpu.memory_space<vmem>>, vector<16xf32>,
      %mul3A_574 = arith.mulf %get3A_573, %get3A_39 : vector<16xf32>
      %add3A_575 = arith.addf %mul3A_569, %mul3A_574 : vector<16xf32>
      %add3A_576 = arith.constant 32 : i32
      %add3A_577 = arith.addi %mul3A_566, %add3A_576 : i32
      %get3A_578 = arith.index_cast %add3A_577 : i32 to index
      %get3A_579 = tpu.vector_load %arg7[%get3A_578] {strides = array<i32>} : memref<51200xf32, #tpu.memory_space<vmem>>, vector<16xf32>,
      %mul3A_580 = arith.mulf %get3A_579, %get3A_41 : vector<16xf32>
      %add3A_581 = arith.addf %add3A_575, %mul3A_580 : vector<16xf32>
      %add3A_582 = arith.constant 48 : i32
      %add3A_583 = arith.addi %mul3A_566, %add3A_582 : i32
      %get3A_584 = arith.index_cast %add3A_583 : i32 to index
      %get3A_585 = tpu.vector_load %arg7[%get3A_584] {strides = array<i32>} : memref<51200xf32, #tpu.memory_space<vmem>>, vector<16xf32>,
      %mul3A_586 = arith.mulf %get3A_585, %get3A_43 : vector<16xf32>
      %add3A_587 = arith.addf %add3A_581, %mul3A_586 : vector<16xf32>
      %add3A_588 = arith.constant 64 : i32
      %add3A_589 = arith.addi %mul3A_566, %add3A_588 : i32
      %get3A_590 = arith.index_cast %add3A_589 : i32 to index
      %get3A_591 = tpu.vector_load %arg7[%get3A_590] {strides = array<i32>} : memref<51200xf32, #tpu.memory_space<vmem>>, vector<16xf32>,
      %mul3A_592 = arith.mulf %get3A_591, %get3A_45 : vector<16xf32>
      %add3A_593 = arith.addf %add3A_587, %mul3A_592 : vector<16xf32>
      %add3A_594 = arith.constant 80 : i32
      %add3A_595 = arith.addi %mul3A_566, %add3A_594 : i32
      %get3A_596 = arith.index_cast %add3A_595 : i32 to index
      %get3A_597 = tpu.vector_load %arg7[%get3A_596] {strides = array<i32>} : memref<51200xf32, #tpu.memory_space<vmem>>, vector<16xf32>,
      %mul3A_598 = arith.mulf %get3A_597, %get3A_47 : vector<16xf32>
      %add3A_599 = arith.addf %add3A_593, %mul3A_598 : vector<16xf32>
      %add3A_600 = arith.constant 96 : i32
      %add3A_601 = arith.addi %mul3A_566, %add3A_600 : i32
      %get3A_602 = arith.index_cast %add3A_601 : i32 to index
      %get3A_603 = tpu.vector_load %arg7[%get3A_602] {strides = array<i32>} : memref<51200xf32, #tpu.memory_space<vmem>>, vector<16xf32>,
      %mul3A_604 = arith.mulf %get3A_603, %get3A_49 : vector<16xf32>
      %add3A_605 = arith.addf %add3A_599, %mul3A_604 : vector<16xf32>
      %add3A_606 = arith.constant 112 : i32
      %add3A_607 = arith.addi %mul3A_566, %add3A_606 : i32
      %get3A_608 = arith.index_cast %add3A_607 : i32 to index
      %get3A_609 = tpu.vector_load %arg7[%get3A_608] {strides = array<i32>} : memref<51200xf32, #tpu.memory_space<vmem>>, vector<16xf32>,
      %mul3A_610 = arith.mulf %get3A_609, %get3A_51 : vector<16xf32>
      %add3A_611 = arith.addf %add3A_605, %mul3A_610 : vector<16xf32>
      %reduce_sum3A_612 = arith.constant true
      %reduce_sum3A_613 = vector.broadcast %reduce_sum3A_612 : i1 to vector<16xi1>
      %reduce_sum3A_614 = tpu.scan <sum>, %add3A_611 masked %reduce_sum3A_613 : vector<16xf32>, vector<16xi1> -> vector<16xf32>
      %reduce_sum3A_615 = vector.extract %reduce_sum3A_614[15] : f32 from vector<16xf32>
      %eq3A_616 = arith.constant 8 : i32
      %eq3A_617 = vector.broadcast %eq3A_616 : i32 to vector<16xi32>
      %eq3A_618 = arith.cmpi eq, %iota3A_35, %eq3A_617 : vector<16xi32>
      %add3A_619 = vector.broadcast %reduce_sum3A_615 : f32 to vector<16xf32>
      %add3A_620 = arith.addf %select_n3A_562, %add3A_619 : vector<16xf32>
      %select_n3A_621 = arith.select %eq3A_618, %add3A_620, %select_n3A_562 : vector<16xi1>, vector<16xf32>
      %add3A_622 = arith.constant 9 : i32
      %add3A_623 = arith.addi %mul3A_89, %add3A_622 : i32
      %mul3A_624 = arith.constant 128 : i32
      %mul3A_625 = arith.muli %add3A_623, %mul3A_624 : i32
      %get3A_626 = arith.index_cast %mul3A_625 : i32 to index
      %get3A_627 = tpu.vector_load %arg7[%get3A_626] {strides = array<i32>} : memref<51200xf32, #tpu.memory_space<vmem>>, vector<16xf32>,
      %mul3A_628 = arith.mulf %get3A_627, %get3A_37 : vector<16xf32>
      %add3A_629 = arith.constant 16 : i32
      %add3A_630 = arith.addi %mul3A_625, %add3A_629 : i32
      %get3A_631 = arith.index_cast %add3A_630 : i32 to index
      %get3A_632 = tpu.vector_load %arg7[%get3A_631] {strides = array<i32>} : memref<51200xf32, #tpu.memory_space<vmem>>, vector<16xf32>,
      %mul3A_633 = arith.mulf %get3A_632, %get3A_39 : vector<16xf32>
      %add3A_634 = arith.addf %mul3A_628, %mul3A_633 : vector<16xf32>
      %add3A_635 = arith.constant 32 : i32
      %add3A_636 = arith.addi %mul3A_625, %add3A_635 : i32
      %get3A_637 = arith.index_cast %add3A_636 : i32 to index
      %get3A_638 = tpu.vector_load %arg7[%get3A_637] {strides = array<i32>} : memref<51200xf32, #tpu.memory_space<vmem>>, vector<16xf32>,
      %mul3A_639 = arith.mulf %get3A_638, %get3A_41 : vector<16xf32>
      %add3A_640 = arith.addf %add3A_634, %mul3A_639 : vector<16xf32>
      %add3A_641 = arith.constant 48 : i32
      %add3A_642 = arith.addi %mul3A_625, %add3A_641 : i32
      %get3A_643 = arith.index_cast %add3A_642 : i32 to index
      %get3A_644 = tpu.vector_load %arg7[%get3A_643] {strides = array<i32>} : memref<51200xf32, #tpu.memory_space<vmem>>, vector<16xf32>,
      %mul3A_645 = arith.mulf %get3A_644, %get3A_43 : vector<16xf32>
      %add3A_646 = arith.addf %add3A_640, %mul3A_645 : vector<16xf32>
      %add3A_647 = arith.constant 64 : i32
      %add3A_648 = arith.addi %mul3A_625, %add3A_647 : i32
      %get3A_649 = arith.index_cast %add3A_648 : i32 to index
      %get3A_650 = tpu.vector_load %arg7[%get3A_649] {strides = array<i32>} : memref<51200xf32, #tpu.memory_space<vmem>>, vector<16xf32>,
      %mul3A_651 = arith.mulf %get3A_650, %get3A_45 : vector<16xf32>
      %add3A_652 = arith.addf %add3A_646, %mul3A_651 : vector<16xf32>
      %add3A_653 = arith.constant 80 : i32
      %add3A_654 = arith.addi %mul3A_625, %add3A_653 : i32
      %get3A_655 = arith.index_cast %add3A_654 : i32 to index
      %get3A_656 = tpu.vector_load %arg7[%get3A_655] {strides = array<i32>} : memref<51200xf32, #tpu.memory_space<vmem>>, vector<16xf32>,
      %mul3A_657 = arith.mulf %get3A_656, %get3A_47 : vector<16xf32>
      %add3A_658 = arith.addf %add3A_652, %mul3A_657 : vector<16xf32>
      %add3A_659 = arith.constant 96 : i32
      %add3A_660 = arith.addi %mul3A_625, %add3A_659 : i32
      %get3A_661 = arith.index_cast %add3A_660 : i32 to index
      %get3A_662 = tpu.vector_load %arg7[%get3A_661] {strides = array<i32>} : memref<51200xf32, #tpu.memory_space<vmem>>, vector<16xf32>,
      %mul3A_663 = arith.mulf %get3A_662, %get3A_49 : vector<16xf32>
      %add3A_664 = arith.addf %add3A_658, %mul3A_663 : vector<16xf32>
      %add3A_665 = arith.constant 112 : i32
      %add3A_666 = arith.addi %mul3A_625, %add3A_665 : i32
      %get3A_667 = arith.index_cast %add3A_666 : i32 to index
      %get3A_668 = tpu.vector_load %arg7[%get3A_667] {strides = array<i32>} : memref<51200xf32, #tpu.memory_space<vmem>>, vector<16xf32>,
      %mul3A_669 = arith.mulf %get3A_668, %get3A_51 : vector<16xf32>
      %add3A_670 = arith.addf %add3A_664, %mul3A_669 : vector<16xf32>
      %reduce_sum3A_671 = arith.constant true
      %reduce_sum3A_672 = vector.broadcast %reduce_sum3A_671 : i1 to vector<16xi1>
      %reduce_sum3A_673 = tpu.scan <sum>, %add3A_670 masked %reduce_sum3A_672 : vector<16xf32>, vector<16xi1> -> vector<16xf32>
      %reduce_sum3A_674 = vector.extract %reduce_sum3A_673[15] : f32 from vector<16xf32>
      %eq3A_675 = arith.constant 9 : i32
      %eq3A_676 = vector.broadcast %eq3A_675 : i32 to vector<16xi32>
      %eq3A_677 = arith.cmpi eq, %iota3A_35, %eq3A_676 : vector<16xi32>
      %add3A_678 = vector.broadcast %reduce_sum3A_674 : f32 to vector<16xf32>
      %add3A_679 = arith.addf %select_n3A_621, %add3A_678 : vector<16xf32>
      %select_n3A_680 = arith.select %eq3A_677, %add3A_679, %select_n3A_621 : vector<16xi1>, vector<16xf32>
      %add3A_681 = arith.constant 10 : i32
      %add3A_682 = arith.addi %mul3A_89, %add3A_681 : i32
      %mul3A_683 = arith.constant 128 : i32
      %mul3A_684 = arith.muli %add3A_682, %mul3A_683 : i32
      %get3A_685 = arith.index_cast %mul3A_684 : i32 to index
      %get3A_686 = tpu.vector_load %arg7[%get3A_685] {strides = array<i32>} : memref<51200xf32, #tpu.memory_space<vmem>>, vector<16xf32>,
      %mul3A_687 = arith.mulf %get3A_686, %get3A_37 : vector<16xf32>
      %add3A_688 = arith.constant 16 : i32
      %add3A_689 = arith.addi %mul3A_684, %add3A_688 : i32
      %get3A_690 = arith.index_cast %add3A_689 : i32 to index
      %get3A_691 = tpu.vector_load %arg7[%get3A_690] {strides = array<i32>} : memref<51200xf32, #tpu.memory_space<vmem>>, vector<16xf32>,
      %mul3A_692 = arith.mulf %get3A_691, %get3A_39 : vector<16xf32>
      %add3A_693 = arith.addf %mul3A_687, %mul3A_692 : vector<16xf32>
      %add3A_694 = arith.constant 32 : i32
      %add3A_695 = arith.addi %mul3A_684, %add3A_694 : i32
      %get3A_696 = arith.index_cast %add3A_695 : i32 to index
      %get3A_697 = tpu.vector_load %arg7[%get3A_696] {strides = array<i32>} : memref<51200xf32, #tpu.memory_space<vmem>>, vector<16xf32>,
      %mul3A_698 = arith.mulf %get3A_697, %get3A_41 : vector<16xf32>
      %add3A_699 = arith.addf %add3A_693, %mul3A_698 : vector<16xf32>
      %add3A_700 = arith.constant 48 : i32
      %add3A_701 = arith.addi %mul3A_684, %add3A_700 : i32
      %get3A_702 = arith.index_cast %add3A_701 : i32 to index
      %get3A_703 = tpu.vector_load %arg7[%get3A_702] {strides = array<i32>} : memref<51200xf32, #tpu.memory_space<vmem>>, vector<16xf32>,
      %mul3A_704 = arith.mulf %get3A_703, %get3A_43 : vector<16xf32>
      %add3A_705 = arith.addf %add3A_699, %mul3A_704 : vector<16xf32>
      %add3A_706 = arith.constant 64 : i32
      %add3A_707 = arith.addi %mul3A_684, %add3A_706 : i32
      %get3A_708 = arith.index_cast %add3A_707 : i32 to index
      %get3A_709 = tpu.vector_load %arg7[%get3A_708] {strides = array<i32>} : memref<51200xf32, #tpu.memory_space<vmem>>, vector<16xf32>,
      %mul3A_710 = arith.mulf %get3A_709, %get3A_45 : vector<16xf32>
      %add3A_711 = arith.addf %add3A_705, %mul3A_710 : vector<16xf32>
      %add3A_712 = arith.constant 80 : i32
      %add3A_713 = arith.addi %mul3A_684, %add3A_712 : i32
      %get3A_714 = arith.index_cast %add3A_713 : i32 to index
      %get3A_715 = tpu.vector_load %arg7[%get3A_714] {strides = array<i32>} : memref<51200xf32, #tpu.memory_space<vmem>>, vector<16xf32>,
      %mul3A_716 = arith.mulf %get3A_715, %get3A_47 : vector<16xf32>
      %add3A_717 = arith.addf %add3A_711, %mul3A_716 : vector<16xf32>
      %add3A_718 = arith.constant 96 : i32
      %add3A_719 = arith.addi %mul3A_684, %add3A_718 : i32
      %get3A_720 = arith.index_cast %add3A_719 : i32 to index
      %get3A_721 = tpu.vector_load %arg7[%get3A_720] {strides = array<i32>} : memref<51200xf32, #tpu.memory_space<vmem>>, vector<16xf32>,
      %mul3A_722 = arith.mulf %get3A_721, %get3A_49 : vector<16xf32>
      %add3A_723 = arith.addf %add3A_717, %mul3A_722 : vector<16xf32>
      %add3A_724 = arith.constant 112 : i32
      %add3A_725 = arith.addi %mul3A_684, %add3A_724 : i32
      %get3A_726 = arith.index_cast %add3A_725 : i32 to index
      %get3A_727 = tpu.vector_load %arg7[%get3A_726] {strides = array<i32>} : memref<51200xf32, #tpu.memory_space<vmem>>, vector<16xf32>,
      %mul3A_728 = arith.mulf %get3A_727, %get3A_51 : vector<16xf32>
      %add3A_729 = arith.addf %add3A_723, %mul3A_728 : vector<16xf32>
      %reduce_sum3A_730 = arith.constant true
      %reduce_sum3A_731 = vector.broadcast %reduce_sum3A_730 : i1 to vector<16xi1>
      %reduce_sum3A_732 = tpu.scan <sum>, %add3A_729 masked %reduce_sum3A_731 : vector<16xf32>, vector<16xi1> -> vector<16xf32>
      %reduce_sum3A_733 = vector.extract %reduce_sum3A_732[15] : f32 from vector<16xf32>
      %eq3A_734 = arith.constant 10 : i32
      %eq3A_735 = vector.broadcast %eq3A_734 : i32 to vector<16xi32>
      %eq3A_736 = arith.cmpi eq, %iota3A_35, %eq3A_735 : vector<16xi32>
      %add3A_737 = vector.broadcast %reduce_sum3A_733 : f32 to vector<16xf32>
      %add3A_738 = arith.addf %select_n3A_680, %add3A_737 : vector<16xf32>
      %select_n3A_739 = arith.select %eq3A_736, %add3A_738, %select_n3A_680 : vector<16xi1>, vector<16xf32>
      %add3A_740 = arith.constant 11 : i32
      %add3A_741 = arith.addi %mul3A_89, %add3A_740 : i32
      %mul3A_742 = arith.constant 128 : i32
      %mul3A_743 = arith.muli %add3A_741, %mul3A_742 : i32
      %get3A_744 = arith.index_cast %mul3A_743 : i32 to index
      %get3A_745 = tpu.vector_load %arg7[%get3A_744] {strides = array<i32>} : memref<51200xf32, #tpu.memory_space<vmem>>, vector<16xf32>,
      %mul3A_746 = arith.mulf %get3A_745, %get3A_37 : vector<16xf32>
      %add3A_747 = arith.constant 16 : i32
      %add3A_748 = arith.addi %mul3A_743, %add3A_747 : i32
      %get3A_749 = arith.index_cast %add3A_748 : i32 to index
      %get3A_750 = tpu.vector_load %arg7[%get3A_749] {strides = array<i32>} : memref<51200xf32, #tpu.memory_space<vmem>>, vector<16xf32>,
      %mul3A_751 = arith.mulf %get3A_750, %get3A_39 : vector<16xf32>
      %add3A_752 = arith.addf %mul3A_746, %mul3A_751 : vector<16xf32>
      %add3A_753 = arith.constant 32 : i32
      %add3A_754 = arith.addi %mul3A_743, %add3A_753 : i32
      %get3A_755 = arith.index_cast %add3A_754 : i32 to index
      %get3A_756 = tpu.vector_load %arg7[%get3A_755] {strides = array<i32>} : memref<51200xf32, #tpu.memory_space<vmem>>, vector<16xf32>,
      %mul3A_757 = arith.mulf %get3A_756, %get3A_41 : vector<16xf32>
      %add3A_758 = arith.addf %add3A_752, %mul3A_757 : vector<16xf32>
      %add3A_759 = arith.constant 48 : i32
      %add3A_760 = arith.addi %mul3A_743, %add3A_759 : i32
      %get3A_761 = arith.index_cast %add3A_760 : i32 to index
      %get3A_762 = tpu.vector_load %arg7[%get3A_761] {strides = array<i32>} : memref<51200xf32, #tpu.memory_space<vmem>>, vector<16xf32>,
      %mul3A_763 = arith.mulf %get3A_762, %get3A_43 : vector<16xf32>
      %add3A_764 = arith.addf %add3A_758, %mul3A_763 : vector<16xf32>
      %add3A_765 = arith.constant 64 : i32
      %add3A_766 = arith.addi %mul3A_743, %add3A_765 : i32
      %get3A_767 = arith.index_cast %add3A_766 : i32 to index
      %get3A_768 = tpu.vector_load %arg7[%get3A_767] {strides = array<i32>} : memref<51200xf32, #tpu.memory_space<vmem>>, vector<16xf32>,
      %mul3A_769 = arith.mulf %get3A_768, %get3A_45 : vector<16xf32>
      %add3A_770 = arith.addf %add3A_764, %mul3A_769 : vector<16xf32>
      %add3A_771 = arith.constant 80 : i32
      %add3A_772 = arith.addi %mul3A_743, %add3A_771 : i32
      %get3A_773 = arith.index_cast %add3A_772 : i32 to index
      %get3A_774 = tpu.vector_load %arg7[%get3A_773] {strides = array<i32>} : memref<51200xf32, #tpu.memory_space<vmem>>, vector<16xf32>,
      %mul3A_775 = arith.mulf %get3A_774, %get3A_47 : vector<16xf32>
      %add3A_776 = arith.addf %add3A_770, %mul3A_775 : vector<16xf32>
      %add3A_777 = arith.constant 96 : i32
      %add3A_778 = arith.addi %mul3A_743, %add3A_777 : i32
      %get3A_779 = arith.index_cast %add3A_778 : i32 to index
      %get3A_780 = tpu.vector_load %arg7[%get3A_779] {strides = array<i32>} : memref<51200xf32, #tpu.memory_space<vmem>>, vector<16xf32>,
      %mul3A_781 = arith.mulf %get3A_780, %get3A_49 : vector<16xf32>
      %add3A_782 = arith.addf %add3A_776, %mul3A_781 : vector<16xf32>
      %add3A_783 = arith.constant 112 : i32
      %add3A_784 = arith.addi %mul3A_743, %add3A_783 : i32
      %get3A_785 = arith.index_cast %add3A_784 : i32 to index
      %get3A_786 = tpu.vector_load %arg7[%get3A_785] {strides = array<i32>} : memref<51200xf32, #tpu.memory_space<vmem>>, vector<16xf32>,
      %mul3A_787 = arith.mulf %get3A_786, %get3A_51 : vector<16xf32>
      %add3A_788 = arith.addf %add3A_782, %mul3A_787 : vector<16xf32>
      %reduce_sum3A_789 = arith.constant true
      %reduce_sum3A_790 = vector.broadcast %reduce_sum3A_789 : i1 to vector<16xi1>
      %reduce_sum3A_791 = tpu.scan <sum>, %add3A_788 masked %reduce_sum3A_790 : vector<16xf32>, vector<16xi1> -> vector<16xf32>
      %reduce_sum3A_792 = vector.extract %reduce_sum3A_791[15] : f32 from vector<16xf32>
      %eq3A_793 = arith.constant 11 : i32
      %eq3A_794 = vector.broadcast %eq3A_793 : i32 to vector<16xi32>
      %eq3A_795 = arith.cmpi eq, %iota3A_35, %eq3A_794 : vector<16xi32>
      %add3A_796 = vector.broadcast %reduce_sum3A_792 : f32 to vector<16xf32>
      %add3A_797 = arith.addf %select_n3A_739, %add3A_796 : vector<16xf32>
      %select_n3A_798 = arith.select %eq3A_795, %add3A_797, %select_n3A_739 : vector<16xi1>, vector<16xf32>
      %add3A_799 = arith.constant 12 : i32
      %add3A_800 = arith.addi %mul3A_89, %add3A_799 : i32
      %mul3A_801 = arith.constant 128 : i32
      %mul3A_802 = arith.muli %add3A_800, %mul3A_801 : i32
      %get3A_803 = arith.index_cast %mul3A_802 : i32 to index
      %get3A_804 = tpu.vector_load %arg7[%get3A_803] {strides = array<i32>} : memref<51200xf32, #tpu.memory_space<vmem>>, vector<16xf32>,
      %mul3A_805 = arith.mulf %get3A_804, %get3A_37 : vector<16xf32>
      %add3A_806 = arith.constant 16 : i32
      %add3A_807 = arith.addi %mul3A_802, %add3A_806 : i32
      %get3A_808 = arith.index_cast %add3A_807 : i32 to index
      %get3A_809 = tpu.vector_load %arg7[%get3A_808] {strides = array<i32>} : memref<51200xf32, #tpu.memory_space<vmem>>, vector<16xf32>,
      %mul3A_810 = arith.mulf %get3A_809, %get3A_39 : vector<16xf32>
      %add3A_811 = arith.addf %mul3A_805, %mul3A_810 : vector<16xf32>
      %add3A_812 = arith.constant 32 : i32
      %add3A_813 = arith.addi %mul3A_802, %add3A_812 : i32
      %get3A_814 = arith.index_cast %add3A_813 : i32 to index
      %get3A_815 = tpu.vector_load %arg7[%get3A_814] {strides = array<i32>} : memref<51200xf32, #tpu.memory_space<vmem>>, vector<16xf32>,
      %mul3A_816 = arith.mulf %get3A_815, %get3A_41 : vector<16xf32>
      %add3A_817 = arith.addf %add3A_811, %mul3A_816 : vector<16xf32>
      %add3A_818 = arith.constant 48 : i32
      %add3A_819 = arith.addi %mul3A_802, %add3A_818 : i32
      %get3A_820 = arith.index_cast %add3A_819 : i32 to index
      %get3A_821 = tpu.vector_load %arg7[%get3A_820] {strides = array<i32>} : memref<51200xf32, #tpu.memory_space<vmem>>, vector<16xf32>,
      %mul3A_822 = arith.mulf %get3A_821, %get3A_43 : vector<16xf32>
      %add3A_823 = arith.addf %add3A_817, %mul3A_822 : vector<16xf32>
      %add3A_824 = arith.constant 64 : i32
      %add3A_825 = arith.addi %mul3A_802, %add3A_824 : i32
      %get3A_826 = arith.index_cast %add3A_825 : i32 to index
      %get3A_827 = tpu.vector_load %arg7[%get3A_826] {strides = array<i32>} : memref<51200xf32, #tpu.memory_space<vmem>>, vector<16xf32>,
      %mul3A_828 = arith.mulf %get3A_827, %get3A_45 : vector<16xf32>
      %add3A_829 = arith.addf %add3A_823, %mul3A_828 : vector<16xf32>
      %add3A_830 = arith.constant 80 : i32
      %add3A_831 = arith.addi %mul3A_802, %add3A_830 : i32
      %get3A_832 = arith.index_cast %add3A_831 : i32 to index
      %get3A_833 = tpu.vector_load %arg7[%get3A_832] {strides = array<i32>} : memref<51200xf32, #tpu.memory_space<vmem>>, vector<16xf32>,
      %mul3A_834 = arith.mulf %get3A_833, %get3A_47 : vector<16xf32>
      %add3A_835 = arith.addf %add3A_829, %mul3A_834 : vector<16xf32>
      %add3A_836 = arith.constant 96 : i32
      %add3A_837 = arith.addi %mul3A_802, %add3A_836 : i32
      %get3A_838 = arith.index_cast %add3A_837 : i32 to index
      %get3A_839 = tpu.vector_load %arg7[%get3A_838] {strides = array<i32>} : memref<51200xf32, #tpu.memory_space<vmem>>, vector<16xf32>,
      %mul3A_840 = arith.mulf %get3A_839, %get3A_49 : vector<16xf32>
      %add3A_841 = arith.addf %add3A_835, %mul3A_840 : vector<16xf32>
      %add3A_842 = arith.constant 112 : i32
      %add3A_843 = arith.addi %mul3A_802, %add3A_842 : i32
      %get3A_844 = arith.index_cast %add3A_843 : i32 to index
      %get3A_845 = tpu.vector_load %arg7[%get3A_844] {strides = array<i32>} : memref<51200xf32, #tpu.memory_space<vmem>>, vector<16xf32>,
      %mul3A_846 = arith.mulf %get3A_845, %get3A_51 : vector<16xf32>
      %add3A_847 = arith.addf %add3A_841, %mul3A_846 : vector<16xf32>
      %reduce_sum3A_848 = arith.constant true
      %reduce_sum3A_849 = vector.broadcast %reduce_sum3A_848 : i1 to vector<16xi1>
      %reduce_sum3A_850 = tpu.scan <sum>, %add3A_847 masked %reduce_sum3A_849 : vector<16xf32>, vector<16xi1> -> vector<16xf32>
      %reduce_sum3A_851 = vector.extract %reduce_sum3A_850[15] : f32 from vector<16xf32>
      %eq3A_852 = arith.constant 12 : i32
      %eq3A_853 = vector.broadcast %eq3A_852 : i32 to vector<16xi32>
      %eq3A_854 = arith.cmpi eq, %iota3A_35, %eq3A_853 : vector<16xi32>
      %add3A_855 = vector.broadcast %reduce_sum3A_851 : f32 to vector<16xf32>
      %add3A_856 = arith.addf %select_n3A_798, %add3A_855 : vector<16xf32>
      %select_n3A_857 = arith.select %eq3A_854, %add3A_856, %select_n3A_798 : vector<16xi1>, vector<16xf32>
      %add3A_858 = arith.constant 13 : i32
      %add3A_859 = arith.addi %mul3A_89, %add3A_858 : i32
      %mul3A_860 = arith.constant 128 : i32
      %mul3A_861 = arith.muli %add3A_859, %mul3A_860 : i32
      %get3A_862 = arith.index_cast %mul3A_861 : i32 to index
      %get3A_863 = tpu.vector_load %arg7[%get3A_862] {strides = array<i32>} : memref<51200xf32, #tpu.memory_space<vmem>>, vector<16xf32>,
      %mul3A_864 = arith.mulf %get3A_863, %get3A_37 : vector<16xf32>
      %add3A_865 = arith.constant 16 : i32
      %add3A_866 = arith.addi %mul3A_861, %add3A_865 : i32
      %get3A_867 = arith.index_cast %add3A_866 : i32 to index
      %get3A_868 = tpu.vector_load %arg7[%get3A_867] {strides = array<i32>} : memref<51200xf32, #tpu.memory_space<vmem>>, vector<16xf32>,
      %mul3A_869 = arith.mulf %get3A_868, %get3A_39 : vector<16xf32>
      %add3A_870 = arith.addf %mul3A_864, %mul3A_869 : vector<16xf32>
      %add3A_871 = arith.constant 32 : i32
      %add3A_872 = arith.addi %mul3A_861, %add3A_871 : i32
      %get3A_873 = arith.index_cast %add3A_872 : i32 to index
      %get3A_874 = tpu.vector_load %arg7[%get3A_873] {strides = array<i32>} : memref<51200xf32, #tpu.memory_space<vmem>>, vector<16xf32>,
      %mul3A_875 = arith.mulf %get3A_874, %get3A_41 : vector<16xf32>
      %add3A_876 = arith.addf %add3A_870, %mul3A_875 : vector<16xf32>
      %add3A_877 = arith.constant 48 : i32
      %add3A_878 = arith.addi %mul3A_861, %add3A_877 : i32
      %get3A_879 = arith.index_cast %add3A_878 : i32 to index
      %get3A_880 = tpu.vector_load %arg7[%get3A_879] {strides = array<i32>} : memref<51200xf32, #tpu.memory_space<vmem>>, vector<16xf32>,
      %mul3A_881 = arith.mulf %get3A_880, %get3A_43 : vector<16xf32>
      %add3A_882 = arith.addf %add3A_876, %mul3A_881 : vector<16xf32>
      %add3A_883 = arith.constant 64 : i32
      %add3A_884 = arith.addi %mul3A_861, %add3A_883 : i32
      %get3A_885 = arith.index_cast %add3A_884 : i32 to index
      %get3A_886 = tpu.vector_load %arg7[%get3A_885] {strides = array<i32>} : memref<51200xf32, #tpu.memory_space<vmem>>, vector<16xf32>,
      %mul3A_887 = arith.mulf %get3A_886, %get3A_45 : vector<16xf32>
      %add3A_888 = arith.addf %add3A_882, %mul3A_887 : vector<16xf32>
      %add3A_889 = arith.constant 80 : i32
      %add3A_890 = arith.addi %mul3A_861, %add3A_889 : i32
      %get3A_891 = arith.index_cast %add3A_890 : i32 to index
      %get3A_892 = tpu.vector_load %arg7[%get3A_891] {strides = array<i32>} : memref<51200xf32, #tpu.memory_space<vmem>>, vector<16xf32>,
      %mul3A_893 = arith.mulf %get3A_892, %get3A_47 : vector<16xf32>
      %add3A_894 = arith.addf %add3A_888, %mul3A_893 : vector<16xf32>
      %add3A_895 = arith.constant 96 : i32
      %add3A_896 = arith.addi %mul3A_861, %add3A_895 : i32
      %get3A_897 = arith.index_cast %add3A_896 : i32 to index
      %get3A_898 = tpu.vector_load %arg7[%get3A_897] {strides = array<i32>} : memref<51200xf32, #tpu.memory_space<vmem>>, vector<16xf32>,
      %mul3A_899 = arith.mulf %get3A_898, %get3A_49 : vector<16xf32>
      %add3A_900 = arith.addf %add3A_894, %mul3A_899 : vector<16xf32>
      %add3A_901 = arith.constant 112 : i32
      %add3A_902 = arith.addi %mul3A_861, %add3A_901 : i32
      %get3A_903 = arith.index_cast %add3A_902 : i32 to index
      %get3A_904 = tpu.vector_load %arg7[%get3A_903] {strides = array<i32>} : memref<51200xf32, #tpu.memory_space<vmem>>, vector<16xf32>,
      %mul3A_905 = arith.mulf %get3A_904, %get3A_51 : vector<16xf32>
      %add3A_906 = arith.addf %add3A_900, %mul3A_905 : vector<16xf32>
      %reduce_sum3A_907 = arith.constant true
      %reduce_sum3A_908 = vector.broadcast %reduce_sum3A_907 : i1 to vector<16xi1>
      %reduce_sum3A_909 = tpu.scan <sum>, %add3A_906 masked %reduce_sum3A_908 : vector<16xf32>, vector<16xi1> -> vector<16xf32>
      %reduce_sum3A_910 = vector.extract %reduce_sum3A_909[15] : f32 from vector<16xf32>
      %eq3A_911 = arith.constant 13 : i32
      %eq3A_912 = vector.broadcast %eq3A_911 : i32 to vector<16xi32>
      %eq3A_913 = arith.cmpi eq, %iota3A_35, %eq3A_912 : vector<16xi32>
      %add3A_914 = vector.broadcast %reduce_sum3A_910 : f32 to vector<16xf32>
      %add3A_915 = arith.addf %select_n3A_857, %add3A_914 : vector<16xf32>
      %select_n3A_916 = arith.select %eq3A_913, %add3A_915, %select_n3A_857 : vector<16xi1>, vector<16xf32>
      %add3A_917 = arith.constant 14 : i32
      %add3A_918 = arith.addi %mul3A_89, %add3A_917 : i32
      %mul3A_919 = arith.constant 128 : i32
      %mul3A_920 = arith.muli %add3A_918, %mul3A_919 : i32
      %get3A_921 = arith.index_cast %mul3A_920 : i32 to index
      %get3A_922 = tpu.vector_load %arg7[%get3A_921] {strides = array<i32>} : memref<51200xf32, #tpu.memory_space<vmem>>, vector<16xf32>,
      %mul3A_923 = arith.mulf %get3A_922, %get3A_37 : vector<16xf32>
      %add3A_924 = arith.constant 16 : i32
      %add3A_925 = arith.addi %mul3A_920, %add3A_924 : i32
      %get3A_926 = arith.index_cast %add3A_925 : i32 to index
      %get3A_927 = tpu.vector_load %arg7[%get3A_926] {strides = array<i32>} : memref<51200xf32, #tpu.memory_space<vmem>>, vector<16xf32>,
      %mul3A_928 = arith.mulf %get3A_927, %get3A_39 : vector<16xf32>
      %add3A_929 = arith.addf %mul3A_923, %mul3A_928 : vector<16xf32>
      %add3A_930 = arith.constant 32 : i32
      %add3A_931 = arith.addi %mul3A_920, %add3A_930 : i32
      %get3A_932 = arith.index_cast %add3A_931 : i32 to index
      %get3A_933 = tpu.vector_load %arg7[%get3A_932] {strides = array<i32>} : memref<51200xf32, #tpu.memory_space<vmem>>, vector<16xf32>,
      %mul3A_934 = arith.mulf %get3A_933, %get3A_41 : vector<16xf32>
      %add3A_935 = arith.addf %add3A_929, %mul3A_934 : vector<16xf32>
      %add3A_936 = arith.constant 48 : i32
      %add3A_937 = arith.addi %mul3A_920, %add3A_936 : i32
      %get3A_938 = arith.index_cast %add3A_937 : i32 to index
      %get3A_939 = tpu.vector_load %arg7[%get3A_938] {strides = array<i32>} : memref<51200xf32, #tpu.memory_space<vmem>>, vector<16xf32>,
      %mul3A_940 = arith.mulf %get3A_939, %get3A_43 : vector<16xf32>
      %add3A_941 = arith.addf %add3A_935, %mul3A_940 : vector<16xf32>
      %add3A_942 = arith.constant 64 : i32
      %add3A_943 = arith.addi %mul3A_920, %add3A_942 : i32
      %get3A_944 = arith.index_cast %add3A_943 : i32 to index
      %get3A_945 = tpu.vector_load %arg7[%get3A_944] {strides = array<i32>} : memref<51200xf32, #tpu.memory_space<vmem>>, vector<16xf32>,
      %mul3A_946 = arith.mulf %get3A_945, %get3A_45 : vector<16xf32>
      %add3A_947 = arith.addf %add3A_941, %mul3A_946 : vector<16xf32>
      %add3A_948 = arith.constant 80 : i32
      %add3A_949 = arith.addi %mul3A_920, %add3A_948 : i32
      %get3A_950 = arith.index_cast %add3A_949 : i32 to index
      %get3A_951 = tpu.vector_load %arg7[%get3A_950] {strides = array<i32>} : memref<51200xf32, #tpu.memory_space<vmem>>, vector<16xf32>,
      %mul3A_952 = arith.mulf %get3A_951, %get3A_47 : vector<16xf32>
      %add3A_953 = arith.addf %add3A_947, %mul3A_952 : vector<16xf32>
      %add3A_954 = arith.constant 96 : i32
      %add3A_955 = arith.addi %mul3A_920, %add3A_954 : i32
      %get3A_956 = arith.index_cast %add3A_955 : i32 to index
      %get3A_957 = tpu.vector_load %arg7[%get3A_956] {strides = array<i32>} : memref<51200xf32, #tpu.memory_space<vmem>>, vector<16xf32>,
      %mul3A_958 = arith.mulf %get3A_957, %get3A_49 : vector<16xf32>
      %add3A_959 = arith.addf %add3A_953, %mul3A_958 : vector<16xf32>
      %add3A_960 = arith.constant 112 : i32
      %add3A_961 = arith.addi %mul3A_920, %add3A_960 : i32
      %get3A_962 = arith.index_cast %add3A_961 : i32 to index
      %get3A_963 = tpu.vector_load %arg7[%get3A_962] {strides = array<i32>} : memref<51200xf32, #tpu.memory_space<vmem>>, vector<16xf32>,
      %mul3A_964 = arith.mulf %get3A_963, %get3A_51 : vector<16xf32>
      %add3A_965 = arith.addf %add3A_959, %mul3A_964 : vector<16xf32>
      %reduce_sum3A_966 = arith.constant true
      %reduce_sum3A_967 = vector.broadcast %reduce_sum3A_966 : i1 to vector<16xi1>
      %reduce_sum3A_968 = tpu.scan <sum>, %add3A_965 masked %reduce_sum3A_967 : vector<16xf32>, vector<16xi1> -> vector<16xf32>
      %reduce_sum3A_969 = vector.extract %reduce_sum3A_968[15] : f32 from vector<16xf32>
      %eq3A_970 = arith.constant 14 : i32
      %eq3A_971 = vector.broadcast %eq3A_970 : i32 to vector<16xi32>
      %eq3A_972 = arith.cmpi eq, %iota3A_35, %eq3A_971 : vector<16xi32>
      %add3A_973 = vector.broadcast %reduce_sum3A_969 : f32 to vector<16xf32>
      %add3A_974 = arith.addf %select_n3A_916, %add3A_973 : vector<16xf32>
      %select_n3A_975 = arith.select %eq3A_972, %add3A_974, %select_n3A_916 : vector<16xi1>, vector<16xf32>
      %add3A_976 = arith.constant 15 : i32
      %add3A_977 = arith.addi %mul3A_89, %add3A_976 : i32
      %mul3A_978 = arith.constant 128 : i32
      %mul3A_979 = arith.muli %add3A_977, %mul3A_978 : i32
      %get3A_980 = arith.index_cast %mul3A_979 : i32 to index
      %get3A_981 = tpu.vector_load %arg7[%get3A_980] {strides = array<i32>} : memref<51200xf32, #tpu.memory_space<vmem>>, vector<16xf32>,
      %mul3A_982 = arith.mulf %get3A_981, %get3A_37 : vector<16xf32>
      %add3A_983 = arith.constant 16 : i32
      %add3A_984 = arith.addi %mul3A_979, %add3A_983 : i32
      %get3A_985 = arith.index_cast %add3A_984 : i32 to index
      %get3A_986 = tpu.vector_load %arg7[%get3A_985] {strides = array<i32>} : memref<51200xf32, #tpu.memory_space<vmem>>, vector<16xf32>,
      %mul3A_987 = arith.mulf %get3A_986, %get3A_39 : vector<16xf32>
      %add3A_988 = arith.addf %mul3A_982, %mul3A_987 : vector<16xf32>
      %add3A_989 = arith.constant 32 : i32
      %add3A_990 = arith.addi %mul3A_979, %add3A_989 : i32
      %get3A_991 = arith.index_cast %add3A_990 : i32 to index
      %get3A_992 = tpu.vector_load %arg7[%get3A_991] {strides = array<i32>} : memref<51200xf32, #tpu.memory_space<vmem>>, vector<16xf32>,
      %mul3A_993 = arith.mulf %get3A_992, %get3A_41 : vector<16xf32>
      %add3A_994 = arith.addf %add3A_988, %mul3A_993 : vector<16xf32>
      %add3A_995 = arith.constant 48 : i32
      %add3A_996 = arith.addi %mul3A_979, %add3A_995 : i32
      %get3A_997 = arith.index_cast %add3A_996 : i32 to index
      %get3A_998 = tpu.vector_load %arg7[%get3A_997] {strides = array<i32>} : memref<51200xf32, #tpu.memory_space<vmem>>, vector<16xf32>,
      %mul3A_999 = arith.mulf %get3A_998, %get3A_43 : vector<16xf32>
      %add3A_1000 = arith.addf %add3A_994, %mul3A_999 : vector<16xf32>
      %add3A_1001 = arith.constant 64 : i32
      %add3A_1002 = arith.addi %mul3A_979, %add3A_1001 : i32
      %get3A_1003 = arith.index_cast %add3A_1002 : i32 to index
      %get3A_1004 = tpu.vector_load %arg7[%get3A_1003] {strides = array<i32>} : memref<51200xf32, #tpu.memory_space<vmem>>, vector<16xf32>,
      %mul3A_1005 = arith.mulf %get3A_1004, %get3A_45 : vector<16xf32>
      %add3A_1006 = arith.addf %add3A_1000, %mul3A_1005 : vector<16xf32>
      %add3A_1007 = arith.constant 80 : i32
      %add3A_1008 = arith.addi %mul3A_979, %add3A_1007 : i32
      %get3A_1009 = arith.index_cast %add3A_1008 : i32 to index
      %get3A_1010 = tpu.vector_load %arg7[%get3A_1009] {strides = array<i32>} : memref<51200xf32, #tpu.memory_space<vmem>>, vector<16xf32>,
      %mul3A_1011 = arith.mulf %get3A_1010, %get3A_47 : vector<16xf32>
      %add3A_1012 = arith.addf %add3A_1006, %mul3A_1011 : vector<16xf32>
      %add3A_1013 = arith.constant 96 : i32
      %add3A_1014 = arith.addi %mul3A_979, %add3A_1013 : i32
      %get3A_1015 = arith.index_cast %add3A_1014 : i32 to index
      %get3A_1016 = tpu.vector_load %arg7[%get3A_1015] {strides = array<i32>} : memref<51200xf32, #tpu.memory_space<vmem>>, vector<16xf32>,
      %mul3A_1017 = arith.mulf %get3A_1016, %get3A_49 : vector<16xf32>
      %add3A_1018 = arith.addf %add3A_1012, %mul3A_1017 : vector<16xf32>
      %add3A_1019 = arith.constant 112 : i32
      %add3A_1020 = arith.addi %mul3A_979, %add3A_1019 : i32
      %get3A_1021 = arith.index_cast %add3A_1020 : i32 to index
      %get3A_1022 = tpu.vector_load %arg7[%get3A_1021] {strides = array<i32>} : memref<51200xf32, #tpu.memory_space<vmem>>, vector<16xf32>,
      %mul3A_1023 = arith.mulf %get3A_1022, %get3A_51 : vector<16xf32>
      %add3A_1024 = arith.addf %add3A_1018, %mul3A_1023 : vector<16xf32>
      %reduce_sum3A_1025 = arith.constant true
      %reduce_sum3A_1026 = vector.broadcast %reduce_sum3A_1025 : i1 to vector<16xi1>
      %reduce_sum3A_1027 = tpu.scan <sum>, %add3A_1024 masked %reduce_sum3A_1026 : vector<16xf32>, vector<16xi1> -> vector<16xf32>
      %reduce_sum3A_1028 = vector.extract %reduce_sum3A_1027[15] : f32 from vector<16xf32>
      %eq3A_1029 = arith.constant 15 : i32
      %eq3A_1030 = vector.broadcast %eq3A_1029 : i32 to vector<16xi32>
      %eq3A_1031 = arith.cmpi eq, %iota3A_35, %eq3A_1030 : vector<16xi32>
      %add3A_1032 = vector.broadcast %reduce_sum3A_1028 : f32 to vector<16xf32>
      %add3A_1033 = arith.addf %select_n3A_975, %add3A_1032 : vector<16xf32>
      %select_n3A_1034 = arith.select %eq3A_1031, %add3A_1033, %select_n3A_975 : vector<16xi1>, vector<16xf32>
      %add3A_1035 = arith.constant 400 : i32
      %add3A_1036 = arith.addi %add3A_1035, %mul3A_89 : i32
      %swap3A = arith.index_cast %add3A_1036 : i32 to index
      %swap3A_1037 = tpu.vector_load %arg9[%swap3A] {strides = array<i32>} : memref<1200xf32, #tpu.memory_space<vmem>>, vector<16xf32>,
      tpu.vector_store %arg9[%swap3A], %select_n3A_1034 {strides = array<i32>} : memref<1200xf32, #tpu.memory_space<vmem>>, vector<16xf32>,
    }
    %scan3A_57 = arith.constant 25 : i32
    %add3A_58 = arith.constant 61600 : i32
    %add3A_59 = arith.addi %add3A_58, %mul3A_2 : i32
    %add3A_60 = arith.constant 800 : i32
    %add3A_61 = arith.addi %add3A_59, %add3A_60 : i32
    %mul3A_62 = arith.constant 128 : i32
    %mul3A_63 = arith.muli %add3A_61, %mul3A_62 : i32
    "tpu.region"() ({
      %run_scoped3A = tpu.sem_alloc : memref<!tpu.dma_semaphore, #tpu.memory_space<semaphore_mem>>
      %dma_start3A = tpu.memref_slice %arg3[%mul3A_63] : memref<12800000xf32, #tpu.memory_space<hbm>> -> memref<51200xf32, #tpu.memory_space<hbm>>
      %dma_start3A_87 = tpu.memref_slice %arg3[%mul3A_63] : memref<12800000xf32, #tpu.memory_space<hbm>> -> memref<51200xf32, #tpu.memory_space<hbm>>
      tpu.enqueue_dma source(%dma_start3A_87 : memref<51200xf32, #tpu.memory_space<hbm>>) target(%arg7 : memref<51200xf32, #tpu.memory_space<vmem>>) target_semaphore(%run_scoped3A : memref<!tpu.dma_semaphore, #tpu.memory_space<semaphore_mem>>)
      %dma_wait3A = tpu.memref_slice %arg3[%mul3A_63] : memref<12800000xf32, #tpu.memory_space<hbm>> -> memref<51200xf32, #tpu.memory_space<hbm>>
      %dma_wait3A_88 = tpu.memref_slice %arg3[%mul3A_63] : memref<12800000xf32, #tpu.memory_space<hbm>> -> memref<51200xf32, #tpu.memory_space<hbm>>
      tpu.wait_dma2 semaphore(%run_scoped3A : memref<!tpu.dma_semaphore, #tpu.memory_space<semaphore_mem>>) src(%dma_wait3A_88 : memref<51200xf32, #tpu.memory_space<hbm>>) dst(%arg7 : memref<51200xf32, #tpu.memory_space<vmem>>)
      tpu.yield
    }) : () -> ()
    %iota3A_64 = tpu.iota {dimensions = array<i32: 0>} : vector<16xi32>
    %get3A_65 = arith.constant 0 : index
    %get3A_66 = tpu.vector_load %arg6[%get3A_65] {strides = array<i32>} : memref<128xf32, #tpu.memory_space<vmem>>, vector<16xf32>,
    %get3A_67 = arith.constant 16 : index
    %get3A_68 = tpu.vector_load %arg6[%get3A_67] {strides = array<i32>} : memref<128xf32, #tpu.memory_space<vmem>>, vector<16xf32>,
    %get3A_69 = arith.constant 32 : index
    %get3A_70 = tpu.vector_load %arg6[%get3A_69] {strides = array<i32>} : memref<128xf32, #tpu.memory_space<vmem>>, vector<16xf32>,
    %get3A_71 = arith.constant 48 : index
    %get3A_72 = tpu.vector_load %arg6[%get3A_71] {strides = array<i32>} : memref<128xf32, #tpu.memory_space<vmem>>, vector<16xf32>,
    %get3A_73 = arith.constant 64 : index
    %get3A_74 = tpu.vector_load %arg6[%get3A_73] {strides = array<i32>} : memref<128xf32, #tpu.memory_space<vmem>>, vector<16xf32>,
    %get3A_75 = arith.constant 80 : index
    %get3A_76 = tpu.vector_load %arg6[%get3A_75] {strides = array<i32>} : memref<128xf32, #tpu.memory_space<vmem>>, vector<16xf32>,
    %get3A_77 = arith.constant 96 : index
    %get3A_78 = tpu.vector_load %arg6[%get3A_77] {strides = array<i32>} : memref<128xf32, #tpu.memory_space<vmem>>, vector<16xf32>,
    %get3A_79 = arith.constant 112 : index
    %get3A_80 = tpu.vector_load %arg6[%get3A_79] {strides = array<i32>} : memref<128xf32, #tpu.memory_space<vmem>>, vector<16xf32>,
    %scan3A_81 = arith.constant 0 : i32
    %scan3A_82 = arith.constant 0 : i32
    %scan3A_83 = arith.constant 25 : i32
    %scan3A_84 = arith.addi %scan3A_82, %scan3A_83 : i32
    %scan3A_85 = arith.constant 1 : i32
    scf.for %scan3A_87 = %scan3A_82 to %scan3A_84 step %scan3A_85  : i32 {
      %mul3A_88 = arith.constant 16 : i32
      %mul3A_89 = arith.muli %scan3A_87, %mul3A_88 : i32
      %add3A_90 = arith.constant 800 : i32
      %add3A_91 = arith.addi %add3A_90, %mul3A_89 : i32
      %get3A_92 = arith.index_cast %add3A_91 : i32 to index
      %get3A_93 = tpu.vector_load %arg8[%get3A_92] {strides = array<i32>} : memref<1200xf32, #tpu.memory_space<vmem>>, vector<16xf32>,
      %add3A_94 = arith.constant 0 : i32
      %add3A_95 = arith.addi %mul3A_89, %add3A_94 : i32
      %mul3A_96 = arith.constant 128 : i32
      %mul3A_97 = arith.muli %add3A_95, %mul3A_96 : i32
      %get3A_98 = arith.index_cast %mul3A_97 : i32 to index
      %get3A_99 = tpu.vector_load %arg7[%get3A_98] {strides = array<i32>} : memref<51200xf32, #tpu.memory_space<vmem>>, vector<16xf32>,
      %mul3A_100 = arith.mulf %get3A_99, %get3A_66 : vector<16xf32>
      %add3A_101 = arith.constant 16 : i32
      %add3A_102 = arith.addi %mul3A_97, %add3A_101 : i32
      %get3A_103 = arith.index_cast %add3A_102 : i32 to index
      %get3A_104 = tpu.vector_load %arg7[%get3A_103] {strides = array<i32>} : memref<51200xf32, #tpu.memory_space<vmem>>, vector<16xf32>,
      %mul3A_105 = arith.mulf %get3A_104, %get3A_68 : vector<16xf32>
      %add3A_106 = arith.addf %mul3A_100, %mul3A_105 : vector<16xf32>
      %add3A_107 = arith.constant 32 : i32
      %add3A_108 = arith.addi %mul3A_97, %add3A_107 : i32
      %get3A_109 = arith.index_cast %add3A_108 : i32 to index
      %get3A_110 = tpu.vector_load %arg7[%get3A_109] {strides = array<i32>} : memref<51200xf32, #tpu.memory_space<vmem>>, vector<16xf32>,
      %mul3A_111 = arith.mulf %get3A_110, %get3A_70 : vector<16xf32>
      %add3A_112 = arith.addf %add3A_106, %mul3A_111 : vector<16xf32>
      %add3A_113 = arith.constant 48 : i32
      %add3A_114 = arith.addi %mul3A_97, %add3A_113 : i32
      %get3A_115 = arith.index_cast %add3A_114 : i32 to index
      %get3A_116 = tpu.vector_load %arg7[%get3A_115] {strides = array<i32>} : memref<51200xf32, #tpu.memory_space<vmem>>, vector<16xf32>,
      %mul3A_117 = arith.mulf %get3A_116, %get3A_72 : vector<16xf32>
      %add3A_118 = arith.addf %add3A_112, %mul3A_117 : vector<16xf32>
      %add3A_119 = arith.constant 64 : i32
      %add3A_120 = arith.addi %mul3A_97, %add3A_119 : i32
      %get3A_121 = arith.index_cast %add3A_120 : i32 to index
      %get3A_122 = tpu.vector_load %arg7[%get3A_121] {strides = array<i32>} : memref<51200xf32, #tpu.memory_space<vmem>>, vector<16xf32>,
      %mul3A_123 = arith.mulf %get3A_122, %get3A_74 : vector<16xf32>
      %add3A_124 = arith.addf %add3A_118, %mul3A_123 : vector<16xf32>
      %add3A_125 = arith.constant 80 : i32
      %add3A_126 = arith.addi %mul3A_97, %add3A_125 : i32
      %get3A_127 = arith.index_cast %add3A_126 : i32 to index
      %get3A_128 = tpu.vector_load %arg7[%get3A_127] {strides = array<i32>} : memref<51200xf32, #tpu.memory_space<vmem>>, vector<16xf32>,
      %mul3A_129 = arith.mulf %get3A_128, %get3A_76 : vector<16xf32>
      %add3A_130 = arith.addf %add3A_124, %mul3A_129 : vector<16xf32>
      %add3A_131 = arith.constant 96 : i32
      %add3A_132 = arith.addi %mul3A_97, %add3A_131 : i32
      %get3A_133 = arith.index_cast %add3A_132 : i32 to index
      %get3A_134 = tpu.vector_load %arg7[%get3A_133] {strides = array<i32>} : memref<51200xf32, #tpu.memory_space<vmem>>, vector<16xf32>,
      %mul3A_135 = arith.mulf %get3A_134, %get3A_78 : vector<16xf32>
      %add3A_136 = arith.addf %add3A_130, %mul3A_135 : vector<16xf32>
      %add3A_137 = arith.constant 112 : i32
      %add3A_138 = arith.addi %mul3A_97, %add3A_137 : i32
      %get3A_139 = arith.index_cast %add3A_138 : i32 to index
      %get3A_140 = tpu.vector_load %arg7[%get3A_139] {strides = array<i32>} : memref<51200xf32, #tpu.memory_space<vmem>>, vector<16xf32>,
      %mul3A_141 = arith.mulf %get3A_140, %get3A_80 : vector<16xf32>
      %add3A_142 = arith.addf %add3A_136, %mul3A_141 : vector<16xf32>
      %reduce_sum3A = arith.constant true
      %reduce_sum3A_143 = vector.broadcast %reduce_sum3A : i1 to vector<16xi1>
      %reduce_sum3A_144 = tpu.scan <sum>, %add3A_142 masked %reduce_sum3A_143 : vector<16xf32>, vector<16xi1> -> vector<16xf32>
      %reduce_sum3A_145 = vector.extract %reduce_sum3A_144[15] : f32 from vector<16xf32>
      %eq3A = arith.constant 0 : i32
      %eq3A_146 = vector.broadcast %eq3A : i32 to vector<16xi32>
      %eq3A_147 = arith.cmpi eq, %iota3A_64, %eq3A_146 : vector<16xi32>
      %add3A_148 = vector.broadcast %reduce_sum3A_145 : f32 to vector<16xf32>
      %add3A_149 = arith.addf %get3A_93, %add3A_148 : vector<16xf32>
      %select_n3A = arith.select %eq3A_147, %add3A_149, %get3A_93 : vector<16xi1>, vector<16xf32>
      %add3A_150 = arith.constant 1 : i32
      %add3A_151 = arith.addi %mul3A_89, %add3A_150 : i32
      %mul3A_152 = arith.constant 128 : i32
      %mul3A_153 = arith.muli %add3A_151, %mul3A_152 : i32
      %get3A_154 = arith.index_cast %mul3A_153 : i32 to index
      %get3A_155 = tpu.vector_load %arg7[%get3A_154] {strides = array<i32>} : memref<51200xf32, #tpu.memory_space<vmem>>, vector<16xf32>,
      %mul3A_156 = arith.mulf %get3A_155, %get3A_66 : vector<16xf32>
      %add3A_157 = arith.constant 16 : i32
      %add3A_158 = arith.addi %mul3A_153, %add3A_157 : i32
      %get3A_159 = arith.index_cast %add3A_158 : i32 to index
      %get3A_160 = tpu.vector_load %arg7[%get3A_159] {strides = array<i32>} : memref<51200xf32, #tpu.memory_space<vmem>>, vector<16xf32>,
      %mul3A_161 = arith.mulf %get3A_160, %get3A_68 : vector<16xf32>
      %add3A_162 = arith.addf %mul3A_156, %mul3A_161 : vector<16xf32>
      %add3A_163 = arith.constant 32 : i32
      %add3A_164 = arith.addi %mul3A_153, %add3A_163 : i32
      %get3A_165 = arith.index_cast %add3A_164 : i32 to index
      %get3A_166 = tpu.vector_load %arg7[%get3A_165] {strides = array<i32>} : memref<51200xf32, #tpu.memory_space<vmem>>, vector<16xf32>,
      %mul3A_167 = arith.mulf %get3A_166, %get3A_70 : vector<16xf32>
      %add3A_168 = arith.addf %add3A_162, %mul3A_167 : vector<16xf32>
      %add3A_169 = arith.constant 48 : i32
      %add3A_170 = arith.addi %mul3A_153, %add3A_169 : i32
      %get3A_171 = arith.index_cast %add3A_170 : i32 to index
      %get3A_172 = tpu.vector_load %arg7[%get3A_171] {strides = array<i32>} : memref<51200xf32, #tpu.memory_space<vmem>>, vector<16xf32>,
      %mul3A_173 = arith.mulf %get3A_172, %get3A_72 : vector<16xf32>
      %add3A_174 = arith.addf %add3A_168, %mul3A_173 : vector<16xf32>
      %add3A_175 = arith.constant 64 : i32
      %add3A_176 = arith.addi %mul3A_153, %add3A_175 : i32
      %get3A_177 = arith.index_cast %add3A_176 : i32 to index
      %get3A_178 = tpu.vector_load %arg7[%get3A_177] {strides = array<i32>} : memref<51200xf32, #tpu.memory_space<vmem>>, vector<16xf32>,
      %mul3A_179 = arith.mulf %get3A_178, %get3A_74 : vector<16xf32>
      %add3A_180 = arith.addf %add3A_174, %mul3A_179 : vector<16xf32>
      %add3A_181 = arith.constant 80 : i32
      %add3A_182 = arith.addi %mul3A_153, %add3A_181 : i32
      %get3A_183 = arith.index_cast %add3A_182 : i32 to index
      %get3A_184 = tpu.vector_load %arg7[%get3A_183] {strides = array<i32>} : memref<51200xf32, #tpu.memory_space<vmem>>, vector<16xf32>,
      %mul3A_185 = arith.mulf %get3A_184, %get3A_76 : vector<16xf32>
      %add3A_186 = arith.addf %add3A_180, %mul3A_185 : vector<16xf32>
      %add3A_187 = arith.constant 96 : i32
      %add3A_188 = arith.addi %mul3A_153, %add3A_187 : i32
      %get3A_189 = arith.index_cast %add3A_188 : i32 to index
      %get3A_190 = tpu.vector_load %arg7[%get3A_189] {strides = array<i32>} : memref<51200xf32, #tpu.memory_space<vmem>>, vector<16xf32>,
      %mul3A_191 = arith.mulf %get3A_190, %get3A_78 : vector<16xf32>
      %add3A_192 = arith.addf %add3A_186, %mul3A_191 : vector<16xf32>
      %add3A_193 = arith.constant 112 : i32
      %add3A_194 = arith.addi %mul3A_153, %add3A_193 : i32
      %get3A_195 = arith.index_cast %add3A_194 : i32 to index
      %get3A_196 = tpu.vector_load %arg7[%get3A_195] {strides = array<i32>} : memref<51200xf32, #tpu.memory_space<vmem>>, vector<16xf32>,
      %mul3A_197 = arith.mulf %get3A_196, %get3A_80 : vector<16xf32>
      %add3A_198 = arith.addf %add3A_192, %mul3A_197 : vector<16xf32>
      %reduce_sum3A_199 = arith.constant true
      %reduce_sum3A_200 = vector.broadcast %reduce_sum3A_199 : i1 to vector<16xi1>
      %reduce_sum3A_201 = tpu.scan <sum>, %add3A_198 masked %reduce_sum3A_200 : vector<16xf32>, vector<16xi1> -> vector<16xf32>
      %reduce_sum3A_202 = vector.extract %reduce_sum3A_201[15] : f32 from vector<16xf32>
      %eq3A_203 = arith.constant 1 : i32
      %eq3A_204 = vector.broadcast %eq3A_203 : i32 to vector<16xi32>
      %eq3A_205 = arith.cmpi eq, %iota3A_64, %eq3A_204 : vector<16xi32>
      %add3A_206 = vector.broadcast %reduce_sum3A_202 : f32 to vector<16xf32>
      %add3A_207 = arith.addf %select_n3A, %add3A_206 : vector<16xf32>
      %select_n3A_208 = arith.select %eq3A_205, %add3A_207, %select_n3A : vector<16xi1>, vector<16xf32>
      %add3A_209 = arith.constant 2 : i32
      %add3A_210 = arith.addi %mul3A_89, %add3A_209 : i32
      %mul3A_211 = arith.constant 128 : i32
      %mul3A_212 = arith.muli %add3A_210, %mul3A_211 : i32
      %get3A_213 = arith.index_cast %mul3A_212 : i32 to index
      %get3A_214 = tpu.vector_load %arg7[%get3A_213] {strides = array<i32>} : memref<51200xf32, #tpu.memory_space<vmem>>, vector<16xf32>,
      %mul3A_215 = arith.mulf %get3A_214, %get3A_66 : vector<16xf32>
      %add3A_216 = arith.constant 16 : i32
      %add3A_217 = arith.addi %mul3A_212, %add3A_216 : i32
      %get3A_218 = arith.index_cast %add3A_217 : i32 to index
      %get3A_219 = tpu.vector_load %arg7[%get3A_218] {strides = array<i32>} : memref<51200xf32, #tpu.memory_space<vmem>>, vector<16xf32>,
      %mul3A_220 = arith.mulf %get3A_219, %get3A_68 : vector<16xf32>
      %add3A_221 = arith.addf %mul3A_215, %mul3A_220 : vector<16xf32>
      %add3A_222 = arith.constant 32 : i32
      %add3A_223 = arith.addi %mul3A_212, %add3A_222 : i32
      %get3A_224 = arith.index_cast %add3A_223 : i32 to index
      %get3A_225 = tpu.vector_load %arg7[%get3A_224] {strides = array<i32>} : memref<51200xf32, #tpu.memory_space<vmem>>, vector<16xf32>,
      %mul3A_226 = arith.mulf %get3A_225, %get3A_70 : vector<16xf32>
      %add3A_227 = arith.addf %add3A_221, %mul3A_226 : vector<16xf32>
      %add3A_228 = arith.constant 48 : i32
      %add3A_229 = arith.addi %mul3A_212, %add3A_228 : i32
      %get3A_230 = arith.index_cast %add3A_229 : i32 to index
      %get3A_231 = tpu.vector_load %arg7[%get3A_230] {strides = array<i32>} : memref<51200xf32, #tpu.memory_space<vmem>>, vector<16xf32>,
      %mul3A_232 = arith.mulf %get3A_231, %get3A_72 : vector<16xf32>
      %add3A_233 = arith.addf %add3A_227, %mul3A_232 : vector<16xf32>
      %add3A_234 = arith.constant 64 : i32
      %add3A_235 = arith.addi %mul3A_212, %add3A_234 : i32
      %get3A_236 = arith.index_cast %add3A_235 : i32 to index
      %get3A_237 = tpu.vector_load %arg7[%get3A_236] {strides = array<i32>} : memref<51200xf32, #tpu.memory_space<vmem>>, vector<16xf32>,
      %mul3A_238 = arith.mulf %get3A_237, %get3A_74 : vector<16xf32>
      %add3A_239 = arith.addf %add3A_233, %mul3A_238 : vector<16xf32>
      %add3A_240 = arith.constant 80 : i32
      %add3A_241 = arith.addi %mul3A_212, %add3A_240 : i32
      %get3A_242 = arith.index_cast %add3A_241 : i32 to index
      %get3A_243 = tpu.vector_load %arg7[%get3A_242] {strides = array<i32>} : memref<51200xf32, #tpu.memory_space<vmem>>, vector<16xf32>,
      %mul3A_244 = arith.mulf %get3A_243, %get3A_76 : vector<16xf32>
      %add3A_245 = arith.addf %add3A_239, %mul3A_244 : vector<16xf32>
      %add3A_246 = arith.constant 96 : i32
      %add3A_247 = arith.addi %mul3A_212, %add3A_246 : i32
      %get3A_248 = arith.index_cast %add3A_247 : i32 to index
      %get3A_249 = tpu.vector_load %arg7[%get3A_248] {strides = array<i32>} : memref<51200xf32, #tpu.memory_space<vmem>>, vector<16xf32>,
      %mul3A_250 = arith.mulf %get3A_249, %get3A_78 : vector<16xf32>
      %add3A_251 = arith.addf %add3A_245, %mul3A_250 : vector<16xf32>
      %add3A_252 = arith.constant 112 : i32
      %add3A_253 = arith.addi %mul3A_212, %add3A_252 : i32
      %get3A_254 = arith.index_cast %add3A_253 : i32 to index
      %get3A_255 = tpu.vector_load %arg7[%get3A_254] {strides = array<i32>} : memref<51200xf32, #tpu.memory_space<vmem>>, vector<16xf32>,
      %mul3A_256 = arith.mulf %get3A_255, %get3A_80 : vector<16xf32>
      %add3A_257 = arith.addf %add3A_251, %mul3A_256 : vector<16xf32>
      %reduce_sum3A_258 = arith.constant true
      %reduce_sum3A_259 = vector.broadcast %reduce_sum3A_258 : i1 to vector<16xi1>
      %reduce_sum3A_260 = tpu.scan <sum>, %add3A_257 masked %reduce_sum3A_259 : vector<16xf32>, vector<16xi1> -> vector<16xf32>
      %reduce_sum3A_261 = vector.extract %reduce_sum3A_260[15] : f32 from vector<16xf32>
      %eq3A_262 = arith.constant 2 : i32
      %eq3A_263 = vector.broadcast %eq3A_262 : i32 to vector<16xi32>
      %eq3A_264 = arith.cmpi eq, %iota3A_64, %eq3A_263 : vector<16xi32>
      %add3A_265 = vector.broadcast %reduce_sum3A_261 : f32 to vector<16xf32>
      %add3A_266 = arith.addf %select_n3A_208, %add3A_265 : vector<16xf32>
      %select_n3A_267 = arith.select %eq3A_264, %add3A_266, %select_n3A_208 : vector<16xi1>, vector<16xf32>
      %add3A_268 = arith.constant 3 : i32
      %add3A_269 = arith.addi %mul3A_89, %add3A_268 : i32
      %mul3A_270 = arith.constant 128 : i32
      %mul3A_271 = arith.muli %add3A_269, %mul3A_270 : i32
      %get3A_272 = arith.index_cast %mul3A_271 : i32 to index
      %get3A_273 = tpu.vector_load %arg7[%get3A_272] {strides = array<i32>} : memref<51200xf32, #tpu.memory_space<vmem>>, vector<16xf32>,
      %mul3A_274 = arith.mulf %get3A_273, %get3A_66 : vector<16xf32>
      %add3A_275 = arith.constant 16 : i32
      %add3A_276 = arith.addi %mul3A_271, %add3A_275 : i32
      %get3A_277 = arith.index_cast %add3A_276 : i32 to index
      %get3A_278 = tpu.vector_load %arg7[%get3A_277] {strides = array<i32>} : memref<51200xf32, #tpu.memory_space<vmem>>, vector<16xf32>,
      %mul3A_279 = arith.mulf %get3A_278, %get3A_68 : vector<16xf32>
      %add3A_280 = arith.addf %mul3A_274, %mul3A_279 : vector<16xf32>
      %add3A_281 = arith.constant 32 : i32
      %add3A_282 = arith.addi %mul3A_271, %add3A_281 : i32
      %get3A_283 = arith.index_cast %add3A_282 : i32 to index
      %get3A_284 = tpu.vector_load %arg7[%get3A_283] {strides = array<i32>} : memref<51200xf32, #tpu.memory_space<vmem>>, vector<16xf32>,
      %mul3A_285 = arith.mulf %get3A_284, %get3A_70 : vector<16xf32>
      %add3A_286 = arith.addf %add3A_280, %mul3A_285 : vector<16xf32>
      %add3A_287 = arith.constant 48 : i32
      %add3A_288 = arith.addi %mul3A_271, %add3A_287 : i32
      %get3A_289 = arith.index_cast %add3A_288 : i32 to index
      %get3A_290 = tpu.vector_load %arg7[%get3A_289] {strides = array<i32>} : memref<51200xf32, #tpu.memory_space<vmem>>, vector<16xf32>,
      %mul3A_291 = arith.mulf %get3A_290, %get3A_72 : vector<16xf32>
      %add3A_292 = arith.addf %add3A_286, %mul3A_291 : vector<16xf32>
      %add3A_293 = arith.constant 64 : i32
      %add3A_294 = arith.addi %mul3A_271, %add3A_293 : i32
      %get3A_295 = arith.index_cast %add3A_294 : i32 to index
      %get3A_296 = tpu.vector_load %arg7[%get3A_295] {strides = array<i32>} : memref<51200xf32, #tpu.memory_space<vmem>>, vector<16xf32>,
      %mul3A_297 = arith.mulf %get3A_296, %get3A_74 : vector<16xf32>
      %add3A_298 = arith.addf %add3A_292, %mul3A_297 : vector<16xf32>
      %add3A_299 = arith.constant 80 : i32
      %add3A_300 = arith.addi %mul3A_271, %add3A_299 : i32
      %get3A_301 = arith.index_cast %add3A_300 : i32 to index
      %get3A_302 = tpu.vector_load %arg7[%get3A_301] {strides = array<i32>} : memref<51200xf32, #tpu.memory_space<vmem>>, vector<16xf32>,
      %mul3A_303 = arith.mulf %get3A_302, %get3A_76 : vector<16xf32>
      %add3A_304 = arith.addf %add3A_298, %mul3A_303 : vector<16xf32>
      %add3A_305 = arith.constant 96 : i32
      %add3A_306 = arith.addi %mul3A_271, %add3A_305 : i32
      %get3A_307 = arith.index_cast %add3A_306 : i32 to index
      %get3A_308 = tpu.vector_load %arg7[%get3A_307] {strides = array<i32>} : memref<51200xf32, #tpu.memory_space<vmem>>, vector<16xf32>,
      %mul3A_309 = arith.mulf %get3A_308, %get3A_78 : vector<16xf32>
      %add3A_310 = arith.addf %add3A_304, %mul3A_309 : vector<16xf32>
      %add3A_311 = arith.constant 112 : i32
      %add3A_312 = arith.addi %mul3A_271, %add3A_311 : i32
      %get3A_313 = arith.index_cast %add3A_312 : i32 to index
      %get3A_314 = tpu.vector_load %arg7[%get3A_313] {strides = array<i32>} : memref<51200xf32, #tpu.memory_space<vmem>>, vector<16xf32>,
      %mul3A_315 = arith.mulf %get3A_314, %get3A_80 : vector<16xf32>
      %add3A_316 = arith.addf %add3A_310, %mul3A_315 : vector<16xf32>
      %reduce_sum3A_317 = arith.constant true
      %reduce_sum3A_318 = vector.broadcast %reduce_sum3A_317 : i1 to vector<16xi1>
      %reduce_sum3A_319 = tpu.scan <sum>, %add3A_316 masked %reduce_sum3A_318 : vector<16xf32>, vector<16xi1> -> vector<16xf32>
      %reduce_sum3A_320 = vector.extract %reduce_sum3A_319[15] : f32 from vector<16xf32>
      %eq3A_321 = arith.constant 3 : i32
      %eq3A_322 = vector.broadcast %eq3A_321 : i32 to vector<16xi32>
      %eq3A_323 = arith.cmpi eq, %iota3A_64, %eq3A_322 : vector<16xi32>
      %add3A_324 = vector.broadcast %reduce_sum3A_320 : f32 to vector<16xf32>
      %add3A_325 = arith.addf %select_n3A_267, %add3A_324 : vector<16xf32>
      %select_n3A_326 = arith.select %eq3A_323, %add3A_325, %select_n3A_267 : vector<16xi1>, vector<16xf32>
      %add3A_327 = arith.constant 4 : i32
      %add3A_328 = arith.addi %mul3A_89, %add3A_327 : i32
      %mul3A_329 = arith.constant 128 : i32
      %mul3A_330 = arith.muli %add3A_328, %mul3A_329 : i32
      %get3A_331 = arith.index_cast %mul3A_330 : i32 to index
      %get3A_332 = tpu.vector_load %arg7[%get3A_331] {strides = array<i32>} : memref<51200xf32, #tpu.memory_space<vmem>>, vector<16xf32>,
      %mul3A_333 = arith.mulf %get3A_332, %get3A_66 : vector<16xf32>
      %add3A_334 = arith.constant 16 : i32
      %add3A_335 = arith.addi %mul3A_330, %add3A_334 : i32
      %get3A_336 = arith.index_cast %add3A_335 : i32 to index
      %get3A_337 = tpu.vector_load %arg7[%get3A_336] {strides = array<i32>} : memref<51200xf32, #tpu.memory_space<vmem>>, vector<16xf32>,
      %mul3A_338 = arith.mulf %get3A_337, %get3A_68 : vector<16xf32>
      %add3A_339 = arith.addf %mul3A_333, %mul3A_338 : vector<16xf32>
      %add3A_340 = arith.constant 32 : i32
      %add3A_341 = arith.addi %mul3A_330, %add3A_340 : i32
      %get3A_342 = arith.index_cast %add3A_341 : i32 to index
      %get3A_343 = tpu.vector_load %arg7[%get3A_342] {strides = array<i32>} : memref<51200xf32, #tpu.memory_space<vmem>>, vector<16xf32>,
      %mul3A_344 = arith.mulf %get3A_343, %get3A_70 : vector<16xf32>
      %add3A_345 = arith.addf %add3A_339, %mul3A_344 : vector<16xf32>
      %add3A_346 = arith.constant 48 : i32
      %add3A_347 = arith.addi %mul3A_330, %add3A_346 : i32
      %get3A_348 = arith.index_cast %add3A_347 : i32 to index
      %get3A_349 = tpu.vector_load %arg7[%get3A_348] {strides = array<i32>} : memref<51200xf32, #tpu.memory_space<vmem>>, vector<16xf32>,
      %mul3A_350 = arith.mulf %get3A_349, %get3A_72 : vector<16xf32>
      %add3A_351 = arith.addf %add3A_345, %mul3A_350 : vector<16xf32>
      %add3A_352 = arith.constant 64 : i32
      %add3A_353 = arith.addi %mul3A_330, %add3A_352 : i32
      %get3A_354 = arith.index_cast %add3A_353 : i32 to index
      %get3A_355 = tpu.vector_load %arg7[%get3A_354] {strides = array<i32>} : memref<51200xf32, #tpu.memory_space<vmem>>, vector<16xf32>,
      %mul3A_356 = arith.mulf %get3A_355, %get3A_74 : vector<16xf32>
      %add3A_357 = arith.addf %add3A_351, %mul3A_356 : vector<16xf32>
      %add3A_358 = arith.constant 80 : i32
      %add3A_359 = arith.addi %mul3A_330, %add3A_358 : i32
      %get3A_360 = arith.index_cast %add3A_359 : i32 to index
      %get3A_361 = tpu.vector_load %arg7[%get3A_360] {strides = array<i32>} : memref<51200xf32, #tpu.memory_space<vmem>>, vector<16xf32>,
      %mul3A_362 = arith.mulf %get3A_361, %get3A_76 : vector<16xf32>
      %add3A_363 = arith.addf %add3A_357, %mul3A_362 : vector<16xf32>
      %add3A_364 = arith.constant 96 : i32
      %add3A_365 = arith.addi %mul3A_330, %add3A_364 : i32
      %get3A_366 = arith.index_cast %add3A_365 : i32 to index
      %get3A_367 = tpu.vector_load %arg7[%get3A_366] {strides = array<i32>} : memref<51200xf32, #tpu.memory_space<vmem>>, vector<16xf32>,
      %mul3A_368 = arith.mulf %get3A_367, %get3A_78 : vector<16xf32>
      %add3A_369 = arith.addf %add3A_363, %mul3A_368 : vector<16xf32>
      %add3A_370 = arith.constant 112 : i32
      %add3A_371 = arith.addi %mul3A_330, %add3A_370 : i32
      %get3A_372 = arith.index_cast %add3A_371 : i32 to index
      %get3A_373 = tpu.vector_load %arg7[%get3A_372] {strides = array<i32>} : memref<51200xf32, #tpu.memory_space<vmem>>, vector<16xf32>,
      %mul3A_374 = arith.mulf %get3A_373, %get3A_80 : vector<16xf32>
      %add3A_375 = arith.addf %add3A_369, %mul3A_374 : vector<16xf32>
      %reduce_sum3A_376 = arith.constant true
      %reduce_sum3A_377 = vector.broadcast %reduce_sum3A_376 : i1 to vector<16xi1>
      %reduce_sum3A_378 = tpu.scan <sum>, %add3A_375 masked %reduce_sum3A_377 : vector<16xf32>, vector<16xi1> -> vector<16xf32>
      %reduce_sum3A_379 = vector.extract %reduce_sum3A_378[15] : f32 from vector<16xf32>
      %eq3A_380 = arith.constant 4 : i32
      %eq3A_381 = vector.broadcast %eq3A_380 : i32 to vector<16xi32>
      %eq3A_382 = arith.cmpi eq, %iota3A_64, %eq3A_381 : vector<16xi32>
      %add3A_383 = vector.broadcast %reduce_sum3A_379 : f32 to vector<16xf32>
      %add3A_384 = arith.addf %select_n3A_326, %add3A_383 : vector<16xf32>
      %select_n3A_385 = arith.select %eq3A_382, %add3A_384, %select_n3A_326 : vector<16xi1>, vector<16xf32>
      %add3A_386 = arith.constant 5 : i32
      %add3A_387 = arith.addi %mul3A_89, %add3A_386 : i32
      %mul3A_388 = arith.constant 128 : i32
      %mul3A_389 = arith.muli %add3A_387, %mul3A_388 : i32
      %get3A_390 = arith.index_cast %mul3A_389 : i32 to index
      %get3A_391 = tpu.vector_load %arg7[%get3A_390] {strides = array<i32>} : memref<51200xf32, #tpu.memory_space<vmem>>, vector<16xf32>,
      %mul3A_392 = arith.mulf %get3A_391, %get3A_66 : vector<16xf32>
      %add3A_393 = arith.constant 16 : i32
      %add3A_394 = arith.addi %mul3A_389, %add3A_393 : i32
      %get3A_395 = arith.index_cast %add3A_394 : i32 to index
      %get3A_396 = tpu.vector_load %arg7[%get3A_395] {strides = array<i32>} : memref<51200xf32, #tpu.memory_space<vmem>>, vector<16xf32>,
      %mul3A_397 = arith.mulf %get3A_396, %get3A_68 : vector<16xf32>
      %add3A_398 = arith.addf %mul3A_392, %mul3A_397 : vector<16xf32>
      %add3A_399 = arith.constant 32 : i32
      %add3A_400 = arith.addi %mul3A_389, %add3A_399 : i32
      %get3A_401 = arith.index_cast %add3A_400 : i32 to index
      %get3A_402 = tpu.vector_load %arg7[%get3A_401] {strides = array<i32>} : memref<51200xf32, #tpu.memory_space<vmem>>, vector<16xf32>,
      %mul3A_403 = arith.mulf %get3A_402, %get3A_70 : vector<16xf32>
      %add3A_404 = arith.addf %add3A_398, %mul3A_403 : vector<16xf32>
      %add3A_405 = arith.constant 48 : i32
      %add3A_406 = arith.addi %mul3A_389, %add3A_405 : i32
      %get3A_407 = arith.index_cast %add3A_406 : i32 to index
      %get3A_408 = tpu.vector_load %arg7[%get3A_407] {strides = array<i32>} : memref<51200xf32, #tpu.memory_space<vmem>>, vector<16xf32>,
      %mul3A_409 = arith.mulf %get3A_408, %get3A_72 : vector<16xf32>
      %add3A_410 = arith.addf %add3A_404, %mul3A_409 : vector<16xf32>
      %add3A_411 = arith.constant 64 : i32
      %add3A_412 = arith.addi %mul3A_389, %add3A_411 : i32
      %get3A_413 = arith.index_cast %add3A_412 : i32 to index
      %get3A_414 = tpu.vector_load %arg7[%get3A_413] {strides = array<i32>} : memref<51200xf32, #tpu.memory_space<vmem>>, vector<16xf32>,
      %mul3A_415 = arith.mulf %get3A_414, %get3A_74 : vector<16xf32>
      %add3A_416 = arith.addf %add3A_410, %mul3A_415 : vector<16xf32>
      %add3A_417 = arith.constant 80 : i32
      %add3A_418 = arith.addi %mul3A_389, %add3A_417 : i32
      %get3A_419 = arith.index_cast %add3A_418 : i32 to index
      %get3A_420 = tpu.vector_load %arg7[%get3A_419] {strides = array<i32>} : memref<51200xf32, #tpu.memory_space<vmem>>, vector<16xf32>,
      %mul3A_421 = arith.mulf %get3A_420, %get3A_76 : vector<16xf32>
      %add3A_422 = arith.addf %add3A_416, %mul3A_421 : vector<16xf32>
      %add3A_423 = arith.constant 96 : i32
      %add3A_424 = arith.addi %mul3A_389, %add3A_423 : i32
      %get3A_425 = arith.index_cast %add3A_424 : i32 to index
      %get3A_426 = tpu.vector_load %arg7[%get3A_425] {strides = array<i32>} : memref<51200xf32, #tpu.memory_space<vmem>>, vector<16xf32>,
      %mul3A_427 = arith.mulf %get3A_426, %get3A_78 : vector<16xf32>
      %add3A_428 = arith.addf %add3A_422, %mul3A_427 : vector<16xf32>
      %add3A_429 = arith.constant 112 : i32
      %add3A_430 = arith.addi %mul3A_389, %add3A_429 : i32
      %get3A_431 = arith.index_cast %add3A_430 : i32 to index
      %get3A_432 = tpu.vector_load %arg7[%get3A_431] {strides = array<i32>} : memref<51200xf32, #tpu.memory_space<vmem>>, vector<16xf32>,
      %mul3A_433 = arith.mulf %get3A_432, %get3A_80 : vector<16xf32>
      %add3A_434 = arith.addf %add3A_428, %mul3A_433 : vector<16xf32>
      %reduce_sum3A_435 = arith.constant true
      %reduce_sum3A_436 = vector.broadcast %reduce_sum3A_435 : i1 to vector<16xi1>
      %reduce_sum3A_437 = tpu.scan <sum>, %add3A_434 masked %reduce_sum3A_436 : vector<16xf32>, vector<16xi1> -> vector<16xf32>
      %reduce_sum3A_438 = vector.extract %reduce_sum3A_437[15] : f32 from vector<16xf32>
      %eq3A_439 = arith.constant 5 : i32
      %eq3A_440 = vector.broadcast %eq3A_439 : i32 to vector<16xi32>
      %eq3A_441 = arith.cmpi eq, %iota3A_64, %eq3A_440 : vector<16xi32>
      %add3A_442 = vector.broadcast %reduce_sum3A_438 : f32 to vector<16xf32>
      %add3A_443 = arith.addf %select_n3A_385, %add3A_442 : vector<16xf32>
      %select_n3A_444 = arith.select %eq3A_441, %add3A_443, %select_n3A_385 : vector<16xi1>, vector<16xf32>
      %add3A_445 = arith.constant 6 : i32
      %add3A_446 = arith.addi %mul3A_89, %add3A_445 : i32
      %mul3A_447 = arith.constant 128 : i32
      %mul3A_448 = arith.muli %add3A_446, %mul3A_447 : i32
      %get3A_449 = arith.index_cast %mul3A_448 : i32 to index
      %get3A_450 = tpu.vector_load %arg7[%get3A_449] {strides = array<i32>} : memref<51200xf32, #tpu.memory_space<vmem>>, vector<16xf32>,
      %mul3A_451 = arith.mulf %get3A_450, %get3A_66 : vector<16xf32>
      %add3A_452 = arith.constant 16 : i32
      %add3A_453 = arith.addi %mul3A_448, %add3A_452 : i32
      %get3A_454 = arith.index_cast %add3A_453 : i32 to index
      %get3A_455 = tpu.vector_load %arg7[%get3A_454] {strides = array<i32>} : memref<51200xf32, #tpu.memory_space<vmem>>, vector<16xf32>,
      %mul3A_456 = arith.mulf %get3A_455, %get3A_68 : vector<16xf32>
      %add3A_457 = arith.addf %mul3A_451, %mul3A_456 : vector<16xf32>
      %add3A_458 = arith.constant 32 : i32
      %add3A_459 = arith.addi %mul3A_448, %add3A_458 : i32
      %get3A_460 = arith.index_cast %add3A_459 : i32 to index
      %get3A_461 = tpu.vector_load %arg7[%get3A_460] {strides = array<i32>} : memref<51200xf32, #tpu.memory_space<vmem>>, vector<16xf32>,
      %mul3A_462 = arith.mulf %get3A_461, %get3A_70 : vector<16xf32>
      %add3A_463 = arith.addf %add3A_457, %mul3A_462 : vector<16xf32>
      %add3A_464 = arith.constant 48 : i32
      %add3A_465 = arith.addi %mul3A_448, %add3A_464 : i32
      %get3A_466 = arith.index_cast %add3A_465 : i32 to index
      %get3A_467 = tpu.vector_load %arg7[%get3A_466] {strides = array<i32>} : memref<51200xf32, #tpu.memory_space<vmem>>, vector<16xf32>,
      %mul3A_468 = arith.mulf %get3A_467, %get3A_72 : vector<16xf32>
      %add3A_469 = arith.addf %add3A_463, %mul3A_468 : vector<16xf32>
      %add3A_470 = arith.constant 64 : i32
      %add3A_471 = arith.addi %mul3A_448, %add3A_470 : i32
      %get3A_472 = arith.index_cast %add3A_471 : i32 to index
      %get3A_473 = tpu.vector_load %arg7[%get3A_472] {strides = array<i32>} : memref<51200xf32, #tpu.memory_space<vmem>>, vector<16xf32>,
      %mul3A_474 = arith.mulf %get3A_473, %get3A_74 : vector<16xf32>
      %add3A_475 = arith.addf %add3A_469, %mul3A_474 : vector<16xf32>
      %add3A_476 = arith.constant 80 : i32
      %add3A_477 = arith.addi %mul3A_448, %add3A_476 : i32
      %get3A_478 = arith.index_cast %add3A_477 : i32 to index
      %get3A_479 = tpu.vector_load %arg7[%get3A_478] {strides = array<i32>} : memref<51200xf32, #tpu.memory_space<vmem>>, vector<16xf32>,
      %mul3A_480 = arith.mulf %get3A_479, %get3A_76 : vector<16xf32>
      %add3A_481 = arith.addf %add3A_475, %mul3A_480 : vector<16xf32>
      %add3A_482 = arith.constant 96 : i32
      %add3A_483 = arith.addi %mul3A_448, %add3A_482 : i32
      %get3A_484 = arith.index_cast %add3A_483 : i32 to index
      %get3A_485 = tpu.vector_load %arg7[%get3A_484] {strides = array<i32>} : memref<51200xf32, #tpu.memory_space<vmem>>, vector<16xf32>,
      %mul3A_486 = arith.mulf %get3A_485, %get3A_78 : vector<16xf32>
      %add3A_487 = arith.addf %add3A_481, %mul3A_486 : vector<16xf32>
      %add3A_488 = arith.constant 112 : i32
      %add3A_489 = arith.addi %mul3A_448, %add3A_488 : i32
      %get3A_490 = arith.index_cast %add3A_489 : i32 to index
      %get3A_491 = tpu.vector_load %arg7[%get3A_490] {strides = array<i32>} : memref<51200xf32, #tpu.memory_space<vmem>>, vector<16xf32>,
      %mul3A_492 = arith.mulf %get3A_491, %get3A_80 : vector<16xf32>
      %add3A_493 = arith.addf %add3A_487, %mul3A_492 : vector<16xf32>
      %reduce_sum3A_494 = arith.constant true
      %reduce_sum3A_495 = vector.broadcast %reduce_sum3A_494 : i1 to vector<16xi1>
      %reduce_sum3A_496 = tpu.scan <sum>, %add3A_493 masked %reduce_sum3A_495 : vector<16xf32>, vector<16xi1> -> vector<16xf32>
      %reduce_sum3A_497 = vector.extract %reduce_sum3A_496[15] : f32 from vector<16xf32>
      %eq3A_498 = arith.constant 6 : i32
      %eq3A_499 = vector.broadcast %eq3A_498 : i32 to vector<16xi32>
      %eq3A_500 = arith.cmpi eq, %iota3A_64, %eq3A_499 : vector<16xi32>
      %add3A_501 = vector.broadcast %reduce_sum3A_497 : f32 to vector<16xf32>
      %add3A_502 = arith.addf %select_n3A_444, %add3A_501 : vector<16xf32>
      %select_n3A_503 = arith.select %eq3A_500, %add3A_502, %select_n3A_444 : vector<16xi1>, vector<16xf32>
      %add3A_504 = arith.constant 7 : i32
      %add3A_505 = arith.addi %mul3A_89, %add3A_504 : i32
      %mul3A_506 = arith.constant 128 : i32
      %mul3A_507 = arith.muli %add3A_505, %mul3A_506 : i32
      %get3A_508 = arith.index_cast %mul3A_507 : i32 to index
      %get3A_509 = tpu.vector_load %arg7[%get3A_508] {strides = array<i32>} : memref<51200xf32, #tpu.memory_space<vmem>>, vector<16xf32>,
      %mul3A_510 = arith.mulf %get3A_509, %get3A_66 : vector<16xf32>
      %add3A_511 = arith.constant 16 : i32
      %add3A_512 = arith.addi %mul3A_507, %add3A_511 : i32
      %get3A_513 = arith.index_cast %add3A_512 : i32 to index
      %get3A_514 = tpu.vector_load %arg7[%get3A_513] {strides = array<i32>} : memref<51200xf32, #tpu.memory_space<vmem>>, vector<16xf32>,
      %mul3A_515 = arith.mulf %get3A_514, %get3A_68 : vector<16xf32>
      %add3A_516 = arith.addf %mul3A_510, %mul3A_515 : vector<16xf32>
      %add3A_517 = arith.constant 32 : i32
      %add3A_518 = arith.addi %mul3A_507, %add3A_517 : i32
      %get3A_519 = arith.index_cast %add3A_518 : i32 to index
      %get3A_520 = tpu.vector_load %arg7[%get3A_519] {strides = array<i32>} : memref<51200xf32, #tpu.memory_space<vmem>>, vector<16xf32>,
      %mul3A_521 = arith.mulf %get3A_520, %get3A_70 : vector<16xf32>
      %add3A_522 = arith.addf %add3A_516, %mul3A_521 : vector<16xf32>
      %add3A_523 = arith.constant 48 : i32
      %add3A_524 = arith.addi %mul3A_507, %add3A_523 : i32
      %get3A_525 = arith.index_cast %add3A_524 : i32 to index
      %get3A_526 = tpu.vector_load %arg7[%get3A_525] {strides = array<i32>} : memref<51200xf32, #tpu.memory_space<vmem>>, vector<16xf32>,
      %mul3A_527 = arith.mulf %get3A_526, %get3A_72 : vector<16xf32>
      %add3A_528 = arith.addf %add3A_522, %mul3A_527 : vector<16xf32>
      %add3A_529 = arith.constant 64 : i32
      %add3A_530 = arith.addi %mul3A_507, %add3A_529 : i32
      %get3A_531 = arith.index_cast %add3A_530 : i32 to index
      %get3A_532 = tpu.vector_load %arg7[%get3A_531] {strides = array<i32>} : memref<51200xf32, #tpu.memory_space<vmem>>, vector<16xf32>,
      %mul3A_533 = arith.mulf %get3A_532, %get3A_74 : vector<16xf32>
      %add3A_534 = arith.addf %add3A_528, %mul3A_533 : vector<16xf32>
      %add3A_535 = arith.constant 80 : i32
      %add3A_536 = arith.addi %mul3A_507, %add3A_535 : i32
      %get3A_537 = arith.index_cast %add3A_536 : i32 to index
      %get3A_538 = tpu.vector_load %arg7[%get3A_537] {strides = array<i32>} : memref<51200xf32, #tpu.memory_space<vmem>>, vector<16xf32>,
      %mul3A_539 = arith.mulf %get3A_538, %get3A_76 : vector<16xf32>
      %add3A_540 = arith.addf %add3A_534, %mul3A_539 : vector<16xf32>
      %add3A_541 = arith.constant 96 : i32
      %add3A_542 = arith.addi %mul3A_507, %add3A_541 : i32
      %get3A_543 = arith.index_cast %add3A_542 : i32 to index
      %get3A_544 = tpu.vector_load %arg7[%get3A_543] {strides = array<i32>} : memref<51200xf32, #tpu.memory_space<vmem>>, vector<16xf32>,
      %mul3A_545 = arith.mulf %get3A_544, %get3A_78 : vector<16xf32>
      %add3A_546 = arith.addf %add3A_540, %mul3A_545 : vector<16xf32>
      %add3A_547 = arith.constant 112 : i32
      %add3A_548 = arith.addi %mul3A_507, %add3A_547 : i32
      %get3A_549 = arith.index_cast %add3A_548 : i32 to index
      %get3A_550 = tpu.vector_load %arg7[%get3A_549] {strides = array<i32>} : memref<51200xf32, #tpu.memory_space<vmem>>, vector<16xf32>,
      %mul3A_551 = arith.mulf %get3A_550, %get3A_80 : vector<16xf32>
      %add3A_552 = arith.addf %add3A_546, %mul3A_551 : vector<16xf32>
      %reduce_sum3A_553 = arith.constant true
      %reduce_sum3A_554 = vector.broadcast %reduce_sum3A_553 : i1 to vector<16xi1>
      %reduce_sum3A_555 = tpu.scan <sum>, %add3A_552 masked %reduce_sum3A_554 : vector<16xf32>, vector<16xi1> -> vector<16xf32>
      %reduce_sum3A_556 = vector.extract %reduce_sum3A_555[15] : f32 from vector<16xf32>
      %eq3A_557 = arith.constant 7 : i32
      %eq3A_558 = vector.broadcast %eq3A_557 : i32 to vector<16xi32>
      %eq3A_559 = arith.cmpi eq, %iota3A_64, %eq3A_558 : vector<16xi32>
      %add3A_560 = vector.broadcast %reduce_sum3A_556 : f32 to vector<16xf32>
      %add3A_561 = arith.addf %select_n3A_503, %add3A_560 : vector<16xf32>
      %select_n3A_562 = arith.select %eq3A_559, %add3A_561, %select_n3A_503 : vector<16xi1>, vector<16xf32>
      %add3A_563 = arith.constant 8 : i32
      %add3A_564 = arith.addi %mul3A_89, %add3A_563 : i32
      %mul3A_565 = arith.constant 128 : i32
      %mul3A_566 = arith.muli %add3A_564, %mul3A_565 : i32
      %get3A_567 = arith.index_cast %mul3A_566 : i32 to index
      %get3A_568 = tpu.vector_load %arg7[%get3A_567] {strides = array<i32>} : memref<51200xf32, #tpu.memory_space<vmem>>, vector<16xf32>,
      %mul3A_569 = arith.mulf %get3A_568, %get3A_66 : vector<16xf32>
      %add3A_570 = arith.constant 16 : i32
      %add3A_571 = arith.addi %mul3A_566, %add3A_570 : i32
      %get3A_572 = arith.index_cast %add3A_571 : i32 to index
      %get3A_573 = tpu.vector_load %arg7[%get3A_572] {strides = array<i32>} : memref<51200xf32, #tpu.memory_space<vmem>>, vector<16xf32>,
      %mul3A_574 = arith.mulf %get3A_573, %get3A_68 : vector<16xf32>
      %add3A_575 = arith.addf %mul3A_569, %mul3A_574 : vector<16xf32>
      %add3A_576 = arith.constant 32 : i32
      %add3A_577 = arith.addi %mul3A_566, %add3A_576 : i32
      %get3A_578 = arith.index_cast %add3A_577 : i32 to index
      %get3A_579 = tpu.vector_load %arg7[%get3A_578] {strides = array<i32>} : memref<51200xf32, #tpu.memory_space<vmem>>, vector<16xf32>,
      %mul3A_580 = arith.mulf %get3A_579, %get3A_70 : vector<16xf32>
      %add3A_581 = arith.addf %add3A_575, %mul3A_580 : vector<16xf32>
      %add3A_582 = arith.constant 48 : i32
      %add3A_583 = arith.addi %mul3A_566, %add3A_582 : i32
      %get3A_584 = arith.index_cast %add3A_583 : i32 to index
      %get3A_585 = tpu.vector_load %arg7[%get3A_584] {strides = array<i32>} : memref<51200xf32, #tpu.memory_space<vmem>>, vector<16xf32>,
      %mul3A_586 = arith.mulf %get3A_585, %get3A_72 : vector<16xf32>
      %add3A_587 = arith.addf %add3A_581, %mul3A_586 : vector<16xf32>
      %add3A_588 = arith.constant 64 : i32
      %add3A_589 = arith.addi %mul3A_566, %add3A_588 : i32
      %get3A_590 = arith.index_cast %add3A_589 : i32 to index
      %get3A_591 = tpu.vector_load %arg7[%get3A_590] {strides = array<i32>} : memref<51200xf32, #tpu.memory_space<vmem>>, vector<16xf32>,
      %mul3A_592 = arith.mulf %get3A_591, %get3A_74 : vector<16xf32>
      %add3A_593 = arith.addf %add3A_587, %mul3A_592 : vector<16xf32>
      %add3A_594 = arith.constant 80 : i32
      %add3A_595 = arith.addi %mul3A_566, %add3A_594 : i32
      %get3A_596 = arith.index_cast %add3A_595 : i32 to index
      %get3A_597 = tpu.vector_load %arg7[%get3A_596] {strides = array<i32>} : memref<51200xf32, #tpu.memory_space<vmem>>, vector<16xf32>,
      %mul3A_598 = arith.mulf %get3A_597, %get3A_76 : vector<16xf32>
      %add3A_599 = arith.addf %add3A_593, %mul3A_598 : vector<16xf32>
      %add3A_600 = arith.constant 96 : i32
      %add3A_601 = arith.addi %mul3A_566, %add3A_600 : i32
      %get3A_602 = arith.index_cast %add3A_601 : i32 to index
      %get3A_603 = tpu.vector_load %arg7[%get3A_602] {strides = array<i32>} : memref<51200xf32, #tpu.memory_space<vmem>>, vector<16xf32>,
      %mul3A_604 = arith.mulf %get3A_603, %get3A_78 : vector<16xf32>
      %add3A_605 = arith.addf %add3A_599, %mul3A_604 : vector<16xf32>
      %add3A_606 = arith.constant 112 : i32
      %add3A_607 = arith.addi %mul3A_566, %add3A_606 : i32
      %get3A_608 = arith.index_cast %add3A_607 : i32 to index
      %get3A_609 = tpu.vector_load %arg7[%get3A_608] {strides = array<i32>} : memref<51200xf32, #tpu.memory_space<vmem>>, vector<16xf32>,
      %mul3A_610 = arith.mulf %get3A_609, %get3A_80 : vector<16xf32>
      %add3A_611 = arith.addf %add3A_605, %mul3A_610 : vector<16xf32>
      %reduce_sum3A_612 = arith.constant true
      %reduce_sum3A_613 = vector.broadcast %reduce_sum3A_612 : i1 to vector<16xi1>
      %reduce_sum3A_614 = tpu.scan <sum>, %add3A_611 masked %reduce_sum3A_613 : vector<16xf32>, vector<16xi1> -> vector<16xf32>
      %reduce_sum3A_615 = vector.extract %reduce_sum3A_614[15] : f32 from vector<16xf32>
      %eq3A_616 = arith.constant 8 : i32
      %eq3A_617 = vector.broadcast %eq3A_616 : i32 to vector<16xi32>
      %eq3A_618 = arith.cmpi eq, %iota3A_64, %eq3A_617 : vector<16xi32>
      %add3A_619 = vector.broadcast %reduce_sum3A_615 : f32 to vector<16xf32>
      %add3A_620 = arith.addf %select_n3A_562, %add3A_619 : vector<16xf32>
      %select_n3A_621 = arith.select %eq3A_618, %add3A_620, %select_n3A_562 : vector<16xi1>, vector<16xf32>
      %add3A_622 = arith.constant 9 : i32
      %add3A_623 = arith.addi %mul3A_89, %add3A_622 : i32
      %mul3A_624 = arith.constant 128 : i32
      %mul3A_625 = arith.muli %add3A_623, %mul3A_624 : i32
      %get3A_626 = arith.index_cast %mul3A_625 : i32 to index
      %get3A_627 = tpu.vector_load %arg7[%get3A_626] {strides = array<i32>} : memref<51200xf32, #tpu.memory_space<vmem>>, vector<16xf32>,
      %mul3A_628 = arith.mulf %get3A_627, %get3A_66 : vector<16xf32>
      %add3A_629 = arith.constant 16 : i32
      %add3A_630 = arith.addi %mul3A_625, %add3A_629 : i32
      %get3A_631 = arith.index_cast %add3A_630 : i32 to index
      %get3A_632 = tpu.vector_load %arg7[%get3A_631] {strides = array<i32>} : memref<51200xf32, #tpu.memory_space<vmem>>, vector<16xf32>,
      %mul3A_633 = arith.mulf %get3A_632, %get3A_68 : vector<16xf32>
      %add3A_634 = arith.addf %mul3A_628, %mul3A_633 : vector<16xf32>
      %add3A_635 = arith.constant 32 : i32
      %add3A_636 = arith.addi %mul3A_625, %add3A_635 : i32
      %get3A_637 = arith.index_cast %add3A_636 : i32 to index
      %get3A_638 = tpu.vector_load %arg7[%get3A_637] {strides = array<i32>} : memref<51200xf32, #tpu.memory_space<vmem>>, vector<16xf32>,
      %mul3A_639 = arith.mulf %get3A_638, %get3A_70 : vector<16xf32>
      %add3A_640 = arith.addf %add3A_634, %mul3A_639 : vector<16xf32>
      %add3A_641 = arith.constant 48 : i32
      %add3A_642 = arith.addi %mul3A_625, %add3A_641 : i32
      %get3A_643 = arith.index_cast %add3A_642 : i32 to index
      %get3A_644 = tpu.vector_load %arg7[%get3A_643] {strides = array<i32>} : memref<51200xf32, #tpu.memory_space<vmem>>, vector<16xf32>,
      %mul3A_645 = arith.mulf %get3A_644, %get3A_72 : vector<16xf32>
      %add3A_646 = arith.addf %add3A_640, %mul3A_645 : vector<16xf32>
      %add3A_647 = arith.constant 64 : i32
      %add3A_648 = arith.addi %mul3A_625, %add3A_647 : i32
      %get3A_649 = arith.index_cast %add3A_648 : i32 to index
      %get3A_650 = tpu.vector_load %arg7[%get3A_649] {strides = array<i32>} : memref<51200xf32, #tpu.memory_space<vmem>>, vector<16xf32>,
      %mul3A_651 = arith.mulf %get3A_650, %get3A_74 : vector<16xf32>
      %add3A_652 = arith.addf %add3A_646, %mul3A_651 : vector<16xf32>
      %add3A_653 = arith.constant 80 : i32
      %add3A_654 = arith.addi %mul3A_625, %add3A_653 : i32
      %get3A_655 = arith.index_cast %add3A_654 : i32 to index
      %get3A_656 = tpu.vector_load %arg7[%get3A_655] {strides = array<i32>} : memref<51200xf32, #tpu.memory_space<vmem>>, vector<16xf32>,
      %mul3A_657 = arith.mulf %get3A_656, %get3A_76 : vector<16xf32>
      %add3A_658 = arith.addf %add3A_652, %mul3A_657 : vector<16xf32>
      %add3A_659 = arith.constant 96 : i32
      %add3A_660 = arith.addi %mul3A_625, %add3A_659 : i32
      %get3A_661 = arith.index_cast %add3A_660 : i32 to index
      %get3A_662 = tpu.vector_load %arg7[%get3A_661] {strides = array<i32>} : memref<51200xf32, #tpu.memory_space<vmem>>, vector<16xf32>,
      %mul3A_663 = arith.mulf %get3A_662, %get3A_78 : vector<16xf32>
      %add3A_664 = arith.addf %add3A_658, %mul3A_663 : vector<16xf32>
      %add3A_665 = arith.constant 112 : i32
      %add3A_666 = arith.addi %mul3A_625, %add3A_665 : i32
      %get3A_667 = arith.index_cast %add3A_666 : i32 to index
      %get3A_668 = tpu.vector_load %arg7[%get3A_667] {strides = array<i32>} : memref<51200xf32, #tpu.memory_space<vmem>>, vector<16xf32>,
      %mul3A_669 = arith.mulf %get3A_668, %get3A_80 : vector<16xf32>
      %add3A_670 = arith.addf %add3A_664, %mul3A_669 : vector<16xf32>
      %reduce_sum3A_671 = arith.constant true
      %reduce_sum3A_672 = vector.broadcast %reduce_sum3A_671 : i1 to vector<16xi1>
      %reduce_sum3A_673 = tpu.scan <sum>, %add3A_670 masked %reduce_sum3A_672 : vector<16xf32>, vector<16xi1> -> vector<16xf32>
      %reduce_sum3A_674 = vector.extract %reduce_sum3A_673[15] : f32 from vector<16xf32>
      %eq3A_675 = arith.constant 9 : i32
      %eq3A_676 = vector.broadcast %eq3A_675 : i32 to vector<16xi32>
      %eq3A_677 = arith.cmpi eq, %iota3A_64, %eq3A_676 : vector<16xi32>
      %add3A_678 = vector.broadcast %reduce_sum3A_674 : f32 to vector<16xf32>
      %add3A_679 = arith.addf %select_n3A_621, %add3A_678 : vector<16xf32>
      %select_n3A_680 = arith.select %eq3A_677, %add3A_679, %select_n3A_621 : vector<16xi1>, vector<16xf32>
      %add3A_681 = arith.constant 10 : i32
      %add3A_682 = arith.addi %mul3A_89, %add3A_681 : i32
      %mul3A_683 = arith.constant 128 : i32
      %mul3A_684 = arith.muli %add3A_682, %mul3A_683 : i32
      %get3A_685 = arith.index_cast %mul3A_684 : i32 to index
      %get3A_686 = tpu.vector_load %arg7[%get3A_685] {strides = array<i32>} : memref<51200xf32, #tpu.memory_space<vmem>>, vector<16xf32>,
      %mul3A_687 = arith.mulf %get3A_686, %get3A_66 : vector<16xf32>
      %add3A_688 = arith.constant 16 : i32
      %add3A_689 = arith.addi %mul3A_684, %add3A_688 : i32
      %get3A_690 = arith.index_cast %add3A_689 : i32 to index
      %get3A_691 = tpu.vector_load %arg7[%get3A_690] {strides = array<i32>} : memref<51200xf32, #tpu.memory_space<vmem>>, vector<16xf32>,
      %mul3A_692 = arith.mulf %get3A_691, %get3A_68 : vector<16xf32>
      %add3A_693 = arith.addf %mul3A_687, %mul3A_692 : vector<16xf32>
      %add3A_694 = arith.constant 32 : i32
      %add3A_695 = arith.addi %mul3A_684, %add3A_694 : i32
      %get3A_696 = arith.index_cast %add3A_695 : i32 to index
      %get3A_697 = tpu.vector_load %arg7[%get3A_696] {strides = array<i32>} : memref<51200xf32, #tpu.memory_space<vmem>>, vector<16xf32>,
      %mul3A_698 = arith.mulf %get3A_697, %get3A_70 : vector<16xf32>
      %add3A_699 = arith.addf %add3A_693, %mul3A_698 : vector<16xf32>
      %add3A_700 = arith.constant 48 : i32
      %add3A_701 = arith.addi %mul3A_684, %add3A_700 : i32
      %get3A_702 = arith.index_cast %add3A_701 : i32 to index
      %get3A_703 = tpu.vector_load %arg7[%get3A_702] {strides = array<i32>} : memref<51200xf32, #tpu.memory_space<vmem>>, vector<16xf32>,
      %mul3A_704 = arith.mulf %get3A_703, %get3A_72 : vector<16xf32>
      %add3A_705 = arith.addf %add3A_699, %mul3A_704 : vector<16xf32>
      %add3A_706 = arith.constant 64 : i32
      %add3A_707 = arith.addi %mul3A_684, %add3A_706 : i32
      %get3A_708 = arith.index_cast %add3A_707 : i32 to index
      %get3A_709 = tpu.vector_load %arg7[%get3A_708] {strides = array<i32>} : memref<51200xf32, #tpu.memory_space<vmem>>, vector<16xf32>,
      %mul3A_710 = arith.mulf %get3A_709, %get3A_74 : vector<16xf32>
      %add3A_711 = arith.addf %add3A_705, %mul3A_710 : vector<16xf32>
      %add3A_712 = arith.constant 80 : i32
      %add3A_713 = arith.addi %mul3A_684, %add3A_712 : i32
      %get3A_714 = arith.index_cast %add3A_713 : i32 to index
      %get3A_715 = tpu.vector_load %arg7[%get3A_714] {strides = array<i32>} : memref<51200xf32, #tpu.memory_space<vmem>>, vector<16xf32>,
      %mul3A_716 = arith.mulf %get3A_715, %get3A_76 : vector<16xf32>
      %add3A_717 = arith.addf %add3A_711, %mul3A_716 : vector<16xf32>
      %add3A_718 = arith.constant 96 : i32
      %add3A_719 = arith.addi %mul3A_684, %add3A_718 : i32
      %get3A_720 = arith.index_cast %add3A_719 : i32 to index
      %get3A_721 = tpu.vector_load %arg7[%get3A_720] {strides = array<i32>} : memref<51200xf32, #tpu.memory_space<vmem>>, vector<16xf32>,
      %mul3A_722 = arith.mulf %get3A_721, %get3A_78 : vector<16xf32>
      %add3A_723 = arith.addf %add3A_717, %mul3A_722 : vector<16xf32>
      %add3A_724 = arith.constant 112 : i32
      %add3A_725 = arith.addi %mul3A_684, %add3A_724 : i32
      %get3A_726 = arith.index_cast %add3A_725 : i32 to index
      %get3A_727 = tpu.vector_load %arg7[%get3A_726] {strides = array<i32>} : memref<51200xf32, #tpu.memory_space<vmem>>, vector<16xf32>,
      %mul3A_728 = arith.mulf %get3A_727, %get3A_80 : vector<16xf32>
      %add3A_729 = arith.addf %add3A_723, %mul3A_728 : vector<16xf32>
      %reduce_sum3A_730 = arith.constant true
      %reduce_sum3A_731 = vector.broadcast %reduce_sum3A_730 : i1 to vector<16xi1>
      %reduce_sum3A_732 = tpu.scan <sum>, %add3A_729 masked %reduce_sum3A_731 : vector<16xf32>, vector<16xi1> -> vector<16xf32>
      %reduce_sum3A_733 = vector.extract %reduce_sum3A_732[15] : f32 from vector<16xf32>
      %eq3A_734 = arith.constant 10 : i32
      %eq3A_735 = vector.broadcast %eq3A_734 : i32 to vector<16xi32>
      %eq3A_736 = arith.cmpi eq, %iota3A_64, %eq3A_735 : vector<16xi32>
      %add3A_737 = vector.broadcast %reduce_sum3A_733 : f32 to vector<16xf32>
      %add3A_738 = arith.addf %select_n3A_680, %add3A_737 : vector<16xf32>
      %select_n3A_739 = arith.select %eq3A_736, %add3A_738, %select_n3A_680 : vector<16xi1>, vector<16xf32>
      %add3A_740 = arith.constant 11 : i32
      %add3A_741 = arith.addi %mul3A_89, %add3A_740 : i32
      %mul3A_742 = arith.constant 128 : i32
      %mul3A_743 = arith.muli %add3A_741, %mul3A_742 : i32
      %get3A_744 = arith.index_cast %mul3A_743 : i32 to index
      %get3A_745 = tpu.vector_load %arg7[%get3A_744] {strides = array<i32>} : memref<51200xf32, #tpu.memory_space<vmem>>, vector<16xf32>,
      %mul3A_746 = arith.mulf %get3A_745, %get3A_66 : vector<16xf32>
      %add3A_747 = arith.constant 16 : i32
      %add3A_748 = arith.addi %mul3A_743, %add3A_747 : i32
      %get3A_749 = arith.index_cast %add3A_748 : i32 to index
      %get3A_750 = tpu.vector_load %arg7[%get3A_749] {strides = array<i32>} : memref<51200xf32, #tpu.memory_space<vmem>>, vector<16xf32>,
      %mul3A_751 = arith.mulf %get3A_750, %get3A_68 : vector<16xf32>
      %add3A_752 = arith.addf %mul3A_746, %mul3A_751 : vector<16xf32>
      %add3A_753 = arith.constant 32 : i32
      %add3A_754 = arith.addi %mul3A_743, %add3A_753 : i32
      %get3A_755 = arith.index_cast %add3A_754 : i32 to index
      %get3A_756 = tpu.vector_load %arg7[%get3A_755] {strides = array<i32>} : memref<51200xf32, #tpu.memory_space<vmem>>, vector<16xf32>,
      %mul3A_757 = arith.mulf %get3A_756, %get3A_70 : vector<16xf32>
      %add3A_758 = arith.addf %add3A_752, %mul3A_757 : vector<16xf32>
      %add3A_759 = arith.constant 48 : i32
      %add3A_760 = arith.addi %mul3A_743, %add3A_759 : i32
      %get3A_761 = arith.index_cast %add3A_760 : i32 to index
      %get3A_762 = tpu.vector_load %arg7[%get3A_761] {strides = array<i32>} : memref<51200xf32, #tpu.memory_space<vmem>>, vector<16xf32>,
      %mul3A_763 = arith.mulf %get3A_762, %get3A_72 : vector<16xf32>
      %add3A_764 = arith.addf %add3A_758, %mul3A_763 : vector<16xf32>
      %add3A_765 = arith.constant 64 : i32
      %add3A_766 = arith.addi %mul3A_743, %add3A_765 : i32
      %get3A_767 = arith.index_cast %add3A_766 : i32 to index
      %get3A_768 = tpu.vector_load %arg7[%get3A_767] {strides = array<i32>} : memref<51200xf32, #tpu.memory_space<vmem>>, vector<16xf32>,
      %mul3A_769 = arith.mulf %get3A_768, %get3A_74 : vector<16xf32>
      %add3A_770 = arith.addf %add3A_764, %mul3A_769 : vector<16xf32>
      %add3A_771 = arith.constant 80 : i32
      %add3A_772 = arith.addi %mul3A_743, %add3A_771 : i32
      %get3A_773 = arith.index_cast %add3A_772 : i32 to index
      %get3A_774 = tpu.vector_load %arg7[%get3A_773] {strides = array<i32>} : memref<51200xf32, #tpu.memory_space<vmem>>, vector<16xf32>,
      %mul3A_775 = arith.mulf %get3A_774, %get3A_76 : vector<16xf32>
      %add3A_776 = arith.addf %add3A_770, %mul3A_775 : vector<16xf32>
      %add3A_777 = arith.constant 96 : i32
      %add3A_778 = arith.addi %mul3A_743, %add3A_777 : i32
      %get3A_779 = arith.index_cast %add3A_778 : i32 to index
      %get3A_780 = tpu.vector_load %arg7[%get3A_779] {strides = array<i32>} : memref<51200xf32, #tpu.memory_space<vmem>>, vector<16xf32>,
      %mul3A_781 = arith.mulf %get3A_780, %get3A_78 : vector<16xf32>
      %add3A_782 = arith.addf %add3A_776, %mul3A_781 : vector<16xf32>
      %add3A_783 = arith.constant 112 : i32
      %add3A_784 = arith.addi %mul3A_743, %add3A_783 : i32
      %get3A_785 = arith.index_cast %add3A_784 : i32 to index
      %get3A_786 = tpu.vector_load %arg7[%get3A_785] {strides = array<i32>} : memref<51200xf32, #tpu.memory_space<vmem>>, vector<16xf32>,
      %mul3A_787 = arith.mulf %get3A_786, %get3A_80 : vector<16xf32>
      %add3A_788 = arith.addf %add3A_782, %mul3A_787 : vector<16xf32>
      %reduce_sum3A_789 = arith.constant true
      %reduce_sum3A_790 = vector.broadcast %reduce_sum3A_789 : i1 to vector<16xi1>
      %reduce_sum3A_791 = tpu.scan <sum>, %add3A_788 masked %reduce_sum3A_790 : vector<16xf32>, vector<16xi1> -> vector<16xf32>
      %reduce_sum3A_792 = vector.extract %reduce_sum3A_791[15] : f32 from vector<16xf32>
      %eq3A_793 = arith.constant 11 : i32
      %eq3A_794 = vector.broadcast %eq3A_793 : i32 to vector<16xi32>
      %eq3A_795 = arith.cmpi eq, %iota3A_64, %eq3A_794 : vector<16xi32>
      %add3A_796 = vector.broadcast %reduce_sum3A_792 : f32 to vector<16xf32>
      %add3A_797 = arith.addf %select_n3A_739, %add3A_796 : vector<16xf32>
      %select_n3A_798 = arith.select %eq3A_795, %add3A_797, %select_n3A_739 : vector<16xi1>, vector<16xf32>
      %add3A_799 = arith.constant 12 : i32
      %add3A_800 = arith.addi %mul3A_89, %add3A_799 : i32
      %mul3A_801 = arith.constant 128 : i32
      %mul3A_802 = arith.muli %add3A_800, %mul3A_801 : i32
      %get3A_803 = arith.index_cast %mul3A_802 : i32 to index
      %get3A_804 = tpu.vector_load %arg7[%get3A_803] {strides = array<i32>} : memref<51200xf32, #tpu.memory_space<vmem>>, vector<16xf32>,
      %mul3A_805 = arith.mulf %get3A_804, %get3A_66 : vector<16xf32>
      %add3A_806 = arith.constant 16 : i32
      %add3A_807 = arith.addi %mul3A_802, %add3A_806 : i32
      %get3A_808 = arith.index_cast %add3A_807 : i32 to index
      %get3A_809 = tpu.vector_load %arg7[%get3A_808] {strides = array<i32>} : memref<51200xf32, #tpu.memory_space<vmem>>, vector<16xf32>,
      %mul3A_810 = arith.mulf %get3A_809, %get3A_68 : vector<16xf32>
      %add3A_811 = arith.addf %mul3A_805, %mul3A_810 : vector<16xf32>
      %add3A_812 = arith.constant 32 : i32
      %add3A_813 = arith.addi %mul3A_802, %add3A_812 : i32
      %get3A_814 = arith.index_cast %add3A_813 : i32 to index
      %get3A_815 = tpu.vector_load %arg7[%get3A_814] {strides = array<i32>} : memref<51200xf32, #tpu.memory_space<vmem>>, vector<16xf32>,
      %mul3A_816 = arith.mulf %get3A_815, %get3A_70 : vector<16xf32>
      %add3A_817 = arith.addf %add3A_811, %mul3A_816 : vector<16xf32>
      %add3A_818 = arith.constant 48 : i32
      %add3A_819 = arith.addi %mul3A_802, %add3A_818 : i32
      %get3A_820 = arith.index_cast %add3A_819 : i32 to index
      %get3A_821 = tpu.vector_load %arg7[%get3A_820] {strides = array<i32>} : memref<51200xf32, #tpu.memory_space<vmem>>, vector<16xf32>,
      %mul3A_822 = arith.mulf %get3A_821, %get3A_72 : vector<16xf32>
      %add3A_823 = arith.addf %add3A_817, %mul3A_822 : vector<16xf32>
      %add3A_824 = arith.constant 64 : i32
      %add3A_825 = arith.addi %mul3A_802, %add3A_824 : i32
      %get3A_826 = arith.index_cast %add3A_825 : i32 to index
      %get3A_827 = tpu.vector_load %arg7[%get3A_826] {strides = array<i32>} : memref<51200xf32, #tpu.memory_space<vmem>>, vector<16xf32>,
      %mul3A_828 = arith.mulf %get3A_827, %get3A_74 : vector<16xf32>
      %add3A_829 = arith.addf %add3A_823, %mul3A_828 : vector<16xf32>
      %add3A_830 = arith.constant 80 : i32
      %add3A_831 = arith.addi %mul3A_802, %add3A_830 : i32
      %get3A_832 = arith.index_cast %add3A_831 : i32 to index
      %get3A_833 = tpu.vector_load %arg7[%get3A_832] {strides = array<i32>} : memref<51200xf32, #tpu.memory_space<vmem>>, vector<16xf32>,
      %mul3A_834 = arith.mulf %get3A_833, %get3A_76 : vector<16xf32>
      %add3A_835 = arith.addf %add3A_829, %mul3A_834 : vector<16xf32>
      %add3A_836 = arith.constant 96 : i32
      %add3A_837 = arith.addi %mul3A_802, %add3A_836 : i32
      %get3A_838 = arith.index_cast %add3A_837 : i32 to index
      %get3A_839 = tpu.vector_load %arg7[%get3A_838] {strides = array<i32>} : memref<51200xf32, #tpu.memory_space<vmem>>, vector<16xf32>,
      %mul3A_840 = arith.mulf %get3A_839, %get3A_78 : vector<16xf32>
      %add3A_841 = arith.addf %add3A_835, %mul3A_840 : vector<16xf32>
      %add3A_842 = arith.constant 112 : i32
      %add3A_843 = arith.addi %mul3A_802, %add3A_842 : i32
      %get3A_844 = arith.index_cast %add3A_843 : i32 to index
      %get3A_845 = tpu.vector_load %arg7[%get3A_844] {strides = array<i32>} : memref<51200xf32, #tpu.memory_space<vmem>>, vector<16xf32>,
      %mul3A_846 = arith.mulf %get3A_845, %get3A_80 : vector<16xf32>
      %add3A_847 = arith.addf %add3A_841, %mul3A_846 : vector<16xf32>
      %reduce_sum3A_848 = arith.constant true
      %reduce_sum3A_849 = vector.broadcast %reduce_sum3A_848 : i1 to vector<16xi1>
      %reduce_sum3A_850 = tpu.scan <sum>, %add3A_847 masked %reduce_sum3A_849 : vector<16xf32>, vector<16xi1> -> vector<16xf32>
      %reduce_sum3A_851 = vector.extract %reduce_sum3A_850[15] : f32 from vector<16xf32>
      %eq3A_852 = arith.constant 12 : i32
      %eq3A_853 = vector.broadcast %eq3A_852 : i32 to vector<16xi32>
      %eq3A_854 = arith.cmpi eq, %iota3A_64, %eq3A_853 : vector<16xi32>
      %add3A_855 = vector.broadcast %reduce_sum3A_851 : f32 to vector<16xf32>
      %add3A_856 = arith.addf %select_n3A_798, %add3A_855 : vector<16xf32>
      %select_n3A_857 = arith.select %eq3A_854, %add3A_856, %select_n3A_798 : vector<16xi1>, vector<16xf32>
      %add3A_858 = arith.constant 13 : i32
      %add3A_859 = arith.addi %mul3A_89, %add3A_858 : i32
      %mul3A_860 = arith.constant 128 : i32
      %mul3A_861 = arith.muli %add3A_859, %mul3A_860 : i32
      %get3A_862 = arith.index_cast %mul3A_861 : i32 to index
      %get3A_863 = tpu.vector_load %arg7[%get3A_862] {strides = array<i32>} : memref<51200xf32, #tpu.memory_space<vmem>>, vector<16xf32>,
      %mul3A_864 = arith.mulf %get3A_863, %get3A_66 : vector<16xf32>
      %add3A_865 = arith.constant 16 : i32
      %add3A_866 = arith.addi %mul3A_861, %add3A_865 : i32
      %get3A_867 = arith.index_cast %add3A_866 : i32 to index
      %get3A_868 = tpu.vector_load %arg7[%get3A_867] {strides = array<i32>} : memref<51200xf32, #tpu.memory_space<vmem>>, vector<16xf32>,
      %mul3A_869 = arith.mulf %get3A_868, %get3A_68 : vector<16xf32>
      %add3A_870 = arith.addf %mul3A_864, %mul3A_869 : vector<16xf32>
      %add3A_871 = arith.constant 32 : i32
      %add3A_872 = arith.addi %mul3A_861, %add3A_871 : i32
      %get3A_873 = arith.index_cast %add3A_872 : i32 to index
      %get3A_874 = tpu.vector_load %arg7[%get3A_873] {strides = array<i32>} : memref<51200xf32, #tpu.memory_space<vmem>>, vector<16xf32>,
      %mul3A_875 = arith.mulf %get3A_874, %get3A_70 : vector<16xf32>
      %add3A_876 = arith.addf %add3A_870, %mul3A_875 : vector<16xf32>
      %add3A_877 = arith.constant 48 : i32
      %add3A_878 = arith.addi %mul3A_861, %add3A_877 : i32
      %get3A_879 = arith.index_cast %add3A_878 : i32 to index
      %get3A_880 = tpu.vector_load %arg7[%get3A_879] {strides = array<i32>} : memref<51200xf32, #tpu.memory_space<vmem>>, vector<16xf32>,
      %mul3A_881 = arith.mulf %get3A_880, %get3A_72 : vector<16xf32>
      %add3A_882 = arith.addf %add3A_876, %mul3A_881 : vector<16xf32>
      %add3A_883 = arith.constant 64 : i32
      %add3A_884 = arith.addi %mul3A_861, %add3A_883 : i32
      %get3A_885 = arith.index_cast %add3A_884 : i32 to index
      %get3A_886 = tpu.vector_load %arg7[%get3A_885] {strides = array<i32>} : memref<51200xf32, #tpu.memory_space<vmem>>, vector<16xf32>,
      %mul3A_887 = arith.mulf %get3A_886, %get3A_74 : vector<16xf32>
      %add3A_888 = arith.addf %add3A_882, %mul3A_887 : vector<16xf32>
      %add3A_889 = arith.constant 80 : i32
      %add3A_890 = arith.addi %mul3A_861, %add3A_889 : i32
      %get3A_891 = arith.index_cast %add3A_890 : i32 to index
      %get3A_892 = tpu.vector_load %arg7[%get3A_891] {strides = array<i32>} : memref<51200xf32, #tpu.memory_space<vmem>>, vector<16xf32>,
      %mul3A_893 = arith.mulf %get3A_892, %get3A_76 : vector<16xf32>
      %add3A_894 = arith.addf %add3A_888, %mul3A_893 : vector<16xf32>
      %add3A_895 = arith.constant 96 : i32
      %add3A_896 = arith.addi %mul3A_861, %add3A_895 : i32
      %get3A_897 = arith.index_cast %add3A_896 : i32 to index
      %get3A_898 = tpu.vector_load %arg7[%get3A_897] {strides = array<i32>} : memref<51200xf32, #tpu.memory_space<vmem>>, vector<16xf32>,
      %mul3A_899 = arith.mulf %get3A_898, %get3A_78 : vector<16xf32>
      %add3A_900 = arith.addf %add3A_894, %mul3A_899 : vector<16xf32>
      %add3A_901 = arith.constant 112 : i32
      %add3A_902 = arith.addi %mul3A_861, %add3A_901 : i32
      %get3A_903 = arith.index_cast %add3A_902 : i32 to index
      %get3A_904 = tpu.vector_load %arg7[%get3A_903] {strides = array<i32>} : memref<51200xf32, #tpu.memory_space<vmem>>, vector<16xf32>,
      %mul3A_905 = arith.mulf %get3A_904, %get3A_80 : vector<16xf32>
      %add3A_906 = arith.addf %add3A_900, %mul3A_905 : vector<16xf32>
      %reduce_sum3A_907 = arith.constant true
      %reduce_sum3A_908 = vector.broadcast %reduce_sum3A_907 : i1 to vector<16xi1>
      %reduce_sum3A_909 = tpu.scan <sum>, %add3A_906 masked %reduce_sum3A_908 : vector<16xf32>, vector<16xi1> -> vector<16xf32>
      %reduce_sum3A_910 = vector.extract %reduce_sum3A_909[15] : f32 from vector<16xf32>
      %eq3A_911 = arith.constant 13 : i32
      %eq3A_912 = vector.broadcast %eq3A_911 : i32 to vector<16xi32>
      %eq3A_913 = arith.cmpi eq, %iota3A_64, %eq3A_912 : vector<16xi32>
      %add3A_914 = vector.broadcast %reduce_sum3A_910 : f32 to vector<16xf32>
      %add3A_915 = arith.addf %select_n3A_857, %add3A_914 : vector<16xf32>
      %select_n3A_916 = arith.select %eq3A_913, %add3A_915, %select_n3A_857 : vector<16xi1>, vector<16xf32>
      %add3A_917 = arith.constant 14 : i32
      %add3A_918 = arith.addi %mul3A_89, %add3A_917 : i32
      %mul3A_919 = arith.constant 128 : i32
      %mul3A_920 = arith.muli %add3A_918, %mul3A_919 : i32
      %get3A_921 = arith.index_cast %mul3A_920 : i32 to index
      %get3A_922 = tpu.vector_load %arg7[%get3A_921] {strides = array<i32>} : memref<51200xf32, #tpu.memory_space<vmem>>, vector<16xf32>,
      %mul3A_923 = arith.mulf %get3A_922, %get3A_66 : vector<16xf32>
      %add3A_924 = arith.constant 16 : i32
      %add3A_925 = arith.addi %mul3A_920, %add3A_924 : i32
      %get3A_926 = arith.index_cast %add3A_925 : i32 to index
      %get3A_927 = tpu.vector_load %arg7[%get3A_926] {strides = array<i32>} : memref<51200xf32, #tpu.memory_space<vmem>>, vector<16xf32>,
      %mul3A_928 = arith.mulf %get3A_927, %get3A_68 : vector<16xf32>
      %add3A_929 = arith.addf %mul3A_923, %mul3A_928 : vector<16xf32>
      %add3A_930 = arith.constant 32 : i32
      %add3A_931 = arith.addi %mul3A_920, %add3A_930 : i32
      %get3A_932 = arith.index_cast %add3A_931 : i32 to index
      %get3A_933 = tpu.vector_load %arg7[%get3A_932] {strides = array<i32>} : memref<51200xf32, #tpu.memory_space<vmem>>, vector<16xf32>,
      %mul3A_934 = arith.mulf %get3A_933, %get3A_70 : vector<16xf32>
      %add3A_935 = arith.addf %add3A_929, %mul3A_934 : vector<16xf32>
      %add3A_936 = arith.constant 48 : i32
      %add3A_937 = arith.addi %mul3A_920, %add3A_936 : i32
      %get3A_938 = arith.index_cast %add3A_937 : i32 to index
      %get3A_939 = tpu.vector_load %arg7[%get3A_938] {strides = array<i32>} : memref<51200xf32, #tpu.memory_space<vmem>>, vector<16xf32>,
      %mul3A_940 = arith.mulf %get3A_939, %get3A_72 : vector<16xf32>
      %add3A_941 = arith.addf %add3A_935, %mul3A_940 : vector<16xf32>
      %add3A_942 = arith.constant 64 : i32
      %add3A_943 = arith.addi %mul3A_920, %add3A_942 : i32
      %get3A_944 = arith.index_cast %add3A_943 : i32 to index
      %get3A_945 = tpu.vector_load %arg7[%get3A_944] {strides = array<i32>} : memref<51200xf32, #tpu.memory_space<vmem>>, vector<16xf32>,
      %mul3A_946 = arith.mulf %get3A_945, %get3A_74 : vector<16xf32>
      %add3A_947 = arith.addf %add3A_941, %mul3A_946 : vector<16xf32>
      %add3A_948 = arith.constant 80 : i32
      %add3A_949 = arith.addi %mul3A_920, %add3A_948 : i32
      %get3A_950 = arith.index_cast %add3A_949 : i32 to index
      %get3A_951 = tpu.vector_load %arg7[%get3A_950] {strides = array<i32>} : memref<51200xf32, #tpu.memory_space<vmem>>, vector<16xf32>,
      %mul3A_952 = arith.mulf %get3A_951, %get3A_76 : vector<16xf32>
      %add3A_953 = arith.addf %add3A_947, %mul3A_952 : vector<16xf32>
      %add3A_954 = arith.constant 96 : i32
      %add3A_955 = arith.addi %mul3A_920, %add3A_954 : i32
      %get3A_956 = arith.index_cast %add3A_955 : i32 to index
      %get3A_957 = tpu.vector_load %arg7[%get3A_956] {strides = array<i32>} : memref<51200xf32, #tpu.memory_space<vmem>>, vector<16xf32>,
      %mul3A_958 = arith.mulf %get3A_957, %get3A_78 : vector<16xf32>
      %add3A_959 = arith.addf %add3A_953, %mul3A_958 : vector<16xf32>
      %add3A_960 = arith.constant 112 : i32
      %add3A_961 = arith.addi %mul3A_920, %add3A_960 : i32
      %get3A_962 = arith.index_cast %add3A_961 : i32 to index
      %get3A_963 = tpu.vector_load %arg7[%get3A_962] {strides = array<i32>} : memref<51200xf32, #tpu.memory_space<vmem>>, vector<16xf32>,
      %mul3A_964 = arith.mulf %get3A_963, %get3A_80 : vector<16xf32>
      %add3A_965 = arith.addf %add3A_959, %mul3A_964 : vector<16xf32>
      %reduce_sum3A_966 = arith.constant true
      %reduce_sum3A_967 = vector.broadcast %reduce_sum3A_966 : i1 to vector<16xi1>
      %reduce_sum3A_968 = tpu.scan <sum>, %add3A_965 masked %reduce_sum3A_967 : vector<16xf32>, vector<16xi1> -> vector<16xf32>
      %reduce_sum3A_969 = vector.extract %reduce_sum3A_968[15] : f32 from vector<16xf32>
      %eq3A_970 = arith.constant 14 : i32
      %eq3A_971 = vector.broadcast %eq3A_970 : i32 to vector<16xi32>
      %eq3A_972 = arith.cmpi eq, %iota3A_64, %eq3A_971 : vector<16xi32>
      %add3A_973 = vector.broadcast %reduce_sum3A_969 : f32 to vector<16xf32>
      %add3A_974 = arith.addf %select_n3A_916, %add3A_973 : vector<16xf32>
      %select_n3A_975 = arith.select %eq3A_972, %add3A_974, %select_n3A_916 : vector<16xi1>, vector<16xf32>
      %add3A_976 = arith.constant 15 : i32
      %add3A_977 = arith.addi %mul3A_89, %add3A_976 : i32
      %mul3A_978 = arith.constant 128 : i32
      %mul3A_979 = arith.muli %add3A_977, %mul3A_978 : i32
      %get3A_980 = arith.index_cast %mul3A_979 : i32 to index
      %get3A_981 = tpu.vector_load %arg7[%get3A_980] {strides = array<i32>} : memref<51200xf32, #tpu.memory_space<vmem>>, vector<16xf32>,
      %mul3A_982 = arith.mulf %get3A_981, %get3A_66 : vector<16xf32>
      %add3A_983 = arith.constant 16 : i32
      %add3A_984 = arith.addi %mul3A_979, %add3A_983 : i32
      %get3A_985 = arith.index_cast %add3A_984 : i32 to index
      %get3A_986 = tpu.vector_load %arg7[%get3A_985] {strides = array<i32>} : memref<51200xf32, #tpu.memory_space<vmem>>, vector<16xf32>,
      %mul3A_987 = arith.mulf %get3A_986, %get3A_68 : vector<16xf32>
      %add3A_988 = arith.addf %mul3A_982, %mul3A_987 : vector<16xf32>
      %add3A_989 = arith.constant 32 : i32
      %add3A_990 = arith.addi %mul3A_979, %add3A_989 : i32
      %get3A_991 = arith.index_cast %add3A_990 : i32 to index
      %get3A_992 = tpu.vector_load %arg7[%get3A_991] {strides = array<i32>} : memref<51200xf32, #tpu.memory_space<vmem>>, vector<16xf32>,
      %mul3A_993 = arith.mulf %get3A_992, %get3A_70 : vector<16xf32>
      %add3A_994 = arith.addf %add3A_988, %mul3A_993 : vector<16xf32>
      %add3A_995 = arith.constant 48 : i32
      %add3A_996 = arith.addi %mul3A_979, %add3A_995 : i32
      %get3A_997 = arith.index_cast %add3A_996 : i32 to index
      %get3A_998 = tpu.vector_load %arg7[%get3A_997] {strides = array<i32>} : memref<51200xf32, #tpu.memory_space<vmem>>, vector<16xf32>,
      %mul3A_999 = arith.mulf %get3A_998, %get3A_72 : vector<16xf32>
      %add3A_1000 = arith.addf %add3A_994, %mul3A_999 : vector<16xf32>
      %add3A_1001 = arith.constant 64 : i32
      %add3A_1002 = arith.addi %mul3A_979, %add3A_1001 : i32
      %get3A_1003 = arith.index_cast %add3A_1002 : i32 to index
      %get3A_1004 = tpu.vector_load %arg7[%get3A_1003] {strides = array<i32>} : memref<51200xf32, #tpu.memory_space<vmem>>, vector<16xf32>,
      %mul3A_1005 = arith.mulf %get3A_1004, %get3A_74 : vector<16xf32>
      %add3A_1006 = arith.addf %add3A_1000, %mul3A_1005 : vector<16xf32>
      %add3A_1007 = arith.constant 80 : i32
      %add3A_1008 = arith.addi %mul3A_979, %add3A_1007 : i32
      %get3A_1009 = arith.index_cast %add3A_1008 : i32 to index
      %get3A_1010 = tpu.vector_load %arg7[%get3A_1009] {strides = array<i32>} : memref<51200xf32, #tpu.memory_space<vmem>>, vector<16xf32>,
      %mul3A_1011 = arith.mulf %get3A_1010, %get3A_76 : vector<16xf32>
      %add3A_1012 = arith.addf %add3A_1006, %mul3A_1011 : vector<16xf32>
      %add3A_1013 = arith.constant 96 : i32
      %add3A_1014 = arith.addi %mul3A_979, %add3A_1013 : i32
      %get3A_1015 = arith.index_cast %add3A_1014 : i32 to index
      %get3A_1016 = tpu.vector_load %arg7[%get3A_1015] {strides = array<i32>} : memref<51200xf32, #tpu.memory_space<vmem>>, vector<16xf32>,
      %mul3A_1017 = arith.mulf %get3A_1016, %get3A_78 : vector<16xf32>
      %add3A_1018 = arith.addf %add3A_1012, %mul3A_1017 : vector<16xf32>
      %add3A_1019 = arith.constant 112 : i32
      %add3A_1020 = arith.addi %mul3A_979, %add3A_1019 : i32
      %get3A_1021 = arith.index_cast %add3A_1020 : i32 to index
      %get3A_1022 = tpu.vector_load %arg7[%get3A_1021] {strides = array<i32>} : memref<51200xf32, #tpu.memory_space<vmem>>, vector<16xf32>,
      %mul3A_1023 = arith.mulf %get3A_1022, %get3A_80 : vector<16xf32>
      %add3A_1024 = arith.addf %add3A_1018, %mul3A_1023 : vector<16xf32>
      %reduce_sum3A_1025 = arith.constant true
      %reduce_sum3A_1026 = vector.broadcast %reduce_sum3A_1025 : i1 to vector<16xi1>
      %reduce_sum3A_1027 = tpu.scan <sum>, %add3A_1024 masked %reduce_sum3A_1026 : vector<16xf32>, vector<16xi1> -> vector<16xf32>
      %reduce_sum3A_1028 = vector.extract %reduce_sum3A_1027[15] : f32 from vector<16xf32>
      %eq3A_1029 = arith.constant 15 : i32
      %eq3A_1030 = vector.broadcast %eq3A_1029 : i32 to vector<16xi32>
      %eq3A_1031 = arith.cmpi eq, %iota3A_64, %eq3A_1030 : vector<16xi32>
      %add3A_1032 = vector.broadcast %reduce_sum3A_1028 : f32 to vector<16xf32>
      %add3A_1033 = arith.addf %select_n3A_975, %add3A_1032 : vector<16xf32>
      %select_n3A_1034 = arith.select %eq3A_1031, %add3A_1033, %select_n3A_975 : vector<16xi1>, vector<16xf32>
      %add3A_1035 = arith.constant 800 : i32
      %add3A_1036 = arith.addi %add3A_1035, %mul3A_89 : i32
      %swap3A = arith.index_cast %add3A_1036 : i32 to index
      %swap3A_1037 = tpu.vector_load %arg9[%swap3A] {strides = array<i32>} : memref<1200xf32, #tpu.memory_space<vmem>>, vector<16xf32>,
      tpu.vector_store %arg9[%swap3A], %select_n3A_1034 {strides = array<i32>} : memref<1200xf32, #tpu.memory_space<vmem>>, vector<16xf32>,
    }
    %scan3A_86 = arith.constant 25 : i32
    "tpu.region"() ({
      %run_scoped3A = tpu.sem_alloc : memref<!tpu.dma_semaphore, #tpu.memory_space<semaphore_mem>>
      %dma_start3A = tpu.memref_slice %arg5[%mul3A_2] : memref<38400xf32, #tpu.memory_space<hbm>> -> memref<1200xf32, #tpu.memory_space<hbm>>
      %dma_start3A_87 = tpu.memref_slice %arg5[%mul3A_2] : memref<38400xf32, #tpu.memory_space<hbm>> -> memref<1200xf32, #tpu.memory_space<hbm>>
      tpu.enqueue_dma source(%arg9 : memref<1200xf32, #tpu.memory_space<vmem>>) target(%dma_start3A_87 : memref<1200xf32, #tpu.memory_space<hbm>>) target_semaphore(%run_scoped3A : memref<!tpu.dma_semaphore, #tpu.memory_space<semaphore_mem>>)
      %dma_wait3A = tpu.memref_slice %arg5[%mul3A_2] : memref<38400xf32, #tpu.memory_space<hbm>> -> memref<1200xf32, #tpu.memory_space<hbm>>
      %dma_wait3A_88 = tpu.memref_slice %arg5[%mul3A_2] : memref<38400xf32, #tpu.memory_space<hbm>> -> memref<1200xf32, #tpu.memory_space<hbm>>
      tpu.wait_dma2 semaphore(%run_scoped3A : memref<!tpu.dma_semaphore, #tpu.memory_space<semaphore_mem>>) src(%arg9 : memref<1200xf32, #tpu.memory_space<vmem>>) dst(%dma_wait3A_88 : memref<1200xf32, #tpu.memory_space<hbm>>)
      tpu.yield
    }) : () -> ()
    return
  }
}

module attributes {stable_mosaic.version = 14 : i64} {
  func.func @_a_body(%arg0: memref<50xi32, #tpu.memory_space<smem>>, %arg1: memref<100000x64xf32, #tpu.memory_space<any>>, %arg2: memref<128x3200xf32, #tpu.memory_space<vmem>>, %arg3: memref<1x128xf32, #tpu.memory_space<vmem>>, %arg4: memref<1x128xf32, #tpu.memory_space<vmem>>, %arg5: memref<!tpu.dma_semaphore, #tpu.memory_space<semaphore_mem>>, %arg6: memref<50x64xf32, #tpu.memory_space<vmem>>) attributes {dimension_semantics = [], scalar_prefetch = 0 : i64, scratch_operands = 2 : i64, tpu.core_type = #tpu.core_type<tc>} {
    %get3A = arith.constant 0 : index
    %get3A_0 = memref.load %arg0[%get3A] : memref<50xi32, #tpu.memory_space<smem>>
    %get3A_1 = arith.constant 1 : index
    %get3A_2 = memref.load %arg0[%get3A_1] : memref<50xi32, #tpu.memory_space<smem>>
    %get3A_3 = arith.constant 2 : index
    %get3A_4 = memref.load %arg0[%get3A_3] : memref<50xi32, #tpu.memory_space<smem>>
    %get3A_5 = arith.constant 3 : index
    %get3A_6 = memref.load %arg0[%get3A_5] : memref<50xi32, #tpu.memory_space<smem>>
    %get3A_7 = arith.constant 4 : index
    %get3A_8 = memref.load %arg0[%get3A_7] : memref<50xi32, #tpu.memory_space<smem>>
    %get3A_9 = arith.constant 5 : index
    %get3A_10 = memref.load %arg0[%get3A_9] : memref<50xi32, #tpu.memory_space<smem>>
    %get3A_11 = arith.constant 6 : index
    %get3A_12 = memref.load %arg0[%get3A_11] : memref<50xi32, #tpu.memory_space<smem>>
    %get3A_13 = arith.constant 7 : index
    %get3A_14 = memref.load %arg0[%get3A_13] : memref<50xi32, #tpu.memory_space<smem>>
    %get3A_15 = arith.constant 8 : index
    %get3A_16 = memref.load %arg0[%get3A_15] : memref<50xi32, #tpu.memory_space<smem>>
    %get3A_17 = arith.constant 9 : index
    %get3A_18 = memref.load %arg0[%get3A_17] : memref<50xi32, #tpu.memory_space<smem>>
    %get3A_19 = arith.constant 10 : index
    %get3A_20 = memref.load %arg0[%get3A_19] : memref<50xi32, #tpu.memory_space<smem>>
    %get3A_21 = arith.constant 11 : index
    %get3A_22 = memref.load %arg0[%get3A_21] : memref<50xi32, #tpu.memory_space<smem>>
    %get3A_23 = arith.constant 12 : index
    %get3A_24 = memref.load %arg0[%get3A_23] : memref<50xi32, #tpu.memory_space<smem>>
    %get3A_25 = arith.constant 13 : index
    %get3A_26 = memref.load %arg0[%get3A_25] : memref<50xi32, #tpu.memory_space<smem>>
    %get3A_27 = arith.constant 14 : index
    %get3A_28 = memref.load %arg0[%get3A_27] : memref<50xi32, #tpu.memory_space<smem>>
    %get3A_29 = arith.constant 15 : index
    %get3A_30 = memref.load %arg0[%get3A_29] : memref<50xi32, #tpu.memory_space<smem>>
    %get3A_31 = arith.constant 16 : index
    %get3A_32 = memref.load %arg0[%get3A_31] : memref<50xi32, #tpu.memory_space<smem>>
    %get3A_33 = arith.constant 17 : index
    %get3A_34 = memref.load %arg0[%get3A_33] : memref<50xi32, #tpu.memory_space<smem>>
    %get3A_35 = arith.constant 18 : index
    %get3A_36 = memref.load %arg0[%get3A_35] : memref<50xi32, #tpu.memory_space<smem>>
    %get3A_37 = arith.constant 19 : index
    %get3A_38 = memref.load %arg0[%get3A_37] : memref<50xi32, #tpu.memory_space<smem>>
    %get3A_39 = arith.constant 20 : index
    %get3A_40 = memref.load %arg0[%get3A_39] : memref<50xi32, #tpu.memory_space<smem>>
    %get3A_41 = arith.constant 21 : index
    %get3A_42 = memref.load %arg0[%get3A_41] : memref<50xi32, #tpu.memory_space<smem>>
    %get3A_43 = arith.constant 22 : index
    %get3A_44 = memref.load %arg0[%get3A_43] : memref<50xi32, #tpu.memory_space<smem>>
    %get3A_45 = arith.constant 23 : index
    %get3A_46 = memref.load %arg0[%get3A_45] : memref<50xi32, #tpu.memory_space<smem>>
    %get3A_47 = arith.constant 24 : index
    %get3A_48 = memref.load %arg0[%get3A_47] : memref<50xi32, #tpu.memory_space<smem>>
    %get3A_49 = arith.constant 25 : index
    %get3A_50 = memref.load %arg0[%get3A_49] : memref<50xi32, #tpu.memory_space<smem>>
    %get3A_51 = arith.constant 26 : index
    %get3A_52 = memref.load %arg0[%get3A_51] : memref<50xi32, #tpu.memory_space<smem>>
    %get3A_53 = arith.constant 27 : index
    %get3A_54 = memref.load %arg0[%get3A_53] : memref<50xi32, #tpu.memory_space<smem>>
    %get3A_55 = arith.constant 28 : index
    %get3A_56 = memref.load %arg0[%get3A_55] : memref<50xi32, #tpu.memory_space<smem>>
    %get3A_57 = arith.constant 29 : index
    %get3A_58 = memref.load %arg0[%get3A_57] : memref<50xi32, #tpu.memory_space<smem>>
    %get3A_59 = arith.constant 30 : index
    %get3A_60 = memref.load %arg0[%get3A_59] : memref<50xi32, #tpu.memory_space<smem>>
    %get3A_61 = arith.constant 31 : index
    %get3A_62 = memref.load %arg0[%get3A_61] : memref<50xi32, #tpu.memory_space<smem>>
    %get3A_63 = arith.constant 32 : index
    %get3A_64 = memref.load %arg0[%get3A_63] : memref<50xi32, #tpu.memory_space<smem>>
    %get3A_65 = arith.constant 33 : index
    %get3A_66 = memref.load %arg0[%get3A_65] : memref<50xi32, #tpu.memory_space<smem>>
    %get3A_67 = arith.constant 34 : index
    %get3A_68 = memref.load %arg0[%get3A_67] : memref<50xi32, #tpu.memory_space<smem>>
    %get3A_69 = arith.constant 35 : index
    %get3A_70 = memref.load %arg0[%get3A_69] : memref<50xi32, #tpu.memory_space<smem>>
    %get3A_71 = arith.constant 36 : index
    %get3A_72 = memref.load %arg0[%get3A_71] : memref<50xi32, #tpu.memory_space<smem>>
    %get3A_73 = arith.constant 37 : index
    %get3A_74 = memref.load %arg0[%get3A_73] : memref<50xi32, #tpu.memory_space<smem>>
    %get3A_75 = arith.constant 38 : index
    %get3A_76 = memref.load %arg0[%get3A_75] : memref<50xi32, #tpu.memory_space<smem>>
    %get3A_77 = arith.constant 39 : index
    %get3A_78 = memref.load %arg0[%get3A_77] : memref<50xi32, #tpu.memory_space<smem>>
    %get3A_79 = arith.constant 40 : index
    %get3A_80 = memref.load %arg0[%get3A_79] : memref<50xi32, #tpu.memory_space<smem>>
    %get3A_81 = arith.constant 41 : index
    %get3A_82 = memref.load %arg0[%get3A_81] : memref<50xi32, #tpu.memory_space<smem>>
    %get3A_83 = arith.constant 42 : index
    %get3A_84 = memref.load %arg0[%get3A_83] : memref<50xi32, #tpu.memory_space<smem>>
    %get3A_85 = arith.constant 43 : index
    %get3A_86 = memref.load %arg0[%get3A_85] : memref<50xi32, #tpu.memory_space<smem>>
    %get3A_87 = arith.constant 44 : index
    %get3A_88 = memref.load %arg0[%get3A_87] : memref<50xi32, #tpu.memory_space<smem>>
    %get3A_89 = arith.constant 45 : index
    %get3A_90 = memref.load %arg0[%get3A_89] : memref<50xi32, #tpu.memory_space<smem>>
    %get3A_91 = arith.constant 46 : index
    %get3A_92 = memref.load %arg0[%get3A_91] : memref<50xi32, #tpu.memory_space<smem>>
    %get3A_93 = arith.constant 47 : index
    %get3A_94 = memref.load %arg0[%get3A_93] : memref<50xi32, #tpu.memory_space<smem>>
    %get3A_95 = arith.constant 48 : index
    %get3A_96 = memref.load %arg0[%get3A_95] : memref<50xi32, #tpu.memory_space<smem>>
    %get3A_97 = arith.constant 49 : index
    %get3A_98 = memref.load %arg0[%get3A_97] : memref<50xi32, #tpu.memory_space<smem>>
    %dma_start3A = arith.constant 0 : i32
    %dma_start3A_99 = arith.constant 0 : i32
    %dma_start3A_100 = tpu.memref_slice %arg6[%dma_start3A, %dma_start3A_99] : memref<50x64xf32, #tpu.memory_space<vmem>> -> memref<1x64xf32, #tpu.memory_space<vmem>>
    %dma_start3A_101 = arith.constant 0 : i32
    %dma_start3A_102 = tpu.memref_slice %arg1[%get3A_0, %dma_start3A_101] : memref<100000x64xf32, #tpu.memory_space<any>> -> memref<1x64xf32, #tpu.memory_space<any>>
    tpu.enqueue_dma source(%dma_start3A_102 : memref<1x64xf32, #tpu.memory_space<any>>) target(%dma_start3A_100 : memref<1x64xf32, #tpu.memory_space<vmem>>) target_semaphore(%arg5 : memref<!tpu.dma_semaphore, #tpu.memory_space<semaphore_mem>>)
    %dma_start3A_103 = arith.constant 1 : i32
    %dma_start3A_104 = arith.constant 0 : i32
    %dma_start3A_105 = tpu.memref_slice %arg6[%dma_start3A_103, %dma_start3A_104] : memref<50x64xf32, #tpu.memory_space<vmem>> -> memref<1x64xf32, #tpu.memory_space<vmem>>
    %dma_start3A_106 = arith.constant 0 : i32
    %dma_start3A_107 = tpu.memref_slice %arg1[%get3A_2, %dma_start3A_106] : memref<100000x64xf32, #tpu.memory_space<any>> -> memref<1x64xf32, #tpu.memory_space<any>>
    tpu.enqueue_dma source(%dma_start3A_107 : memref<1x64xf32, #tpu.memory_space<any>>) target(%dma_start3A_105 : memref<1x64xf32, #tpu.memory_space<vmem>>) target_semaphore(%arg5 : memref<!tpu.dma_semaphore, #tpu.memory_space<semaphore_mem>>)
    %dma_start3A_108 = arith.constant 2 : i32
    %dma_start3A_109 = arith.constant 0 : i32
    %dma_start3A_110 = tpu.memref_slice %arg6[%dma_start3A_108, %dma_start3A_109] : memref<50x64xf32, #tpu.memory_space<vmem>> -> memref<1x64xf32, #tpu.memory_space<vmem>>
    %dma_start3A_111 = arith.constant 0 : i32
    %dma_start3A_112 = tpu.memref_slice %arg1[%get3A_4, %dma_start3A_111] : memref<100000x64xf32, #tpu.memory_space<any>> -> memref<1x64xf32, #tpu.memory_space<any>>
    tpu.enqueue_dma source(%dma_start3A_112 : memref<1x64xf32, #tpu.memory_space<any>>) target(%dma_start3A_110 : memref<1x64xf32, #tpu.memory_space<vmem>>) target_semaphore(%arg5 : memref<!tpu.dma_semaphore, #tpu.memory_space<semaphore_mem>>)
    %dma_start3A_113 = arith.constant 3 : i32
    %dma_start3A_114 = arith.constant 0 : i32
    %dma_start3A_115 = tpu.memref_slice %arg6[%dma_start3A_113, %dma_start3A_114] : memref<50x64xf32, #tpu.memory_space<vmem>> -> memref<1x64xf32, #tpu.memory_space<vmem>>
    %dma_start3A_116 = arith.constant 0 : i32
    %dma_start3A_117 = tpu.memref_slice %arg1[%get3A_6, %dma_start3A_116] : memref<100000x64xf32, #tpu.memory_space<any>> -> memref<1x64xf32, #tpu.memory_space<any>>
    tpu.enqueue_dma source(%dma_start3A_117 : memref<1x64xf32, #tpu.memory_space<any>>) target(%dma_start3A_115 : memref<1x64xf32, #tpu.memory_space<vmem>>) target_semaphore(%arg5 : memref<!tpu.dma_semaphore, #tpu.memory_space<semaphore_mem>>)
    %dma_start3A_118 = arith.constant 4 : i32
    %dma_start3A_119 = arith.constant 0 : i32
    %dma_start3A_120 = tpu.memref_slice %arg6[%dma_start3A_118, %dma_start3A_119] : memref<50x64xf32, #tpu.memory_space<vmem>> -> memref<1x64xf32, #tpu.memory_space<vmem>>
    %dma_start3A_121 = arith.constant 0 : i32
    %dma_start3A_122 = tpu.memref_slice %arg1[%get3A_8, %dma_start3A_121] : memref<100000x64xf32, #tpu.memory_space<any>> -> memref<1x64xf32, #tpu.memory_space<any>>
    tpu.enqueue_dma source(%dma_start3A_122 : memref<1x64xf32, #tpu.memory_space<any>>) target(%dma_start3A_120 : memref<1x64xf32, #tpu.memory_space<vmem>>) target_semaphore(%arg5 : memref<!tpu.dma_semaphore, #tpu.memory_space<semaphore_mem>>)
    %dma_start3A_123 = arith.constant 5 : i32
    %dma_start3A_124 = arith.constant 0 : i32
    %dma_start3A_125 = tpu.memref_slice %arg6[%dma_start3A_123, %dma_start3A_124] : memref<50x64xf32, #tpu.memory_space<vmem>> -> memref<1x64xf32, #tpu.memory_space<vmem>>
    %dma_start3A_126 = arith.constant 0 : i32
    %dma_start3A_127 = tpu.memref_slice %arg1[%get3A_10, %dma_start3A_126] : memref<100000x64xf32, #tpu.memory_space<any>> -> memref<1x64xf32, #tpu.memory_space<any>>
    tpu.enqueue_dma source(%dma_start3A_127 : memref<1x64xf32, #tpu.memory_space<any>>) target(%dma_start3A_125 : memref<1x64xf32, #tpu.memory_space<vmem>>) target_semaphore(%arg5 : memref<!tpu.dma_semaphore, #tpu.memory_space<semaphore_mem>>)
    %dma_start3A_128 = arith.constant 6 : i32
    %dma_start3A_129 = arith.constant 0 : i32
    %dma_start3A_130 = tpu.memref_slice %arg6[%dma_start3A_128, %dma_start3A_129] : memref<50x64xf32, #tpu.memory_space<vmem>> -> memref<1x64xf32, #tpu.memory_space<vmem>>
    %dma_start3A_131 = arith.constant 0 : i32
    %dma_start3A_132 = tpu.memref_slice %arg1[%get3A_12, %dma_start3A_131] : memref<100000x64xf32, #tpu.memory_space<any>> -> memref<1x64xf32, #tpu.memory_space<any>>
    tpu.enqueue_dma source(%dma_start3A_132 : memref<1x64xf32, #tpu.memory_space<any>>) target(%dma_start3A_130 : memref<1x64xf32, #tpu.memory_space<vmem>>) target_semaphore(%arg5 : memref<!tpu.dma_semaphore, #tpu.memory_space<semaphore_mem>>)
    %dma_start3A_133 = arith.constant 7 : i32
    %dma_start3A_134 = arith.constant 0 : i32
    %dma_start3A_135 = tpu.memref_slice %arg6[%dma_start3A_133, %dma_start3A_134] : memref<50x64xf32, #tpu.memory_space<vmem>> -> memref<1x64xf32, #tpu.memory_space<vmem>>
    %dma_start3A_136 = arith.constant 0 : i32
    %dma_start3A_137 = tpu.memref_slice %arg1[%get3A_14, %dma_start3A_136] : memref<100000x64xf32, #tpu.memory_space<any>> -> memref<1x64xf32, #tpu.memory_space<any>>
    tpu.enqueue_dma source(%dma_start3A_137 : memref<1x64xf32, #tpu.memory_space<any>>) target(%dma_start3A_135 : memref<1x64xf32, #tpu.memory_space<vmem>>) target_semaphore(%arg5 : memref<!tpu.dma_semaphore, #tpu.memory_space<semaphore_mem>>)
    %dma_start3A_138 = arith.constant 8 : i32
    %dma_start3A_139 = arith.constant 0 : i32
    %dma_start3A_140 = tpu.memref_slice %arg6[%dma_start3A_138, %dma_start3A_139] : memref<50x64xf32, #tpu.memory_space<vmem>> -> memref<1x64xf32, #tpu.memory_space<vmem>>
    %dma_start3A_141 = arith.constant 0 : i32
    %dma_start3A_142 = tpu.memref_slice %arg1[%get3A_16, %dma_start3A_141] : memref<100000x64xf32, #tpu.memory_space<any>> -> memref<1x64xf32, #tpu.memory_space<any>>
    tpu.enqueue_dma source(%dma_start3A_142 : memref<1x64xf32, #tpu.memory_space<any>>) target(%dma_start3A_140 : memref<1x64xf32, #tpu.memory_space<vmem>>) target_semaphore(%arg5 : memref<!tpu.dma_semaphore, #tpu.memory_space<semaphore_mem>>)
    %dma_start3A_143 = arith.constant 9 : i32
    %dma_start3A_144 = arith.constant 0 : i32
    %dma_start3A_145 = tpu.memref_slice %arg6[%dma_start3A_143, %dma_start3A_144] : memref<50x64xf32, #tpu.memory_space<vmem>> -> memref<1x64xf32, #tpu.memory_space<vmem>>
    %dma_start3A_146 = arith.constant 0 : i32
    %dma_start3A_147 = tpu.memref_slice %arg1[%get3A_18, %dma_start3A_146] : memref<100000x64xf32, #tpu.memory_space<any>> -> memref<1x64xf32, #tpu.memory_space<any>>
    tpu.enqueue_dma source(%dma_start3A_147 : memref<1x64xf32, #tpu.memory_space<any>>) target(%dma_start3A_145 : memref<1x64xf32, #tpu.memory_space<vmem>>) target_semaphore(%arg5 : memref<!tpu.dma_semaphore, #tpu.memory_space<semaphore_mem>>)
    %dma_start3A_148 = arith.constant 10 : i32
    %dma_start3A_149 = arith.constant 0 : i32
    %dma_start3A_150 = tpu.memref_slice %arg6[%dma_start3A_148, %dma_start3A_149] : memref<50x64xf32, #tpu.memory_space<vmem>> -> memref<1x64xf32, #tpu.memory_space<vmem>>
    %dma_start3A_151 = arith.constant 0 : i32
    %dma_start3A_152 = tpu.memref_slice %arg1[%get3A_20, %dma_start3A_151] : memref<100000x64xf32, #tpu.memory_space<any>> -> memref<1x64xf32, #tpu.memory_space<any>>
    tpu.enqueue_dma source(%dma_start3A_152 : memref<1x64xf32, #tpu.memory_space<any>>) target(%dma_start3A_150 : memref<1x64xf32, #tpu.memory_space<vmem>>) target_semaphore(%arg5 : memref<!tpu.dma_semaphore, #tpu.memory_space<semaphore_mem>>)
    %dma_start3A_153 = arith.constant 11 : i32
    %dma_start3A_154 = arith.constant 0 : i32
    %dma_start3A_155 = tpu.memref_slice %arg6[%dma_start3A_153, %dma_start3A_154] : memref<50x64xf32, #tpu.memory_space<vmem>> -> memref<1x64xf32, #tpu.memory_space<vmem>>
    %dma_start3A_156 = arith.constant 0 : i32
    %dma_start3A_157 = tpu.memref_slice %arg1[%get3A_22, %dma_start3A_156] : memref<100000x64xf32, #tpu.memory_space<any>> -> memref<1x64xf32, #tpu.memory_space<any>>
    tpu.enqueue_dma source(%dma_start3A_157 : memref<1x64xf32, #tpu.memory_space<any>>) target(%dma_start3A_155 : memref<1x64xf32, #tpu.memory_space<vmem>>) target_semaphore(%arg5 : memref<!tpu.dma_semaphore, #tpu.memory_space<semaphore_mem>>)
    %dma_start3A_158 = arith.constant 12 : i32
    %dma_start3A_159 = arith.constant 0 : i32
    %dma_start3A_160 = tpu.memref_slice %arg6[%dma_start3A_158, %dma_start3A_159] : memref<50x64xf32, #tpu.memory_space<vmem>> -> memref<1x64xf32, #tpu.memory_space<vmem>>
    %dma_start3A_161 = arith.constant 0 : i32
    %dma_start3A_162 = tpu.memref_slice %arg1[%get3A_24, %dma_start3A_161] : memref<100000x64xf32, #tpu.memory_space<any>> -> memref<1x64xf32, #tpu.memory_space<any>>
    tpu.enqueue_dma source(%dma_start3A_162 : memref<1x64xf32, #tpu.memory_space<any>>) target(%dma_start3A_160 : memref<1x64xf32, #tpu.memory_space<vmem>>) target_semaphore(%arg5 : memref<!tpu.dma_semaphore, #tpu.memory_space<semaphore_mem>>)
    %dma_start3A_163 = arith.constant 13 : i32
    %dma_start3A_164 = arith.constant 0 : i32
    %dma_start3A_165 = tpu.memref_slice %arg6[%dma_start3A_163, %dma_start3A_164] : memref<50x64xf32, #tpu.memory_space<vmem>> -> memref<1x64xf32, #tpu.memory_space<vmem>>
    %dma_start3A_166 = arith.constant 0 : i32
    %dma_start3A_167 = tpu.memref_slice %arg1[%get3A_26, %dma_start3A_166] : memref<100000x64xf32, #tpu.memory_space<any>> -> memref<1x64xf32, #tpu.memory_space<any>>
    tpu.enqueue_dma source(%dma_start3A_167 : memref<1x64xf32, #tpu.memory_space<any>>) target(%dma_start3A_165 : memref<1x64xf32, #tpu.memory_space<vmem>>) target_semaphore(%arg5 : memref<!tpu.dma_semaphore, #tpu.memory_space<semaphore_mem>>)
    %dma_start3A_168 = arith.constant 14 : i32
    %dma_start3A_169 = arith.constant 0 : i32
    %dma_start3A_170 = tpu.memref_slice %arg6[%dma_start3A_168, %dma_start3A_169] : memref<50x64xf32, #tpu.memory_space<vmem>> -> memref<1x64xf32, #tpu.memory_space<vmem>>
    %dma_start3A_171 = arith.constant 0 : i32
    %dma_start3A_172 = tpu.memref_slice %arg1[%get3A_28, %dma_start3A_171] : memref<100000x64xf32, #tpu.memory_space<any>> -> memref<1x64xf32, #tpu.memory_space<any>>
    tpu.enqueue_dma source(%dma_start3A_172 : memref<1x64xf32, #tpu.memory_space<any>>) target(%dma_start3A_170 : memref<1x64xf32, #tpu.memory_space<vmem>>) target_semaphore(%arg5 : memref<!tpu.dma_semaphore, #tpu.memory_space<semaphore_mem>>)
    %dma_start3A_173 = arith.constant 15 : i32
    %dma_start3A_174 = arith.constant 0 : i32
    %dma_start3A_175 = tpu.memref_slice %arg6[%dma_start3A_173, %dma_start3A_174] : memref<50x64xf32, #tpu.memory_space<vmem>> -> memref<1x64xf32, #tpu.memory_space<vmem>>
    %dma_start3A_176 = arith.constant 0 : i32
    %dma_start3A_177 = tpu.memref_slice %arg1[%get3A_30, %dma_start3A_176] : memref<100000x64xf32, #tpu.memory_space<any>> -> memref<1x64xf32, #tpu.memory_space<any>>
    tpu.enqueue_dma source(%dma_start3A_177 : memref<1x64xf32, #tpu.memory_space<any>>) target(%dma_start3A_175 : memref<1x64xf32, #tpu.memory_space<vmem>>) target_semaphore(%arg5 : memref<!tpu.dma_semaphore, #tpu.memory_space<semaphore_mem>>)
    %dma_start3A_178 = arith.constant 16 : i32
    %dma_start3A_179 = arith.constant 0 : i32
    %dma_start3A_180 = tpu.memref_slice %arg6[%dma_start3A_178, %dma_start3A_179] : memref<50x64xf32, #tpu.memory_space<vmem>> -> memref<1x64xf32, #tpu.memory_space<vmem>>
    %dma_start3A_181 = arith.constant 0 : i32
    %dma_start3A_182 = tpu.memref_slice %arg1[%get3A_32, %dma_start3A_181] : memref<100000x64xf32, #tpu.memory_space<any>> -> memref<1x64xf32, #tpu.memory_space<any>>
    tpu.enqueue_dma source(%dma_start3A_182 : memref<1x64xf32, #tpu.memory_space<any>>) target(%dma_start3A_180 : memref<1x64xf32, #tpu.memory_space<vmem>>) target_semaphore(%arg5 : memref<!tpu.dma_semaphore, #tpu.memory_space<semaphore_mem>>)
    %dma_start3A_183 = arith.constant 17 : i32
    %dma_start3A_184 = arith.constant 0 : i32
    %dma_start3A_185 = tpu.memref_slice %arg6[%dma_start3A_183, %dma_start3A_184] : memref<50x64xf32, #tpu.memory_space<vmem>> -> memref<1x64xf32, #tpu.memory_space<vmem>>
    %dma_start3A_186 = arith.constant 0 : i32
    %dma_start3A_187 = tpu.memref_slice %arg1[%get3A_34, %dma_start3A_186] : memref<100000x64xf32, #tpu.memory_space<any>> -> memref<1x64xf32, #tpu.memory_space<any>>
    tpu.enqueue_dma source(%dma_start3A_187 : memref<1x64xf32, #tpu.memory_space<any>>) target(%dma_start3A_185 : memref<1x64xf32, #tpu.memory_space<vmem>>) target_semaphore(%arg5 : memref<!tpu.dma_semaphore, #tpu.memory_space<semaphore_mem>>)
    %dma_start3A_188 = arith.constant 18 : i32
    %dma_start3A_189 = arith.constant 0 : i32
    %dma_start3A_190 = tpu.memref_slice %arg6[%dma_start3A_188, %dma_start3A_189] : memref<50x64xf32, #tpu.memory_space<vmem>> -> memref<1x64xf32, #tpu.memory_space<vmem>>
    %dma_start3A_191 = arith.constant 0 : i32
    %dma_start3A_192 = tpu.memref_slice %arg1[%get3A_36, %dma_start3A_191] : memref<100000x64xf32, #tpu.memory_space<any>> -> memref<1x64xf32, #tpu.memory_space<any>>
    tpu.enqueue_dma source(%dma_start3A_192 : memref<1x64xf32, #tpu.memory_space<any>>) target(%dma_start3A_190 : memref<1x64xf32, #tpu.memory_space<vmem>>) target_semaphore(%arg5 : memref<!tpu.dma_semaphore, #tpu.memory_space<semaphore_mem>>)
    %dma_start3A_193 = arith.constant 19 : i32
    %dma_start3A_194 = arith.constant 0 : i32
    %dma_start3A_195 = tpu.memref_slice %arg6[%dma_start3A_193, %dma_start3A_194] : memref<50x64xf32, #tpu.memory_space<vmem>> -> memref<1x64xf32, #tpu.memory_space<vmem>>
    %dma_start3A_196 = arith.constant 0 : i32
    %dma_start3A_197 = tpu.memref_slice %arg1[%get3A_38, %dma_start3A_196] : memref<100000x64xf32, #tpu.memory_space<any>> -> memref<1x64xf32, #tpu.memory_space<any>>
    tpu.enqueue_dma source(%dma_start3A_197 : memref<1x64xf32, #tpu.memory_space<any>>) target(%dma_start3A_195 : memref<1x64xf32, #tpu.memory_space<vmem>>) target_semaphore(%arg5 : memref<!tpu.dma_semaphore, #tpu.memory_space<semaphore_mem>>)
    %dma_start3A_198 = arith.constant 20 : i32
    %dma_start3A_199 = arith.constant 0 : i32
    %dma_start3A_200 = tpu.memref_slice %arg6[%dma_start3A_198, %dma_start3A_199] : memref<50x64xf32, #tpu.memory_space<vmem>> -> memref<1x64xf32, #tpu.memory_space<vmem>>
    %dma_start3A_201 = arith.constant 0 : i32
    %dma_start3A_202 = tpu.memref_slice %arg1[%get3A_40, %dma_start3A_201] : memref<100000x64xf32, #tpu.memory_space<any>> -> memref<1x64xf32, #tpu.memory_space<any>>
    tpu.enqueue_dma source(%dma_start3A_202 : memref<1x64xf32, #tpu.memory_space<any>>) target(%dma_start3A_200 : memref<1x64xf32, #tpu.memory_space<vmem>>) target_semaphore(%arg5 : memref<!tpu.dma_semaphore, #tpu.memory_space<semaphore_mem>>)
    %dma_start3A_203 = arith.constant 21 : i32
    %dma_start3A_204 = arith.constant 0 : i32
    %dma_start3A_205 = tpu.memref_slice %arg6[%dma_start3A_203, %dma_start3A_204] : memref<50x64xf32, #tpu.memory_space<vmem>> -> memref<1x64xf32, #tpu.memory_space<vmem>>
    %dma_start3A_206 = arith.constant 0 : i32
    %dma_start3A_207 = tpu.memref_slice %arg1[%get3A_42, %dma_start3A_206] : memref<100000x64xf32, #tpu.memory_space<any>> -> memref<1x64xf32, #tpu.memory_space<any>>
    tpu.enqueue_dma source(%dma_start3A_207 : memref<1x64xf32, #tpu.memory_space<any>>) target(%dma_start3A_205 : memref<1x64xf32, #tpu.memory_space<vmem>>) target_semaphore(%arg5 : memref<!tpu.dma_semaphore, #tpu.memory_space<semaphore_mem>>)
    %dma_start3A_208 = arith.constant 22 : i32
    %dma_start3A_209 = arith.constant 0 : i32
    %dma_start3A_210 = tpu.memref_slice %arg6[%dma_start3A_208, %dma_start3A_209] : memref<50x64xf32, #tpu.memory_space<vmem>> -> memref<1x64xf32, #tpu.memory_space<vmem>>
    %dma_start3A_211 = arith.constant 0 : i32
    %dma_start3A_212 = tpu.memref_slice %arg1[%get3A_44, %dma_start3A_211] : memref<100000x64xf32, #tpu.memory_space<any>> -> memref<1x64xf32, #tpu.memory_space<any>>
    tpu.enqueue_dma source(%dma_start3A_212 : memref<1x64xf32, #tpu.memory_space<any>>) target(%dma_start3A_210 : memref<1x64xf32, #tpu.memory_space<vmem>>) target_semaphore(%arg5 : memref<!tpu.dma_semaphore, #tpu.memory_space<semaphore_mem>>)
    %dma_start3A_213 = arith.constant 23 : i32
    %dma_start3A_214 = arith.constant 0 : i32
    %dma_start3A_215 = tpu.memref_slice %arg6[%dma_start3A_213, %dma_start3A_214] : memref<50x64xf32, #tpu.memory_space<vmem>> -> memref<1x64xf32, #tpu.memory_space<vmem>>
    %dma_start3A_216 = arith.constant 0 : i32
    %dma_start3A_217 = tpu.memref_slice %arg1[%get3A_46, %dma_start3A_216] : memref<100000x64xf32, #tpu.memory_space<any>> -> memref<1x64xf32, #tpu.memory_space<any>>
    tpu.enqueue_dma source(%dma_start3A_217 : memref<1x64xf32, #tpu.memory_space<any>>) target(%dma_start3A_215 : memref<1x64xf32, #tpu.memory_space<vmem>>) target_semaphore(%arg5 : memref<!tpu.dma_semaphore, #tpu.memory_space<semaphore_mem>>)
    %dma_start3A_218 = arith.constant 24 : i32
    %dma_start3A_219 = arith.constant 0 : i32
    %dma_start3A_220 = tpu.memref_slice %arg6[%dma_start3A_218, %dma_start3A_219] : memref<50x64xf32, #tpu.memory_space<vmem>> -> memref<1x64xf32, #tpu.memory_space<vmem>>
    %dma_start3A_221 = arith.constant 0 : i32
    %dma_start3A_222 = tpu.memref_slice %arg1[%get3A_48, %dma_start3A_221] : memref<100000x64xf32, #tpu.memory_space<any>> -> memref<1x64xf32, #tpu.memory_space<any>>
    tpu.enqueue_dma source(%dma_start3A_222 : memref<1x64xf32, #tpu.memory_space<any>>) target(%dma_start3A_220 : memref<1x64xf32, #tpu.memory_space<vmem>>) target_semaphore(%arg5 : memref<!tpu.dma_semaphore, #tpu.memory_space<semaphore_mem>>)
    %dma_start3A_223 = arith.constant 25 : i32
    %dma_start3A_224 = arith.constant 0 : i32
    %dma_start3A_225 = tpu.memref_slice %arg6[%dma_start3A_223, %dma_start3A_224] : memref<50x64xf32, #tpu.memory_space<vmem>> -> memref<1x64xf32, #tpu.memory_space<vmem>>
    %dma_start3A_226 = arith.constant 0 : i32
    %dma_start3A_227 = tpu.memref_slice %arg1[%get3A_50, %dma_start3A_226] : memref<100000x64xf32, #tpu.memory_space<any>> -> memref<1x64xf32, #tpu.memory_space<any>>
    tpu.enqueue_dma source(%dma_start3A_227 : memref<1x64xf32, #tpu.memory_space<any>>) target(%dma_start3A_225 : memref<1x64xf32, #tpu.memory_space<vmem>>) target_semaphore(%arg5 : memref<!tpu.dma_semaphore, #tpu.memory_space<semaphore_mem>>)
    %dma_start3A_228 = arith.constant 26 : i32
    %dma_start3A_229 = arith.constant 0 : i32
    %dma_start3A_230 = tpu.memref_slice %arg6[%dma_start3A_228, %dma_start3A_229] : memref<50x64xf32, #tpu.memory_space<vmem>> -> memref<1x64xf32, #tpu.memory_space<vmem>>
    %dma_start3A_231 = arith.constant 0 : i32
    %dma_start3A_232 = tpu.memref_slice %arg1[%get3A_52, %dma_start3A_231] : memref<100000x64xf32, #tpu.memory_space<any>> -> memref<1x64xf32, #tpu.memory_space<any>>
    tpu.enqueue_dma source(%dma_start3A_232 : memref<1x64xf32, #tpu.memory_space<any>>) target(%dma_start3A_230 : memref<1x64xf32, #tpu.memory_space<vmem>>) target_semaphore(%arg5 : memref<!tpu.dma_semaphore, #tpu.memory_space<semaphore_mem>>)
    %dma_start3A_233 = arith.constant 27 : i32
    %dma_start3A_234 = arith.constant 0 : i32
    %dma_start3A_235 = tpu.memref_slice %arg6[%dma_start3A_233, %dma_start3A_234] : memref<50x64xf32, #tpu.memory_space<vmem>> -> memref<1x64xf32, #tpu.memory_space<vmem>>
    %dma_start3A_236 = arith.constant 0 : i32
    %dma_start3A_237 = tpu.memref_slice %arg1[%get3A_54, %dma_start3A_236] : memref<100000x64xf32, #tpu.memory_space<any>> -> memref<1x64xf32, #tpu.memory_space<any>>
    tpu.enqueue_dma source(%dma_start3A_237 : memref<1x64xf32, #tpu.memory_space<any>>) target(%dma_start3A_235 : memref<1x64xf32, #tpu.memory_space<vmem>>) target_semaphore(%arg5 : memref<!tpu.dma_semaphore, #tpu.memory_space<semaphore_mem>>)
    %dma_start3A_238 = arith.constant 28 : i32
    %dma_start3A_239 = arith.constant 0 : i32
    %dma_start3A_240 = tpu.memref_slice %arg6[%dma_start3A_238, %dma_start3A_239] : memref<50x64xf32, #tpu.memory_space<vmem>> -> memref<1x64xf32, #tpu.memory_space<vmem>>
    %dma_start3A_241 = arith.constant 0 : i32
    %dma_start3A_242 = tpu.memref_slice %arg1[%get3A_56, %dma_start3A_241] : memref<100000x64xf32, #tpu.memory_space<any>> -> memref<1x64xf32, #tpu.memory_space<any>>
    tpu.enqueue_dma source(%dma_start3A_242 : memref<1x64xf32, #tpu.memory_space<any>>) target(%dma_start3A_240 : memref<1x64xf32, #tpu.memory_space<vmem>>) target_semaphore(%arg5 : memref<!tpu.dma_semaphore, #tpu.memory_space<semaphore_mem>>)
    %dma_start3A_243 = arith.constant 29 : i32
    %dma_start3A_244 = arith.constant 0 : i32
    %dma_start3A_245 = tpu.memref_slice %arg6[%dma_start3A_243, %dma_start3A_244] : memref<50x64xf32, #tpu.memory_space<vmem>> -> memref<1x64xf32, #tpu.memory_space<vmem>>
    %dma_start3A_246 = arith.constant 0 : i32
    %dma_start3A_247 = tpu.memref_slice %arg1[%get3A_58, %dma_start3A_246] : memref<100000x64xf32, #tpu.memory_space<any>> -> memref<1x64xf32, #tpu.memory_space<any>>
    tpu.enqueue_dma source(%dma_start3A_247 : memref<1x64xf32, #tpu.memory_space<any>>) target(%dma_start3A_245 : memref<1x64xf32, #tpu.memory_space<vmem>>) target_semaphore(%arg5 : memref<!tpu.dma_semaphore, #tpu.memory_space<semaphore_mem>>)
    %dma_start3A_248 = arith.constant 30 : i32
    %dma_start3A_249 = arith.constant 0 : i32
    %dma_start3A_250 = tpu.memref_slice %arg6[%dma_start3A_248, %dma_start3A_249] : memref<50x64xf32, #tpu.memory_space<vmem>> -> memref<1x64xf32, #tpu.memory_space<vmem>>
    %dma_start3A_251 = arith.constant 0 : i32
    %dma_start3A_252 = tpu.memref_slice %arg1[%get3A_60, %dma_start3A_251] : memref<100000x64xf32, #tpu.memory_space<any>> -> memref<1x64xf32, #tpu.memory_space<any>>
    tpu.enqueue_dma source(%dma_start3A_252 : memref<1x64xf32, #tpu.memory_space<any>>) target(%dma_start3A_250 : memref<1x64xf32, #tpu.memory_space<vmem>>) target_semaphore(%arg5 : memref<!tpu.dma_semaphore, #tpu.memory_space<semaphore_mem>>)
    %dma_start3A_253 = arith.constant 31 : i32
    %dma_start3A_254 = arith.constant 0 : i32
    %dma_start3A_255 = tpu.memref_slice %arg6[%dma_start3A_253, %dma_start3A_254] : memref<50x64xf32, #tpu.memory_space<vmem>> -> memref<1x64xf32, #tpu.memory_space<vmem>>
    %dma_start3A_256 = arith.constant 0 : i32
    %dma_start3A_257 = tpu.memref_slice %arg1[%get3A_62, %dma_start3A_256] : memref<100000x64xf32, #tpu.memory_space<any>> -> memref<1x64xf32, #tpu.memory_space<any>>
    tpu.enqueue_dma source(%dma_start3A_257 : memref<1x64xf32, #tpu.memory_space<any>>) target(%dma_start3A_255 : memref<1x64xf32, #tpu.memory_space<vmem>>) target_semaphore(%arg5 : memref<!tpu.dma_semaphore, #tpu.memory_space<semaphore_mem>>)
    %dma_start3A_258 = arith.constant 32 : i32
    %dma_start3A_259 = arith.constant 0 : i32
    %dma_start3A_260 = tpu.memref_slice %arg6[%dma_start3A_258, %dma_start3A_259] : memref<50x64xf32, #tpu.memory_space<vmem>> -> memref<1x64xf32, #tpu.memory_space<vmem>>
    %dma_start3A_261 = arith.constant 0 : i32
    %dma_start3A_262 = tpu.memref_slice %arg1[%get3A_64, %dma_start3A_261] : memref<100000x64xf32, #tpu.memory_space<any>> -> memref<1x64xf32, #tpu.memory_space<any>>
    tpu.enqueue_dma source(%dma_start3A_262 : memref<1x64xf32, #tpu.memory_space<any>>) target(%dma_start3A_260 : memref<1x64xf32, #tpu.memory_space<vmem>>) target_semaphore(%arg5 : memref<!tpu.dma_semaphore, #tpu.memory_space<semaphore_mem>>)
    %dma_start3A_263 = arith.constant 33 : i32
    %dma_start3A_264 = arith.constant 0 : i32
    %dma_start3A_265 = tpu.memref_slice %arg6[%dma_start3A_263, %dma_start3A_264] : memref<50x64xf32, #tpu.memory_space<vmem>> -> memref<1x64xf32, #tpu.memory_space<vmem>>
    %dma_start3A_266 = arith.constant 0 : i32
    %dma_start3A_267 = tpu.memref_slice %arg1[%get3A_66, %dma_start3A_266] : memref<100000x64xf32, #tpu.memory_space<any>> -> memref<1x64xf32, #tpu.memory_space<any>>
    tpu.enqueue_dma source(%dma_start3A_267 : memref<1x64xf32, #tpu.memory_space<any>>) target(%dma_start3A_265 : memref<1x64xf32, #tpu.memory_space<vmem>>) target_semaphore(%arg5 : memref<!tpu.dma_semaphore, #tpu.memory_space<semaphore_mem>>)
    %dma_start3A_268 = arith.constant 34 : i32
    %dma_start3A_269 = arith.constant 0 : i32
    %dma_start3A_270 = tpu.memref_slice %arg6[%dma_start3A_268, %dma_start3A_269] : memref<50x64xf32, #tpu.memory_space<vmem>> -> memref<1x64xf32, #tpu.memory_space<vmem>>
    %dma_start3A_271 = arith.constant 0 : i32
    %dma_start3A_272 = tpu.memref_slice %arg1[%get3A_68, %dma_start3A_271] : memref<100000x64xf32, #tpu.memory_space<any>> -> memref<1x64xf32, #tpu.memory_space<any>>
    tpu.enqueue_dma source(%dma_start3A_272 : memref<1x64xf32, #tpu.memory_space<any>>) target(%dma_start3A_270 : memref<1x64xf32, #tpu.memory_space<vmem>>) target_semaphore(%arg5 : memref<!tpu.dma_semaphore, #tpu.memory_space<semaphore_mem>>)
    %dma_start3A_273 = arith.constant 35 : i32
    %dma_start3A_274 = arith.constant 0 : i32
    %dma_start3A_275 = tpu.memref_slice %arg6[%dma_start3A_273, %dma_start3A_274] : memref<50x64xf32, #tpu.memory_space<vmem>> -> memref<1x64xf32, #tpu.memory_space<vmem>>
    %dma_start3A_276 = arith.constant 0 : i32
    %dma_start3A_277 = tpu.memref_slice %arg1[%get3A_70, %dma_start3A_276] : memref<100000x64xf32, #tpu.memory_space<any>> -> memref<1x64xf32, #tpu.memory_space<any>>
    tpu.enqueue_dma source(%dma_start3A_277 : memref<1x64xf32, #tpu.memory_space<any>>) target(%dma_start3A_275 : memref<1x64xf32, #tpu.memory_space<vmem>>) target_semaphore(%arg5 : memref<!tpu.dma_semaphore, #tpu.memory_space<semaphore_mem>>)
    %dma_start3A_278 = arith.constant 36 : i32
    %dma_start3A_279 = arith.constant 0 : i32
    %dma_start3A_280 = tpu.memref_slice %arg6[%dma_start3A_278, %dma_start3A_279] : memref<50x64xf32, #tpu.memory_space<vmem>> -> memref<1x64xf32, #tpu.memory_space<vmem>>
    %dma_start3A_281 = arith.constant 0 : i32
    %dma_start3A_282 = tpu.memref_slice %arg1[%get3A_72, %dma_start3A_281] : memref<100000x64xf32, #tpu.memory_space<any>> -> memref<1x64xf32, #tpu.memory_space<any>>
    tpu.enqueue_dma source(%dma_start3A_282 : memref<1x64xf32, #tpu.memory_space<any>>) target(%dma_start3A_280 : memref<1x64xf32, #tpu.memory_space<vmem>>) target_semaphore(%arg5 : memref<!tpu.dma_semaphore, #tpu.memory_space<semaphore_mem>>)
    %dma_start3A_283 = arith.constant 37 : i32
    %dma_start3A_284 = arith.constant 0 : i32
    %dma_start3A_285 = tpu.memref_slice %arg6[%dma_start3A_283, %dma_start3A_284] : memref<50x64xf32, #tpu.memory_space<vmem>> -> memref<1x64xf32, #tpu.memory_space<vmem>>
    %dma_start3A_286 = arith.constant 0 : i32
    %dma_start3A_287 = tpu.memref_slice %arg1[%get3A_74, %dma_start3A_286] : memref<100000x64xf32, #tpu.memory_space<any>> -> memref<1x64xf32, #tpu.memory_space<any>>
    tpu.enqueue_dma source(%dma_start3A_287 : memref<1x64xf32, #tpu.memory_space<any>>) target(%dma_start3A_285 : memref<1x64xf32, #tpu.memory_space<vmem>>) target_semaphore(%arg5 : memref<!tpu.dma_semaphore, #tpu.memory_space<semaphore_mem>>)
    %dma_start3A_288 = arith.constant 38 : i32
    %dma_start3A_289 = arith.constant 0 : i32
    %dma_start3A_290 = tpu.memref_slice %arg6[%dma_start3A_288, %dma_start3A_289] : memref<50x64xf32, #tpu.memory_space<vmem>> -> memref<1x64xf32, #tpu.memory_space<vmem>>
    %dma_start3A_291 = arith.constant 0 : i32
    %dma_start3A_292 = tpu.memref_slice %arg1[%get3A_76, %dma_start3A_291] : memref<100000x64xf32, #tpu.memory_space<any>> -> memref<1x64xf32, #tpu.memory_space<any>>
    tpu.enqueue_dma source(%dma_start3A_292 : memref<1x64xf32, #tpu.memory_space<any>>) target(%dma_start3A_290 : memref<1x64xf32, #tpu.memory_space<vmem>>) target_semaphore(%arg5 : memref<!tpu.dma_semaphore, #tpu.memory_space<semaphore_mem>>)
    %dma_start3A_293 = arith.constant 39 : i32
    %dma_start3A_294 = arith.constant 0 : i32
    %dma_start3A_295 = tpu.memref_slice %arg6[%dma_start3A_293, %dma_start3A_294] : memref<50x64xf32, #tpu.memory_space<vmem>> -> memref<1x64xf32, #tpu.memory_space<vmem>>
    %dma_start3A_296 = arith.constant 0 : i32
    %dma_start3A_297 = tpu.memref_slice %arg1[%get3A_78, %dma_start3A_296] : memref<100000x64xf32, #tpu.memory_space<any>> -> memref<1x64xf32, #tpu.memory_space<any>>
    tpu.enqueue_dma source(%dma_start3A_297 : memref<1x64xf32, #tpu.memory_space<any>>) target(%dma_start3A_295 : memref<1x64xf32, #tpu.memory_space<vmem>>) target_semaphore(%arg5 : memref<!tpu.dma_semaphore, #tpu.memory_space<semaphore_mem>>)
    %dma_start3A_298 = arith.constant 40 : i32
    %dma_start3A_299 = arith.constant 0 : i32
    %dma_start3A_300 = tpu.memref_slice %arg6[%dma_start3A_298, %dma_start3A_299] : memref<50x64xf32, #tpu.memory_space<vmem>> -> memref<1x64xf32, #tpu.memory_space<vmem>>
    %dma_start3A_301 = arith.constant 0 : i32
    %dma_start3A_302 = tpu.memref_slice %arg1[%get3A_80, %dma_start3A_301] : memref<100000x64xf32, #tpu.memory_space<any>> -> memref<1x64xf32, #tpu.memory_space<any>>
    tpu.enqueue_dma source(%dma_start3A_302 : memref<1x64xf32, #tpu.memory_space<any>>) target(%dma_start3A_300 : memref<1x64xf32, #tpu.memory_space<vmem>>) target_semaphore(%arg5 : memref<!tpu.dma_semaphore, #tpu.memory_space<semaphore_mem>>)
    %dma_start3A_303 = arith.constant 41 : i32
    %dma_start3A_304 = arith.constant 0 : i32
    %dma_start3A_305 = tpu.memref_slice %arg6[%dma_start3A_303, %dma_start3A_304] : memref<50x64xf32, #tpu.memory_space<vmem>> -> memref<1x64xf32, #tpu.memory_space<vmem>>
    %dma_start3A_306 = arith.constant 0 : i32
    %dma_start3A_307 = tpu.memref_slice %arg1[%get3A_82, %dma_start3A_306] : memref<100000x64xf32, #tpu.memory_space<any>> -> memref<1x64xf32, #tpu.memory_space<any>>
    tpu.enqueue_dma source(%dma_start3A_307 : memref<1x64xf32, #tpu.memory_space<any>>) target(%dma_start3A_305 : memref<1x64xf32, #tpu.memory_space<vmem>>) target_semaphore(%arg5 : memref<!tpu.dma_semaphore, #tpu.memory_space<semaphore_mem>>)
    %dma_start3A_308 = arith.constant 42 : i32
    %dma_start3A_309 = arith.constant 0 : i32
    %dma_start3A_310 = tpu.memref_slice %arg6[%dma_start3A_308, %dma_start3A_309] : memref<50x64xf32, #tpu.memory_space<vmem>> -> memref<1x64xf32, #tpu.memory_space<vmem>>
    %dma_start3A_311 = arith.constant 0 : i32
    %dma_start3A_312 = tpu.memref_slice %arg1[%get3A_84, %dma_start3A_311] : memref<100000x64xf32, #tpu.memory_space<any>> -> memref<1x64xf32, #tpu.memory_space<any>>
    tpu.enqueue_dma source(%dma_start3A_312 : memref<1x64xf32, #tpu.memory_space<any>>) target(%dma_start3A_310 : memref<1x64xf32, #tpu.memory_space<vmem>>) target_semaphore(%arg5 : memref<!tpu.dma_semaphore, #tpu.memory_space<semaphore_mem>>)
    %dma_start3A_313 = arith.constant 43 : i32
    %dma_start3A_314 = arith.constant 0 : i32
    %dma_start3A_315 = tpu.memref_slice %arg6[%dma_start3A_313, %dma_start3A_314] : memref<50x64xf32, #tpu.memory_space<vmem>> -> memref<1x64xf32, #tpu.memory_space<vmem>>
    %dma_start3A_316 = arith.constant 0 : i32
    %dma_start3A_317 = tpu.memref_slice %arg1[%get3A_86, %dma_start3A_316] : memref<100000x64xf32, #tpu.memory_space<any>> -> memref<1x64xf32, #tpu.memory_space<any>>
    tpu.enqueue_dma source(%dma_start3A_317 : memref<1x64xf32, #tpu.memory_space<any>>) target(%dma_start3A_315 : memref<1x64xf32, #tpu.memory_space<vmem>>) target_semaphore(%arg5 : memref<!tpu.dma_semaphore, #tpu.memory_space<semaphore_mem>>)
    %dma_start3A_318 = arith.constant 44 : i32
    %dma_start3A_319 = arith.constant 0 : i32
    %dma_start3A_320 = tpu.memref_slice %arg6[%dma_start3A_318, %dma_start3A_319] : memref<50x64xf32, #tpu.memory_space<vmem>> -> memref<1x64xf32, #tpu.memory_space<vmem>>
    %dma_start3A_321 = arith.constant 0 : i32
    %dma_start3A_322 = tpu.memref_slice %arg1[%get3A_88, %dma_start3A_321] : memref<100000x64xf32, #tpu.memory_space<any>> -> memref<1x64xf32, #tpu.memory_space<any>>
    tpu.enqueue_dma source(%dma_start3A_322 : memref<1x64xf32, #tpu.memory_space<any>>) target(%dma_start3A_320 : memref<1x64xf32, #tpu.memory_space<vmem>>) target_semaphore(%arg5 : memref<!tpu.dma_semaphore, #tpu.memory_space<semaphore_mem>>)
    %dma_start3A_323 = arith.constant 45 : i32
    %dma_start3A_324 = arith.constant 0 : i32
    %dma_start3A_325 = tpu.memref_slice %arg6[%dma_start3A_323, %dma_start3A_324] : memref<50x64xf32, #tpu.memory_space<vmem>> -> memref<1x64xf32, #tpu.memory_space<vmem>>
    %dma_start3A_326 = arith.constant 0 : i32
    %dma_start3A_327 = tpu.memref_slice %arg1[%get3A_90, %dma_start3A_326] : memref<100000x64xf32, #tpu.memory_space<any>> -> memref<1x64xf32, #tpu.memory_space<any>>
    tpu.enqueue_dma source(%dma_start3A_327 : memref<1x64xf32, #tpu.memory_space<any>>) target(%dma_start3A_325 : memref<1x64xf32, #tpu.memory_space<vmem>>) target_semaphore(%arg5 : memref<!tpu.dma_semaphore, #tpu.memory_space<semaphore_mem>>)
    %dma_start3A_328 = arith.constant 46 : i32
    %dma_start3A_329 = arith.constant 0 : i32
    %dma_start3A_330 = tpu.memref_slice %arg6[%dma_start3A_328, %dma_start3A_329] : memref<50x64xf32, #tpu.memory_space<vmem>> -> memref<1x64xf32, #tpu.memory_space<vmem>>
    %dma_start3A_331 = arith.constant 0 : i32
    %dma_start3A_332 = tpu.memref_slice %arg1[%get3A_92, %dma_start3A_331] : memref<100000x64xf32, #tpu.memory_space<any>> -> memref<1x64xf32, #tpu.memory_space<any>>
    tpu.enqueue_dma source(%dma_start3A_332 : memref<1x64xf32, #tpu.memory_space<any>>) target(%dma_start3A_330 : memref<1x64xf32, #tpu.memory_space<vmem>>) target_semaphore(%arg5 : memref<!tpu.dma_semaphore, #tpu.memory_space<semaphore_mem>>)
    %dma_start3A_333 = arith.constant 47 : i32
    %dma_start3A_334 = arith.constant 0 : i32
    %dma_start3A_335 = tpu.memref_slice %arg6[%dma_start3A_333, %dma_start3A_334] : memref<50x64xf32, #tpu.memory_space<vmem>> -> memref<1x64xf32, #tpu.memory_space<vmem>>
    %dma_start3A_336 = arith.constant 0 : i32
    %dma_start3A_337 = tpu.memref_slice %arg1[%get3A_94, %dma_start3A_336] : memref<100000x64xf32, #tpu.memory_space<any>> -> memref<1x64xf32, #tpu.memory_space<any>>
    tpu.enqueue_dma source(%dma_start3A_337 : memref<1x64xf32, #tpu.memory_space<any>>) target(%dma_start3A_335 : memref<1x64xf32, #tpu.memory_space<vmem>>) target_semaphore(%arg5 : memref<!tpu.dma_semaphore, #tpu.memory_space<semaphore_mem>>)
    %dma_start3A_338 = arith.constant 48 : i32
    %dma_start3A_339 = arith.constant 0 : i32
    %dma_start3A_340 = tpu.memref_slice %arg6[%dma_start3A_338, %dma_start3A_339] : memref<50x64xf32, #tpu.memory_space<vmem>> -> memref<1x64xf32, #tpu.memory_space<vmem>>
    %dma_start3A_341 = arith.constant 0 : i32
    %dma_start3A_342 = tpu.memref_slice %arg1[%get3A_96, %dma_start3A_341] : memref<100000x64xf32, #tpu.memory_space<any>> -> memref<1x64xf32, #tpu.memory_space<any>>
    tpu.enqueue_dma source(%dma_start3A_342 : memref<1x64xf32, #tpu.memory_space<any>>) target(%dma_start3A_340 : memref<1x64xf32, #tpu.memory_space<vmem>>) target_semaphore(%arg5 : memref<!tpu.dma_semaphore, #tpu.memory_space<semaphore_mem>>)
    %dma_start3A_343 = arith.constant 49 : i32
    %dma_start3A_344 = arith.constant 0 : i32
    %dma_start3A_345 = tpu.memref_slice %arg6[%dma_start3A_343, %dma_start3A_344] : memref<50x64xf32, #tpu.memory_space<vmem>> -> memref<1x64xf32, #tpu.memory_space<vmem>>
    %dma_start3A_346 = arith.constant 0 : i32
    %dma_start3A_347 = tpu.memref_slice %arg1[%get3A_98, %dma_start3A_346] : memref<100000x64xf32, #tpu.memory_space<any>> -> memref<1x64xf32, #tpu.memory_space<any>>
    tpu.enqueue_dma source(%dma_start3A_347 : memref<1x64xf32, #tpu.memory_space<any>>) target(%dma_start3A_345 : memref<1x64xf32, #tpu.memory_space<vmem>>) target_semaphore(%arg5 : memref<!tpu.dma_semaphore, #tpu.memory_space<semaphore_mem>>)
    %dma_wait3A = arith.constant 0 : i32
    %dma_wait3A_348 = arith.constant 0 : i32
    %dma_wait3A_349 = tpu.memref_slice %arg6[%dma_wait3A, %dma_wait3A_348] : memref<50x64xf32, #tpu.memory_space<vmem>> -> memref<1x64xf32, #tpu.memory_space<vmem>>
    %dma_wait3A_350 = arith.constant 0 : i32
    %dma_wait3A_351 = tpu.memref_slice %arg1[%get3A_0, %dma_wait3A_350] : memref<100000x64xf32, #tpu.memory_space<any>> -> memref<1x64xf32, #tpu.memory_space<any>>
    tpu.wait_dma2 semaphore(%arg5 : memref<!tpu.dma_semaphore, #tpu.memory_space<semaphore_mem>>) src(%dma_wait3A_351 : memref<1x64xf32, #tpu.memory_space<any>>) dst(%dma_wait3A_349 : memref<1x64xf32, #tpu.memory_space<vmem>>)
    %dma_wait3A_352 = arith.constant 1 : i32
    %dma_wait3A_353 = arith.constant 0 : i32
    %dma_wait3A_354 = tpu.memref_slice %arg6[%dma_wait3A_352, %dma_wait3A_353] : memref<50x64xf32, #tpu.memory_space<vmem>> -> memref<1x64xf32, #tpu.memory_space<vmem>>
    %dma_wait3A_355 = arith.constant 0 : i32
    %dma_wait3A_356 = tpu.memref_slice %arg1[%get3A_2, %dma_wait3A_355] : memref<100000x64xf32, #tpu.memory_space<any>> -> memref<1x64xf32, #tpu.memory_space<any>>
    tpu.wait_dma2 semaphore(%arg5 : memref<!tpu.dma_semaphore, #tpu.memory_space<semaphore_mem>>) src(%dma_wait3A_356 : memref<1x64xf32, #tpu.memory_space<any>>) dst(%dma_wait3A_354 : memref<1x64xf32, #tpu.memory_space<vmem>>)
    %dma_wait3A_357 = arith.constant 2 : i32
    %dma_wait3A_358 = arith.constant 0 : i32
    %dma_wait3A_359 = tpu.memref_slice %arg6[%dma_wait3A_357, %dma_wait3A_358] : memref<50x64xf32, #tpu.memory_space<vmem>> -> memref<1x64xf32, #tpu.memory_space<vmem>>
    %dma_wait3A_360 = arith.constant 0 : i32
    %dma_wait3A_361 = tpu.memref_slice %arg1[%get3A_4, %dma_wait3A_360] : memref<100000x64xf32, #tpu.memory_space<any>> -> memref<1x64xf32, #tpu.memory_space<any>>
    tpu.wait_dma2 semaphore(%arg5 : memref<!tpu.dma_semaphore, #tpu.memory_space<semaphore_mem>>) src(%dma_wait3A_361 : memref<1x64xf32, #tpu.memory_space<any>>) dst(%dma_wait3A_359 : memref<1x64xf32, #tpu.memory_space<vmem>>)
    %dma_wait3A_362 = arith.constant 3 : i32
    %dma_wait3A_363 = arith.constant 0 : i32
    %dma_wait3A_364 = tpu.memref_slice %arg6[%dma_wait3A_362, %dma_wait3A_363] : memref<50x64xf32, #tpu.memory_space<vmem>> -> memref<1x64xf32, #tpu.memory_space<vmem>>
    %dma_wait3A_365 = arith.constant 0 : i32
    %dma_wait3A_366 = tpu.memref_slice %arg1[%get3A_6, %dma_wait3A_365] : memref<100000x64xf32, #tpu.memory_space<any>> -> memref<1x64xf32, #tpu.memory_space<any>>
    tpu.wait_dma2 semaphore(%arg5 : memref<!tpu.dma_semaphore, #tpu.memory_space<semaphore_mem>>) src(%dma_wait3A_366 : memref<1x64xf32, #tpu.memory_space<any>>) dst(%dma_wait3A_364 : memref<1x64xf32, #tpu.memory_space<vmem>>)
    %dma_wait3A_367 = arith.constant 4 : i32
    %dma_wait3A_368 = arith.constant 0 : i32
    %dma_wait3A_369 = tpu.memref_slice %arg6[%dma_wait3A_367, %dma_wait3A_368] : memref<50x64xf32, #tpu.memory_space<vmem>> -> memref<1x64xf32, #tpu.memory_space<vmem>>
    %dma_wait3A_370 = arith.constant 0 : i32
    %dma_wait3A_371 = tpu.memref_slice %arg1[%get3A_8, %dma_wait3A_370] : memref<100000x64xf32, #tpu.memory_space<any>> -> memref<1x64xf32, #tpu.memory_space<any>>
    tpu.wait_dma2 semaphore(%arg5 : memref<!tpu.dma_semaphore, #tpu.memory_space<semaphore_mem>>) src(%dma_wait3A_371 : memref<1x64xf32, #tpu.memory_space<any>>) dst(%dma_wait3A_369 : memref<1x64xf32, #tpu.memory_space<vmem>>)
    %dma_wait3A_372 = arith.constant 5 : i32
    %dma_wait3A_373 = arith.constant 0 : i32
    %dma_wait3A_374 = tpu.memref_slice %arg6[%dma_wait3A_372, %dma_wait3A_373] : memref<50x64xf32, #tpu.memory_space<vmem>> -> memref<1x64xf32, #tpu.memory_space<vmem>>
    %dma_wait3A_375 = arith.constant 0 : i32
    %dma_wait3A_376 = tpu.memref_slice %arg1[%get3A_10, %dma_wait3A_375] : memref<100000x64xf32, #tpu.memory_space<any>> -> memref<1x64xf32, #tpu.memory_space<any>>
    tpu.wait_dma2 semaphore(%arg5 : memref<!tpu.dma_semaphore, #tpu.memory_space<semaphore_mem>>) src(%dma_wait3A_376 : memref<1x64xf32, #tpu.memory_space<any>>) dst(%dma_wait3A_374 : memref<1x64xf32, #tpu.memory_space<vmem>>)
    %dma_wait3A_377 = arith.constant 6 : i32
    %dma_wait3A_378 = arith.constant 0 : i32
    %dma_wait3A_379 = tpu.memref_slice %arg6[%dma_wait3A_377, %dma_wait3A_378] : memref<50x64xf32, #tpu.memory_space<vmem>> -> memref<1x64xf32, #tpu.memory_space<vmem>>
    %dma_wait3A_380 = arith.constant 0 : i32
    %dma_wait3A_381 = tpu.memref_slice %arg1[%get3A_12, %dma_wait3A_380] : memref<100000x64xf32, #tpu.memory_space<any>> -> memref<1x64xf32, #tpu.memory_space<any>>
    tpu.wait_dma2 semaphore(%arg5 : memref<!tpu.dma_semaphore, #tpu.memory_space<semaphore_mem>>) src(%dma_wait3A_381 : memref<1x64xf32, #tpu.memory_space<any>>) dst(%dma_wait3A_379 : memref<1x64xf32, #tpu.memory_space<vmem>>)
    %dma_wait3A_382 = arith.constant 7 : i32
    %dma_wait3A_383 = arith.constant 0 : i32
    %dma_wait3A_384 = tpu.memref_slice %arg6[%dma_wait3A_382, %dma_wait3A_383] : memref<50x64xf32, #tpu.memory_space<vmem>> -> memref<1x64xf32, #tpu.memory_space<vmem>>
    %dma_wait3A_385 = arith.constant 0 : i32
    %dma_wait3A_386 = tpu.memref_slice %arg1[%get3A_14, %dma_wait3A_385] : memref<100000x64xf32, #tpu.memory_space<any>> -> memref<1x64xf32, #tpu.memory_space<any>>
    tpu.wait_dma2 semaphore(%arg5 : memref<!tpu.dma_semaphore, #tpu.memory_space<semaphore_mem>>) src(%dma_wait3A_386 : memref<1x64xf32, #tpu.memory_space<any>>) dst(%dma_wait3A_384 : memref<1x64xf32, #tpu.memory_space<vmem>>)
    %dma_wait3A_387 = arith.constant 8 : i32
    %dma_wait3A_388 = arith.constant 0 : i32
    %dma_wait3A_389 = tpu.memref_slice %arg6[%dma_wait3A_387, %dma_wait3A_388] : memref<50x64xf32, #tpu.memory_space<vmem>> -> memref<1x64xf32, #tpu.memory_space<vmem>>
    %dma_wait3A_390 = arith.constant 0 : i32
    %dma_wait3A_391 = tpu.memref_slice %arg1[%get3A_16, %dma_wait3A_390] : memref<100000x64xf32, #tpu.memory_space<any>> -> memref<1x64xf32, #tpu.memory_space<any>>
    tpu.wait_dma2 semaphore(%arg5 : memref<!tpu.dma_semaphore, #tpu.memory_space<semaphore_mem>>) src(%dma_wait3A_391 : memref<1x64xf32, #tpu.memory_space<any>>) dst(%dma_wait3A_389 : memref<1x64xf32, #tpu.memory_space<vmem>>)
    %dma_wait3A_392 = arith.constant 9 : i32
    %dma_wait3A_393 = arith.constant 0 : i32
    %dma_wait3A_394 = tpu.memref_slice %arg6[%dma_wait3A_392, %dma_wait3A_393] : memref<50x64xf32, #tpu.memory_space<vmem>> -> memref<1x64xf32, #tpu.memory_space<vmem>>
    %dma_wait3A_395 = arith.constant 0 : i32
    %dma_wait3A_396 = tpu.memref_slice %arg1[%get3A_18, %dma_wait3A_395] : memref<100000x64xf32, #tpu.memory_space<any>> -> memref<1x64xf32, #tpu.memory_space<any>>
    tpu.wait_dma2 semaphore(%arg5 : memref<!tpu.dma_semaphore, #tpu.memory_space<semaphore_mem>>) src(%dma_wait3A_396 : memref<1x64xf32, #tpu.memory_space<any>>) dst(%dma_wait3A_394 : memref<1x64xf32, #tpu.memory_space<vmem>>)
    %dma_wait3A_397 = arith.constant 10 : i32
    %dma_wait3A_398 = arith.constant 0 : i32
    %dma_wait3A_399 = tpu.memref_slice %arg6[%dma_wait3A_397, %dma_wait3A_398] : memref<50x64xf32, #tpu.memory_space<vmem>> -> memref<1x64xf32, #tpu.memory_space<vmem>>
    %dma_wait3A_400 = arith.constant 0 : i32
    %dma_wait3A_401 = tpu.memref_slice %arg1[%get3A_20, %dma_wait3A_400] : memref<100000x64xf32, #tpu.memory_space<any>> -> memref<1x64xf32, #tpu.memory_space<any>>
    tpu.wait_dma2 semaphore(%arg5 : memref<!tpu.dma_semaphore, #tpu.memory_space<semaphore_mem>>) src(%dma_wait3A_401 : memref<1x64xf32, #tpu.memory_space<any>>) dst(%dma_wait3A_399 : memref<1x64xf32, #tpu.memory_space<vmem>>)
    %dma_wait3A_402 = arith.constant 11 : i32
    %dma_wait3A_403 = arith.constant 0 : i32
    %dma_wait3A_404 = tpu.memref_slice %arg6[%dma_wait3A_402, %dma_wait3A_403] : memref<50x64xf32, #tpu.memory_space<vmem>> -> memref<1x64xf32, #tpu.memory_space<vmem>>
    %dma_wait3A_405 = arith.constant 0 : i32
    %dma_wait3A_406 = tpu.memref_slice %arg1[%get3A_22, %dma_wait3A_405] : memref<100000x64xf32, #tpu.memory_space<any>> -> memref<1x64xf32, #tpu.memory_space<any>>
    tpu.wait_dma2 semaphore(%arg5 : memref<!tpu.dma_semaphore, #tpu.memory_space<semaphore_mem>>) src(%dma_wait3A_406 : memref<1x64xf32, #tpu.memory_space<any>>) dst(%dma_wait3A_404 : memref<1x64xf32, #tpu.memory_space<vmem>>)
    %dma_wait3A_407 = arith.constant 12 : i32
    %dma_wait3A_408 = arith.constant 0 : i32
    %dma_wait3A_409 = tpu.memref_slice %arg6[%dma_wait3A_407, %dma_wait3A_408] : memref<50x64xf32, #tpu.memory_space<vmem>> -> memref<1x64xf32, #tpu.memory_space<vmem>>
    %dma_wait3A_410 = arith.constant 0 : i32
    %dma_wait3A_411 = tpu.memref_slice %arg1[%get3A_24, %dma_wait3A_410] : memref<100000x64xf32, #tpu.memory_space<any>> -> memref<1x64xf32, #tpu.memory_space<any>>
    tpu.wait_dma2 semaphore(%arg5 : memref<!tpu.dma_semaphore, #tpu.memory_space<semaphore_mem>>) src(%dma_wait3A_411 : memref<1x64xf32, #tpu.memory_space<any>>) dst(%dma_wait3A_409 : memref<1x64xf32, #tpu.memory_space<vmem>>)
    %dma_wait3A_412 = arith.constant 13 : i32
    %dma_wait3A_413 = arith.constant 0 : i32
    %dma_wait3A_414 = tpu.memref_slice %arg6[%dma_wait3A_412, %dma_wait3A_413] : memref<50x64xf32, #tpu.memory_space<vmem>> -> memref<1x64xf32, #tpu.memory_space<vmem>>
    %dma_wait3A_415 = arith.constant 0 : i32
    %dma_wait3A_416 = tpu.memref_slice %arg1[%get3A_26, %dma_wait3A_415] : memref<100000x64xf32, #tpu.memory_space<any>> -> memref<1x64xf32, #tpu.memory_space<any>>
    tpu.wait_dma2 semaphore(%arg5 : memref<!tpu.dma_semaphore, #tpu.memory_space<semaphore_mem>>) src(%dma_wait3A_416 : memref<1x64xf32, #tpu.memory_space<any>>) dst(%dma_wait3A_414 : memref<1x64xf32, #tpu.memory_space<vmem>>)
    %dma_wait3A_417 = arith.constant 14 : i32
    %dma_wait3A_418 = arith.constant 0 : i32
    %dma_wait3A_419 = tpu.memref_slice %arg6[%dma_wait3A_417, %dma_wait3A_418] : memref<50x64xf32, #tpu.memory_space<vmem>> -> memref<1x64xf32, #tpu.memory_space<vmem>>
    %dma_wait3A_420 = arith.constant 0 : i32
    %dma_wait3A_421 = tpu.memref_slice %arg1[%get3A_28, %dma_wait3A_420] : memref<100000x64xf32, #tpu.memory_space<any>> -> memref<1x64xf32, #tpu.memory_space<any>>
    tpu.wait_dma2 semaphore(%arg5 : memref<!tpu.dma_semaphore, #tpu.memory_space<semaphore_mem>>) src(%dma_wait3A_421 : memref<1x64xf32, #tpu.memory_space<any>>) dst(%dma_wait3A_419 : memref<1x64xf32, #tpu.memory_space<vmem>>)
    %dma_wait3A_422 = arith.constant 15 : i32
    %dma_wait3A_423 = arith.constant 0 : i32
    %dma_wait3A_424 = tpu.memref_slice %arg6[%dma_wait3A_422, %dma_wait3A_423] : memref<50x64xf32, #tpu.memory_space<vmem>> -> memref<1x64xf32, #tpu.memory_space<vmem>>
    %dma_wait3A_425 = arith.constant 0 : i32
    %dma_wait3A_426 = tpu.memref_slice %arg1[%get3A_30, %dma_wait3A_425] : memref<100000x64xf32, #tpu.memory_space<any>> -> memref<1x64xf32, #tpu.memory_space<any>>
    tpu.wait_dma2 semaphore(%arg5 : memref<!tpu.dma_semaphore, #tpu.memory_space<semaphore_mem>>) src(%dma_wait3A_426 : memref<1x64xf32, #tpu.memory_space<any>>) dst(%dma_wait3A_424 : memref<1x64xf32, #tpu.memory_space<vmem>>)
    %dma_wait3A_427 = arith.constant 16 : i32
    %dma_wait3A_428 = arith.constant 0 : i32
    %dma_wait3A_429 = tpu.memref_slice %arg6[%dma_wait3A_427, %dma_wait3A_428] : memref<50x64xf32, #tpu.memory_space<vmem>> -> memref<1x64xf32, #tpu.memory_space<vmem>>
    %dma_wait3A_430 = arith.constant 0 : i32
    %dma_wait3A_431 = tpu.memref_slice %arg1[%get3A_32, %dma_wait3A_430] : memref<100000x64xf32, #tpu.memory_space<any>> -> memref<1x64xf32, #tpu.memory_space<any>>
    tpu.wait_dma2 semaphore(%arg5 : memref<!tpu.dma_semaphore, #tpu.memory_space<semaphore_mem>>) src(%dma_wait3A_431 : memref<1x64xf32, #tpu.memory_space<any>>) dst(%dma_wait3A_429 : memref<1x64xf32, #tpu.memory_space<vmem>>)
    %dma_wait3A_432 = arith.constant 17 : i32
    %dma_wait3A_433 = arith.constant 0 : i32
    %dma_wait3A_434 = tpu.memref_slice %arg6[%dma_wait3A_432, %dma_wait3A_433] : memref<50x64xf32, #tpu.memory_space<vmem>> -> memref<1x64xf32, #tpu.memory_space<vmem>>
    %dma_wait3A_435 = arith.constant 0 : i32
    %dma_wait3A_436 = tpu.memref_slice %arg1[%get3A_34, %dma_wait3A_435] : memref<100000x64xf32, #tpu.memory_space<any>> -> memref<1x64xf32, #tpu.memory_space<any>>
    tpu.wait_dma2 semaphore(%arg5 : memref<!tpu.dma_semaphore, #tpu.memory_space<semaphore_mem>>) src(%dma_wait3A_436 : memref<1x64xf32, #tpu.memory_space<any>>) dst(%dma_wait3A_434 : memref<1x64xf32, #tpu.memory_space<vmem>>)
    %dma_wait3A_437 = arith.constant 18 : i32
    %dma_wait3A_438 = arith.constant 0 : i32
    %dma_wait3A_439 = tpu.memref_slice %arg6[%dma_wait3A_437, %dma_wait3A_438] : memref<50x64xf32, #tpu.memory_space<vmem>> -> memref<1x64xf32, #tpu.memory_space<vmem>>
    %dma_wait3A_440 = arith.constant 0 : i32
    %dma_wait3A_441 = tpu.memref_slice %arg1[%get3A_36, %dma_wait3A_440] : memref<100000x64xf32, #tpu.memory_space<any>> -> memref<1x64xf32, #tpu.memory_space<any>>
    tpu.wait_dma2 semaphore(%arg5 : memref<!tpu.dma_semaphore, #tpu.memory_space<semaphore_mem>>) src(%dma_wait3A_441 : memref<1x64xf32, #tpu.memory_space<any>>) dst(%dma_wait3A_439 : memref<1x64xf32, #tpu.memory_space<vmem>>)
    %dma_wait3A_442 = arith.constant 19 : i32
    %dma_wait3A_443 = arith.constant 0 : i32
    %dma_wait3A_444 = tpu.memref_slice %arg6[%dma_wait3A_442, %dma_wait3A_443] : memref<50x64xf32, #tpu.memory_space<vmem>> -> memref<1x64xf32, #tpu.memory_space<vmem>>
    %dma_wait3A_445 = arith.constant 0 : i32
    %dma_wait3A_446 = tpu.memref_slice %arg1[%get3A_38, %dma_wait3A_445] : memref<100000x64xf32, #tpu.memory_space<any>> -> memref<1x64xf32, #tpu.memory_space<any>>
    tpu.wait_dma2 semaphore(%arg5 : memref<!tpu.dma_semaphore, #tpu.memory_space<semaphore_mem>>) src(%dma_wait3A_446 : memref<1x64xf32, #tpu.memory_space<any>>) dst(%dma_wait3A_444 : memref<1x64xf32, #tpu.memory_space<vmem>>)
    %dma_wait3A_447 = arith.constant 20 : i32
    %dma_wait3A_448 = arith.constant 0 : i32
    %dma_wait3A_449 = tpu.memref_slice %arg6[%dma_wait3A_447, %dma_wait3A_448] : memref<50x64xf32, #tpu.memory_space<vmem>> -> memref<1x64xf32, #tpu.memory_space<vmem>>
    %dma_wait3A_450 = arith.constant 0 : i32
    %dma_wait3A_451 = tpu.memref_slice %arg1[%get3A_40, %dma_wait3A_450] : memref<100000x64xf32, #tpu.memory_space<any>> -> memref<1x64xf32, #tpu.memory_space<any>>
    tpu.wait_dma2 semaphore(%arg5 : memref<!tpu.dma_semaphore, #tpu.memory_space<semaphore_mem>>) src(%dma_wait3A_451 : memref<1x64xf32, #tpu.memory_space<any>>) dst(%dma_wait3A_449 : memref<1x64xf32, #tpu.memory_space<vmem>>)
    %dma_wait3A_452 = arith.constant 21 : i32
    %dma_wait3A_453 = arith.constant 0 : i32
    %dma_wait3A_454 = tpu.memref_slice %arg6[%dma_wait3A_452, %dma_wait3A_453] : memref<50x64xf32, #tpu.memory_space<vmem>> -> memref<1x64xf32, #tpu.memory_space<vmem>>
    %dma_wait3A_455 = arith.constant 0 : i32
    %dma_wait3A_456 = tpu.memref_slice %arg1[%get3A_42, %dma_wait3A_455] : memref<100000x64xf32, #tpu.memory_space<any>> -> memref<1x64xf32, #tpu.memory_space<any>>
    tpu.wait_dma2 semaphore(%arg5 : memref<!tpu.dma_semaphore, #tpu.memory_space<semaphore_mem>>) src(%dma_wait3A_456 : memref<1x64xf32, #tpu.memory_space<any>>) dst(%dma_wait3A_454 : memref<1x64xf32, #tpu.memory_space<vmem>>)
    %dma_wait3A_457 = arith.constant 22 : i32
    %dma_wait3A_458 = arith.constant 0 : i32
    %dma_wait3A_459 = tpu.memref_slice %arg6[%dma_wait3A_457, %dma_wait3A_458] : memref<50x64xf32, #tpu.memory_space<vmem>> -> memref<1x64xf32, #tpu.memory_space<vmem>>
    %dma_wait3A_460 = arith.constant 0 : i32
    %dma_wait3A_461 = tpu.memref_slice %arg1[%get3A_44, %dma_wait3A_460] : memref<100000x64xf32, #tpu.memory_space<any>> -> memref<1x64xf32, #tpu.memory_space<any>>
    tpu.wait_dma2 semaphore(%arg5 : memref<!tpu.dma_semaphore, #tpu.memory_space<semaphore_mem>>) src(%dma_wait3A_461 : memref<1x64xf32, #tpu.memory_space<any>>) dst(%dma_wait3A_459 : memref<1x64xf32, #tpu.memory_space<vmem>>)
    %dma_wait3A_462 = arith.constant 23 : i32
    %dma_wait3A_463 = arith.constant 0 : i32
    %dma_wait3A_464 = tpu.memref_slice %arg6[%dma_wait3A_462, %dma_wait3A_463] : memref<50x64xf32, #tpu.memory_space<vmem>> -> memref<1x64xf32, #tpu.memory_space<vmem>>
    %dma_wait3A_465 = arith.constant 0 : i32
    %dma_wait3A_466 = tpu.memref_slice %arg1[%get3A_46, %dma_wait3A_465] : memref<100000x64xf32, #tpu.memory_space<any>> -> memref<1x64xf32, #tpu.memory_space<any>>
    tpu.wait_dma2 semaphore(%arg5 : memref<!tpu.dma_semaphore, #tpu.memory_space<semaphore_mem>>) src(%dma_wait3A_466 : memref<1x64xf32, #tpu.memory_space<any>>) dst(%dma_wait3A_464 : memref<1x64xf32, #tpu.memory_space<vmem>>)
    %dma_wait3A_467 = arith.constant 24 : i32
    %dma_wait3A_468 = arith.constant 0 : i32
    %dma_wait3A_469 = tpu.memref_slice %arg6[%dma_wait3A_467, %dma_wait3A_468] : memref<50x64xf32, #tpu.memory_space<vmem>> -> memref<1x64xf32, #tpu.memory_space<vmem>>
    %dma_wait3A_470 = arith.constant 0 : i32
    %dma_wait3A_471 = tpu.memref_slice %arg1[%get3A_48, %dma_wait3A_470] : memref<100000x64xf32, #tpu.memory_space<any>> -> memref<1x64xf32, #tpu.memory_space<any>>
    tpu.wait_dma2 semaphore(%arg5 : memref<!tpu.dma_semaphore, #tpu.memory_space<semaphore_mem>>) src(%dma_wait3A_471 : memref<1x64xf32, #tpu.memory_space<any>>) dst(%dma_wait3A_469 : memref<1x64xf32, #tpu.memory_space<vmem>>)
    %dma_wait3A_472 = arith.constant 25 : i32
    %dma_wait3A_473 = arith.constant 0 : i32
    %dma_wait3A_474 = tpu.memref_slice %arg6[%dma_wait3A_472, %dma_wait3A_473] : memref<50x64xf32, #tpu.memory_space<vmem>> -> memref<1x64xf32, #tpu.memory_space<vmem>>
    %dma_wait3A_475 = arith.constant 0 : i32
    %dma_wait3A_476 = tpu.memref_slice %arg1[%get3A_50, %dma_wait3A_475] : memref<100000x64xf32, #tpu.memory_space<any>> -> memref<1x64xf32, #tpu.memory_space<any>>
    tpu.wait_dma2 semaphore(%arg5 : memref<!tpu.dma_semaphore, #tpu.memory_space<semaphore_mem>>) src(%dma_wait3A_476 : memref<1x64xf32, #tpu.memory_space<any>>) dst(%dma_wait3A_474 : memref<1x64xf32, #tpu.memory_space<vmem>>)
    %dma_wait3A_477 = arith.constant 26 : i32
    %dma_wait3A_478 = arith.constant 0 : i32
    %dma_wait3A_479 = tpu.memref_slice %arg6[%dma_wait3A_477, %dma_wait3A_478] : memref<50x64xf32, #tpu.memory_space<vmem>> -> memref<1x64xf32, #tpu.memory_space<vmem>>
    %dma_wait3A_480 = arith.constant 0 : i32
    %dma_wait3A_481 = tpu.memref_slice %arg1[%get3A_52, %dma_wait3A_480] : memref<100000x64xf32, #tpu.memory_space<any>> -> memref<1x64xf32, #tpu.memory_space<any>>
    tpu.wait_dma2 semaphore(%arg5 : memref<!tpu.dma_semaphore, #tpu.memory_space<semaphore_mem>>) src(%dma_wait3A_481 : memref<1x64xf32, #tpu.memory_space<any>>) dst(%dma_wait3A_479 : memref<1x64xf32, #tpu.memory_space<vmem>>)
    %dma_wait3A_482 = arith.constant 27 : i32
    %dma_wait3A_483 = arith.constant 0 : i32
    %dma_wait3A_484 = tpu.memref_slice %arg6[%dma_wait3A_482, %dma_wait3A_483] : memref<50x64xf32, #tpu.memory_space<vmem>> -> memref<1x64xf32, #tpu.memory_space<vmem>>
    %dma_wait3A_485 = arith.constant 0 : i32
    %dma_wait3A_486 = tpu.memref_slice %arg1[%get3A_54, %dma_wait3A_485] : memref<100000x64xf32, #tpu.memory_space<any>> -> memref<1x64xf32, #tpu.memory_space<any>>
    tpu.wait_dma2 semaphore(%arg5 : memref<!tpu.dma_semaphore, #tpu.memory_space<semaphore_mem>>) src(%dma_wait3A_486 : memref<1x64xf32, #tpu.memory_space<any>>) dst(%dma_wait3A_484 : memref<1x64xf32, #tpu.memory_space<vmem>>)
    %dma_wait3A_487 = arith.constant 28 : i32
    %dma_wait3A_488 = arith.constant 0 : i32
    %dma_wait3A_489 = tpu.memref_slice %arg6[%dma_wait3A_487, %dma_wait3A_488] : memref<50x64xf32, #tpu.memory_space<vmem>> -> memref<1x64xf32, #tpu.memory_space<vmem>>
    %dma_wait3A_490 = arith.constant 0 : i32
    %dma_wait3A_491 = tpu.memref_slice %arg1[%get3A_56, %dma_wait3A_490] : memref<100000x64xf32, #tpu.memory_space<any>> -> memref<1x64xf32, #tpu.memory_space<any>>
    tpu.wait_dma2 semaphore(%arg5 : memref<!tpu.dma_semaphore, #tpu.memory_space<semaphore_mem>>) src(%dma_wait3A_491 : memref<1x64xf32, #tpu.memory_space<any>>) dst(%dma_wait3A_489 : memref<1x64xf32, #tpu.memory_space<vmem>>)
    %dma_wait3A_492 = arith.constant 29 : i32
    %dma_wait3A_493 = arith.constant 0 : i32
    %dma_wait3A_494 = tpu.memref_slice %arg6[%dma_wait3A_492, %dma_wait3A_493] : memref<50x64xf32, #tpu.memory_space<vmem>> -> memref<1x64xf32, #tpu.memory_space<vmem>>
    %dma_wait3A_495 = arith.constant 0 : i32
    %dma_wait3A_496 = tpu.memref_slice %arg1[%get3A_58, %dma_wait3A_495] : memref<100000x64xf32, #tpu.memory_space<any>> -> memref<1x64xf32, #tpu.memory_space<any>>
    tpu.wait_dma2 semaphore(%arg5 : memref<!tpu.dma_semaphore, #tpu.memory_space<semaphore_mem>>) src(%dma_wait3A_496 : memref<1x64xf32, #tpu.memory_space<any>>) dst(%dma_wait3A_494 : memref<1x64xf32, #tpu.memory_space<vmem>>)
    %dma_wait3A_497 = arith.constant 30 : i32
    %dma_wait3A_498 = arith.constant 0 : i32
    %dma_wait3A_499 = tpu.memref_slice %arg6[%dma_wait3A_497, %dma_wait3A_498] : memref<50x64xf32, #tpu.memory_space<vmem>> -> memref<1x64xf32, #tpu.memory_space<vmem>>
    %dma_wait3A_500 = arith.constant 0 : i32
    %dma_wait3A_501 = tpu.memref_slice %arg1[%get3A_60, %dma_wait3A_500] : memref<100000x64xf32, #tpu.memory_space<any>> -> memref<1x64xf32, #tpu.memory_space<any>>
    tpu.wait_dma2 semaphore(%arg5 : memref<!tpu.dma_semaphore, #tpu.memory_space<semaphore_mem>>) src(%dma_wait3A_501 : memref<1x64xf32, #tpu.memory_space<any>>) dst(%dma_wait3A_499 : memref<1x64xf32, #tpu.memory_space<vmem>>)
    %dma_wait3A_502 = arith.constant 31 : i32
    %dma_wait3A_503 = arith.constant 0 : i32
    %dma_wait3A_504 = tpu.memref_slice %arg6[%dma_wait3A_502, %dma_wait3A_503] : memref<50x64xf32, #tpu.memory_space<vmem>> -> memref<1x64xf32, #tpu.memory_space<vmem>>
    %dma_wait3A_505 = arith.constant 0 : i32
    %dma_wait3A_506 = tpu.memref_slice %arg1[%get3A_62, %dma_wait3A_505] : memref<100000x64xf32, #tpu.memory_space<any>> -> memref<1x64xf32, #tpu.memory_space<any>>
    tpu.wait_dma2 semaphore(%arg5 : memref<!tpu.dma_semaphore, #tpu.memory_space<semaphore_mem>>) src(%dma_wait3A_506 : memref<1x64xf32, #tpu.memory_space<any>>) dst(%dma_wait3A_504 : memref<1x64xf32, #tpu.memory_space<vmem>>)
    %dma_wait3A_507 = arith.constant 32 : i32
    %dma_wait3A_508 = arith.constant 0 : i32
    %dma_wait3A_509 = tpu.memref_slice %arg6[%dma_wait3A_507, %dma_wait3A_508] : memref<50x64xf32, #tpu.memory_space<vmem>> -> memref<1x64xf32, #tpu.memory_space<vmem>>
    %dma_wait3A_510 = arith.constant 0 : i32
    %dma_wait3A_511 = tpu.memref_slice %arg1[%get3A_64, %dma_wait3A_510] : memref<100000x64xf32, #tpu.memory_space<any>> -> memref<1x64xf32, #tpu.memory_space<any>>
    tpu.wait_dma2 semaphore(%arg5 : memref<!tpu.dma_semaphore, #tpu.memory_space<semaphore_mem>>) src(%dma_wait3A_511 : memref<1x64xf32, #tpu.memory_space<any>>) dst(%dma_wait3A_509 : memref<1x64xf32, #tpu.memory_space<vmem>>)
    %dma_wait3A_512 = arith.constant 33 : i32
    %dma_wait3A_513 = arith.constant 0 : i32
    %dma_wait3A_514 = tpu.memref_slice %arg6[%dma_wait3A_512, %dma_wait3A_513] : memref<50x64xf32, #tpu.memory_space<vmem>> -> memref<1x64xf32, #tpu.memory_space<vmem>>
    %dma_wait3A_515 = arith.constant 0 : i32
    %dma_wait3A_516 = tpu.memref_slice %arg1[%get3A_66, %dma_wait3A_515] : memref<100000x64xf32, #tpu.memory_space<any>> -> memref<1x64xf32, #tpu.memory_space<any>>
    tpu.wait_dma2 semaphore(%arg5 : memref<!tpu.dma_semaphore, #tpu.memory_space<semaphore_mem>>) src(%dma_wait3A_516 : memref<1x64xf32, #tpu.memory_space<any>>) dst(%dma_wait3A_514 : memref<1x64xf32, #tpu.memory_space<vmem>>)
    %dma_wait3A_517 = arith.constant 34 : i32
    %dma_wait3A_518 = arith.constant 0 : i32
    %dma_wait3A_519 = tpu.memref_slice %arg6[%dma_wait3A_517, %dma_wait3A_518] : memref<50x64xf32, #tpu.memory_space<vmem>> -> memref<1x64xf32, #tpu.memory_space<vmem>>
    %dma_wait3A_520 = arith.constant 0 : i32
    %dma_wait3A_521 = tpu.memref_slice %arg1[%get3A_68, %dma_wait3A_520] : memref<100000x64xf32, #tpu.memory_space<any>> -> memref<1x64xf32, #tpu.memory_space<any>>
    tpu.wait_dma2 semaphore(%arg5 : memref<!tpu.dma_semaphore, #tpu.memory_space<semaphore_mem>>) src(%dma_wait3A_521 : memref<1x64xf32, #tpu.memory_space<any>>) dst(%dma_wait3A_519 : memref<1x64xf32, #tpu.memory_space<vmem>>)
    %dma_wait3A_522 = arith.constant 35 : i32
    %dma_wait3A_523 = arith.constant 0 : i32
    %dma_wait3A_524 = tpu.memref_slice %arg6[%dma_wait3A_522, %dma_wait3A_523] : memref<50x64xf32, #tpu.memory_space<vmem>> -> memref<1x64xf32, #tpu.memory_space<vmem>>
    %dma_wait3A_525 = arith.constant 0 : i32
    %dma_wait3A_526 = tpu.memref_slice %arg1[%get3A_70, %dma_wait3A_525] : memref<100000x64xf32, #tpu.memory_space<any>> -> memref<1x64xf32, #tpu.memory_space<any>>
    tpu.wait_dma2 semaphore(%arg5 : memref<!tpu.dma_semaphore, #tpu.memory_space<semaphore_mem>>) src(%dma_wait3A_526 : memref<1x64xf32, #tpu.memory_space<any>>) dst(%dma_wait3A_524 : memref<1x64xf32, #tpu.memory_space<vmem>>)
    %dma_wait3A_527 = arith.constant 36 : i32
    %dma_wait3A_528 = arith.constant 0 : i32
    %dma_wait3A_529 = tpu.memref_slice %arg6[%dma_wait3A_527, %dma_wait3A_528] : memref<50x64xf32, #tpu.memory_space<vmem>> -> memref<1x64xf32, #tpu.memory_space<vmem>>
    %dma_wait3A_530 = arith.constant 0 : i32
    %dma_wait3A_531 = tpu.memref_slice %arg1[%get3A_72, %dma_wait3A_530] : memref<100000x64xf32, #tpu.memory_space<any>> -> memref<1x64xf32, #tpu.memory_space<any>>
    tpu.wait_dma2 semaphore(%arg5 : memref<!tpu.dma_semaphore, #tpu.memory_space<semaphore_mem>>) src(%dma_wait3A_531 : memref<1x64xf32, #tpu.memory_space<any>>) dst(%dma_wait3A_529 : memref<1x64xf32, #tpu.memory_space<vmem>>)
    %dma_wait3A_532 = arith.constant 37 : i32
    %dma_wait3A_533 = arith.constant 0 : i32
    %dma_wait3A_534 = tpu.memref_slice %arg6[%dma_wait3A_532, %dma_wait3A_533] : memref<50x64xf32, #tpu.memory_space<vmem>> -> memref<1x64xf32, #tpu.memory_space<vmem>>
    %dma_wait3A_535 = arith.constant 0 : i32
    %dma_wait3A_536 = tpu.memref_slice %arg1[%get3A_74, %dma_wait3A_535] : memref<100000x64xf32, #tpu.memory_space<any>> -> memref<1x64xf32, #tpu.memory_space<any>>
    tpu.wait_dma2 semaphore(%arg5 : memref<!tpu.dma_semaphore, #tpu.memory_space<semaphore_mem>>) src(%dma_wait3A_536 : memref<1x64xf32, #tpu.memory_space<any>>) dst(%dma_wait3A_534 : memref<1x64xf32, #tpu.memory_space<vmem>>)
    %dma_wait3A_537 = arith.constant 38 : i32
    %dma_wait3A_538 = arith.constant 0 : i32
    %dma_wait3A_539 = tpu.memref_slice %arg6[%dma_wait3A_537, %dma_wait3A_538] : memref<50x64xf32, #tpu.memory_space<vmem>> -> memref<1x64xf32, #tpu.memory_space<vmem>>
    %dma_wait3A_540 = arith.constant 0 : i32
    %dma_wait3A_541 = tpu.memref_slice %arg1[%get3A_76, %dma_wait3A_540] : memref<100000x64xf32, #tpu.memory_space<any>> -> memref<1x64xf32, #tpu.memory_space<any>>
    tpu.wait_dma2 semaphore(%arg5 : memref<!tpu.dma_semaphore, #tpu.memory_space<semaphore_mem>>) src(%dma_wait3A_541 : memref<1x64xf32, #tpu.memory_space<any>>) dst(%dma_wait3A_539 : memref<1x64xf32, #tpu.memory_space<vmem>>)
    %dma_wait3A_542 = arith.constant 39 : i32
    %dma_wait3A_543 = arith.constant 0 : i32
    %dma_wait3A_544 = tpu.memref_slice %arg6[%dma_wait3A_542, %dma_wait3A_543] : memref<50x64xf32, #tpu.memory_space<vmem>> -> memref<1x64xf32, #tpu.memory_space<vmem>>
    %dma_wait3A_545 = arith.constant 0 : i32
    %dma_wait3A_546 = tpu.memref_slice %arg1[%get3A_78, %dma_wait3A_545] : memref<100000x64xf32, #tpu.memory_space<any>> -> memref<1x64xf32, #tpu.memory_space<any>>
    tpu.wait_dma2 semaphore(%arg5 : memref<!tpu.dma_semaphore, #tpu.memory_space<semaphore_mem>>) src(%dma_wait3A_546 : memref<1x64xf32, #tpu.memory_space<any>>) dst(%dma_wait3A_544 : memref<1x64xf32, #tpu.memory_space<vmem>>)
    %dma_wait3A_547 = arith.constant 40 : i32
    %dma_wait3A_548 = arith.constant 0 : i32
    %dma_wait3A_549 = tpu.memref_slice %arg6[%dma_wait3A_547, %dma_wait3A_548] : memref<50x64xf32, #tpu.memory_space<vmem>> -> memref<1x64xf32, #tpu.memory_space<vmem>>
    %dma_wait3A_550 = arith.constant 0 : i32
    %dma_wait3A_551 = tpu.memref_slice %arg1[%get3A_80, %dma_wait3A_550] : memref<100000x64xf32, #tpu.memory_space<any>> -> memref<1x64xf32, #tpu.memory_space<any>>
    tpu.wait_dma2 semaphore(%arg5 : memref<!tpu.dma_semaphore, #tpu.memory_space<semaphore_mem>>) src(%dma_wait3A_551 : memref<1x64xf32, #tpu.memory_space<any>>) dst(%dma_wait3A_549 : memref<1x64xf32, #tpu.memory_space<vmem>>)
    %dma_wait3A_552 = arith.constant 41 : i32
    %dma_wait3A_553 = arith.constant 0 : i32
    %dma_wait3A_554 = tpu.memref_slice %arg6[%dma_wait3A_552, %dma_wait3A_553] : memref<50x64xf32, #tpu.memory_space<vmem>> -> memref<1x64xf32, #tpu.memory_space<vmem>>
    %dma_wait3A_555 = arith.constant 0 : i32
    %dma_wait3A_556 = tpu.memref_slice %arg1[%get3A_82, %dma_wait3A_555] : memref<100000x64xf32, #tpu.memory_space<any>> -> memref<1x64xf32, #tpu.memory_space<any>>
    tpu.wait_dma2 semaphore(%arg5 : memref<!tpu.dma_semaphore, #tpu.memory_space<semaphore_mem>>) src(%dma_wait3A_556 : memref<1x64xf32, #tpu.memory_space<any>>) dst(%dma_wait3A_554 : memref<1x64xf32, #tpu.memory_space<vmem>>)
    %dma_wait3A_557 = arith.constant 42 : i32
    %dma_wait3A_558 = arith.constant 0 : i32
    %dma_wait3A_559 = tpu.memref_slice %arg6[%dma_wait3A_557, %dma_wait3A_558] : memref<50x64xf32, #tpu.memory_space<vmem>> -> memref<1x64xf32, #tpu.memory_space<vmem>>
    %dma_wait3A_560 = arith.constant 0 : i32
    %dma_wait3A_561 = tpu.memref_slice %arg1[%get3A_84, %dma_wait3A_560] : memref<100000x64xf32, #tpu.memory_space<any>> -> memref<1x64xf32, #tpu.memory_space<any>>
    tpu.wait_dma2 semaphore(%arg5 : memref<!tpu.dma_semaphore, #tpu.memory_space<semaphore_mem>>) src(%dma_wait3A_561 : memref<1x64xf32, #tpu.memory_space<any>>) dst(%dma_wait3A_559 : memref<1x64xf32, #tpu.memory_space<vmem>>)
    %dma_wait3A_562 = arith.constant 43 : i32
    %dma_wait3A_563 = arith.constant 0 : i32
    %dma_wait3A_564 = tpu.memref_slice %arg6[%dma_wait3A_562, %dma_wait3A_563] : memref<50x64xf32, #tpu.memory_space<vmem>> -> memref<1x64xf32, #tpu.memory_space<vmem>>
    %dma_wait3A_565 = arith.constant 0 : i32
    %dma_wait3A_566 = tpu.memref_slice %arg1[%get3A_86, %dma_wait3A_565] : memref<100000x64xf32, #tpu.memory_space<any>> -> memref<1x64xf32, #tpu.memory_space<any>>
    tpu.wait_dma2 semaphore(%arg5 : memref<!tpu.dma_semaphore, #tpu.memory_space<semaphore_mem>>) src(%dma_wait3A_566 : memref<1x64xf32, #tpu.memory_space<any>>) dst(%dma_wait3A_564 : memref<1x64xf32, #tpu.memory_space<vmem>>)
    %dma_wait3A_567 = arith.constant 44 : i32
    %dma_wait3A_568 = arith.constant 0 : i32
    %dma_wait3A_569 = tpu.memref_slice %arg6[%dma_wait3A_567, %dma_wait3A_568] : memref<50x64xf32, #tpu.memory_space<vmem>> -> memref<1x64xf32, #tpu.memory_space<vmem>>
    %dma_wait3A_570 = arith.constant 0 : i32
    %dma_wait3A_571 = tpu.memref_slice %arg1[%get3A_88, %dma_wait3A_570] : memref<100000x64xf32, #tpu.memory_space<any>> -> memref<1x64xf32, #tpu.memory_space<any>>
    tpu.wait_dma2 semaphore(%arg5 : memref<!tpu.dma_semaphore, #tpu.memory_space<semaphore_mem>>) src(%dma_wait3A_571 : memref<1x64xf32, #tpu.memory_space<any>>) dst(%dma_wait3A_569 : memref<1x64xf32, #tpu.memory_space<vmem>>)
    %dma_wait3A_572 = arith.constant 45 : i32
    %dma_wait3A_573 = arith.constant 0 : i32
    %dma_wait3A_574 = tpu.memref_slice %arg6[%dma_wait3A_572, %dma_wait3A_573] : memref<50x64xf32, #tpu.memory_space<vmem>> -> memref<1x64xf32, #tpu.memory_space<vmem>>
    %dma_wait3A_575 = arith.constant 0 : i32
    %dma_wait3A_576 = tpu.memref_slice %arg1[%get3A_90, %dma_wait3A_575] : memref<100000x64xf32, #tpu.memory_space<any>> -> memref<1x64xf32, #tpu.memory_space<any>>
    tpu.wait_dma2 semaphore(%arg5 : memref<!tpu.dma_semaphore, #tpu.memory_space<semaphore_mem>>) src(%dma_wait3A_576 : memref<1x64xf32, #tpu.memory_space<any>>) dst(%dma_wait3A_574 : memref<1x64xf32, #tpu.memory_space<vmem>>)
    %dma_wait3A_577 = arith.constant 46 : i32
    %dma_wait3A_578 = arith.constant 0 : i32
    %dma_wait3A_579 = tpu.memref_slice %arg6[%dma_wait3A_577, %dma_wait3A_578] : memref<50x64xf32, #tpu.memory_space<vmem>> -> memref<1x64xf32, #tpu.memory_space<vmem>>
    %dma_wait3A_580 = arith.constant 0 : i32
    %dma_wait3A_581 = tpu.memref_slice %arg1[%get3A_92, %dma_wait3A_580] : memref<100000x64xf32, #tpu.memory_space<any>> -> memref<1x64xf32, #tpu.memory_space<any>>
    tpu.wait_dma2 semaphore(%arg5 : memref<!tpu.dma_semaphore, #tpu.memory_space<semaphore_mem>>) src(%dma_wait3A_581 : memref<1x64xf32, #tpu.memory_space<any>>) dst(%dma_wait3A_579 : memref<1x64xf32, #tpu.memory_space<vmem>>)
    %dma_wait3A_582 = arith.constant 47 : i32
    %dma_wait3A_583 = arith.constant 0 : i32
    %dma_wait3A_584 = tpu.memref_slice %arg6[%dma_wait3A_582, %dma_wait3A_583] : memref<50x64xf32, #tpu.memory_space<vmem>> -> memref<1x64xf32, #tpu.memory_space<vmem>>
    %dma_wait3A_585 = arith.constant 0 : i32
    %dma_wait3A_586 = tpu.memref_slice %arg1[%get3A_94, %dma_wait3A_585] : memref<100000x64xf32, #tpu.memory_space<any>> -> memref<1x64xf32, #tpu.memory_space<any>>
    tpu.wait_dma2 semaphore(%arg5 : memref<!tpu.dma_semaphore, #tpu.memory_space<semaphore_mem>>) src(%dma_wait3A_586 : memref<1x64xf32, #tpu.memory_space<any>>) dst(%dma_wait3A_584 : memref<1x64xf32, #tpu.memory_space<vmem>>)
    %dma_wait3A_587 = arith.constant 48 : i32
    %dma_wait3A_588 = arith.constant 0 : i32
    %dma_wait3A_589 = tpu.memref_slice %arg6[%dma_wait3A_587, %dma_wait3A_588] : memref<50x64xf32, #tpu.memory_space<vmem>> -> memref<1x64xf32, #tpu.memory_space<vmem>>
    %dma_wait3A_590 = arith.constant 0 : i32
    %dma_wait3A_591 = tpu.memref_slice %arg1[%get3A_96, %dma_wait3A_590] : memref<100000x64xf32, #tpu.memory_space<any>> -> memref<1x64xf32, #tpu.memory_space<any>>
    tpu.wait_dma2 semaphore(%arg5 : memref<!tpu.dma_semaphore, #tpu.memory_space<semaphore_mem>>) src(%dma_wait3A_591 : memref<1x64xf32, #tpu.memory_space<any>>) dst(%dma_wait3A_589 : memref<1x64xf32, #tpu.memory_space<vmem>>)
    %dma_wait3A_592 = arith.constant 49 : i32
    %dma_wait3A_593 = arith.constant 0 : i32
    %dma_wait3A_594 = tpu.memref_slice %arg6[%dma_wait3A_592, %dma_wait3A_593] : memref<50x64xf32, #tpu.memory_space<vmem>> -> memref<1x64xf32, #tpu.memory_space<vmem>>
    %dma_wait3A_595 = arith.constant 0 : i32
    %dma_wait3A_596 = tpu.memref_slice %arg1[%get3A_98, %dma_wait3A_595] : memref<100000x64xf32, #tpu.memory_space<any>> -> memref<1x64xf32, #tpu.memory_space<any>>
    tpu.wait_dma2 semaphore(%arg5 : memref<!tpu.dma_semaphore, #tpu.memory_space<semaphore_mem>>) src(%dma_wait3A_596 : memref<1x64xf32, #tpu.memory_space<any>>) dst(%dma_wait3A_594 : memref<1x64xf32, #tpu.memory_space<vmem>>)
    %broadcast_in_dim3A = arith.constant 0.000000e+00 : f32
    %broadcast_in_dim3A_597 = vector.broadcast %broadcast_in_dim3A : f32 to vector<1x128xf32>
    %get3A_598 = arith.constant 0 : index
    %get3A_599 = arith.constant 0 : index
    %get3A_600 = vector.load %arg6[%get3A_598, %get3A_599] : memref<50x64xf32, #tpu.memory_space<vmem>>, vector<1x64xf32>
    %convert_element_type3A = arith.truncf %get3A_600 : vector<1x64xf32> to vector<1x64xbf16>
    %get3A_601 = arith.constant 0 : index
    %get3A_602 = arith.constant 0 : index
    %get3A_603 = vector.load %arg2[%get3A_601, %get3A_602] : memref<128x3200xf32, #tpu.memory_space<vmem>>, vector<128x64xf32>
    %convert_element_type3A_604 = arith.truncf %get3A_603 : vector<128x64xf32> to vector<128x64xbf16>
    %dot_general3A = arith.constant dense<0.000000e+00> : vector<1x128xf32>
    %dot_general3A_605 = tpu.matmul %convert_element_type3A, %convert_element_type3A_604, %dot_general3A {dimension_numbers = #tpu.dot_dimension_numbers<[1], [1], [0], [0], [0, 0, 1, 0], [], []>, transpose_lhs_hint = false} : vector<1x64xbf16>, vector<128x64xbf16>, vector<1x128xf32> -> vector<1x128xf32>
    %add3A = arith.addf %broadcast_in_dim3A_597, %dot_general3A_605 : vector<1x128xf32>
    %get3A_606 = arith.constant 1 : index
    %get3A_607 = arith.constant 0 : index
    %get3A_608 = vector.load %arg6[%get3A_606, %get3A_607] : memref<50x64xf32, #tpu.memory_space<vmem>>, vector<1x64xf32>
    %convert_element_type3A_609 = arith.truncf %get3A_608 : vector<1x64xf32> to vector<1x64xbf16>
    %get3A_610 = arith.constant 0 : index
    %get3A_611 = arith.constant 64 : index
    %get3A_612 = vector.load %arg2[%get3A_610, %get3A_611] : memref<128x3200xf32, #tpu.memory_space<vmem>>, vector<128x64xf32>
    %convert_element_type3A_613 = arith.truncf %get3A_612 : vector<128x64xf32> to vector<128x64xbf16>
    %dot_general3A_614 = arith.constant dense<0.000000e+00> : vector<1x128xf32>
    %dot_general3A_615 = tpu.matmul %convert_element_type3A_609, %convert_element_type3A_613, %dot_general3A_614 {dimension_numbers = #tpu.dot_dimension_numbers<[1], [1], [0], [0], [0, 0, 1, 0], [], []>, transpose_lhs_hint = false} : vector<1x64xbf16>, vector<128x64xbf16>, vector<1x128xf32> -> vector<1x128xf32>
    %add3A_616 = arith.addf %add3A, %dot_general3A_615 : vector<1x128xf32>
    %get3A_617 = arith.constant 2 : index
    %get3A_618 = arith.constant 0 : index
    %get3A_619 = vector.load %arg6[%get3A_617, %get3A_618] : memref<50x64xf32, #tpu.memory_space<vmem>>, vector<1x64xf32>
    %convert_element_type3A_620 = arith.truncf %get3A_619 : vector<1x64xf32> to vector<1x64xbf16>
    %get3A_621 = arith.constant 0 : index
    %get3A_622 = arith.constant 128 : index
    %get3A_623 = vector.load %arg2[%get3A_621, %get3A_622] : memref<128x3200xf32, #tpu.memory_space<vmem>>, vector<128x64xf32>
    %convert_element_type3A_624 = arith.truncf %get3A_623 : vector<128x64xf32> to vector<128x64xbf16>
    %dot_general3A_625 = arith.constant dense<0.000000e+00> : vector<1x128xf32>
    %dot_general3A_626 = tpu.matmul %convert_element_type3A_620, %convert_element_type3A_624, %dot_general3A_625 {dimension_numbers = #tpu.dot_dimension_numbers<[1], [1], [0], [0], [0, 0, 1, 0], [], []>, transpose_lhs_hint = false} : vector<1x64xbf16>, vector<128x64xbf16>, vector<1x128xf32> -> vector<1x128xf32>
    %add3A_627 = arith.addf %add3A_616, %dot_general3A_626 : vector<1x128xf32>
    %get3A_628 = arith.constant 3 : index
    %get3A_629 = arith.constant 0 : index
    %get3A_630 = vector.load %arg6[%get3A_628, %get3A_629] : memref<50x64xf32, #tpu.memory_space<vmem>>, vector<1x64xf32>
    %convert_element_type3A_631 = arith.truncf %get3A_630 : vector<1x64xf32> to vector<1x64xbf16>
    %get3A_632 = arith.constant 0 : index
    %get3A_633 = arith.constant 192 : index
    %get3A_634 = vector.load %arg2[%get3A_632, %get3A_633] : memref<128x3200xf32, #tpu.memory_space<vmem>>, vector<128x64xf32>
    %convert_element_type3A_635 = arith.truncf %get3A_634 : vector<128x64xf32> to vector<128x64xbf16>
    %dot_general3A_636 = arith.constant dense<0.000000e+00> : vector<1x128xf32>
    %dot_general3A_637 = tpu.matmul %convert_element_type3A_631, %convert_element_type3A_635, %dot_general3A_636 {dimension_numbers = #tpu.dot_dimension_numbers<[1], [1], [0], [0], [0, 0, 1, 0], [], []>, transpose_lhs_hint = false} : vector<1x64xbf16>, vector<128x64xbf16>, vector<1x128xf32> -> vector<1x128xf32>
    %add3A_638 = arith.addf %add3A_627, %dot_general3A_637 : vector<1x128xf32>
    %get3A_639 = arith.constant 4 : index
    %get3A_640 = arith.constant 0 : index
    %get3A_641 = vector.load %arg6[%get3A_639, %get3A_640] : memref<50x64xf32, #tpu.memory_space<vmem>>, vector<1x64xf32>
    %convert_element_type3A_642 = arith.truncf %get3A_641 : vector<1x64xf32> to vector<1x64xbf16>
    %get3A_643 = arith.constant 0 : index
    %get3A_644 = arith.constant 256 : index
    %get3A_645 = vector.load %arg2[%get3A_643, %get3A_644] : memref<128x3200xf32, #tpu.memory_space<vmem>>, vector<128x64xf32>
    %convert_element_type3A_646 = arith.truncf %get3A_645 : vector<128x64xf32> to vector<128x64xbf16>
    %dot_general3A_647 = arith.constant dense<0.000000e+00> : vector<1x128xf32>
    %dot_general3A_648 = tpu.matmul %convert_element_type3A_642, %convert_element_type3A_646, %dot_general3A_647 {dimension_numbers = #tpu.dot_dimension_numbers<[1], [1], [0], [0], [0, 0, 1, 0], [], []>, transpose_lhs_hint = false} : vector<1x64xbf16>, vector<128x64xbf16>, vector<1x128xf32> -> vector<1x128xf32>
    %add3A_649 = arith.addf %add3A_638, %dot_general3A_648 : vector<1x128xf32>
    %get3A_650 = arith.constant 5 : index
    %get3A_651 = arith.constant 0 : index
    %get3A_652 = vector.load %arg6[%get3A_650, %get3A_651] : memref<50x64xf32, #tpu.memory_space<vmem>>, vector<1x64xf32>
    %convert_element_type3A_653 = arith.truncf %get3A_652 : vector<1x64xf32> to vector<1x64xbf16>
    %get3A_654 = arith.constant 0 : index
    %get3A_655 = arith.constant 320 : index
    %get3A_656 = vector.load %arg2[%get3A_654, %get3A_655] : memref<128x3200xf32, #tpu.memory_space<vmem>>, vector<128x64xf32>
    %convert_element_type3A_657 = arith.truncf %get3A_656 : vector<128x64xf32> to vector<128x64xbf16>
    %dot_general3A_658 = arith.constant dense<0.000000e+00> : vector<1x128xf32>
    %dot_general3A_659 = tpu.matmul %convert_element_type3A_653, %convert_element_type3A_657, %dot_general3A_658 {dimension_numbers = #tpu.dot_dimension_numbers<[1], [1], [0], [0], [0, 0, 1, 0], [], []>, transpose_lhs_hint = false} : vector<1x64xbf16>, vector<128x64xbf16>, vector<1x128xf32> -> vector<1x128xf32>
    %add3A_660 = arith.addf %add3A_649, %dot_general3A_659 : vector<1x128xf32>
    %get3A_661 = arith.constant 6 : index
    %get3A_662 = arith.constant 0 : index
    %get3A_663 = vector.load %arg6[%get3A_661, %get3A_662] : memref<50x64xf32, #tpu.memory_space<vmem>>, vector<1x64xf32>
    %convert_element_type3A_664 = arith.truncf %get3A_663 : vector<1x64xf32> to vector<1x64xbf16>
    %get3A_665 = arith.constant 0 : index
    %get3A_666 = arith.constant 384 : index
    %get3A_667 = vector.load %arg2[%get3A_665, %get3A_666] : memref<128x3200xf32, #tpu.memory_space<vmem>>, vector<128x64xf32>
    %convert_element_type3A_668 = arith.truncf %get3A_667 : vector<128x64xf32> to vector<128x64xbf16>
    %dot_general3A_669 = arith.constant dense<0.000000e+00> : vector<1x128xf32>
    %dot_general3A_670 = tpu.matmul %convert_element_type3A_664, %convert_element_type3A_668, %dot_general3A_669 {dimension_numbers = #tpu.dot_dimension_numbers<[1], [1], [0], [0], [0, 0, 1, 0], [], []>, transpose_lhs_hint = false} : vector<1x64xbf16>, vector<128x64xbf16>, vector<1x128xf32> -> vector<1x128xf32>
    %add3A_671 = arith.addf %add3A_660, %dot_general3A_670 : vector<1x128xf32>
    %get3A_672 = arith.constant 7 : index
    %get3A_673 = arith.constant 0 : index
    %get3A_674 = vector.load %arg6[%get3A_672, %get3A_673] : memref<50x64xf32, #tpu.memory_space<vmem>>, vector<1x64xf32>
    %convert_element_type3A_675 = arith.truncf %get3A_674 : vector<1x64xf32> to vector<1x64xbf16>
    %get3A_676 = arith.constant 0 : index
    %get3A_677 = arith.constant 448 : index
    %get3A_678 = vector.load %arg2[%get3A_676, %get3A_677] : memref<128x3200xf32, #tpu.memory_space<vmem>>, vector<128x64xf32>
    %convert_element_type3A_679 = arith.truncf %get3A_678 : vector<128x64xf32> to vector<128x64xbf16>
    %dot_general3A_680 = arith.constant dense<0.000000e+00> : vector<1x128xf32>
    %dot_general3A_681 = tpu.matmul %convert_element_type3A_675, %convert_element_type3A_679, %dot_general3A_680 {dimension_numbers = #tpu.dot_dimension_numbers<[1], [1], [0], [0], [0, 0, 1, 0], [], []>, transpose_lhs_hint = false} : vector<1x64xbf16>, vector<128x64xbf16>, vector<1x128xf32> -> vector<1x128xf32>
    %add3A_682 = arith.addf %add3A_671, %dot_general3A_681 : vector<1x128xf32>
    %get3A_683 = arith.constant 8 : index
    %get3A_684 = arith.constant 0 : index
    %get3A_685 = vector.load %arg6[%get3A_683, %get3A_684] : memref<50x64xf32, #tpu.memory_space<vmem>>, vector<1x64xf32>
    %convert_element_type3A_686 = arith.truncf %get3A_685 : vector<1x64xf32> to vector<1x64xbf16>
    %get3A_687 = arith.constant 0 : index
    %get3A_688 = arith.constant 512 : index
    %get3A_689 = vector.load %arg2[%get3A_687, %get3A_688] : memref<128x3200xf32, #tpu.memory_space<vmem>>, vector<128x64xf32>
    %convert_element_type3A_690 = arith.truncf %get3A_689 : vector<128x64xf32> to vector<128x64xbf16>
    %dot_general3A_691 = arith.constant dense<0.000000e+00> : vector<1x128xf32>
    %dot_general3A_692 = tpu.matmul %convert_element_type3A_686, %convert_element_type3A_690, %dot_general3A_691 {dimension_numbers = #tpu.dot_dimension_numbers<[1], [1], [0], [0], [0, 0, 1, 0], [], []>, transpose_lhs_hint = false} : vector<1x64xbf16>, vector<128x64xbf16>, vector<1x128xf32> -> vector<1x128xf32>
    %add3A_693 = arith.addf %add3A_682, %dot_general3A_692 : vector<1x128xf32>
    %get3A_694 = arith.constant 9 : index
    %get3A_695 = arith.constant 0 : index
    %get3A_696 = vector.load %arg6[%get3A_694, %get3A_695] : memref<50x64xf32, #tpu.memory_space<vmem>>, vector<1x64xf32>
    %convert_element_type3A_697 = arith.truncf %get3A_696 : vector<1x64xf32> to vector<1x64xbf16>
    %get3A_698 = arith.constant 0 : index
    %get3A_699 = arith.constant 576 : index
    %get3A_700 = vector.load %arg2[%get3A_698, %get3A_699] : memref<128x3200xf32, #tpu.memory_space<vmem>>, vector<128x64xf32>
    %convert_element_type3A_701 = arith.truncf %get3A_700 : vector<128x64xf32> to vector<128x64xbf16>
    %dot_general3A_702 = arith.constant dense<0.000000e+00> : vector<1x128xf32>
    %dot_general3A_703 = tpu.matmul %convert_element_type3A_697, %convert_element_type3A_701, %dot_general3A_702 {dimension_numbers = #tpu.dot_dimension_numbers<[1], [1], [0], [0], [0, 0, 1, 0], [], []>, transpose_lhs_hint = false} : vector<1x64xbf16>, vector<128x64xbf16>, vector<1x128xf32> -> vector<1x128xf32>
    %add3A_704 = arith.addf %add3A_693, %dot_general3A_703 : vector<1x128xf32>
    %get3A_705 = arith.constant 10 : index
    %get3A_706 = arith.constant 0 : index
    %get3A_707 = vector.load %arg6[%get3A_705, %get3A_706] : memref<50x64xf32, #tpu.memory_space<vmem>>, vector<1x64xf32>
    %convert_element_type3A_708 = arith.truncf %get3A_707 : vector<1x64xf32> to vector<1x64xbf16>
    %get3A_709 = arith.constant 0 : index
    %get3A_710 = arith.constant 640 : index
    %get3A_711 = vector.load %arg2[%get3A_709, %get3A_710] : memref<128x3200xf32, #tpu.memory_space<vmem>>, vector<128x64xf32>
    %convert_element_type3A_712 = arith.truncf %get3A_711 : vector<128x64xf32> to vector<128x64xbf16>
    %dot_general3A_713 = arith.constant dense<0.000000e+00> : vector<1x128xf32>
    %dot_general3A_714 = tpu.matmul %convert_element_type3A_708, %convert_element_type3A_712, %dot_general3A_713 {dimension_numbers = #tpu.dot_dimension_numbers<[1], [1], [0], [0], [0, 0, 1, 0], [], []>, transpose_lhs_hint = false} : vector<1x64xbf16>, vector<128x64xbf16>, vector<1x128xf32> -> vector<1x128xf32>
    %add3A_715 = arith.addf %add3A_704, %dot_general3A_714 : vector<1x128xf32>
    %get3A_716 = arith.constant 11 : index
    %get3A_717 = arith.constant 0 : index
    %get3A_718 = vector.load %arg6[%get3A_716, %get3A_717] : memref<50x64xf32, #tpu.memory_space<vmem>>, vector<1x64xf32>
    %convert_element_type3A_719 = arith.truncf %get3A_718 : vector<1x64xf32> to vector<1x64xbf16>
    %get3A_720 = arith.constant 0 : index
    %get3A_721 = arith.constant 704 : index
    %get3A_722 = vector.load %arg2[%get3A_720, %get3A_721] : memref<128x3200xf32, #tpu.memory_space<vmem>>, vector<128x64xf32>
    %convert_element_type3A_723 = arith.truncf %get3A_722 : vector<128x64xf32> to vector<128x64xbf16>
    %dot_general3A_724 = arith.constant dense<0.000000e+00> : vector<1x128xf32>
    %dot_general3A_725 = tpu.matmul %convert_element_type3A_719, %convert_element_type3A_723, %dot_general3A_724 {dimension_numbers = #tpu.dot_dimension_numbers<[1], [1], [0], [0], [0, 0, 1, 0], [], []>, transpose_lhs_hint = false} : vector<1x64xbf16>, vector<128x64xbf16>, vector<1x128xf32> -> vector<1x128xf32>
    %add3A_726 = arith.addf %add3A_715, %dot_general3A_725 : vector<1x128xf32>
    %get3A_727 = arith.constant 12 : index
    %get3A_728 = arith.constant 0 : index
    %get3A_729 = vector.load %arg6[%get3A_727, %get3A_728] : memref<50x64xf32, #tpu.memory_space<vmem>>, vector<1x64xf32>
    %convert_element_type3A_730 = arith.truncf %get3A_729 : vector<1x64xf32> to vector<1x64xbf16>
    %get3A_731 = arith.constant 0 : index
    %get3A_732 = arith.constant 768 : index
    %get3A_733 = vector.load %arg2[%get3A_731, %get3A_732] : memref<128x3200xf32, #tpu.memory_space<vmem>>, vector<128x64xf32>
    %convert_element_type3A_734 = arith.truncf %get3A_733 : vector<128x64xf32> to vector<128x64xbf16>
    %dot_general3A_735 = arith.constant dense<0.000000e+00> : vector<1x128xf32>
    %dot_general3A_736 = tpu.matmul %convert_element_type3A_730, %convert_element_type3A_734, %dot_general3A_735 {dimension_numbers = #tpu.dot_dimension_numbers<[1], [1], [0], [0], [0, 0, 1, 0], [], []>, transpose_lhs_hint = false} : vector<1x64xbf16>, vector<128x64xbf16>, vector<1x128xf32> -> vector<1x128xf32>
    %add3A_737 = arith.addf %add3A_726, %dot_general3A_736 : vector<1x128xf32>
    %get3A_738 = arith.constant 13 : index
    %get3A_739 = arith.constant 0 : index
    %get3A_740 = vector.load %arg6[%get3A_738, %get3A_739] : memref<50x64xf32, #tpu.memory_space<vmem>>, vector<1x64xf32>
    %convert_element_type3A_741 = arith.truncf %get3A_740 : vector<1x64xf32> to vector<1x64xbf16>
    %get3A_742 = arith.constant 0 : index
    %get3A_743 = arith.constant 832 : index
    %get3A_744 = vector.load %arg2[%get3A_742, %get3A_743] : memref<128x3200xf32, #tpu.memory_space<vmem>>, vector<128x64xf32>
    %convert_element_type3A_745 = arith.truncf %get3A_744 : vector<128x64xf32> to vector<128x64xbf16>
    %dot_general3A_746 = arith.constant dense<0.000000e+00> : vector<1x128xf32>
    %dot_general3A_747 = tpu.matmul %convert_element_type3A_741, %convert_element_type3A_745, %dot_general3A_746 {dimension_numbers = #tpu.dot_dimension_numbers<[1], [1], [0], [0], [0, 0, 1, 0], [], []>, transpose_lhs_hint = false} : vector<1x64xbf16>, vector<128x64xbf16>, vector<1x128xf32> -> vector<1x128xf32>
    %add3A_748 = arith.addf %add3A_737, %dot_general3A_747 : vector<1x128xf32>
    %get3A_749 = arith.constant 14 : index
    %get3A_750 = arith.constant 0 : index
    %get3A_751 = vector.load %arg6[%get3A_749, %get3A_750] : memref<50x64xf32, #tpu.memory_space<vmem>>, vector<1x64xf32>
    %convert_element_type3A_752 = arith.truncf %get3A_751 : vector<1x64xf32> to vector<1x64xbf16>
    %get3A_753 = arith.constant 0 : index
    %get3A_754 = arith.constant 896 : index
    %get3A_755 = vector.load %arg2[%get3A_753, %get3A_754] : memref<128x3200xf32, #tpu.memory_space<vmem>>, vector<128x64xf32>
    %convert_element_type3A_756 = arith.truncf %get3A_755 : vector<128x64xf32> to vector<128x64xbf16>
    %dot_general3A_757 = arith.constant dense<0.000000e+00> : vector<1x128xf32>
    %dot_general3A_758 = tpu.matmul %convert_element_type3A_752, %convert_element_type3A_756, %dot_general3A_757 {dimension_numbers = #tpu.dot_dimension_numbers<[1], [1], [0], [0], [0, 0, 1, 0], [], []>, transpose_lhs_hint = false} : vector<1x64xbf16>, vector<128x64xbf16>, vector<1x128xf32> -> vector<1x128xf32>
    %add3A_759 = arith.addf %add3A_748, %dot_general3A_758 : vector<1x128xf32>
    %get3A_760 = arith.constant 15 : index
    %get3A_761 = arith.constant 0 : index
    %get3A_762 = vector.load %arg6[%get3A_760, %get3A_761] : memref<50x64xf32, #tpu.memory_space<vmem>>, vector<1x64xf32>
    %convert_element_type3A_763 = arith.truncf %get3A_762 : vector<1x64xf32> to vector<1x64xbf16>
    %get3A_764 = arith.constant 0 : index
    %get3A_765 = arith.constant 960 : index
    %get3A_766 = vector.load %arg2[%get3A_764, %get3A_765] : memref<128x3200xf32, #tpu.memory_space<vmem>>, vector<128x64xf32>
    %convert_element_type3A_767 = arith.truncf %get3A_766 : vector<128x64xf32> to vector<128x64xbf16>
    %dot_general3A_768 = arith.constant dense<0.000000e+00> : vector<1x128xf32>
    %dot_general3A_769 = tpu.matmul %convert_element_type3A_763, %convert_element_type3A_767, %dot_general3A_768 {dimension_numbers = #tpu.dot_dimension_numbers<[1], [1], [0], [0], [0, 0, 1, 0], [], []>, transpose_lhs_hint = false} : vector<1x64xbf16>, vector<128x64xbf16>, vector<1x128xf32> -> vector<1x128xf32>
    %add3A_770 = arith.addf %add3A_759, %dot_general3A_769 : vector<1x128xf32>
    %get3A_771 = arith.constant 16 : index
    %get3A_772 = arith.constant 0 : index
    %get3A_773 = vector.load %arg6[%get3A_771, %get3A_772] : memref<50x64xf32, #tpu.memory_space<vmem>>, vector<1x64xf32>
    %convert_element_type3A_774 = arith.truncf %get3A_773 : vector<1x64xf32> to vector<1x64xbf16>
    %get3A_775 = arith.constant 0 : index
    %get3A_776 = arith.constant 1024 : index
    %get3A_777 = vector.load %arg2[%get3A_775, %get3A_776] : memref<128x3200xf32, #tpu.memory_space<vmem>>, vector<128x64xf32>
    %convert_element_type3A_778 = arith.truncf %get3A_777 : vector<128x64xf32> to vector<128x64xbf16>
    %dot_general3A_779 = arith.constant dense<0.000000e+00> : vector<1x128xf32>
    %dot_general3A_780 = tpu.matmul %convert_element_type3A_774, %convert_element_type3A_778, %dot_general3A_779 {dimension_numbers = #tpu.dot_dimension_numbers<[1], [1], [0], [0], [0, 0, 1, 0], [], []>, transpose_lhs_hint = false} : vector<1x64xbf16>, vector<128x64xbf16>, vector<1x128xf32> -> vector<1x128xf32>
    %add3A_781 = arith.addf %add3A_770, %dot_general3A_780 : vector<1x128xf32>
    %get3A_782 = arith.constant 17 : index
    %get3A_783 = arith.constant 0 : index
    %get3A_784 = vector.load %arg6[%get3A_782, %get3A_783] : memref<50x64xf32, #tpu.memory_space<vmem>>, vector<1x64xf32>
    %convert_element_type3A_785 = arith.truncf %get3A_784 : vector<1x64xf32> to vector<1x64xbf16>
    %get3A_786 = arith.constant 0 : index
    %get3A_787 = arith.constant 1088 : index
    %get3A_788 = vector.load %arg2[%get3A_786, %get3A_787] : memref<128x3200xf32, #tpu.memory_space<vmem>>, vector<128x64xf32>
    %convert_element_type3A_789 = arith.truncf %get3A_788 : vector<128x64xf32> to vector<128x64xbf16>
    %dot_general3A_790 = arith.constant dense<0.000000e+00> : vector<1x128xf32>
    %dot_general3A_791 = tpu.matmul %convert_element_type3A_785, %convert_element_type3A_789, %dot_general3A_790 {dimension_numbers = #tpu.dot_dimension_numbers<[1], [1], [0], [0], [0, 0, 1, 0], [], []>, transpose_lhs_hint = false} : vector<1x64xbf16>, vector<128x64xbf16>, vector<1x128xf32> -> vector<1x128xf32>
    %add3A_792 = arith.addf %add3A_781, %dot_general3A_791 : vector<1x128xf32>
    %get3A_793 = arith.constant 18 : index
    %get3A_794 = arith.constant 0 : index
    %get3A_795 = vector.load %arg6[%get3A_793, %get3A_794] : memref<50x64xf32, #tpu.memory_space<vmem>>, vector<1x64xf32>
    %convert_element_type3A_796 = arith.truncf %get3A_795 : vector<1x64xf32> to vector<1x64xbf16>
    %get3A_797 = arith.constant 0 : index
    %get3A_798 = arith.constant 1152 : index
    %get3A_799 = vector.load %arg2[%get3A_797, %get3A_798] : memref<128x3200xf32, #tpu.memory_space<vmem>>, vector<128x64xf32>
    %convert_element_type3A_800 = arith.truncf %get3A_799 : vector<128x64xf32> to vector<128x64xbf16>
    %dot_general3A_801 = arith.constant dense<0.000000e+00> : vector<1x128xf32>
    %dot_general3A_802 = tpu.matmul %convert_element_type3A_796, %convert_element_type3A_800, %dot_general3A_801 {dimension_numbers = #tpu.dot_dimension_numbers<[1], [1], [0], [0], [0, 0, 1, 0], [], []>, transpose_lhs_hint = false} : vector<1x64xbf16>, vector<128x64xbf16>, vector<1x128xf32> -> vector<1x128xf32>
    %add3A_803 = arith.addf %add3A_792, %dot_general3A_802 : vector<1x128xf32>
    %get3A_804 = arith.constant 19 : index
    %get3A_805 = arith.constant 0 : index
    %get3A_806 = vector.load %arg6[%get3A_804, %get3A_805] : memref<50x64xf32, #tpu.memory_space<vmem>>, vector<1x64xf32>
    %convert_element_type3A_807 = arith.truncf %get3A_806 : vector<1x64xf32> to vector<1x64xbf16>
    %get3A_808 = arith.constant 0 : index
    %get3A_809 = arith.constant 1216 : index
    %get3A_810 = vector.load %arg2[%get3A_808, %get3A_809] : memref<128x3200xf32, #tpu.memory_space<vmem>>, vector<128x64xf32>
    %convert_element_type3A_811 = arith.truncf %get3A_810 : vector<128x64xf32> to vector<128x64xbf16>
    %dot_general3A_812 = arith.constant dense<0.000000e+00> : vector<1x128xf32>
    %dot_general3A_813 = tpu.matmul %convert_element_type3A_807, %convert_element_type3A_811, %dot_general3A_812 {dimension_numbers = #tpu.dot_dimension_numbers<[1], [1], [0], [0], [0, 0, 1, 0], [], []>, transpose_lhs_hint = false} : vector<1x64xbf16>, vector<128x64xbf16>, vector<1x128xf32> -> vector<1x128xf32>
    %add3A_814 = arith.addf %add3A_803, %dot_general3A_813 : vector<1x128xf32>
    %get3A_815 = arith.constant 20 : index
    %get3A_816 = arith.constant 0 : index
    %get3A_817 = vector.load %arg6[%get3A_815, %get3A_816] : memref<50x64xf32, #tpu.memory_space<vmem>>, vector<1x64xf32>
    %convert_element_type3A_818 = arith.truncf %get3A_817 : vector<1x64xf32> to vector<1x64xbf16>
    %get3A_819 = arith.constant 0 : index
    %get3A_820 = arith.constant 1280 : index
    %get3A_821 = vector.load %arg2[%get3A_819, %get3A_820] : memref<128x3200xf32, #tpu.memory_space<vmem>>, vector<128x64xf32>
    %convert_element_type3A_822 = arith.truncf %get3A_821 : vector<128x64xf32> to vector<128x64xbf16>
    %dot_general3A_823 = arith.constant dense<0.000000e+00> : vector<1x128xf32>
    %dot_general3A_824 = tpu.matmul %convert_element_type3A_818, %convert_element_type3A_822, %dot_general3A_823 {dimension_numbers = #tpu.dot_dimension_numbers<[1], [1], [0], [0], [0, 0, 1, 0], [], []>, transpose_lhs_hint = false} : vector<1x64xbf16>, vector<128x64xbf16>, vector<1x128xf32> -> vector<1x128xf32>
    %add3A_825 = arith.addf %add3A_814, %dot_general3A_824 : vector<1x128xf32>
    %get3A_826 = arith.constant 21 : index
    %get3A_827 = arith.constant 0 : index
    %get3A_828 = vector.load %arg6[%get3A_826, %get3A_827] : memref<50x64xf32, #tpu.memory_space<vmem>>, vector<1x64xf32>
    %convert_element_type3A_829 = arith.truncf %get3A_828 : vector<1x64xf32> to vector<1x64xbf16>
    %get3A_830 = arith.constant 0 : index
    %get3A_831 = arith.constant 1344 : index
    %get3A_832 = vector.load %arg2[%get3A_830, %get3A_831] : memref<128x3200xf32, #tpu.memory_space<vmem>>, vector<128x64xf32>
    %convert_element_type3A_833 = arith.truncf %get3A_832 : vector<128x64xf32> to vector<128x64xbf16>
    %dot_general3A_834 = arith.constant dense<0.000000e+00> : vector<1x128xf32>
    %dot_general3A_835 = tpu.matmul %convert_element_type3A_829, %convert_element_type3A_833, %dot_general3A_834 {dimension_numbers = #tpu.dot_dimension_numbers<[1], [1], [0], [0], [0, 0, 1, 0], [], []>, transpose_lhs_hint = false} : vector<1x64xbf16>, vector<128x64xbf16>, vector<1x128xf32> -> vector<1x128xf32>
    %add3A_836 = arith.addf %add3A_825, %dot_general3A_835 : vector<1x128xf32>
    %get3A_837 = arith.constant 22 : index
    %get3A_838 = arith.constant 0 : index
    %get3A_839 = vector.load %arg6[%get3A_837, %get3A_838] : memref<50x64xf32, #tpu.memory_space<vmem>>, vector<1x64xf32>
    %convert_element_type3A_840 = arith.truncf %get3A_839 : vector<1x64xf32> to vector<1x64xbf16>
    %get3A_841 = arith.constant 0 : index
    %get3A_842 = arith.constant 1408 : index
    %get3A_843 = vector.load %arg2[%get3A_841, %get3A_842] : memref<128x3200xf32, #tpu.memory_space<vmem>>, vector<128x64xf32>
    %convert_element_type3A_844 = arith.truncf %get3A_843 : vector<128x64xf32> to vector<128x64xbf16>
    %dot_general3A_845 = arith.constant dense<0.000000e+00> : vector<1x128xf32>
    %dot_general3A_846 = tpu.matmul %convert_element_type3A_840, %convert_element_type3A_844, %dot_general3A_845 {dimension_numbers = #tpu.dot_dimension_numbers<[1], [1], [0], [0], [0, 0, 1, 0], [], []>, transpose_lhs_hint = false} : vector<1x64xbf16>, vector<128x64xbf16>, vector<1x128xf32> -> vector<1x128xf32>
    %add3A_847 = arith.addf %add3A_836, %dot_general3A_846 : vector<1x128xf32>
    %get3A_848 = arith.constant 23 : index
    %get3A_849 = arith.constant 0 : index
    %get3A_850 = vector.load %arg6[%get3A_848, %get3A_849] : memref<50x64xf32, #tpu.memory_space<vmem>>, vector<1x64xf32>
    %convert_element_type3A_851 = arith.truncf %get3A_850 : vector<1x64xf32> to vector<1x64xbf16>
    %get3A_852 = arith.constant 0 : index
    %get3A_853 = arith.constant 1472 : index
    %get3A_854 = vector.load %arg2[%get3A_852, %get3A_853] : memref<128x3200xf32, #tpu.memory_space<vmem>>, vector<128x64xf32>
    %convert_element_type3A_855 = arith.truncf %get3A_854 : vector<128x64xf32> to vector<128x64xbf16>
    %dot_general3A_856 = arith.constant dense<0.000000e+00> : vector<1x128xf32>
    %dot_general3A_857 = tpu.matmul %convert_element_type3A_851, %convert_element_type3A_855, %dot_general3A_856 {dimension_numbers = #tpu.dot_dimension_numbers<[1], [1], [0], [0], [0, 0, 1, 0], [], []>, transpose_lhs_hint = false} : vector<1x64xbf16>, vector<128x64xbf16>, vector<1x128xf32> -> vector<1x128xf32>
    %add3A_858 = arith.addf %add3A_847, %dot_general3A_857 : vector<1x128xf32>
    %get3A_859 = arith.constant 24 : index
    %get3A_860 = arith.constant 0 : index
    %get3A_861 = vector.load %arg6[%get3A_859, %get3A_860] : memref<50x64xf32, #tpu.memory_space<vmem>>, vector<1x64xf32>
    %convert_element_type3A_862 = arith.truncf %get3A_861 : vector<1x64xf32> to vector<1x64xbf16>
    %get3A_863 = arith.constant 0 : index
    %get3A_864 = arith.constant 1536 : index
    %get3A_865 = vector.load %arg2[%get3A_863, %get3A_864] : memref<128x3200xf32, #tpu.memory_space<vmem>>, vector<128x64xf32>
    %convert_element_type3A_866 = arith.truncf %get3A_865 : vector<128x64xf32> to vector<128x64xbf16>
    %dot_general3A_867 = arith.constant dense<0.000000e+00> : vector<1x128xf32>
    %dot_general3A_868 = tpu.matmul %convert_element_type3A_862, %convert_element_type3A_866, %dot_general3A_867 {dimension_numbers = #tpu.dot_dimension_numbers<[1], [1], [0], [0], [0, 0, 1, 0], [], []>, transpose_lhs_hint = false} : vector<1x64xbf16>, vector<128x64xbf16>, vector<1x128xf32> -> vector<1x128xf32>
    %add3A_869 = arith.addf %add3A_858, %dot_general3A_868 : vector<1x128xf32>
    %get3A_870 = arith.constant 25 : index
    %get3A_871 = arith.constant 0 : index
    %get3A_872 = vector.load %arg6[%get3A_870, %get3A_871] : memref<50x64xf32, #tpu.memory_space<vmem>>, vector<1x64xf32>
    %convert_element_type3A_873 = arith.truncf %get3A_872 : vector<1x64xf32> to vector<1x64xbf16>
    %get3A_874 = arith.constant 0 : index
    %get3A_875 = arith.constant 1600 : index
    %get3A_876 = vector.load %arg2[%get3A_874, %get3A_875] : memref<128x3200xf32, #tpu.memory_space<vmem>>, vector<128x64xf32>
    %convert_element_type3A_877 = arith.truncf %get3A_876 : vector<128x64xf32> to vector<128x64xbf16>
    %dot_general3A_878 = arith.constant dense<0.000000e+00> : vector<1x128xf32>
    %dot_general3A_879 = tpu.matmul %convert_element_type3A_873, %convert_element_type3A_877, %dot_general3A_878 {dimension_numbers = #tpu.dot_dimension_numbers<[1], [1], [0], [0], [0, 0, 1, 0], [], []>, transpose_lhs_hint = false} : vector<1x64xbf16>, vector<128x64xbf16>, vector<1x128xf32> -> vector<1x128xf32>
    %add3A_880 = arith.addf %add3A_869, %dot_general3A_879 : vector<1x128xf32>
    %get3A_881 = arith.constant 26 : index
    %get3A_882 = arith.constant 0 : index
    %get3A_883 = vector.load %arg6[%get3A_881, %get3A_882] : memref<50x64xf32, #tpu.memory_space<vmem>>, vector<1x64xf32>
    %convert_element_type3A_884 = arith.truncf %get3A_883 : vector<1x64xf32> to vector<1x64xbf16>
    %get3A_885 = arith.constant 0 : index
    %get3A_886 = arith.constant 1664 : index
    %get3A_887 = vector.load %arg2[%get3A_885, %get3A_886] : memref<128x3200xf32, #tpu.memory_space<vmem>>, vector<128x64xf32>
    %convert_element_type3A_888 = arith.truncf %get3A_887 : vector<128x64xf32> to vector<128x64xbf16>
    %dot_general3A_889 = arith.constant dense<0.000000e+00> : vector<1x128xf32>
    %dot_general3A_890 = tpu.matmul %convert_element_type3A_884, %convert_element_type3A_888, %dot_general3A_889 {dimension_numbers = #tpu.dot_dimension_numbers<[1], [1], [0], [0], [0, 0, 1, 0], [], []>, transpose_lhs_hint = false} : vector<1x64xbf16>, vector<128x64xbf16>, vector<1x128xf32> -> vector<1x128xf32>
    %add3A_891 = arith.addf %add3A_880, %dot_general3A_890 : vector<1x128xf32>
    %get3A_892 = arith.constant 27 : index
    %get3A_893 = arith.constant 0 : index
    %get3A_894 = vector.load %arg6[%get3A_892, %get3A_893] : memref<50x64xf32, #tpu.memory_space<vmem>>, vector<1x64xf32>
    %convert_element_type3A_895 = arith.truncf %get3A_894 : vector<1x64xf32> to vector<1x64xbf16>
    %get3A_896 = arith.constant 0 : index
    %get3A_897 = arith.constant 1728 : index
    %get3A_898 = vector.load %arg2[%get3A_896, %get3A_897] : memref<128x3200xf32, #tpu.memory_space<vmem>>, vector<128x64xf32>
    %convert_element_type3A_899 = arith.truncf %get3A_898 : vector<128x64xf32> to vector<128x64xbf16>
    %dot_general3A_900 = arith.constant dense<0.000000e+00> : vector<1x128xf32>
    %dot_general3A_901 = tpu.matmul %convert_element_type3A_895, %convert_element_type3A_899, %dot_general3A_900 {dimension_numbers = #tpu.dot_dimension_numbers<[1], [1], [0], [0], [0, 0, 1, 0], [], []>, transpose_lhs_hint = false} : vector<1x64xbf16>, vector<128x64xbf16>, vector<1x128xf32> -> vector<1x128xf32>
    %add3A_902 = arith.addf %add3A_891, %dot_general3A_901 : vector<1x128xf32>
    %get3A_903 = arith.constant 28 : index
    %get3A_904 = arith.constant 0 : index
    %get3A_905 = vector.load %arg6[%get3A_903, %get3A_904] : memref<50x64xf32, #tpu.memory_space<vmem>>, vector<1x64xf32>
    %convert_element_type3A_906 = arith.truncf %get3A_905 : vector<1x64xf32> to vector<1x64xbf16>
    %get3A_907 = arith.constant 0 : index
    %get3A_908 = arith.constant 1792 : index
    %get3A_909 = vector.load %arg2[%get3A_907, %get3A_908] : memref<128x3200xf32, #tpu.memory_space<vmem>>, vector<128x64xf32>
    %convert_element_type3A_910 = arith.truncf %get3A_909 : vector<128x64xf32> to vector<128x64xbf16>
    %dot_general3A_911 = arith.constant dense<0.000000e+00> : vector<1x128xf32>
    %dot_general3A_912 = tpu.matmul %convert_element_type3A_906, %convert_element_type3A_910, %dot_general3A_911 {dimension_numbers = #tpu.dot_dimension_numbers<[1], [1], [0], [0], [0, 0, 1, 0], [], []>, transpose_lhs_hint = false} : vector<1x64xbf16>, vector<128x64xbf16>, vector<1x128xf32> -> vector<1x128xf32>
    %add3A_913 = arith.addf %add3A_902, %dot_general3A_912 : vector<1x128xf32>
    %get3A_914 = arith.constant 29 : index
    %get3A_915 = arith.constant 0 : index
    %get3A_916 = vector.load %arg6[%get3A_914, %get3A_915] : memref<50x64xf32, #tpu.memory_space<vmem>>, vector<1x64xf32>
    %convert_element_type3A_917 = arith.truncf %get3A_916 : vector<1x64xf32> to vector<1x64xbf16>
    %get3A_918 = arith.constant 0 : index
    %get3A_919 = arith.constant 1856 : index
    %get3A_920 = vector.load %arg2[%get3A_918, %get3A_919] : memref<128x3200xf32, #tpu.memory_space<vmem>>, vector<128x64xf32>
    %convert_element_type3A_921 = arith.truncf %get3A_920 : vector<128x64xf32> to vector<128x64xbf16>
    %dot_general3A_922 = arith.constant dense<0.000000e+00> : vector<1x128xf32>
    %dot_general3A_923 = tpu.matmul %convert_element_type3A_917, %convert_element_type3A_921, %dot_general3A_922 {dimension_numbers = #tpu.dot_dimension_numbers<[1], [1], [0], [0], [0, 0, 1, 0], [], []>, transpose_lhs_hint = false} : vector<1x64xbf16>, vector<128x64xbf16>, vector<1x128xf32> -> vector<1x128xf32>
    %add3A_924 = arith.addf %add3A_913, %dot_general3A_923 : vector<1x128xf32>
    %get3A_925 = arith.constant 30 : index
    %get3A_926 = arith.constant 0 : index
    %get3A_927 = vector.load %arg6[%get3A_925, %get3A_926] : memref<50x64xf32, #tpu.memory_space<vmem>>, vector<1x64xf32>
    %convert_element_type3A_928 = arith.truncf %get3A_927 : vector<1x64xf32> to vector<1x64xbf16>
    %get3A_929 = arith.constant 0 : index
    %get3A_930 = arith.constant 1920 : index
    %get3A_931 = vector.load %arg2[%get3A_929, %get3A_930] : memref<128x3200xf32, #tpu.memory_space<vmem>>, vector<128x64xf32>
    %convert_element_type3A_932 = arith.truncf %get3A_931 : vector<128x64xf32> to vector<128x64xbf16>
    %dot_general3A_933 = arith.constant dense<0.000000e+00> : vector<1x128xf32>
    %dot_general3A_934 = tpu.matmul %convert_element_type3A_928, %convert_element_type3A_932, %dot_general3A_933 {dimension_numbers = #tpu.dot_dimension_numbers<[1], [1], [0], [0], [0, 0, 1, 0], [], []>, transpose_lhs_hint = false} : vector<1x64xbf16>, vector<128x64xbf16>, vector<1x128xf32> -> vector<1x128xf32>
    %add3A_935 = arith.addf %add3A_924, %dot_general3A_934 : vector<1x128xf32>
    %get3A_936 = arith.constant 31 : index
    %get3A_937 = arith.constant 0 : index
    %get3A_938 = vector.load %arg6[%get3A_936, %get3A_937] : memref<50x64xf32, #tpu.memory_space<vmem>>, vector<1x64xf32>
    %convert_element_type3A_939 = arith.truncf %get3A_938 : vector<1x64xf32> to vector<1x64xbf16>
    %get3A_940 = arith.constant 0 : index
    %get3A_941 = arith.constant 1984 : index
    %get3A_942 = vector.load %arg2[%get3A_940, %get3A_941] : memref<128x3200xf32, #tpu.memory_space<vmem>>, vector<128x64xf32>
    %convert_element_type3A_943 = arith.truncf %get3A_942 : vector<128x64xf32> to vector<128x64xbf16>
    %dot_general3A_944 = arith.constant dense<0.000000e+00> : vector<1x128xf32>
    %dot_general3A_945 = tpu.matmul %convert_element_type3A_939, %convert_element_type3A_943, %dot_general3A_944 {dimension_numbers = #tpu.dot_dimension_numbers<[1], [1], [0], [0], [0, 0, 1, 0], [], []>, transpose_lhs_hint = false} : vector<1x64xbf16>, vector<128x64xbf16>, vector<1x128xf32> -> vector<1x128xf32>
    %add3A_946 = arith.addf %add3A_935, %dot_general3A_945 : vector<1x128xf32>
    %get3A_947 = arith.constant 32 : index
    %get3A_948 = arith.constant 0 : index
    %get3A_949 = vector.load %arg6[%get3A_947, %get3A_948] : memref<50x64xf32, #tpu.memory_space<vmem>>, vector<1x64xf32>
    %convert_element_type3A_950 = arith.truncf %get3A_949 : vector<1x64xf32> to vector<1x64xbf16>
    %get3A_951 = arith.constant 0 : index
    %get3A_952 = arith.constant 2048 : index
    %get3A_953 = vector.load %arg2[%get3A_951, %get3A_952] : memref<128x3200xf32, #tpu.memory_space<vmem>>, vector<128x64xf32>
    %convert_element_type3A_954 = arith.truncf %get3A_953 : vector<128x64xf32> to vector<128x64xbf16>
    %dot_general3A_955 = arith.constant dense<0.000000e+00> : vector<1x128xf32>
    %dot_general3A_956 = tpu.matmul %convert_element_type3A_950, %convert_element_type3A_954, %dot_general3A_955 {dimension_numbers = #tpu.dot_dimension_numbers<[1], [1], [0], [0], [0, 0, 1, 0], [], []>, transpose_lhs_hint = false} : vector<1x64xbf16>, vector<128x64xbf16>, vector<1x128xf32> -> vector<1x128xf32>
    %add3A_957 = arith.addf %add3A_946, %dot_general3A_956 : vector<1x128xf32>
    %get3A_958 = arith.constant 33 : index
    %get3A_959 = arith.constant 0 : index
    %get3A_960 = vector.load %arg6[%get3A_958, %get3A_959] : memref<50x64xf32, #tpu.memory_space<vmem>>, vector<1x64xf32>
    %convert_element_type3A_961 = arith.truncf %get3A_960 : vector<1x64xf32> to vector<1x64xbf16>
    %get3A_962 = arith.constant 0 : index
    %get3A_963 = arith.constant 2112 : index
    %get3A_964 = vector.load %arg2[%get3A_962, %get3A_963] : memref<128x3200xf32, #tpu.memory_space<vmem>>, vector<128x64xf32>
    %convert_element_type3A_965 = arith.truncf %get3A_964 : vector<128x64xf32> to vector<128x64xbf16>
    %dot_general3A_966 = arith.constant dense<0.000000e+00> : vector<1x128xf32>
    %dot_general3A_967 = tpu.matmul %convert_element_type3A_961, %convert_element_type3A_965, %dot_general3A_966 {dimension_numbers = #tpu.dot_dimension_numbers<[1], [1], [0], [0], [0, 0, 1, 0], [], []>, transpose_lhs_hint = false} : vector<1x64xbf16>, vector<128x64xbf16>, vector<1x128xf32> -> vector<1x128xf32>
    %add3A_968 = arith.addf %add3A_957, %dot_general3A_967 : vector<1x128xf32>
    %get3A_969 = arith.constant 34 : index
    %get3A_970 = arith.constant 0 : index
    %get3A_971 = vector.load %arg6[%get3A_969, %get3A_970] : memref<50x64xf32, #tpu.memory_space<vmem>>, vector<1x64xf32>
    %convert_element_type3A_972 = arith.truncf %get3A_971 : vector<1x64xf32> to vector<1x64xbf16>
    %get3A_973 = arith.constant 0 : index
    %get3A_974 = arith.constant 2176 : index
    %get3A_975 = vector.load %arg2[%get3A_973, %get3A_974] : memref<128x3200xf32, #tpu.memory_space<vmem>>, vector<128x64xf32>
    %convert_element_type3A_976 = arith.truncf %get3A_975 : vector<128x64xf32> to vector<128x64xbf16>
    %dot_general3A_977 = arith.constant dense<0.000000e+00> : vector<1x128xf32>
    %dot_general3A_978 = tpu.matmul %convert_element_type3A_972, %convert_element_type3A_976, %dot_general3A_977 {dimension_numbers = #tpu.dot_dimension_numbers<[1], [1], [0], [0], [0, 0, 1, 0], [], []>, transpose_lhs_hint = false} : vector<1x64xbf16>, vector<128x64xbf16>, vector<1x128xf32> -> vector<1x128xf32>
    %add3A_979 = arith.addf %add3A_968, %dot_general3A_978 : vector<1x128xf32>
    %get3A_980 = arith.constant 35 : index
    %get3A_981 = arith.constant 0 : index
    %get3A_982 = vector.load %arg6[%get3A_980, %get3A_981] : memref<50x64xf32, #tpu.memory_space<vmem>>, vector<1x64xf32>
    %convert_element_type3A_983 = arith.truncf %get3A_982 : vector<1x64xf32> to vector<1x64xbf16>
    %get3A_984 = arith.constant 0 : index
    %get3A_985 = arith.constant 2240 : index
    %get3A_986 = vector.load %arg2[%get3A_984, %get3A_985] : memref<128x3200xf32, #tpu.memory_space<vmem>>, vector<128x64xf32>
    %convert_element_type3A_987 = arith.truncf %get3A_986 : vector<128x64xf32> to vector<128x64xbf16>
    %dot_general3A_988 = arith.constant dense<0.000000e+00> : vector<1x128xf32>
    %dot_general3A_989 = tpu.matmul %convert_element_type3A_983, %convert_element_type3A_987, %dot_general3A_988 {dimension_numbers = #tpu.dot_dimension_numbers<[1], [1], [0], [0], [0, 0, 1, 0], [], []>, transpose_lhs_hint = false} : vector<1x64xbf16>, vector<128x64xbf16>, vector<1x128xf32> -> vector<1x128xf32>
    %add3A_990 = arith.addf %add3A_979, %dot_general3A_989 : vector<1x128xf32>
    %get3A_991 = arith.constant 36 : index
    %get3A_992 = arith.constant 0 : index
    %get3A_993 = vector.load %arg6[%get3A_991, %get3A_992] : memref<50x64xf32, #tpu.memory_space<vmem>>, vector<1x64xf32>
    %convert_element_type3A_994 = arith.truncf %get3A_993 : vector<1x64xf32> to vector<1x64xbf16>
    %get3A_995 = arith.constant 0 : index
    %get3A_996 = arith.constant 2304 : index
    %get3A_997 = vector.load %arg2[%get3A_995, %get3A_996] : memref<128x3200xf32, #tpu.memory_space<vmem>>, vector<128x64xf32>
    %convert_element_type3A_998 = arith.truncf %get3A_997 : vector<128x64xf32> to vector<128x64xbf16>
    %dot_general3A_999 = arith.constant dense<0.000000e+00> : vector<1x128xf32>
    %dot_general3A_1000 = tpu.matmul %convert_element_type3A_994, %convert_element_type3A_998, %dot_general3A_999 {dimension_numbers = #tpu.dot_dimension_numbers<[1], [1], [0], [0], [0, 0, 1, 0], [], []>, transpose_lhs_hint = false} : vector<1x64xbf16>, vector<128x64xbf16>, vector<1x128xf32> -> vector<1x128xf32>
    %add3A_1001 = arith.addf %add3A_990, %dot_general3A_1000 : vector<1x128xf32>
    %get3A_1002 = arith.constant 37 : index
    %get3A_1003 = arith.constant 0 : index
    %get3A_1004 = vector.load %arg6[%get3A_1002, %get3A_1003] : memref<50x64xf32, #tpu.memory_space<vmem>>, vector<1x64xf32>
    %convert_element_type3A_1005 = arith.truncf %get3A_1004 : vector<1x64xf32> to vector<1x64xbf16>
    %get3A_1006 = arith.constant 0 : index
    %get3A_1007 = arith.constant 2368 : index
    %get3A_1008 = vector.load %arg2[%get3A_1006, %get3A_1007] : memref<128x3200xf32, #tpu.memory_space<vmem>>, vector<128x64xf32>
    %convert_element_type3A_1009 = arith.truncf %get3A_1008 : vector<128x64xf32> to vector<128x64xbf16>
    %dot_general3A_1010 = arith.constant dense<0.000000e+00> : vector<1x128xf32>
    %dot_general3A_1011 = tpu.matmul %convert_element_type3A_1005, %convert_element_type3A_1009, %dot_general3A_1010 {dimension_numbers = #tpu.dot_dimension_numbers<[1], [1], [0], [0], [0, 0, 1, 0], [], []>, transpose_lhs_hint = false} : vector<1x64xbf16>, vector<128x64xbf16>, vector<1x128xf32> -> vector<1x128xf32>
    %add3A_1012 = arith.addf %add3A_1001, %dot_general3A_1011 : vector<1x128xf32>
    %get3A_1013 = arith.constant 38 : index
    %get3A_1014 = arith.constant 0 : index
    %get3A_1015 = vector.load %arg6[%get3A_1013, %get3A_1014] : memref<50x64xf32, #tpu.memory_space<vmem>>, vector<1x64xf32>
    %convert_element_type3A_1016 = arith.truncf %get3A_1015 : vector<1x64xf32> to vector<1x64xbf16>
    %get3A_1017 = arith.constant 0 : index
    %get3A_1018 = arith.constant 2432 : index
    %get3A_1019 = vector.load %arg2[%get3A_1017, %get3A_1018] : memref<128x3200xf32, #tpu.memory_space<vmem>>, vector<128x64xf32>
    %convert_element_type3A_1020 = arith.truncf %get3A_1019 : vector<128x64xf32> to vector<128x64xbf16>
    %dot_general3A_1021 = arith.constant dense<0.000000e+00> : vector<1x128xf32>
    %dot_general3A_1022 = tpu.matmul %convert_element_type3A_1016, %convert_element_type3A_1020, %dot_general3A_1021 {dimension_numbers = #tpu.dot_dimension_numbers<[1], [1], [0], [0], [0, 0, 1, 0], [], []>, transpose_lhs_hint = false} : vector<1x64xbf16>, vector<128x64xbf16>, vector<1x128xf32> -> vector<1x128xf32>
    %add3A_1023 = arith.addf %add3A_1012, %dot_general3A_1022 : vector<1x128xf32>
    %get3A_1024 = arith.constant 39 : index
    %get3A_1025 = arith.constant 0 : index
    %get3A_1026 = vector.load %arg6[%get3A_1024, %get3A_1025] : memref<50x64xf32, #tpu.memory_space<vmem>>, vector<1x64xf32>
    %convert_element_type3A_1027 = arith.truncf %get3A_1026 : vector<1x64xf32> to vector<1x64xbf16>
    %get3A_1028 = arith.constant 0 : index
    %get3A_1029 = arith.constant 2496 : index
    %get3A_1030 = vector.load %arg2[%get3A_1028, %get3A_1029] : memref<128x3200xf32, #tpu.memory_space<vmem>>, vector<128x64xf32>
    %convert_element_type3A_1031 = arith.truncf %get3A_1030 : vector<128x64xf32> to vector<128x64xbf16>
    %dot_general3A_1032 = arith.constant dense<0.000000e+00> : vector<1x128xf32>
    %dot_general3A_1033 = tpu.matmul %convert_element_type3A_1027, %convert_element_type3A_1031, %dot_general3A_1032 {dimension_numbers = #tpu.dot_dimension_numbers<[1], [1], [0], [0], [0, 0, 1, 0], [], []>, transpose_lhs_hint = false} : vector<1x64xbf16>, vector<128x64xbf16>, vector<1x128xf32> -> vector<1x128xf32>
    %add3A_1034 = arith.addf %add3A_1023, %dot_general3A_1033 : vector<1x128xf32>
    %get3A_1035 = arith.constant 40 : index
    %get3A_1036 = arith.constant 0 : index
    %get3A_1037 = vector.load %arg6[%get3A_1035, %get3A_1036] : memref<50x64xf32, #tpu.memory_space<vmem>>, vector<1x64xf32>
    %convert_element_type3A_1038 = arith.truncf %get3A_1037 : vector<1x64xf32> to vector<1x64xbf16>
    %get3A_1039 = arith.constant 0 : index
    %get3A_1040 = arith.constant 2560 : index
    %get3A_1041 = vector.load %arg2[%get3A_1039, %get3A_1040] : memref<128x3200xf32, #tpu.memory_space<vmem>>, vector<128x64xf32>
    %convert_element_type3A_1042 = arith.truncf %get3A_1041 : vector<128x64xf32> to vector<128x64xbf16>
    %dot_general3A_1043 = arith.constant dense<0.000000e+00> : vector<1x128xf32>
    %dot_general3A_1044 = tpu.matmul %convert_element_type3A_1038, %convert_element_type3A_1042, %dot_general3A_1043 {dimension_numbers = #tpu.dot_dimension_numbers<[1], [1], [0], [0], [0, 0, 1, 0], [], []>, transpose_lhs_hint = false} : vector<1x64xbf16>, vector<128x64xbf16>, vector<1x128xf32> -> vector<1x128xf32>
    %add3A_1045 = arith.addf %add3A_1034, %dot_general3A_1044 : vector<1x128xf32>
    %get3A_1046 = arith.constant 41 : index
    %get3A_1047 = arith.constant 0 : index
    %get3A_1048 = vector.load %arg6[%get3A_1046, %get3A_1047] : memref<50x64xf32, #tpu.memory_space<vmem>>, vector<1x64xf32>
    %convert_element_type3A_1049 = arith.truncf %get3A_1048 : vector<1x64xf32> to vector<1x64xbf16>
    %get3A_1050 = arith.constant 0 : index
    %get3A_1051 = arith.constant 2624 : index
    %get3A_1052 = vector.load %arg2[%get3A_1050, %get3A_1051] : memref<128x3200xf32, #tpu.memory_space<vmem>>, vector<128x64xf32>
    %convert_element_type3A_1053 = arith.truncf %get3A_1052 : vector<128x64xf32> to vector<128x64xbf16>
    %dot_general3A_1054 = arith.constant dense<0.000000e+00> : vector<1x128xf32>
    %dot_general3A_1055 = tpu.matmul %convert_element_type3A_1049, %convert_element_type3A_1053, %dot_general3A_1054 {dimension_numbers = #tpu.dot_dimension_numbers<[1], [1], [0], [0], [0, 0, 1, 0], [], []>, transpose_lhs_hint = false} : vector<1x64xbf16>, vector<128x64xbf16>, vector<1x128xf32> -> vector<1x128xf32>
    %add3A_1056 = arith.addf %add3A_1045, %dot_general3A_1055 : vector<1x128xf32>
    %get3A_1057 = arith.constant 42 : index
    %get3A_1058 = arith.constant 0 : index
    %get3A_1059 = vector.load %arg6[%get3A_1057, %get3A_1058] : memref<50x64xf32, #tpu.memory_space<vmem>>, vector<1x64xf32>
    %convert_element_type3A_1060 = arith.truncf %get3A_1059 : vector<1x64xf32> to vector<1x64xbf16>
    %get3A_1061 = arith.constant 0 : index
    %get3A_1062 = arith.constant 2688 : index
    %get3A_1063 = vector.load %arg2[%get3A_1061, %get3A_1062] : memref<128x3200xf32, #tpu.memory_space<vmem>>, vector<128x64xf32>
    %convert_element_type3A_1064 = arith.truncf %get3A_1063 : vector<128x64xf32> to vector<128x64xbf16>
    %dot_general3A_1065 = arith.constant dense<0.000000e+00> : vector<1x128xf32>
    %dot_general3A_1066 = tpu.matmul %convert_element_type3A_1060, %convert_element_type3A_1064, %dot_general3A_1065 {dimension_numbers = #tpu.dot_dimension_numbers<[1], [1], [0], [0], [0, 0, 1, 0], [], []>, transpose_lhs_hint = false} : vector<1x64xbf16>, vector<128x64xbf16>, vector<1x128xf32> -> vector<1x128xf32>
    %add3A_1067 = arith.addf %add3A_1056, %dot_general3A_1066 : vector<1x128xf32>
    %get3A_1068 = arith.constant 43 : index
    %get3A_1069 = arith.constant 0 : index
    %get3A_1070 = vector.load %arg6[%get3A_1068, %get3A_1069] : memref<50x64xf32, #tpu.memory_space<vmem>>, vector<1x64xf32>
    %convert_element_type3A_1071 = arith.truncf %get3A_1070 : vector<1x64xf32> to vector<1x64xbf16>
    %get3A_1072 = arith.constant 0 : index
    %get3A_1073 = arith.constant 2752 : index
    %get3A_1074 = vector.load %arg2[%get3A_1072, %get3A_1073] : memref<128x3200xf32, #tpu.memory_space<vmem>>, vector<128x64xf32>
    %convert_element_type3A_1075 = arith.truncf %get3A_1074 : vector<128x64xf32> to vector<128x64xbf16>
    %dot_general3A_1076 = arith.constant dense<0.000000e+00> : vector<1x128xf32>
    %dot_general3A_1077 = tpu.matmul %convert_element_type3A_1071, %convert_element_type3A_1075, %dot_general3A_1076 {dimension_numbers = #tpu.dot_dimension_numbers<[1], [1], [0], [0], [0, 0, 1, 0], [], []>, transpose_lhs_hint = false} : vector<1x64xbf16>, vector<128x64xbf16>, vector<1x128xf32> -> vector<1x128xf32>
    %add3A_1078 = arith.addf %add3A_1067, %dot_general3A_1077 : vector<1x128xf32>
    %get3A_1079 = arith.constant 44 : index
    %get3A_1080 = arith.constant 0 : index
    %get3A_1081 = vector.load %arg6[%get3A_1079, %get3A_1080] : memref<50x64xf32, #tpu.memory_space<vmem>>, vector<1x64xf32>
    %convert_element_type3A_1082 = arith.truncf %get3A_1081 : vector<1x64xf32> to vector<1x64xbf16>
    %get3A_1083 = arith.constant 0 : index
    %get3A_1084 = arith.constant 2816 : index
    %get3A_1085 = vector.load %arg2[%get3A_1083, %get3A_1084] : memref<128x3200xf32, #tpu.memory_space<vmem>>, vector<128x64xf32>
    %convert_element_type3A_1086 = arith.truncf %get3A_1085 : vector<128x64xf32> to vector<128x64xbf16>
    %dot_general3A_1087 = arith.constant dense<0.000000e+00> : vector<1x128xf32>
    %dot_general3A_1088 = tpu.matmul %convert_element_type3A_1082, %convert_element_type3A_1086, %dot_general3A_1087 {dimension_numbers = #tpu.dot_dimension_numbers<[1], [1], [0], [0], [0, 0, 1, 0], [], []>, transpose_lhs_hint = false} : vector<1x64xbf16>, vector<128x64xbf16>, vector<1x128xf32> -> vector<1x128xf32>
    %add3A_1089 = arith.addf %add3A_1078, %dot_general3A_1088 : vector<1x128xf32>
    %get3A_1090 = arith.constant 45 : index
    %get3A_1091 = arith.constant 0 : index
    %get3A_1092 = vector.load %arg6[%get3A_1090, %get3A_1091] : memref<50x64xf32, #tpu.memory_space<vmem>>, vector<1x64xf32>
    %convert_element_type3A_1093 = arith.truncf %get3A_1092 : vector<1x64xf32> to vector<1x64xbf16>
    %get3A_1094 = arith.constant 0 : index
    %get3A_1095 = arith.constant 2880 : index
    %get3A_1096 = vector.load %arg2[%get3A_1094, %get3A_1095] : memref<128x3200xf32, #tpu.memory_space<vmem>>, vector<128x64xf32>
    %convert_element_type3A_1097 = arith.truncf %get3A_1096 : vector<128x64xf32> to vector<128x64xbf16>
    %dot_general3A_1098 = arith.constant dense<0.000000e+00> : vector<1x128xf32>
    %dot_general3A_1099 = tpu.matmul %convert_element_type3A_1093, %convert_element_type3A_1097, %dot_general3A_1098 {dimension_numbers = #tpu.dot_dimension_numbers<[1], [1], [0], [0], [0, 0, 1, 0], [], []>, transpose_lhs_hint = false} : vector<1x64xbf16>, vector<128x64xbf16>, vector<1x128xf32> -> vector<1x128xf32>
    %add3A_1100 = arith.addf %add3A_1089, %dot_general3A_1099 : vector<1x128xf32>
    %get3A_1101 = arith.constant 46 : index
    %get3A_1102 = arith.constant 0 : index
    %get3A_1103 = vector.load %arg6[%get3A_1101, %get3A_1102] : memref<50x64xf32, #tpu.memory_space<vmem>>, vector<1x64xf32>
    %convert_element_type3A_1104 = arith.truncf %get3A_1103 : vector<1x64xf32> to vector<1x64xbf16>
    %get3A_1105 = arith.constant 0 : index
    %get3A_1106 = arith.constant 2944 : index
    %get3A_1107 = vector.load %arg2[%get3A_1105, %get3A_1106] : memref<128x3200xf32, #tpu.memory_space<vmem>>, vector<128x64xf32>
    %convert_element_type3A_1108 = arith.truncf %get3A_1107 : vector<128x64xf32> to vector<128x64xbf16>
    %dot_general3A_1109 = arith.constant dense<0.000000e+00> : vector<1x128xf32>
    %dot_general3A_1110 = tpu.matmul %convert_element_type3A_1104, %convert_element_type3A_1108, %dot_general3A_1109 {dimension_numbers = #tpu.dot_dimension_numbers<[1], [1], [0], [0], [0, 0, 1, 0], [], []>, transpose_lhs_hint = false} : vector<1x64xbf16>, vector<128x64xbf16>, vector<1x128xf32> -> vector<1x128xf32>
    %add3A_1111 = arith.addf %add3A_1100, %dot_general3A_1110 : vector<1x128xf32>
    %get3A_1112 = arith.constant 47 : index
    %get3A_1113 = arith.constant 0 : index
    %get3A_1114 = vector.load %arg6[%get3A_1112, %get3A_1113] : memref<50x64xf32, #tpu.memory_space<vmem>>, vector<1x64xf32>
    %convert_element_type3A_1115 = arith.truncf %get3A_1114 : vector<1x64xf32> to vector<1x64xbf16>
    %get3A_1116 = arith.constant 0 : index
    %get3A_1117 = arith.constant 3008 : index
    %get3A_1118 = vector.load %arg2[%get3A_1116, %get3A_1117] : memref<128x3200xf32, #tpu.memory_space<vmem>>, vector<128x64xf32>
    %convert_element_type3A_1119 = arith.truncf %get3A_1118 : vector<128x64xf32> to vector<128x64xbf16>
    %dot_general3A_1120 = arith.constant dense<0.000000e+00> : vector<1x128xf32>
    %dot_general3A_1121 = tpu.matmul %convert_element_type3A_1115, %convert_element_type3A_1119, %dot_general3A_1120 {dimension_numbers = #tpu.dot_dimension_numbers<[1], [1], [0], [0], [0, 0, 1, 0], [], []>, transpose_lhs_hint = false} : vector<1x64xbf16>, vector<128x64xbf16>, vector<1x128xf32> -> vector<1x128xf32>
    %add3A_1122 = arith.addf %add3A_1111, %dot_general3A_1121 : vector<1x128xf32>
    %get3A_1123 = arith.constant 48 : index
    %get3A_1124 = arith.constant 0 : index
    %get3A_1125 = vector.load %arg6[%get3A_1123, %get3A_1124] : memref<50x64xf32, #tpu.memory_space<vmem>>, vector<1x64xf32>
    %convert_element_type3A_1126 = arith.truncf %get3A_1125 : vector<1x64xf32> to vector<1x64xbf16>
    %get3A_1127 = arith.constant 0 : index
    %get3A_1128 = arith.constant 3072 : index
    %get3A_1129 = vector.load %arg2[%get3A_1127, %get3A_1128] : memref<128x3200xf32, #tpu.memory_space<vmem>>, vector<128x64xf32>
    %convert_element_type3A_1130 = arith.truncf %get3A_1129 : vector<128x64xf32> to vector<128x64xbf16>
    %dot_general3A_1131 = arith.constant dense<0.000000e+00> : vector<1x128xf32>
    %dot_general3A_1132 = tpu.matmul %convert_element_type3A_1126, %convert_element_type3A_1130, %dot_general3A_1131 {dimension_numbers = #tpu.dot_dimension_numbers<[1], [1], [0], [0], [0, 0, 1, 0], [], []>, transpose_lhs_hint = false} : vector<1x64xbf16>, vector<128x64xbf16>, vector<1x128xf32> -> vector<1x128xf32>
    %add3A_1133 = arith.addf %add3A_1122, %dot_general3A_1132 : vector<1x128xf32>
    %get3A_1134 = arith.constant 49 : index
    %get3A_1135 = arith.constant 0 : index
    %get3A_1136 = vector.load %arg6[%get3A_1134, %get3A_1135] : memref<50x64xf32, #tpu.memory_space<vmem>>, vector<1x64xf32>
    %convert_element_type3A_1137 = arith.truncf %get3A_1136 : vector<1x64xf32> to vector<1x64xbf16>
    %get3A_1138 = arith.constant 0 : index
    %get3A_1139 = arith.constant 3136 : index
    %get3A_1140 = vector.load %arg2[%get3A_1138, %get3A_1139] : memref<128x3200xf32, #tpu.memory_space<vmem>>, vector<128x64xf32>
    %convert_element_type3A_1141 = arith.truncf %get3A_1140 : vector<128x64xf32> to vector<128x64xbf16>
    %dot_general3A_1142 = arith.constant dense<0.000000e+00> : vector<1x128xf32>
    %dot_general3A_1143 = tpu.matmul %convert_element_type3A_1137, %convert_element_type3A_1141, %dot_general3A_1142 {dimension_numbers = #tpu.dot_dimension_numbers<[1], [1], [0], [0], [0, 0, 1, 0], [], []>, transpose_lhs_hint = false} : vector<1x64xbf16>, vector<128x64xbf16>, vector<1x128xf32> -> vector<1x128xf32>
    %add3A_1144 = arith.addf %add3A_1133, %dot_general3A_1143 : vector<1x128xf32>
    %get3A_1145 = arith.constant 0 : index
    %get3A_1146 = arith.constant 0 : index
    %get3A_1147 = vector.load %arg3[%get3A_1145, %get3A_1146] : memref<1x128xf32, #tpu.memory_space<vmem>>, vector<1x128xf32>
    %add3A_1148 = arith.addf %add3A_1144, %get3A_1147 : vector<1x128xf32>
    %max3A = arith.constant 0.000000e+00 : f32
    %max3A_1149 = vector.broadcast %max3A : f32 to vector<1x128xf32>
    %max3A_1150 = arith.maximumf %add3A_1148, %max3A_1149 : vector<1x128xf32>
    %swap3A = arith.constant 0 : index
    %swap3A_1151 = arith.constant 0 : index
    %swap3A_1152 = vector.load %arg4[%swap3A, %swap3A_1151] : memref<1x128xf32, #tpu.memory_space<vmem>>, vector<1x128xf32>
    tpu.vector_store %arg4[%swap3A, %swap3A_1151], %max3A_1150 {strides = array<i32>} : memref<1x128xf32, #tpu.memory_space<vmem>>, vector<1x128xf32>,
    return
  }
}

module attributes {stable_mosaic.version = 14 : i64} {
  func.func @_c_body(%arg0: i32, %arg1: memref<1x128xf32, #tpu.memory_space<vmem>>, %arg2: memref<1400x128xf32, #tpu.memory_space<vmem>>, %arg3: memref<1400x128xf32, #tpu.memory_space<vmem>>, %arg4: memref<1400x128xf32, #tpu.memory_space<vmem>>, %arg5: memref<1400x128xf32, #tpu.memory_space<vmem>>, %arg6: memref<1x1x5600xf32, #tpu.memory_space<vmem>>, %arg7: memref<44x1x1400xf32, #tpu.memory_space<vmem>>) attributes {dimension_semantics = [#tpu.dimension_semantics<arbitrary>], iteration_bounds = array<i64: 11>, scalar_prefetch = 0 : i64, scratch_operands = 0 : i64, tpu.core_type = #tpu.core_type<tc>, window_params = [{pipeline_mode = #tpu.pipeline_mode<synchronous>, transform_indices = @transform_0, window_bounds = array<i64: 1, 128>}, {transform_indices = @transform_1, window_bounds = array<i64: 1400, 128>}, {transform_indices = @transform_2, window_bounds = array<i64: 1400, 128>}, {transform_indices = @transform_3, window_bounds = array<i64: 1400, 128>}, {transform_indices = @transform_4, window_bounds = array<i64: 1400, 128>}, {transform_indices = @transform_5, window_bounds = array<i64: 1, 1, 5600>}, {pipeline_mode = #tpu.pipeline_mode<synchronous>, transform_indices = @transform_6, window_bounds = array<i64: 44, 1, 1400>}]} {
    %get3A = arith.constant 0 : index
    %get3A_0 = arith.constant 0 : index
    %get3A_1 = vector.load %arg1[%get3A, %get3A_0] : memref<1x128xf32, #tpu.memory_space<vmem>>, vector<1x128xf32>
    %convert_element_type3A = arith.truncf %get3A_1 : vector<1x128xf32> to vector<1x128xbf16>
    %get3A_2 = arith.constant 0 : index
    %get3A_3 = arith.constant 0 : index
    %get3A_4 = vector.load %arg2[%get3A_2, %get3A_3] : memref<1400x128xf32, #tpu.memory_space<vmem>>, vector<1400x128xf32>
    %convert_element_type3A_5 = arith.truncf %get3A_4 : vector<1400x128xf32> to vector<1400x128xbf16>
    %dot_general3A = arith.constant dense<0.000000e+00> : vector<1x1400xf32>
    %dot_general3A_6 = tpu.matmul %convert_element_type3A, %convert_element_type3A_5, %dot_general3A {dimension_numbers = #tpu.dot_dimension_numbers<[1], [1], [0], [0], [0, 0, 1, 0], [], []>, transpose_lhs_hint = false} : vector<1x128xbf16>, vector<1400x128xbf16>, vector<1x1400xf32> -> vector<1x1400xf32>
    %get3A_7 = arith.constant 0 : index
    %get3A_8 = arith.constant 0 : index
    %get3A_9 = arith.constant 0 : index
    %get3A_10 = vector.load %arg6[%get3A_7, %get3A_8, %get3A_9] : memref<1x1x5600xf32, #tpu.memory_space<vmem>>, vector<1x1x1400xf32>
    %get3A_11 = vector.shape_cast %get3A_10 : vector<1x1x1400xf32> to vector<1x1400xf32>
    %add3A = arith.addf %dot_general3A_6, %get3A_11 : vector<1x1400xf32>
    %broadcast_in_dim3A = vector.shape_cast %add3A : vector<1x1400xf32> to vector<1x1x1400xf32>
    %mul3A = arith.constant 4 : i32
    %mul3A_12 = arith.muli %arg0, %mul3A : i32
    %add3A_13 = arith.constant 0 : i32
    %add3A_14 = arith.addi %mul3A_12, %add3A_13 : i32
    %swap3A = arith.index_cast %add3A_14 : i32 to index
    %swap3A_15 = arith.constant 0 : index
    %swap3A_16 = arith.constant 0 : index
    %swap3A_17 = vector.load %arg7[%swap3A, %swap3A_15, %swap3A_16] : memref<44x1x1400xf32, #tpu.memory_space<vmem>>, vector<1x1x1400xf32>
    tpu.vector_store %arg7[%swap3A, %swap3A_15, %swap3A_16], %broadcast_in_dim3A {strides = array<i32>} : memref<44x1x1400xf32, #tpu.memory_space<vmem>>, vector<1x1x1400xf32>,
    %get3A_18 = arith.constant 0 : index
    %get3A_19 = arith.constant 0 : index
    %get3A_20 = vector.load %arg3[%get3A_18, %get3A_19] : memref<1400x128xf32, #tpu.memory_space<vmem>>, vector<1400x128xf32>
    %convert_element_type3A_21 = arith.truncf %get3A_20 : vector<1400x128xf32> to vector<1400x128xbf16>
    %dot_general3A_22 = arith.constant dense<0.000000e+00> : vector<1x1400xf32>
    %dot_general3A_23 = tpu.matmul %convert_element_type3A, %convert_element_type3A_21, %dot_general3A_22 {dimension_numbers = #tpu.dot_dimension_numbers<[1], [1], [0], [0], [0, 0, 1, 0], [], []>, transpose_lhs_hint = false} : vector<1x128xbf16>, vector<1400x128xbf16>, vector<1x1400xf32> -> vector<1x1400xf32>
    %get3A_24 = arith.constant 0 : index
    %get3A_25 = arith.constant 0 : index
    %get3A_26 = arith.constant 1400 : index
    %get3A_27 = vector.load %arg6[%get3A_24, %get3A_25, %get3A_26] : memref<1x1x5600xf32, #tpu.memory_space<vmem>>, vector<1x1x1400xf32>
    %get3A_28 = vector.shape_cast %get3A_27 : vector<1x1x1400xf32> to vector<1x1400xf32>
    %add3A_29 = arith.addf %dot_general3A_23, %get3A_28 : vector<1x1400xf32>
    %broadcast_in_dim3A_30 = vector.shape_cast %add3A_29 : vector<1x1400xf32> to vector<1x1x1400xf32>
    %mul3A_31 = arith.constant 4 : i32
    %mul3A_32 = arith.muli %arg0, %mul3A_31 : i32
    %add3A_33 = arith.constant 1 : i32
    %add3A_34 = arith.addi %mul3A_32, %add3A_33 : i32
    %swap3A_35 = arith.index_cast %add3A_34 : i32 to index
    %swap3A_36 = arith.constant 0 : index
    %swap3A_37 = arith.constant 0 : index
    %swap3A_38 = vector.load %arg7[%swap3A_35, %swap3A_36, %swap3A_37] : memref<44x1x1400xf32, #tpu.memory_space<vmem>>, vector<1x1x1400xf32>
    tpu.vector_store %arg7[%swap3A_35, %swap3A_36, %swap3A_37], %broadcast_in_dim3A_30 {strides = array<i32>} : memref<44x1x1400xf32, #tpu.memory_space<vmem>>, vector<1x1x1400xf32>,
    %get3A_39 = arith.constant 0 : index
    %get3A_40 = arith.constant 0 : index
    %get3A_41 = vector.load %arg4[%get3A_39, %get3A_40] : memref<1400x128xf32, #tpu.memory_space<vmem>>, vector<1400x128xf32>
    %convert_element_type3A_42 = arith.truncf %get3A_41 : vector<1400x128xf32> to vector<1400x128xbf16>
    %dot_general3A_43 = arith.constant dense<0.000000e+00> : vector<1x1400xf32>
    %dot_general3A_44 = tpu.matmul %convert_element_type3A, %convert_element_type3A_42, %dot_general3A_43 {dimension_numbers = #tpu.dot_dimension_numbers<[1], [1], [0], [0], [0, 0, 1, 0], [], []>, transpose_lhs_hint = false} : vector<1x128xbf16>, vector<1400x128xbf16>, vector<1x1400xf32> -> vector<1x1400xf32>
    %get3A_45 = arith.constant 0 : index
    %get3A_46 = arith.constant 0 : index
    %get3A_47 = arith.constant 2800 : index
    %get3A_48 = vector.load %arg6[%get3A_45, %get3A_46, %get3A_47] : memref<1x1x5600xf32, #tpu.memory_space<vmem>>, vector<1x1x1400xf32>
    %get3A_49 = vector.shape_cast %get3A_48 : vector<1x1x1400xf32> to vector<1x1400xf32>
    %add3A_50 = arith.addf %dot_general3A_44, %get3A_49 : vector<1x1400xf32>
    %broadcast_in_dim3A_51 = vector.shape_cast %add3A_50 : vector<1x1400xf32> to vector<1x1x1400xf32>
    %mul3A_52 = arith.constant 4 : i32
    %mul3A_53 = arith.muli %arg0, %mul3A_52 : i32
    %add3A_54 = arith.constant 2 : i32
    %add3A_55 = arith.addi %mul3A_53, %add3A_54 : i32
    %swap3A_56 = arith.index_cast %add3A_55 : i32 to index
    %swap3A_57 = arith.constant 0 : index
    %swap3A_58 = arith.constant 0 : index
    %swap3A_59 = vector.load %arg7[%swap3A_56, %swap3A_57, %swap3A_58] : memref<44x1x1400xf32, #tpu.memory_space<vmem>>, vector<1x1x1400xf32>
    tpu.vector_store %arg7[%swap3A_56, %swap3A_57, %swap3A_58], %broadcast_in_dim3A_51 {strides = array<i32>} : memref<44x1x1400xf32, #tpu.memory_space<vmem>>, vector<1x1x1400xf32>,
    %get3A_60 = arith.constant 0 : index
    %get3A_61 = arith.constant 0 : index
    %get3A_62 = vector.load %arg5[%get3A_60, %get3A_61] : memref<1400x128xf32, #tpu.memory_space<vmem>>, vector<1400x128xf32>
    %convert_element_type3A_63 = arith.truncf %get3A_62 : vector<1400x128xf32> to vector<1400x128xbf16>
    %dot_general3A_64 = arith.constant dense<0.000000e+00> : vector<1x1400xf32>
    %dot_general3A_65 = tpu.matmul %convert_element_type3A, %convert_element_type3A_63, %dot_general3A_64 {dimension_numbers = #tpu.dot_dimension_numbers<[1], [1], [0], [0], [0, 0, 1, 0], [], []>, transpose_lhs_hint = false} : vector<1x128xbf16>, vector<1400x128xbf16>, vector<1x1400xf32> -> vector<1x1400xf32>
    %get3A_66 = arith.constant 0 : index
    %get3A_67 = arith.constant 0 : index
    %get3A_68 = arith.constant 4200 : index
    %get3A_69 = vector.load %arg6[%get3A_66, %get3A_67, %get3A_68] : memref<1x1x5600xf32, #tpu.memory_space<vmem>>, vector<1x1x1400xf32>
    %get3A_70 = vector.shape_cast %get3A_69 : vector<1x1x1400xf32> to vector<1x1400xf32>
    %add3A_71 = arith.addf %dot_general3A_65, %get3A_70 : vector<1x1400xf32>
    %broadcast_in_dim3A_72 = vector.shape_cast %add3A_71 : vector<1x1400xf32> to vector<1x1x1400xf32>
    %mul3A_73 = arith.constant 4 : i32
    %mul3A_74 = arith.muli %arg0, %mul3A_73 : i32
    %add3A_75 = arith.constant 3 : i32
    %add3A_76 = arith.addi %mul3A_74, %add3A_75 : i32
    %swap3A_77 = arith.index_cast %add3A_76 : i32 to index
    %swap3A_78 = arith.constant 0 : index
    %swap3A_79 = arith.constant 0 : index
    %swap3A_80 = vector.load %arg7[%swap3A_77, %swap3A_78, %swap3A_79] : memref<44x1x1400xf32, #tpu.memory_space<vmem>>, vector<1x1x1400xf32>
    tpu.vector_store %arg7[%swap3A_77, %swap3A_78, %swap3A_79], %broadcast_in_dim3A_72 {strides = array<i32>} : memref<44x1x1400xf32, #tpu.memory_space<vmem>>, vector<1x1x1400xf32>,
    return
  }
  func.func @transform_0(%arg0: i32) -> (i32, i32) {
    %c0_i32 = arith.constant 0 : i32
    %c0_i32_0 = arith.constant 0 : i32
    %c0_i32_1 = arith.constant 0 : i32
    return %c0_i32, %c0_i32_0 : i32, i32
  }
  func.func @transform_1(%arg0: i32) -> (i32, i32) {
    %mul3A = arith.constant 4 : i32
    %mul3A_0 = arith.muli %arg0, %mul3A : i32
    %add3A = arith.constant 0 : i32
    %add3A_1 = arith.addi %mul3A_0, %add3A : i32
    %c0_i32 = arith.constant 0 : i32
    %c0_i32_2 = arith.constant 0 : i32
    return %add3A_1, %c0_i32 : i32, i32
  }
  func.func @transform_2(%arg0: i32) -> (i32, i32) {
    %mul3A = arith.constant 4 : i32
    %mul3A_0 = arith.muli %arg0, %mul3A : i32
    %add3A = arith.constant 1 : i32
    %add3A_1 = arith.addi %mul3A_0, %add3A : i32
    %c0_i32 = arith.constant 0 : i32
    %c0_i32_2 = arith.constant 0 : i32
    return %add3A_1, %c0_i32 : i32, i32
  }
  func.func @transform_3(%arg0: i32) -> (i32, i32) {
    %mul3A = arith.constant 4 : i32
    %mul3A_0 = arith.muli %arg0, %mul3A : i32
    %add3A = arith.constant 2 : i32
    %add3A_1 = arith.addi %mul3A_0, %add3A : i32
    %c0_i32 = arith.constant 0 : i32
    %c0_i32_2 = arith.constant 0 : i32
    return %add3A_1, %c0_i32 : i32, i32
  }
  func.func @transform_4(%arg0: i32) -> (i32, i32) {
    %mul3A = arith.constant 4 : i32
    %mul3A_0 = arith.muli %arg0, %mul3A : i32
    %add3A = arith.constant 3 : i32
    %add3A_1 = arith.addi %mul3A_0, %add3A : i32
    %c0_i32 = arith.constant 0 : i32
    %c0_i32_2 = arith.constant 0 : i32
    return %add3A_1, %c0_i32 : i32, i32
  }
  func.func @transform_5(%arg0: i32) -> (i32, i32, i32) {
    %c0_i32 = arith.constant 0 : i32
    %c0_i32_0 = arith.constant 0 : i32
    %c0_i32_1 = arith.constant 0 : i32
    return %arg0, %c0_i32, %c0_i32_0 : i32, i32, i32
  }
  func.func @transform_6(%arg0: i32) -> (i32, i32, i32) {
    %c0_i32 = arith.constant 0 : i32
    %c0_i32_0 = arith.constant 0 : i32
    %c0_i32_1 = arith.constant 0 : i32
    %c0_i32_2 = arith.constant 0 : i32
    return %c0_i32, %c0_i32_0, %c0_i32_1 : i32, i32, i32
  }
}

module attributes {stable_mosaic.version = 14 : i64} {
  func.func @_d_body(%arg0: memref<44x1x1400xf32, #tpu.memory_space<vmem>>, %arg1: memref<1x38400xf32, #tpu.memory_space<vmem>>, %arg2: memref<44x1x1400xf32, #tpu.memory_space<vmem>>, %arg3: memref<1x38400xf32, #tpu.memory_space<vmem>>) attributes {dimension_semantics = [], scalar_prefetch = 0 : i64, scratch_operands = 0 : i64, tpu.core_type = #tpu.core_type<tc>} {
    %get3A = arith.constant 0 : index
    %get3A_0 = arith.constant 0 : index
    %get3A_1 = arith.constant 0 : index
    %get3A_2 = vector.load %arg0[%get3A, %get3A_0, %get3A_1] : memref<44x1x1400xf32, #tpu.memory_space<vmem>>, vector<44x1x1400xf32>
    %get3A_3 = arith.constant 0 : index
    %get3A_4 = arith.constant 0 : index
    %get3A_5 = vector.load %arg1[%get3A_3, %get3A_4] : memref<1x38400xf32, #tpu.memory_space<vmem>>, vector<1x38400xf32>
    %reduce_max3A = vector.shape_cast %get3A_2 : vector<44x1x1400xf32> to vector<1x44x1x1400xf32>
    %reduce_max3A_6 = arith.constant dense<0xFF800000> : vector<1xf32>
    %reduce_max3A_7 = vector.multi_reduction <maximumf>, %reduce_max3A, %reduce_max3A_6 [1, 2, 3] : vector<1x44x1x1400xf32> to vector<1xf32>
    %reduce_max3A_8 = vector.shape_cast %reduce_max3A_7 : vector<1xf32> to vector<1x1x1x1xf32>
    %reduce_max3A_9 = vector.extract %reduce_max3A_8[0, 0, 0, 0] : f32 from vector<1x1x1x1xf32>
    %reduce_max3A_10 = vector.shape_cast %get3A_5 : vector<1x38400xf32> to vector<1x1x38400xf32>
    %reduce_max3A_11 = arith.constant dense<0xFF800000> : vector<1xf32>
    %reduce_max3A_12 = vector.multi_reduction <maximumf>, %reduce_max3A_10, %reduce_max3A_11 [1, 2] : vector<1x1x38400xf32> to vector<1xf32>
    %reduce_max3A_13 = vector.shape_cast %reduce_max3A_12 : vector<1xf32> to vector<1x1x1xf32>
    %reduce_max3A_14 = vector.extract %reduce_max3A_13[0, 0, 0] : f32 from vector<1x1x1xf32>
    %max3A = arith.maximumf %reduce_max3A_9, %reduce_max3A_14 : f32
    %sub3A = vector.broadcast %max3A : f32 to vector<44x1x1400xf32>
    %sub3A_15 = arith.subf %get3A_2, %sub3A : vector<44x1x1400xf32>
    %exp3A = math.exp %sub3A_15 : vector<44x1x1400xf32>
    %reduce_sum3A = vector.shape_cast %exp3A : vector<44x1x1400xf32> to vector<1x44x1x1400xf32>
    %reduce_sum3A_16 = arith.constant dense<0.000000e+00> : vector<1xf32>
    %reduce_sum3A_17 = vector.multi_reduction <add>, %reduce_sum3A, %reduce_sum3A_16 [1, 2, 3] : vector<1x44x1x1400xf32> to vector<1xf32>
    %reduce_sum3A_18 = vector.shape_cast %reduce_sum3A_17 : vector<1xf32> to vector<1x1x1x1xf32>
    %reduce_sum3A_19 = vector.extract %reduce_sum3A_18[0, 0, 0, 0] : f32 from vector<1x1x1x1xf32>
    %sub3A_20 = vector.broadcast %max3A : f32 to vector<1x38400xf32>
    %sub3A_21 = arith.subf %get3A_5, %sub3A_20 : vector<1x38400xf32>
    %exp3A_22 = math.exp %sub3A_21 : vector<1x38400xf32>
    %reduce_sum3A_23 = vector.shape_cast %exp3A_22 : vector<1x38400xf32> to vector<1x1x38400xf32>
    %reduce_sum3A_24 = arith.constant dense<0.000000e+00> : vector<1xf32>
    %reduce_sum3A_25 = vector.multi_reduction <add>, %reduce_sum3A_23, %reduce_sum3A_24 [1, 2] : vector<1x1x38400xf32> to vector<1xf32>
    %reduce_sum3A_26 = vector.shape_cast %reduce_sum3A_25 : vector<1xf32> to vector<1x1x1xf32>
    %reduce_sum3A_27 = vector.extract %reduce_sum3A_26[0, 0, 0] : f32 from vector<1x1x1xf32>
    %add3A = arith.addf %reduce_sum3A_19, %reduce_sum3A_27 : f32
    %log3A = math.log %add3A : f32
    %add3A_28 = arith.addf %max3A, %log3A : f32
    %sub3A_29 = vector.broadcast %add3A_28 : f32 to vector<44x1x1400xf32>
    %sub3A_30 = arith.subf %get3A_2, %sub3A_29 : vector<44x1x1400xf32>
    %swap3A = arith.constant 0 : index
    %swap3A_31 = arith.constant 0 : index
    %swap3A_32 = arith.constant 0 : index
    %swap3A_33 = vector.load %arg2[%swap3A, %swap3A_31, %swap3A_32] : memref<44x1x1400xf32, #tpu.memory_space<vmem>>, vector<44x1x1400xf32>
    tpu.vector_store %arg2[%swap3A, %swap3A_31, %swap3A_32], %sub3A_30 {strides = array<i32>} : memref<44x1x1400xf32, #tpu.memory_space<vmem>>, vector<44x1x1400xf32>,
    %sub3A_34 = vector.broadcast %add3A_28 : f32 to vector<1x38400xf32>
    %sub3A_35 = arith.subf %get3A_5, %sub3A_34 : vector<1x38400xf32>
    %swap3A_36 = arith.constant 0 : index
    %swap3A_37 = arith.constant 0 : index
    %swap3A_38 = vector.load %arg3[%swap3A_36, %swap3A_37] : memref<1x38400xf32, #tpu.memory_space<vmem>>, vector<1x38400xf32>
    tpu.vector_store %arg3[%swap3A_36, %swap3A_37], %sub3A_35 {strides = array<i32>} : memref<1x38400xf32, #tpu.memory_space<vmem>>, vector<1x38400xf32>,
    return
  }
}

</mosaic_0001>

<sc_bundles>
// kernel: kernel.6.cloned.1.call-start
scs
__scs_entry_jumppad:
0x0: {  	(pc) =	sbr.rel $0x88, $3  }
0x1: {  	(tag) =	ssettag $0x0;
	lr =	simm.s32 $0x1  }
0x2: {  	[smem:$0x3F9B] =	sst lr;
	_ =	strace $0xD0000000  }
0x3: {  	_ = 	snop  }
0x4: {  	_ = 	snop  }
0x5: {  	_ = 	snop  }
0x6: {  	_ = 	snop  }
0x7: {  	_ = 	snop  }
__scs_overlays_trampoline_lowered:
0x8: {  	[smem:$0x3FAA] =	sst s0  }
0x9: {  	[smem:$0x3FAB] =	sst s1  }
0xa: {  	[smem:$0x3FAC] =	sst s2  }
0xb: {  	[smem:$0x3FAD] =	sst s3  }
0xc: {  	[smem:$0x3FAE] =	sst s4  }
0xd: {  	[smem:$0x3FAF] =	sst s5  }
0xe: {  	[smem:$0x3FB0] =	sst s6  }
0xf: {  	[smem:$0x3FB1] =	sst s7  }
0x10: {  	[smem:$0x3FB2] =	sst s8  }
0x11: {  	[smem:$0x3FB3] =	sst s9;
	s0 =	simm.s32 @!p0 $0x0  }
0x12: {  	s1 =	sld [smem:$0x3F99];
	s0 =	simm.s32 @p0 $0x1  }
0x13: {  	[smem:$0x3FB4] =	sst s0;
	s0 =	simm.s32 @!p1 $0x0  }
0x14: {  	s2 =	sld [smem:$0x3F98];
	s0 =	simm.s32 @p1 $0x1  }
0x15: {  	[smem:$0x3FB5] =	sst s0;
	s0 =	simm.s32 @!p2 $0x0  }
0x16: {  	s3 =	sld [smem:$0x3FDB];
	s0 =	simm.s32 @p2 $0x1  }
0x17: {  	s4 =	simm.s32 $0x1BF5;
	[smem:$0x3FB7] =	sst s0  }
0x18: {  	s0 =	sld [smem:$0x3F9A];
	_ =	swait.ge [sflag:s4], $0x0  }
0x19: {  	s7 =	sld [smem:$0x3F9B]  }
0x1a: {  	s8 =	sadd.s32 $0xFFFFE003, lr  }
0x1b: {  	s9 =	sadd.s32 $0xFFFFFEF7, lr;
	s5 =	simm.s32 $0xFFFFFFFF;
	p2 =	slt.u32 s8, $0xFFFFF086  }
0x1c: {  	p1 =	slt.u32 s9, $0xF7A;
	s5 =	simm.s32 @!p2 $0x0  }
0x1d: {  	s5 =	simm.s32 @p1 $0x1;
	p0 =	seq.s32 s7, s2  }
0x1e: {  	s7 =	smul.u32 @!p0 $0xF7A, s2;
	p2 =	seq.s32 @!p0 s5, $0x0  }
0x1f: {  	s9 =	smul.u32 $0xF7A, s1;
	s8 =	simm.s32 @!p0 $0x1BF5;
	p2 =	por !p2, p0  }
0x20: {  	[sflag:s8] =	ssyncset.s32 @!p0 $0xFFFFF086;
	s6 =	sadd.s32 @!p0 s3, s7;
	s7 =	simm.s32 @!p0 $0x108  }
0x21: {  	s3 =	sadd.s32 s3, s9;
	s6 =	sadd.s32 @!p0 $0x88, s6;
	s7 =	simm.s32 @p2 $0x1082  }
0x22: {  	[simem:s7], [sflag:s8] =	dma.local @!p0 [hbm:s6], $0xF7A  }
0x23: {  	s9 =	sor.u32 $0xD0000000, s2;
	s6 =	simm.s32 $0x108;
	_ =	swait.ge @!p0 [sflag:s8], $0x0  }
0x24: {  	s3 =	sadd.s32 $0x88, s3;
	s6 =	simm.s32 @!p1 $0x1082;
	[sflag:s4] =	ssyncset.s32 $0xFFFFF086  }
0x25: {  	[simem:s6], [sflag:s4] =	dma.local [hbm:s3], $0xF7A  }
0x26: {  	[smem:$0x3F9B] =	sst s1;
	(tag) =	ssettag s2;
	_ =	strace s9  }
0x27: {  	s1 =	sld [smem:$0x3FAB]  }
0x28: {  	s2 =	sld [smem:$0x3FAC]  }
0x29: {  	s4 =	sld [smem:$0x3FAE]  }
0x2a: {  	p0 =	seq.s32 s5, $0x0;
	s5 =	sld [smem:$0x3FAF]  }
0x2b: {  	s6 =	sld [smem:$0x3FB0]  }
0x2c: {  	s7 =	sld [smem:$0x3FB1]  }
0x2d: {  	s3 =	simm.s32 $0x108;
	s8 =	sld [smem:$0x3FB2]  }
0x2e: {  	s3 =	simm.s32 @!p0 $0x1082;
	s9 =	sld [smem:$0x3FB3]  }
0x2f: {  	lr =	sadd.s32 s0, s3;
	s0 =	sld [smem:$0x3FAA]  }
0x30: {  	s3 =	sld [smem:$0x3FAD]  }
0x31: {  	[smem:$0x3FB6] =	sst s10  }
0x32: {  	s10 =	sld [smem:$0x3FB4];
	_ =	sdelay $0x3  }
0x33: {  	p0 =	seq.s32 s10, $0x1;
	s10 =	sld [smem:$0x3FB6];
	_ =	sdelay $0x3  }
0x34: {  	[smem:$0x3FB6] =	sst s10  }
0x35: {  	s10 =	sld [smem:$0x3FB5];
	_ =	sdelay $0x3  }
0x36: {  	p1 =	seq.s32 s10, $0x1;
	s10 =	sld [smem:$0x3FB6];
	_ =	sdelay $0x3  }
0x37: {  	[smem:$0x3FB6] =	sst s10  }
0x38: {  	s10 =	sld [smem:$0x3FB7]  }
0x39: {  	_ = 	snop;
	(pc) =	sbr.ind lr, $3  }
0x3a: {  	_ = 	snop  }
0x3b: {  	_ = 	snop  }
0x3c: {  	p2 =	seq.s32 s10, $0x1;
	s10 =	sld [smem:$0x3FB6]  }
0x3d: {  	_ =	shalt  }
0x3e: {  	_ =	shalt  }
0x3f: {  	_ =	shalt  }
0x40: {  	_ =	shalt  }
0x41: {  	_ =	shalt  }
0x42: {  	_ =	shalt  }
0x43: {  	_ =	shalt  }
0x44: {  	_ =	shalt  }
0x45: {  	_ =	shalt  }
0x46: {  	_ =	shalt  }
0x47: {  	_ =	shalt  }
0x48: {  	_ =	shalt  }
0x49: {  	_ =	shalt  }
0x4a: {  	_ =	shalt  }
0x4b: {  	_ =	shalt  }
0x4c: {  	_ =	shalt  }
0x4d: {  	_ =	shalt  }
0x4e: {  	_ =	shalt  }
0x4f: {  	_ =	shalt  }
0x50: {  	_ =	shalt  }
0x51: {  	_ =	shalt  }
0x52: {  	_ =	shalt  }
0x53: {  	_ =	shalt  }
0x54: {  	_ =	shalt  }
0x55: {  	_ =	shalt  }
0x56: {  	_ =	shalt  }
0x57: {  	_ =	shalt  }
0x58: {  	_ =	shalt  }
0x59: {  	_ =	shalt  }
0x5a: {  	_ =	shalt  }
0x5b: {  	_ =	shalt  }
0x5c: {  	_ =	shalt  }
0x5d: {  	_ =	shalt  }
0x5e: {  	_ =	shalt  }
0x5f: {  	_ =	shalt  }
0x60: {  	_ =	shalt  }
0x61: {  	_ =	shalt  }
0x62: {  	_ =	shalt  }
0x63: {  	_ =	shalt  }
0x64: {  	_ =	shalt  }
0x65: {  	_ =	shalt  }
0x66: {  	_ =	shalt  }
0x67: {  	_ =	shalt  }
0x68: {  	_ =	shalt  }
0x69: {  	_ =	shalt  }
0x6a: {  	_ =	shalt  }
0x6b: {  	_ =	shalt  }
0x6c: {  	_ =	shalt  }
0x6d: {  	_ =	shalt  }
0x6e: {  	_ =	shalt  }
0x6f: {  	_ =	shalt  }
0x70: {  	_ =	shalt  }
0x71: {  	_ =	shalt  }
0x72: {  	_ =	shalt  }
0x73: {  	_ =	shalt  }
0x74: {  	_ =	shalt  }
0x75: {  	_ =	shalt  }
0x76: {  	_ =	shalt  }
0x77: {  	_ =	shalt  }
0x78: {  	_ =	shalt  }
0x79: {  	_ =	shalt  }
0x7a: {  	_ =	shalt  }
0x7b: {  	_ =	shalt  }
0x7c: {  	_ =	shalt  }
0x7d: {  	_ =	shalt  }
0x7e: {  	_ =	shalt  }
0x7f: {  	_ =	shalt  }
0x80: {  	_ =	shalt  }
0x81: {  	_ =	shalt  }
0x82: {  	_ =	shalt  }
0x83: {  	_ =	shalt  }
0x84: {  	_ =	shalt  }
0x85: {  	_ =	shalt  }
0x86: {  	_ =	shalt  }
0x87: {  	_ =	shalt  }
.Lfunc_end0:
.L_simem_size_0:
called_computation_lowered:
.L_overlay_start_0:
0x88: {  	s2 =	sld [smem:$0x3FD9]  }
0x89: {  	s3 =	sld [smem:$0x3FFE];
	_ =	sdelay $0x1  }
0x8a: {  	s1 =	srdreg.scid  }
0x8b: {  	s0 =	sand.u32 $0x1, s1  }
0x8c: {  	s17 =	sshll.u32 s0, $0xA;
	s2 =	sadd.s32 s3, s2  }
0x8d: {  	s2 =	sadd.s32 s2, s17  }
0x8e: {  	[smem:$0x3FC2] =	sst s2  }
0x8f: {  	_ = 	snop  }
0x90: {  	s2 =	sld [smem:$0x3FC5]  }
0x91: {  	s18 =	sld [smem:$0x3FD0];
	(tm) =	ssettm $0x1  }
0x92: {  	s4 =	sld [smem:$0x3FFB];
	_ =	sdelay $0x3  }
0x93: {  	_ =	strace s4  }
0x94: {  	s4 =	sld [smem:$0x3FFC];
	_ =	sdelay $0x3  }
0x95: {  	_ =	strace s4  }
0x96: {  	s4 =	sld [smem:$0x3FFD];
	_ =	sdelay $0x3  }
0x97: {  	_ =	strace s4  }
0x98: {  	_ =	strace $0x8FFFFFFF  }
0x99: {  	s19 =	sld [smem:$0x3FDB];
	_ =	sdelay $0x1  }
0x9a: {  	s5 =	simm.s32 $_scs_section_size  }
0x9b: {  	s6 =	simm.s32 $_size__tile_overlayer_lowered;
	s7 =	simm.s32 $_tile_overlayer_lowered  }
0x9c: {  	s22 =	simm.s32 $0x1BFF;
	s21 =	sshll.u32 s7, $0x1;
	s4 =	sadd.s32 s5, s19  }
0x9d: {  	s8 =	simm.s32 $0x0;
	s20 =	sshll.u32 s6, $0x1;
	s6 =	sadd.s32 s21, s4  }
0x9e: {  	[timem:s8], [sflag:s22] =	dma.local [hbm:s6], s20  }
0x9f: {  	_ =	swait.ge [sflag:s22], s20  }
0xa0: {  	s5 =	ssub.s32 $0x0, s20;
	[sflag:s22] =	ssyncset.done $0x0  }
0xa1: {  	[sflag:s22] =	ssyncadd.s32 s5;
	_ =	sdelay $0x1  }
0xa2: {  	s23 =	simm.s32 $0x1B8B  }
0xa3: {  	_ =	swait.ge [sflag:s23], $0x1  }
0xa4: {  	[sflag:s23] =	ssyncset.done $0x0  }
0xa5: {  	s25 =	simm.s32 $0x1B8E;
	s24 =	sld [smem:$0x3FFE];
	[sflag:s23] =	ssyncadd.s32 $0xFFFFFFFF  }
0xa6: {  	s26 =	simm.s32 $execute0_lowered;
	[smem:$0x3FD2] =	sst s25  }
0xa7: {  	s6 =	sshll.u32 s26, $0x1;
	_ =	strace $0x80000046;
	[dreg:$0x1] =	wrdreg $0xFFFFFFFF  }
0xa8: {  	s28 =	simm.s32 $_size_execute0_lowered;
	s4 =	sadd.s32 s4, s6;
	[dreg:$0x0] =	wrdreg $0x0  }
0xa9: {  	s6 =	sshll.u32 s28, $0x1;
	[dreg:$0x2] =	wrdreg s4  }
0xaa: {  	[dreg:$0x3] =	wrdreg s6  }
0xab: {  	[dreg:$0x4] =	wrdreg $0xC0  }
0xac: {  	_ =	task [dreg:s8], $0x5FFFF  }
0xad: {  	[dreg:$0x1] =	wrdreg $0xFFFFFFFF  }
0xae: {  	[dreg:$0x0] =	wrdreg $0x60  }
0xaf: {  	[dreg:$0x2] =	wrdreg s24  }
0xb0: {  	[dreg:$0x3] =	wrdreg s2  }
0xb1: {  	[dreg:$0x4] =	wrdreg s18  }
0xb2: {  	[dreg:$0x5] =	wrdreg $0x9  }
0xb3: {  	_ =	task.clear_ibuf [dreg:s8], $0x6FFFF;
	_ =	strace $0x90000046  }
0xb4: {  	s29 =	simm.s32 $0x9;
	_ =	strace $0x80000048  }
0xb5: {  	_ =	swait.ge [sflag:s29], $0x1  }
0xb6: {  	[sflag:s29] =	ssyncadd.s32 $0xFFFFFFFF  }
0xb7: {  	_ =	strace $0x90000048  }
0xb8: {  	_ =	sfence  }
0xb9: {  	s30 =	sld [smem:$0x0];
	_ =	sdelay $0x2  }
0xba: {  	s31 =	sshll.u32 s1, $0xD;
	s1 =	sshrl.u32 s1, $0x2  }
0xbb: {  	s3 =	sand.u32 $0x4000, s31;
	s1 =	sadd.s32 s1, s30  }
0xbc: {  	s0 =	sor.u32 s3, s0;
	s1 =	sshll.u32 s1, $0x11  }
0xbd: {  	s0 =	sor.u32 s1, s0  }
0xbe: {  	s0 =	sadd.s32 $0x8F2B, s0  }
0xbf: {  	[sflag:s0] =	ssyncadd.remote.s32 $0x1  }
0xc0: {  	_ =	sfence.sel $0xFFFF  }
0xc1: {  	[dreg:$0x0] =	wrdreg $0xFFFFFFFF;
	(pc) =	sbr.abs _section_cstart, $3  }
0xc2: {  	[dreg:$0x1] =	wrdreg $0xFFFFFFFF  }
0xc3: {  	_ =	task.clear_ibuf [dreg:s8], $0x2FFFF;
	_ =	strace $0x9FFFFFFF  }
0xc4: {  	(tm) =	ssettm $0x7FFFFFFF  }
0xc5: {  	_ =	shalt  }
tec
execute0_lowered:
.L_overlay_start_1:
0x0: {  	(tag) =	ssettag $0x1  }
0x1: {  	s4 =	rddreg [dreg:$0x0]  }
0x2: {  	s5 =	rddreg [dreg:$0x1];
	s1 =	srdreg.scid  }
0x3: {  	s0 =	stileid.u32;
	s6 =	rddreg [dreg:$0x2]  }
0x4: {  	s2 =	simm.s32 $0x0;
	s7 =	sand.u32 $0x1, s1;
	s3 =	sshll.u32 s0, $0x1  }
0x5: {  	vm0 =	vmmov $0x1;
	s12 =	simm.s32 $0x80;
	s13 =	simm.s32 $0xCD80;
	s3 =	sor.u32 s7, s3  }
0x6: {  	vm1 =	vcmask $0x30C;
	vm2 =	vcmask $0xF0C;
	vm3 =	vcmask $0x714;
	s14 =	simm.s32 $0x0;
	s1 =	rddreg [dreg:$0x3];
	s8 =	smul.u32 $0x25800, s3  }
0x7: {  	vm4 =	vcmask $0xF18;
	vm5 =	vcmask $0x131C;
	vm6 =	vcmask $0x1F1C;
	[smem:$0x7FF] =	sst s2;
	s7 =	ssub.s32 $0x2, s7;
	s9 =	smul.u32 $0x96, s3  }
0x8: {  	vm7 =	vcmask $0x1724;
	vm8 =	vcmask $0x1F28;
	vm9 =	vcmask $0x232C;
	_ =	strace $0x80000047;
	s3 =	sadd.s32 $0x1200, s4;
	s31 =	sshrl.u32 s7, $0x1  }
0x9: {  	vm10 =	vcmask $0x2F2C;
	vm11 =	vcmask $0x2734;
	vm12 =	vcmask $0x2F38;
	s11 =	ssub.s32 s7, s31;
	s8 =	sshrl.u32 s8, $0x3;
	s10 =	sadd.s32 s9, s4  }
0xa: {  	vm13 =	vcmask $0x333C;
	vm14 =	vmmov $0x3fff;
	vm15 =	vmmov $0x7fff;
	s4 =	sadd.s32 s6, s9;
	s9 =	smax.u32 s11, $0x1;
	s8 =	sadd.s32 s5, s8  }
0xb: {  	vm2 =	vmor vm3, vm2;
	vm3 =	vcmask $0xB14;
	vm6 =	vmor vm7, vm6;
	s11 =	simm.s32 $0xC880;
	s5 =	sadd.s32 $0xF0A00, s8;
	s6 =	sadd.s32 $0xF2300, s8  }
0xc: {  	vm7 =	vcmask $0x1B24;
	vm10 =	vmor vm11, vm10;
	vm11 =	vcmask $0x2B34;
	s7 =	sadd.s32 $0xF3C00, s8;
	s8 =	sadd.s32 $0x1400, s10;
	s10 =	simm.s32 $0x1  }
.LBB2_1:
0xd: {  	[tilespmem:s2], [sflag:$0x1] =	stream.linear.gather [hbm4b:s3+s2], $0x80, $0x38;
	[tilespmem:$0xD280] =	vst v63  }
0xe: {  	_ =	swait.ge [sflag:s10], $0x80  }
0xf: {  	[sflag:s10] =	ssyncset.done $0x0  }
0x10: {  	[sflag:s10] =	ssyncadd.s32 $0xFFFFFF80  }
0x11: {  	[tilespmem:s11], [sflag:$0x1] =	stream.linear.gather [hbm4b:s4+s2], $0x4B0, $0x38;
	[tilespmem:$0xD280] =	vst v63  }
0x12: {  	_ =	swait.ge [sflag:s10], $0x4B0  }
0x13: {  	[sflag:s10] =	ssyncset.done $0x0  }
0x14: {  	[sflag:s10] =	ssyncadd.s32 $0xFFFFFB50  }
0x15: {  	[tilespmem:s12], [sflag:$0x1] =	stream.linear.gather [hbm4b:s5+s2], $0xC800, $0x38;
	[tilespmem:$0xD280] =	vst v63  }
0x16: {  	_ =	swait.ge [sflag:s10], $0xC800  }
0x17: {  	[sflag:s10] =	ssyncset.done $0x0  }
0x18: {  	[sflag:s10] =	ssyncadd.s32 $0xFFFF3800  }
0x19: {  	v0 =	vld [tilespmem:$0x0]  }
0x1a: {  	v1 =	vld [tilespmem:$0x10]  }
0x1b: {  	v2 =	vld [tilespmem:$0x20]  }
0x1c: {  	v3 =	vld [tilespmem:$0x30]  }
0x1d: {  	v4 =	vld [tilespmem:$0x40]  }
0x1e: {  	v5 =	vld [tilespmem:$0x50]  }
0x1f: {  	v6 =	vld [tilespmem:$0x60]  }
0x20: {  	s15 =	simm.s32 $0x480;
	v7 =	vld [tilespmem:$0x70]  }
0x21: {  	v10 =	vld [tilespmem:s15+$0x370]  }
0x22: {  	v9 =	vld [tilespmem:s15+$0x330]  }
0x23: {  	v8 =	vld [tilespmem:s15+$0x390]  }
0x24: {  	v12 =	vld [tilespmem:s15+$0x360]  }
0x25: {  	v17 =	vld [tilespmem:s15+$0x250]  }
0x26: {  	v24 =	vld [tilespmem:s15+$0x270]  }
0x27: {  	v25 =	vld [tilespmem:s15+$0x260]  }
0x28: {  	v16 =	vld [tilespmem:s15+$0x350]  }
0x29: {  	v26 =	vld [tilespmem:s15+$0x1D0]  }
0x2a: {  	v27 =	vld [tilespmem:s15+$0x1C0]  }
0x2b: {  	v14 =	vld [tilespmem:s15+$0x340]  }
0x2c: {  	v13 =	vld [tilespmem:s15+$0x310]  }
0x2d: {  	v15 =	vld [tilespmem:s15+$0x320]  }
0x2e: {  	v28 =	vld [tilespmem:s15+$0x2D0]  }
0x2f: {  	v18 =	vld [tilespmem:s15+$0x300]  }
0x30: {  	v29 =	vld [tilespmem:s15+$0x2F0]  }
0x31: {  	v30 =	vld [tilespmem:s15+$0x220]  }
0x32: {  	v31 =	vld [tilespmem:s15+$0x2E0]  }
0x33: {  	v32 =	vld [tilespmem:s15+$0x2C0]  }
0x34: {  	v33 =	vld [tilespmem:s15+$0x2B0]  }
0x35: {  	v22 =	vld [tilespmem:s15+$0x170]  }
0x36: {  	v34 =	vld [tilespmem:s15+$0x2A0]  }
0x37: {  	v35 =	vld [tilespmem:s15+$0x290]  }
0x38: {  	v36 =	vld [tilespmem:s15+$0x280]  }
0x39: {  	v37 =	vld [tilespmem:s15+$0x150]  }
0x3a: {  	v38 =	vld [tilespmem:s15+$0x240]  }
0x3b: {  	v39 =	vld [tilespmem:s15+$0x160]  }
0x3c: {  	v40 =	vld [tilespmem:s15+$0x140]  }
0x3d: {  	v41 =	vld [tilespmem:s15+$0x230]  }
0x3e: {  	v42 =	vld [tilespmem:s15+$0x130]  }
0x3f: {  	v43 =	vld [tilespmem:s15+$0x210]  }
0x40: {  	v44 =	vld [tilespmem:s15+$0x1E0]  }
0x41: {  	v45 =	vld [tilespmem:s15+$0x200]  }
0x42: {  	v46 =	vld [tilespmem:s15+$0x1F0]  }
0x43: {  	v47 =	vld [tilespmem:s15+$0x1B0]  }
0x44: {  	v48 =	vld [tilespmem:s15+$0x1A0]  }
0x45: {  	v49 =	vld [tilespmem:s15+$0x190]  }
0x46: {  	v50 =	vld [tilespmem:s15+$0x180]  }
0x47: {  	v51 =	vld [tilespmem:s15+$0x110]  }
0x48: {  	v52 =	vld [tilespmem:s15+$0x120]  }
0x49: {  	v53 =	vld [tilespmem:s15+$0x100]  }
0x4a: {  	v11 =	vld [tilespmem:s15+$0xFFFFFEF0]  }
0x4b: {  	v19 =	vld [tilespmem:s15+$0xFFFFFF70]  }
0x4c: {  	v23 =	vld [tilespmem:s15+$0xFFFFFF40]  }
0x4d: {  	v21 =	vld [tilespmem:s15+$0xFFFFFFF0];
	v18 =	vmul.f32 v18, v0  }
0x4e: {  	v20 =	vmul.f32 v13, v1;
	v13 =	vld [tilespmem:s15+$0xFFFFFF60];
	v15 =	vmul.f32 v15, v2  }
0x4f: {  	v62 =	vmul.f32 v9, v3;
	v9 =	vld [tilespmem:s15+$0x90];
	v54 =	vmul.f32 v14, v4  }
0x50: {  	v36 =	vmul.f32 v36, v0;
	v35 =	vmul.f32 v35, v1;
	v14 =	vld [tilespmem:s15+$0xFFFFFE70]  }
0x51: {  	v63 =	vmul.f32 v16, v5;
	v16 =	vld [tilespmem:s15+$0xFFFFFEE0];
	v34 =	vmul.f32 v34, v2  }
0x52: {  	v12 =	vmul.f32 v12, v6;
	v56 =	vmul.f32 v41, v3;
	v41 =	vld [tilespmem:s15+$0xFFFFFFC0]  }
0x53: {  	v33 =	vmul.f32 v33, v3;
	v57 =	vmul.f32 v49, v1;
	v49 =	vld [tilespmem:s15+$0xFFFFFFB0]  }
0x54: {  	v45 =	vmul.f32 v45, v0;
	v60 =	vmul.f32 v48, v2;
	v48 =	vld [tilespmem:s15+$0xFFFFFEC0]  }
0x55: {  	v43 =	vmul.f32 v43, v1;
	v61 =	vmul.f32 v53, v0;
	v53 =	vld [tilespmem:s15+$0xFFFFFF80]  }
0x56: {  	v10 =	vmul.f32 v10, v7;
	v59 =	vmul.f32 v38, v4;
	v38 =	vld [tilespmem:s15+$0xFFFFFEA0]  }
0x57: {  	v32 =	vmul.f32 v32, v4;
	v30 =	vmul.f32 v30, v2;
	v18 =	vadd.f32 v20, v18;
	v20 =	vld [tilespmem:s15+$0xFFFFFF50]  }
0x58: {  	v28 =	vmul.f32 v28, v5;
	v31 =	vmul.f32 v31, v6;
	v35 =	vadd.f32 v35, v36;
	v36 =	vld [tilespmem:s15+$0xFFFFFFE0]  }
0x59: {  	v58 =	vmul.f32 v50, v0;
	v17 =	vmul.f32 v17, v5;
	v43 =	vadd.f32 v43, v45;
	v45 =	vld [tilespmem:s15+$0xFFFFFFA0]  }
0x5a: {  	v29 =	vmul.f32 v29, v7;
	v15 =	vadd.f32 v15, v18;
	v34 =	vadd.f32 v34, v35;
	v35 =	vld [tilespmem:s15+$0xFFFFFFD0]  }
0x5b: {  	v25 =	vmul.f32 v25, v6;
	v27 =	vmul.f32 v27, v4;
	v30 =	vadd.f32 v30, v43;
	v43 =	vld [tilespmem:s15+$0xFFFFFE30]  }
0x5c: {  	v26 =	vmul.f32 v26, v5;
	v24 =	vmul.f32 v24, v7;
	v18 =	vadd.f32 v62, v15;
	v15 =	vld [tilespmem:s15+$0xFFFFFE60]  }
0x5d: {  	v44 =	vmul.f32 v44, v6;
	v50 =	vmul.f32 v37, v5;
	v33 =	vadd.f32 v33, v34;
	v34 =	vld [tilespmem:s15+$0xFFFFFEB0]  }
0x5e: {  	v22 =	vmul.f32 v22, v7;
	v30 =	vadd.f32 v56, v30;
	v62 =	vmul.f32 v51, v1;
	v51 =	vld [tilespmem:s15+$0xFFFFFE90]  }
0x5f: {  	v19 =	vmul.f32 v19, v7;
	v18 =	vadd.f32 v54, v18;
	v55 =	vadd.f32 v32, v33;
	v32 =	vld [tilespmem:s15+$0xFFFFFE40]  }
0x60: {  	v23 =	vmul.f32 v23, v4;
	v21 =	vmul.f32 v21, v7;
	v33 =	vld [tilespmem:s15+$0xFFFFFF20]  }
0x61: {  	v30 =	vadd.f32 v59, v30;
	v59 =	vmul.f32 v42, v3;
	v42 =	vld [tilespmem:s15+$0xFFFFFF10];
	v54 =	vadd.f32 v63, v18  }
0x62: {  	v11 =	vmul.f32 v11, v7;
	v56 =	vadd.f32 v62, v61;
	v62 =	vmul.f32 v40, v4;
	v40 =	vld [tilespmem:s15+$0xFFFFFE20]  }
0x63: {  	v41 =	vmul.f32 v41, v4;
	v13 =	vmul.f32 v13, v6;
	v18 =	vld [tilespmem:s15+$0xFFFFFE50];
	v12 =	vadd.f32 v12, v54  }
0x64: {  	v16 =	vmul.f32 v16, v6;
	v14 =	vmul.f32 v14, v7;
	v63 =	vld [tilespmem:s15+$0xFFFFFF90]  }
0x65: {  	v9 =	vmul.f32 v9, v1;
	v17 =	vadd.f32 v17, v30;
	v30 =	vld [tilespmem:s15+$0xFFFFFF30];
	v10 =	vadd.f32 v10, v12  }
0x66: {  	v54 =	vld [tilespmem:s15+$0xFFFFFED0];
	v12 =	vadd.f32 v28, v55;
	v28 =	vadd.f32 v57, v58;
	v57 =	vmul.f32 v52, v2  }
0x67: {  	v36 =	vmul.f32 v36, v6;
	v55 =	vmul.f32 v47, v3;
	v47 =	vld [tilespmem:s15+$0xFFFFFD00]  }
0x68: {  	v20 =	vmul.f32 v20, v5;
	v28 =	vadd.f32 v60, v28;
	v58 =	vadd.f32 v57, v56;
	v57 =	vld [tilespmem:s15+$0xFFFFFE10]  }
0x69: {  	v12 =	vadd.f32 v31, v12;
	v31 =	vmul.f32 v53, v0;
	v53 =	vmul.f32 v45, v2;
	v45 =	vld [tilespmem:s15+$0xFFFFFD10]  }
0x6a: {  	v34 =	vmul.f32 v34, v3;
	v63 =	vmul.f32 v63, v1;
	v28 =	vadd.f32 v55, v28;
	v55 =	vld [tilespmem:s15+$0xFFFFFE80]  }
0x6b: {  	v17 =	vadd.f32 v25, v17;
	v61 =	vadd.f32 v59, v58;
	v58 =	vmul.f32 v46, v7;
	v46 =	vld [tilespmem:s15+$0xFFFFFDF0]  }
0x6c: {  	v15 =	vmul.f32 v15, v6;
	v52 =	vadd.f32 v63, v31;
	v63 =	vmul.f32 v33, v2;
	v33 =	vld [tilespmem:s15+$0xFFFFFDE0]  }
0x6d: {  	v32 =	vmul.f32 v32, v4;
	v17 =	vadd.f32 v24, v17;
	v60 =	vadd.f32 v27, v28;
	v27 =	vld [tilespmem:s15+$0xFFFFFF00]  }
0x6e: {  	v30 =	vmul.f32 v30, v3;
	v28 =	vadd.f32 v62, v61;
	v61 =	vmul.f32 v42, v1;
	v42 =	vld [tilespmem:s15+$0xFFFFFD70]  }
0x6f: {  	v56 =	vmul.f32 v39, v6;
	v59 =	vmul.f32 v49, v3;
	v24 =	vadd.f32 v53, v52;
	v53 =	vld [tilespmem:s15+$0xFFFFFD40]  }
0x70: {  	v39 =	vmul.f32 v57, v1;
	v57 =	vmul.f32 v48, v4;
	v48 =	vld [tilespmem:s15+$0xFFFFFC90]  }
0x71: {  	v12 =	vadd.f32 v29, v12;
	v49 =	vmul.f32 v35, v5;
	v25 =	vadd.f32 v26, v60;
	v60 =	vld [tilespmem:s15+$0xFFFFFE00]  }
0x72: {  	v28 =	vadd.f32 v50, v28;
	v26 =	vadd.f32 v59, v24;
	v50 =	vmul.f32 v51, v1;
	v51 =	vld [tilespmem:s15+$0xFFFFFD50]  }
0x73: {  	v31 =	vmul.f32 v55, v0;
	v55 =	vmul.f32 v38, v2;
	v38 =	vld [tilespmem:s15+$0xFFFFFD30];
	v25 =	vadd.f32 v44, v25  }
0x74: {  	v28 =	vadd.f32 v56, v28;
	v44 =	vld [tilespmem:s15+$0xFFFFFD60];
	v26 =	vadd.f32 v41, v26;
	v27 =	vmul.f32 v27, v0  }
0x75: {  	v18 =	vmul.f32 v18, v5;
	v41 =	vld [tilespmem:s15+$0xFFFFFDA0];
	v31 =	vadd.f32 v50, v31;
	v24 =	vadd.f32 v58, v25  }
0x76: {  	v56 =	vmul.f32 v40, v2;
	v26 =	vadd.f32 v49, v26;
	v49 =	vld [tilespmem:s15+$0xFFFFFC10];
	v62 =	vadd.f32 v61, v27  }
0x77: {  	v22 =	vadd.f32 v22, v28;
	v58 =	vmul.f32 v43, v3;
	v52 =	vmul.f32 v60, v0;
	v61 =	vld [tilespmem:s15+$0xFFFFFD90]  }
0x78: {  	v60 =	vmul.f32 v54, v5;
	v26 =	vadd.f32 v36, v26;
	v25 =	vadd.f32 v63, v62;
	v63 =	vld [tilespmem:s15+$0xFFFFFD80]  }
0x79: {  	v27 =	vmul.f32 v51, v5;
	v38 =	vmul.f32 v38, v3;
	v37 =	vadd.f32 v39, v52;
	v52 =	vld [tilespmem:s15+$0xFFFFFC80]  }
0x7a: {  	v36 =	vld [tilespmem:s15+$0xFFFFFDC0];
	v29 =	vmul.f32 v44, v6;
	v21 =	vadd.f32 v21, v26;
	v25 =	vadd.f32 v30, v25  }
0x7b: {  	v50 =	vld [tilespmem:s15+$0xFFFFFC00];
	v30 =	vadd.f32 v55, v31;
	v37 =	vadd.f32 v56, v37;
	v55 =	vmul.f32 v45, v1  }
0x7c: {  	v31 =	vld [tilespmem:s15+$0xFFFFFDB0];
	v40 =	vmul.f32 v49, v1;
	v51 =	vmul.f32 v61, v1;
	v23 =	vadd.f32 v23, v25  }
0x7d: {  	v28 =	vld [tilespmem:s15+$0xFFFFFDD0];
	v59 =	vadd.f32 v34, v30;
	v62 =	vadd.f32 v58, v37;
	v30 =	vmul.f32 v42, v7  }
0x7e: {  	v44 =	vld [tilespmem:s15+$0xFFFFFC50];
	v54 =	vmul.f32 v63, v0;
	v43 =	vmul.f32 v52, v0;
	v20 =	vadd.f32 v20, v23  }
0x7f: {  	v56 =	vld [tilespmem:s15+$0xFFFFFCA0];
	v26 =	vadd.f32 v57, v59;
	v57 =	vmul.f32 v36, v4;
	v59 =	vmul.f32 v41, v2  }
0x80: {  	v25 =	vld [tilespmem:s15+$0xFFFFFD20];
	v23 =	vadd.f32 v32, v62;
	v62 =	vmul.f32 v50, v0;
	v32 =	vmul.f32 v48, v1  }
0x81: {  	v61 =	vld [tilespmem:s15+$0xFFFFFC40];
	v31 =	vmul.f32 v31, v3;
	v13 =	vadd.f32 v13, v20;
	v26 =	vadd.f32 v60, v26  }
0x82: {  	v58 =	vld [tilespmem:s15+$0xFFFFFC30];
	v18 =	vadd.f32 v18, v23;
	v23 =	vmul.f32 v33, v6;
	v20 =	vmul.f32 v47, v0  }
0x83: {  	v16 =	vadd.f32 v16, v26;
	v26 =	vmul.f32 v28, v5;
	v28 =	vmul.f32 v53, v4;
	v53 =	vld [tilespmem:s15+$0xFFFFFC20]  }
0x84: {  	v37 =	vld [tilespmem:s15+$0xA0];
	v45 =	vadd.f32 v40, v62;
	v47 =	vmul.f32 v56, v2;
	v15 =	vadd.f32 v15, v18  }
0x85: {  	v60 =	vld [tilespmem:s15+$0xFFFFFCB0];
	v25 =	vmul.f32 v25, v2;
	v18 =	vadd.f32 v51, v54;
	v20 =	vadd.f32 v55, v20  }
0x86: {  	v63 =	vld [tilespmem:s15+$0xFFFFFCC0];
	v62 =	vmul.f32 v44, v5;
	v13 =	vadd.f32 v19, v13;
	v14 =	vadd.f32 v14, v15  }
0x87: {  	v48 =	vld [tilespmem:s15+$0xFFFFFC60];
	v49 =	vmul.f32 v58, v3;
	v15 =	vadd.f32 v59, v18;
	v20 =	vadd.f32 v25, v20  }
0x88: {  	v50 =	vld [tilespmem:s15+$0xFFFFFCE0];
	v19 =	vmul.f32 v46, v7;
	v18 =	vadd.f32 v32, v43;
	v35 =	vmul.f32 v53, v2  }
0x89: {  	v46 =	vld [tilespmem:s15+$0xFFFFFCD0];
	v55 =	vmul.f32 v61, v4;
	v15 =	vadd.f32 v31, v15;
	v20 =	vadd.f32 v38, v20  }
0x8a: {  	(xrf2) =	vadd.scan.msk.f32 $0xffff, v10;
	v56 =	vld [tilespmem:s15+$0xFFFFFCF0];
	v52 =	vmul.f32 v60, v3;
	v51 =	vadd.f32 v47, v18;
	v25 =	vadd.f32 v35, v45  }
0x8b: {  	(xrf2) =	vadd.scan.msk.f32 $0xffff, v12;
	v59 =	vmul.f32 v63, v4;
	v63 =	vld [tilespmem:s15+$0x0];
	v15 =	vadd.f32 v57, v15;
	v10 =	vadd.f32 v28, v20  }
0x8c: {  	(xrf2) =	vadd.scan.msk.f32 $0xffff, v17;
	v34 =	vmul.f32 v48, v6;
	v60 =	vld [tilespmem:s15+$0x10];
	v58 =	vadd.f32 v52, v51;
	v54 =	vadd.f32 v49, v25  }
0x8d: {  	(xrf2) =	vadd.scan.msk.f32 $0xffff, v24;
	v36 =	vmul.f32 v50, v6;
	v53 =	vld [tilespmem:s15+$0xFFFFFC70];
	v57 =	vadd.f32 v26, v15;
	v10 =	vadd.f32 v27, v10  }
0x8e: {  	(xrf2) =	vadd.scan.msk.f32 $0xffff, v22;
	v33 =	vld [tilespmem:s15+$0x80];
	v15 =	vadd.f32 v59, v58;
	v27 =	vmul.f32 v46, v5;
	v61 =	vadd.f32 v55, v54  }
0x8f: {  	(xrf2) =	vadd.scan.msk.f32 $0xffff, v21;
	v11 =	vadd.f32 v11, v16;
	v39 =	vmul.f32 v56, v7;
	v35 =	vld [tilespmem:s15+$0x20];
	v12 =	vadd.f32 v23, v57  }
0x90: {  	v40 =	vld [tilespmem:s15+$0x30];
	(xrf2) =	vadd.scan.msk.f32 $0xffff, v13;
	v43 =	vmul.f32 v63, v0;
	v15 =	vadd.f32 v27, v15;
	v17 =	vadd.f32 v62, v61  }
0x91: {  	v44 =	vld [tilespmem:s15+$0xB0];
	(xrf2) =	vadd.scan.msk.f32 $0xffff, v14;
	v42 =	vmul.f32 v60, v1;
	v10 =	vadd.f32 v29, v10;
	v12 =	vadd.f32 v19, v12  }
0x92: {  	v50 =	vld [tilespmem:s15+$0xC0];
	(xrf2) =	vadd.scan.msk.f32 $0xffff, v11;
	v38 =	vmul.f32 v53, v7;
	v11 =	vadd.f32 v36, v15;
	v41 =	vadd.f32 v34, v17  }
0x93: {  	v45 =	vld [tilespmem:s15+$0x40];
	v46 =	vmul.f32 v33, v0;
	v48 =	vadd.f32 v42, v43;
	v10 =	vadd.f32 v30, v10  }
0x94: {  	v31 =	vld [tilespmem:s15+$0x380];
	v49 =	vmul.f32 v35, v2;
	(xrf2) =	vadd.scan.msk.f32 $0xffff, v12;
	v11 =	vadd.f32 v39, v11;
	v47 =	vadd.f32 v38, v41  }
0x95: {  	v18, _, _ =	vpop (xrf2);
	v51 =	vmul.f32 v37, v2;
	v9 =	vadd.f32 v9, v46;
	(xrf2) =	vadd.scan.msk.f32 $0xffff, v10;
	v10 =	vld [tilespmem:s15+$0x50]  }
0x96: {  	v53 =	vmul.f32 v40, v3;
	v54 =	vld [tilespmem:s15+$0xD0];
	v19, _, _ =	vpop (xrf2);
	v52 =	vadd.f32 v49, v48;
	(xrf2) =	vadd.scan.msk.f32 $0xffff, v47  }
0x97: {  	v56 =	vmul.f32 v44, v3;
	v55 =	vld [tilespmem:s15+$0x60];
	v9 =	vadd.f32 v51, v9;
	v21, _, _ =	vpop (xrf2);
	(xrf2) =	vadd.scan.msk.f32 $0xffff, v11  }
0x98: {  	v58 =	vld [tilespmem:s15+$0xE0];
	v57 =	vmul.f32 v45, v4;
	v12 =	vadd.f32 v53, v52;
	v11, _, _ =	vpop (xrf2)  }
0x99: {  	v59 =	vld [tilespmem:s15+$0x70];
	v60 =	vmul.f32 v50, v4;
	v9 =	vadd.f32 v56, v9;
	v20, _, _ =	vpop (xrf2)  }
0x9a: {  	v35 =	vld [tilespmem:s15+$0x3A0];
	v12 =	vadd.f32 v57, v12;
	v10 =	vmul.f32 v10, v5;
	v61, _, _ =	vpop (xrf2)  }
0x9b: {  	v8 =	vmul.f32 v8, v1;
	v62 =	vld [tilespmem:s15+$0xF0];
	v9 =	vadd.f32 v60, v9;
	v63, _, _ =	vpop (xrf2)  }
0x9c: {  	v46 =	vld [tilespmem:s15+$0x3C0];
	v14 =	vmul.f32 v54, v5;
	v33 =	vmul.f32 v55, v6;
	v10 =	vadd.f32 v10, v12;
	v32, _, _ =	vpop (xrf2)  }
0x9d: {  	s18 =	simm.s32 $0x0;
	v25 =	vmul.f32 v31, v0;
	v36 =	vmul.f32 v58, v6;
	v41 =	vld [tilespmem:s15+$0x3B0];
	v34, _, _ =	vpop (xrf2)  }
0x9e: {  	v39 =	vmul.f32 v59, v7;
	v38 =	vld [tilespmem:s18+$0xC880];
	v9 =	vadd.f32 v14, v9;
	v10 =	vadd.f32 v33, v10;
	v37, _, _ =	vpop (xrf2)  }
0x9f: {  	v8 =	vadd.f32 v8, v25;
	v45 =	vmul.f32 v35, v2;
	v40, _, _ =	vpop (xrf2)  }
0xa0: {  	v13 =	vmul.f32 v62, v7;
	v47 =	vld [tilespmem:s15+$0x3D0];
	v9 =	vadd.f32 v36, v9;
	v10 =	vadd.f32 v39, v10;
	v42, _, _ =	vpop (xrf2)  }
0xa1: {  	v8 =	vadd.f32 v45, v8;
	v43 =	vbroadcast v42, $0xF;
	v44, _, _ =	vpop (xrf2)  }
0xa2: {  	v51 =	vld [tilespmem:s15+$0x3E0];
	v9 =	vadd.f32 v13, v9;
	v14 =	vmul.f32 v41, v3;
	(xrf2) =	vadd.scan.msk.f32 $0xffff, v10;
	v10 =	vbroadcast v44, $0xF  }
0xa3: {  	v13 =	vmul.f32 v46, v4;
	v12 =	vadd.f32 v43, v38  }
0xa4: {  	v8 =	vadd.f32 v14, v8;
	(xrf2) =	vadd.scan.msk.f32 $0xffff, v9;
	v9 =	vbroadcast v40, $0xF;
	v10 =	vadd.f32 v10, v38  }
0xa5: {  	v54 =	vmul.f32 v47, v5;
	v15 =	vbroadcast v37, $0xF;
	v12 =	vsel vm0, v12, v38  }
0xa6: {  	v55 =	vld [tilespmem:s15+$0x3F0];
	v8 =	vadd.f32 v13, v8;
	v9 =	vadd.f32 v9, v12;
	v10 =	vsel vm1, v12, v10  }
0xa7: {  	v16 =	vmul.f32 v51, v6;
	v48 =	vbroadcast v32, $0xF;
	v49 =	vadd.f32 v15, v10  }
0xa8: {  	v50 =	vbroadcast v34, $0xF;
	v8 =	vadd.f32 v54, v8;
	v9 =	vsel vm2, v10, v9  }
0xa9: {  	v10 =	vadd.f32 v48, v10;
	v9 =	vsel vm3, v9, v49  }
0xaa: {  	v52 =	vbroadcast v63, $0xF;
	v8 =	vadd.f32 v16, v8;
	v53 =	vadd.f32 v50, v9  }
0xab: {  	v9 =	vsel vm4, v9, v10;
	v10 =	vbroadcast v61, $0xF;
	v61 =	vmul.f32 v55, v7;
	_ =	sdelay $0x1  }
0xac: {  	v56, _, _ =	vpop (xrf2);
	v12 =	vadd.f32 v52, v9;
	v9 =	vsel vm5, v9, v53;
	v8 =	vadd.f32 v61, v8  }
0xad: {  	v57 =	vbroadcast v56, $0xF;
	v58, _, _ =	vpop (xrf2);
	v10 =	vadd.f32 v10, v9  }
0xae: {  	v14 =	vbroadcast v58, $0xF;
	v12 =	vsel vm6, v9, v12;
	(xrf2) =	vadd.scan.msk.f32 $0xffff, v8  }
0xaf: {  	v9 =	vadd.f32 v57, v9;
	v10 =	vsel vm7, v12, v10  }
0xb0: {  	v59 =	vbroadcast v20, $0xF;
	v60 =	vadd.f32 v14, v10  }
0xb1: {  	v9 =	vsel vm8, v10, v9;
	v10 =	vbroadcast v11, $0xF  }
0xb2: {  	v62 =	vbroadcast v21, $0xF;
	v11 =	vadd.f32 v59, v9;
	v9 =	vsel vm9, v9, v60  }
0xb3: {  	v10 =	vadd.f32 v10, v9  }
0xb4: {  	v63 =	vbroadcast v19, $0xF;
	v11 =	vsel vm10, v9, v11;
	v9 =	vadd.f32 v62, v9  }
0xb5: {  	v11 =	vsel vm11, v11, v10  }
0xb6: {  	s16 =	simm.s32 $0x40;
	v10 =	vbroadcast v18, $0xF;
	v8 =	vsel vm12, v11, v9;
	v9 =	vadd.f32 v63, v11  }
.LBB2_2:
0xb7: {  	p0 =	sne.s32 s16, $0x600  }
0xb8: {  	v10 =	vadd.f32 v10, v8;
	s15 =	sadd.s32 $0x800, s15;
	v11, _, _ =	vpop (xrf2);
	s17 =	smov.u32 s16;
	s16 =	sadd.s32 $0x40, s16  }
0xb9: {  	v8 =	vsel vm13, v8, v9  }
0xba: {  	v9 =	vsel vm14, v8, v10;
	v8 =	vadd.f32 v11, v8;
	_ =	sdelay $0x1  }
0xbb: {  	v8 =	vsel vm15, v9, v8  }
0xbc: {  	[tilespmem:s18+$0xCD80] =	vst v8  }
0xbd: {  	v8 =	vld [tilespmem:s15+$0x3B0]  }
0xbe: {  	v14 =	vld [tilespmem:s15+$0x3F0]  }
0xbf: {  	v12 =	vld [tilespmem:s15+$0x3E0]  }
0xc0: {  	v15 =	vld [tilespmem:s15+$0x3D0]  }
0xc1: {  	v16 =	vld [tilespmem:s15+$0x3C0]  }
0xc2: {  	v18 =	vld [tilespmem:s15+$0x3A0]  }
0xc3: {  	v19 =	vld [tilespmem:s15+$0x370]  }
0xc4: {  	v20 =	vld [tilespmem:s15+$0x330]  }
0xc5: {  	v10 =	vld [tilespmem:s15+$0x390]  }
0xc6: {  	v21 =	vld [tilespmem:s15+$0x360]  }
0xc7: {  	v13 =	vld [tilespmem:s15+$0x380]  }
0xc8: {  	v9 =	vld [tilespmem:s15+$0x250]  }
0xc9: {  	v11 =	vld [tilespmem:s15+$0x270]  }
0xca: {  	v17 =	vld [tilespmem:s15+$0x260];
	v22 =	vmul.f32 v10, v1  }
0xcb: {  	v23 =	vld [tilespmem:s15+$0x350]  }
0xcc: {  	v10 =	vld [tilespmem:s15+$0x1D0];
	v24 =	vmul.f32 v13, v0  }
0xcd: {  	v13 =	vld [tilespmem:s15+$0x1C0]  }
0xce: {  	v18 =	vmul.f32 v18, v2;
	v25 =	vld [tilespmem:s15+$0x340];
	v22 =	vadd.f32 v22, v24  }
0xcf: {  	v24 =	vld [tilespmem:s15+$0x310]  }
0xd0: {  	v8 =	vmul.f32 v8, v3;
	v26 =	vld [tilespmem:s15+$0x320];
	v18 =	vadd.f32 v18, v22  }
0xd1: {  	v22 =	vld [tilespmem:s15+$0x2D0]  }
0xd2: {  	v16 =	vmul.f32 v16, v4;
	v27 =	vld [tilespmem:s15+$0x300];
	v8 =	vadd.f32 v8, v18  }
0xd3: {  	v18 =	vld [tilespmem:s15+$0x2F0]  }
0xd4: {  	v15 =	vmul.f32 v15, v5;
	v28 =	vld [tilespmem:s15+$0x220];
	v8 =	vadd.f32 v16, v8  }
0xd5: {  	v16 =	vld [tilespmem:s15+$0x2E0]  }
0xd6: {  	v29 =	vld [tilespmem:s15+$0x2C0];
	v8 =	vadd.f32 v15, v8;
	v15 =	vmul.f32 v12, v6  }
0xd7: {  	v24 =	vmul.f32 v24, v1;
	v30 =	vld [tilespmem:s15+$0x2B0];
	v27 =	vmul.f32 v27, v0  }
0xd8: {  	v14 =	vmul.f32 v14, v7;
	v12 =	vld [tilespmem:s15+$0x170];
	v8 =	vadd.f32 v15, v8  }
0xd9: {  	v26 =	vmul.f32 v26, v2;
	v15 =	vld [tilespmem:s15+$0x2A0];
	v24 =	vadd.f32 v24, v27  }
0xda: {  	v27 =	vld [tilespmem:s15+$0x290];
	v8 =	vadd.f32 v14, v8  }
0xdb: {  	v20 =	vmul.f32 v20, v3;
	v14 =	vld [tilespmem:s15+$0x280];
	v24 =	vadd.f32 v26, v24  }
0xdc: {  	v26 =	vld [tilespmem:s15+$0x150]  }
0xdd: {  	v31 =	vld [tilespmem:s15+$0x240];
	v20 =	vadd.f32 v20, v24;
	v24 =	vmul.f32 v25, v4  }
0xde: {  	v25 =	vld [tilespmem:s15+$0x160]  }
0xdf: {  	v23 =	vmul.f32 v23, v5;
	v32 =	vld [tilespmem:s15+$0x140];
	v20 =	vadd.f32 v24, v20  }
0xe0: {  	v27 =	vmul.f32 v27, v1;
	v24 =	vld [tilespmem:s15+$0x230];
	v14 =	vmul.f32 v14, v0  }
0xe1: {  	v21 =	vmul.f32 v21, v6;
	v33 =	vld [tilespmem:s15+$0x130];
	v20 =	vadd.f32 v23, v20  }
0xe2: {  	v15 =	vmul.f32 v15, v2;
	v23 =	vld [tilespmem:s15+$0x210];
	v14 =	vadd.f32 v27, v14  }
0xe3: {  	v19 =	vmul.f32 v19, v7;
	v27 =	vld [tilespmem:s15+$0x1E0];
	v20 =	vadd.f32 v21, v20  }
0xe4: {  	v21 =	vld [tilespmem:s15+$0x200];
	v14 =	vadd.f32 v15, v14;
	v15 =	vmul.f32 v30, v3  }
0xe5: {  	v30 =	vld [tilespmem:s15+$0x1F0];
	v19 =	vadd.f32 v19, v20  }
0xe6: {  	v20 =	vld [tilespmem:s15+$0x1B0];
	v14 =	vadd.f32 v15, v14;
	v15 =	vmul.f32 v29, v4  }
0xe7: {  	v29 =	vld [tilespmem:s15+$0x1A0];
	(xrf2) =	vadd.scan.msk.f32 $0xffff, v19  }
0xe8: {  	v19 =	vld [tilespmem:s15+$0x190];
	v14 =	vadd.f32 v15, v14;
	v15 =	vmul.f32 v22, v5  }
0xe9: {  	v23 =	vmul.f32 v23, v1;
	v22 =	vld [tilespmem:s15+$0x180];
	v21 =	vmul.f32 v21, v0  }
0xea: {  	v34 =	vld [tilespmem:s15+$0x110];
	v14 =	vadd.f32 v15, v14;
	v15 =	vmul.f32 v16, v6  }
0xeb: {  	v35 =	vld [tilespmem:s15+$0x120];
	v16 =	vadd.f32 v23, v21;
	v21 =	vmul.f32 v28, v2  }
0xec: {  	v18 =	vmul.f32 v18, v7;
	v23 =	vld [tilespmem:s15+$0x100];
	v14 =	vadd.f32 v15, v14  }
0xed: {  	v24 =	vmul.f32 v24, v3;
	v15 =	vld [tilespmem:s15+$0xFFFFFEF0];
	v19 =	vmul.f32 v19, v1;
	v21 =	vadd.f32 v21, v16  }
0xee: {  	v28 =	vld [tilespmem:s15+$0xFFFFFF70];
	v22 =	vmul.f32 v22, v0;
	v14 =	vadd.f32 v18, v14  }
0xef: {  	v16 =	vld [tilespmem:s15+$0xFFFFFF60];
	v18 =	vadd.f32 v24, v21;
	v21 =	vmul.f32 v31, v4  }
0xf0: {  	v24 =	vld [tilespmem:s15+$0xFFFFFF50];
	v19 =	vadd.f32 v19, v22;
	v22 =	vmul.f32 v29, v2;
	v29 =	vmul.f32 v9, v5;
	(xrf2) =	vadd.scan.msk.f32 $0xffff, v14  }
0xf1: {  	v34 =	vmul.f32 v34, v1;
	v31 =	vld [tilespmem:s15+$0xFFFFFF40];
	v23 =	vmul.f32 v23, v0;
	v18 =	vadd.f32 v21, v18;
	v9, _, _ =	vpop (xrf2)  }
0xf2: {  	v20 =	vmul.f32 v20, v3;
	v21 =	vmul.f32 v17, v6;
	v14 =	vld [tilespmem:s15+$0x90];
	v19 =	vadd.f32 v22, v19  }
0xf3: {  	v22 =	vld [tilespmem:s15+$0xFFFFFFF0];
	v23 =	vadd.f32 v34, v23;
	v34 =	vmul.f32 v35, v2;
	v29 =	vadd.f32 v29, v18  }
0xf4: {  	v11 =	vmul.f32 v11, v7;
	v13 =	vmul.f32 v13, v4;
	v18 =	vld [tilespmem:s15+$0xFFFFFE60];
	v20 =	vadd.f32 v20, v19  }
0xf5: {  	v33 =	vmul.f32 v33, v3;
	v17 =	vld [tilespmem:s15+$0xFFFFFE70];
	v23 =	vadd.f32 v34, v23;
	v21 =	vadd.f32 v21, v29  }
0xf6: {  	v10 =	vmul.f32 v10, v5;
	v19 =	vld [tilespmem:s15+$0xFFFFFEE0];
	v13 =	vadd.f32 v13, v20  }
0xf7: {  	v32 =	vmul.f32 v32, v4;
	v29 =	vld [tilespmem:s15+$0xFFFFFFE0];
	v23 =	vadd.f32 v33, v23;
	v11 =	vadd.f32 v11, v21  }
0xf8: {  	v20 =	vld [tilespmem:s15+$0xFFFFFE50];
	v33 =	vadd.f32 v10, v13;
	v13 =	vmul.f32 v27, v6  }
0xf9: {  	v26 =	vmul.f32 v26, v5;
	v21 =	vld [tilespmem:s15+$0xFFFFFFD0];
	v23 =	vadd.f32 v32, v23;
	(xrf2) =	vadd.scan.msk.f32 $0xffff, v11  }
0xfa: {  	v27 =	vld [tilespmem:s15+$0xFFFFFED0];
	v11 =	vadd.f32 v13, v33;
	v13 =	vmul.f32 v30, v7;
	v10, _, _ =	vpop (xrf2)  }
0xfb: {  	v25 =	vmul.f32 v25, v6;
	v30 =	vld [tilespmem:s15+$0xFFFFFEB0];
	v23 =	vadd.f32 v26, v23  }
0xfc: {  	v26 =	vld [tilespmem:s15+$0xFFFFFFA0];
	v11 =	vadd.f32 v13, v11  }
0xfd: {  	v12 =	vmul.f32 v12, v7;
	v32 =	vld [tilespmem:s15+$0xFFFFFE40];
	v13 =	vadd.f32 v25, v23  }
0xfe: {  	v23 =	vld [tilespmem:s15+$0xFFFFFFC0];
	(xrf2) =	vadd.scan.msk.f32 $0xffff, v11  }
0xff: {  	v25 =	vld [tilespmem:s15+$0xFFFFFFB0];
	v11 =	vadd.f32 v12, v13  }
0x100: {  	v33 =	vld [tilespmem:s15+$0xFFFFFEC0]  }
0x101: {  	v12 =	vld [tilespmem:s15+$0xFFFFFF90];
	(xrf2) =	vadd.scan.msk.f32 $0xffff, v11  }
0x102: {  	v13 =	vld [tilespmem:s15+$0xFFFFFF80]  }
0x103: {  	v34 =	vld [tilespmem:s15+$0xFFFFFE30];
	v11, _, _ =	vpop (xrf2)  }
0x104: {  	v35 =	vld [tilespmem:s15+$0xFFFFFF30]  }
0x105: {  	v36 =	vld [tilespmem:s15+$0xFFFFFF20]  }
0x106: {  	v37 =	vld [tilespmem:s15+$0xFFFFFF10];
	v38 =	vmul.f32 v12, v1  }
0x107: {  	v39 =	vld [tilespmem:s15+$0xFFFFFF00];
	v13 =	vmul.f32 v13, v0  }
0x108: {  	v40 =	vld [tilespmem:s15+$0xFFFFFEA0];
	v12, _, _ =	vpop (xrf2)  }
0x109: {  	v26 =	vmul.f32 v26, v2;
	v41 =	vld [tilespmem:s15+$0xFFFFFE20];
	v43 =	vadd.f32 v38, v13  }
0x10a: {  	v28 =	vmul.f32 v28, v7;
	v38 =	vld [tilespmem:s15+$0xFFFFFE90]  }
0x10b: {  	v25 =	vmul.f32 v25, v3;
	v42 =	vld [tilespmem:s15+$0xFFFFFE80];
	v37 =	vmul.f32 v37, v1;
	v26 =	vadd.f32 v26, v43;
	v13, _, _ =	vpop (xrf2)  }
0x10c: {  	v24 =	vmul.f32 v24, v5;
	v43 =	vld [tilespmem:s15+$0xFFFFFE10];
	v39 =	vmul.f32 v39, v0  }
0x10d: {  	v31 =	vmul.f32 v31, v4;
	v23 =	vmul.f32 v23, v4;
	v44 =	vld [tilespmem:s15+$0xFFFFFE00];
	v25 =	vadd.f32 v25, v26  }
0x10e: {  	v29 =	vmul.f32 v29, v6;
	v36 =	vmul.f32 v36, v2;
	v26 =	vld [tilespmem:s15+$0xFFFFFD70];
	v37 =	vadd.f32 v37, v39  }
0x10f: {  	v22 =	vmul.f32 v22, v7;
	v21 =	vmul.f32 v21, v5;
	v39 =	vld [tilespmem:s15+$0xFFFFFDF0];
	v23 =	vadd.f32 v23, v25  }
0x110: {  	v38 =	vmul.f32 v38, v1;
	v25 =	vld [tilespmem:s15+$0xFFFFFD60];
	v42 =	vmul.f32 v42, v0;
	v36 =	vadd.f32 v36, v37  }
0x111: {  	v35 =	vmul.f32 v35, v3;
	v40 =	vmul.f32 v40, v2;
	v37 =	vld [tilespmem:s15+$0xFFFFFDE0];
	v21 =	vadd.f32 v21, v23  }
0x112: {  	v43 =	vmul.f32 v43, v1;
	v23 =	vld [tilespmem:s15+$0xFFFFFD50];
	v44 =	vmul.f32 v44, v0;
	v38 =	vadd.f32 v38, v42  }
0x113: {  	v30 =	vmul.f32 v30, v3;
	v35 =	vadd.f32 v35, v36;
	v42 =	vld [tilespmem:s15+$0xFFFFFDD0];
	v21 =	vadd.f32 v29, v21  }
0x114: {  	v41 =	vmul.f32 v41, v2;
	v29 =	vld [tilespmem:s15+$0xFFFFFD40];
	v36 =	vadd.f32 v43, v44;
	v38 =	vadd.f32 v40, v38  }
0x115: {  	v33 =	vmul.f32 v33, v4;
	v31 =	vadd.f32 v31, v35;
	v40 =	vld [tilespmem:s15+$0xFFFFFDC0];
	v21 =	vadd.f32 v22, v21  }
0x116: {  	v34 =	vmul.f32 v34, v3;
	v22 =	vld [tilespmem:s15+$0xFFFFFD30];
	v35 =	vadd.f32 v41, v36;
	v30 =	vadd.f32 v30, v38  }
0x117: {  	v16 =	vmul.f32 v16, v6;
	v27 =	vmul.f32 v27, v5;
	v24 =	vadd.f32 v24, v31;
	v36 =	vld [tilespmem:s15+$0xFFFFFDB0];
	(xrf2) =	vadd.scan.msk.f32 $0xffff, v21  }
0x118: {  	v32 =	vmul.f32 v32, v4;
	v21 =	vld [tilespmem:s15+$0xFFFFFD20];
	v31 =	vadd.f32 v34, v35;
	v30 =	vadd.f32 v33, v30  }
0x119: {  	v18 =	vmul.f32 v18, v6;
	v19 =	vmul.f32 v19, v6;
	v16 =	vadd.f32 v16, v24;
	v33 =	vld [tilespmem:s15+$0xFFFFFDA0]  }
0x11a: {  	v20 =	vmul.f32 v20, v5;
	v24 =	vld [tilespmem:s15+$0xFFFFFD90];
	v31 =	vadd.f32 v32, v31;
	v27 =	vadd.f32 v27, v30  }
0x11b: {  	v15 =	vmul.f32 v15, v7;
	v17 =	vmul.f32 v17, v7;
	v16 =	vadd.f32 v28, v16;
	v30 =	vld [tilespmem:s15+$0xFFFFFD80]  }
0x11c: {  	v26 =	vmul.f32 v26, v7;
	v28 =	vld [tilespmem:s15+$0xFFFFFD10];
	v20 =	vadd.f32 v20, v31;
	v19 =	vadd.f32 v19, v27  }
0x11d: {  	v25 =	vmul.f32 v25, v6;
	v31 =	vmul.f32 v39, v7;
	v27 =	vld [tilespmem:s15+$0xFFFFFD00];
	(xrf2) =	vadd.scan.msk.f32 $0xffff, v16  }
0x11e: {  	v23 =	vmul.f32 v23, v5;
	v32 =	vmul.f32 v37, v6;
	v16 =	vld [tilespmem:s15+$0xFFFFFC90];
	v18 =	vadd.f32 v18, v20  }
0x11f: {  	v34 =	vmul.f32 v42, v5;
	v19 =	vadd.f32 v15, v19;
	v20 =	vld [tilespmem:s15+$0xFFFFFC10];
	v24 =	vmul.f32 v24, v1  }
0x120: {  	v29 =	vmul.f32 v29, v4;
	v35 =	vld [tilespmem:s15+$0xFFFFFC00];
	v30 =	vmul.f32 v30, v0;
	v17 =	vadd.f32 v17, v18  }
0x121: {  	v37 =	vmul.f32 v40, v4;
	v18 =	vld [tilespmem:s15+$0xFFFFFC80];
	v28 =	vmul.f32 v28, v1;
	v15, _, _ =	vpop (xrf2)  }
0x122: {  	v38 =	vld [tilespmem:s15+$0xFFFFFC20];
	v27 =	vmul.f32 v27, v0;
	v24 =	vadd.f32 v24, v30;
	v30 =	vmul.f32 v33, v2;
	(xrf2) =	vadd.scan.msk.f32 $0xffff, v17  }
0x123: {  	v22 =	vmul.f32 v22, v3;
	v33 =	vmul.f32 v36, v3;
	v17 =	vld [tilespmem:s15+$0xFFFFFCA0]  }
0x124: {  	v21 =	vmul.f32 v21, v2;
	v36 =	vld [tilespmem:s15+$0xFFFFFC30];
	v27 =	vadd.f32 v28, v27;
	v24 =	vadd.f32 v30, v24  }
0x125: {  	v20 =	vmul.f32 v20, v1;
	v28 =	vmul.f32 v35, v0;
	v30 =	vld [tilespmem:s15+$0xFFFFFCB0];
	(xrf2) =	vadd.scan.msk.f32 $0xffff, v19  }
0x126: {  	v35 =	vmul.f32 v16, v1;
	v19 =	vld [tilespmem:s15+$0xFFFFFC40];
	v18 =	vmul.f32 v18, v0;
	v21 =	vadd.f32 v21, v27  }
0x127: {  	v24 =	vadd.f32 v33, v24;
	v20 =	vadd.f32 v20, v28;
	v27 =	vmul.f32 v38, v2;
	v28 =	vld [tilespmem:s15+$0xFFFFFCC0];
	v16, _, _ =	vpop (xrf2)  }
0x128: {  	v33 =	vld [tilespmem:s15+$0xFFFFFC50];
	v18 =	vadd.f32 v35, v18;
	v17 =	vmul.f32 v17, v2;
	v21 =	vadd.f32 v22, v21  }
0x129: {  	v24 =	vadd.f32 v37, v24;
	v20 =	vadd.f32 v27, v20;
	v22 =	vmul.f32 v36, v3;
	v27 =	vld [tilespmem:s15+$0xFFFFFCD0]  }
0x12a: {  	v35 =	vld [tilespmem:s15+$0xFFFFFC60];
	v17 =	vadd.f32 v17, v18;
	v18 =	vmul.f32 v30, v3;
	v21 =	vadd.f32 v29, v21  }
0x12b: {  	v24 =	vadd.f32 v34, v24;
	v20 =	vadd.f32 v22, v20;
	v19 =	vmul.f32 v19, v4;
	v22 =	vld [tilespmem:s15+$0xFFFFFCE0]  }
0x12c: {  	v29 =	vld [tilespmem:s15+$0xFFFFFC70];
	v17 =	vadd.f32 v18, v17;
	v18 =	vmul.f32 v28, v4;
	v21 =	vadd.f32 v23, v21;
	v23, _, _ =	vpop (xrf2)  }
0x12d: {  	v24 =	vadd.f32 v32, v24;
	v19 =	vadd.f32 v19, v20;
	v20 =	vmul.f32 v33, v5;
	v28 =	vld [tilespmem:s15+$0xFFFFFCF0]  }
0x12e: {  	v17 =	vadd.f32 v18, v17;
	v18 =	vmul.f32 v27, v5;
	v21 =	vadd.f32 v25, v21;
	v25 =	vld [tilespmem:s15+$0x10]  }
0x12f: {  	v24 =	vadd.f32 v31, v24;
	v19 =	vadd.f32 v20, v19;
	v20 =	vmul.f32 v35, v6;
	v27 =	vld [tilespmem:s15+$0x0];
	v30, _, _ =	vpop (xrf2)  }
0x130: {  	v17 =	vadd.f32 v18, v17;
	v18 =	vmul.f32 v22, v6;
	v21 =	vadd.f32 v26, v21;
	v22 =	vld [tilespmem:s15+$0x80]  }
0x131: {  	v19 =	vadd.f32 v20, v19;
	v20 =	vmul.f32 v29, v7;
	v26 =	vld [tilespmem:s15+$0x20];
	(xrf2) =	vadd.scan.msk.f32 $0xffff, v24  }
0x132: {  	v17 =	vadd.f32 v18, v17;
	v18 =	vmul.f32 v28, v7;
	v24 =	vld [tilespmem:s15+$0xA0]  }
0x133: {  	v19 =	vadd.f32 v20, v19;
	v20 =	vmul.f32 v25, v1;
	v25 =	vld [tilespmem:s15+$0x30]  }
0x134: {  	v17 =	vadd.f32 v18, v17;
	v18 =	vmul.f32 v27, v0;
	v27 =	vld [tilespmem:s15+$0xB0];
	(xrf2) =	vadd.scan.msk.f32 $0xffff, v21  }
0x135: {  	v14 =	vmul.f32 v14, v1;
	v21 =	vld [tilespmem:s15+$0x40];
	v22 =	vmul.f32 v22, v0  }
0x136: {  	v18 =	vadd.f32 v20, v18;
	v20 =	vmul.f32 v26, v2;
	v26 =	vld [tilespmem:s15+$0xC0]  }
0x137: {  	v28 =	vld [tilespmem:s15+$0x50];
	v14 =	vadd.f32 v14, v22;
	v22 =	vmul.f32 v24, v2;
	(xrf2) =	vadd.scan.msk.f32 $0xffff, v19  }
0x138: {  	v18 =	vadd.f32 v20, v18;
	v19 =	vmul.f32 v25, v3;
	v20 =	vld [tilespmem:s15+$0xD0]  }
0x139: {  	v24 =	vld [tilespmem:s15+$0x60];
	v14 =	vadd.f32 v22, v14;
	v22 =	vmul.f32 v27, v3  }
0x13a: {  	v18 =	vadd.f32 v19, v18;
	v19 =	vmul.f32 v21, v4;
	v21 =	vld [tilespmem:s15+$0xE0];
	(xrf2) =	vadd.scan.msk.f32 $0xffff, v17  }
0x13b: {  	v17 =	vld [tilespmem:s15+$0x70];
	v14 =	vadd.f32 v22, v14;
	v27 =	vmul.f32 v26, v4;
	v25, _, _ =	vpop (xrf2)  }
0x13c: {  	v18 =	vadd.f32 v19, v18;
	v19 =	vmul.f32 v28, v5;
	v26 =	vld [tilespmem:s15+$0xF0]  }
0x13d: {  	v14 =	vadd.f32 v27, v14;
	v20 =	vmul.f32 v20, v5  }
0x13e: {  	v18 =	vadd.f32 v19, v18;
	v19 =	vmul.f32 v24, v6;
	v22, _, _ =	vpop (xrf2)  }
0x13f: {  	s18 =	sshra.s32 s17, $0x2;
	v14 =	vadd.f32 v20, v14;
	v24 =	vmul.f32 v21, v6  }
0x140: {  	v21 =	vld [tilespmem:s18+$0xC880];
	v18 =	vadd.f32 v19, v18;
	v17 =	vmul.f32 v17, v7  }
0x141: {  	v14 =	vadd.f32 v24, v14;
	v19 =	vmul.f32 v26, v7;
	v20, _, _ =	vpop (xrf2)  }
0x142: {  	v17 =	vadd.f32 v17, v18  }
0x143: {  	v18 =	vbroadcast v20, $0xF;
	v14 =	vadd.f32 v19, v14  }
0x144: {  	v19 =	vbroadcast v22, $0xF;
	v20, _, _ =	vpop (xrf2);
	(xrf2) =	vadd.scan.msk.f32 $0xffff, v17  }
0x145: {  	v17 =	vadd.f32 v18, v21;
	v18 =	vbroadcast v20, $0xF;
	v20 =	vbroadcast v25, $0xF;
	_ =	sdelay $0x1  }
0x146: {  	v17 =	vsel vm0, v17, v21;
	v18 =	vadd.f32 v18, v21;
	(xrf2) =	vadd.scan.msk.f32 $0xffff, v14  }
0x147: {  	v14 =	vadd.f32 v19, v17  }
0x148: {  	v17 =	vsel vm1, v17, v18;
	v18 =	vbroadcast v23, $0xF  }
0x149: {  	v14 =	vsel vm2, v17, v14;
	v19 =	vadd.f32 v20, v17;
	v20 =	vbroadcast v30, $0xF  }
0x14a: {  	v17 =	vadd.f32 v18, v17  }
0x14b: {  	v16 =	vbroadcast v16, $0xF;
	v14 =	vsel vm3, v14, v19  }
0x14c: {  	v15 =	vbroadcast v15, $0xF;
	v17 =	vsel vm4, v14, v17;
	v14 =	vadd.f32 v20, v14  }
0x14d: {  	v16 =	vadd.f32 v16, v17;
	v18, _, _ =	vpop (xrf2)  }
0x14e: {  	v14 =	vsel vm5, v17, v14  }
0x14f: {  	v17 =	vbroadcast v18, $0xF;
	v16 =	vsel vm6, v14, v16;
	v15 =	vadd.f32 v15, v14  }
0x150: {  	v18, _, _ =	vpop (xrf2);
	(xrf2) =	vadd.scan.msk.f32 $0xffff, v8  }
0x151: {  	v14 =	vadd.f32 v17, v14;
	v8 =	vsel vm7, v16, v15;
	v15 =	vbroadcast v18, $0xF  }
0x152: {  	v13 =	vbroadcast v13, $0xF  }
0x153: {  	v12 =	vbroadcast v12, $0xF;
	v14 =	vsel vm8, v8, v14;
	v8 =	vadd.f32 v15, v8  }
0x154: {  	v13 =	vadd.f32 v13, v14  }
.Ltmp0:
0x155: {  	v11 =	vbroadcast v11, $0xF;
	v8 =	vsel vm9, v14, v8;
	(pc) =	sbr.rel @p0 .LBB2_2-.Ltmp0, $4  }
0x156: {  	v14 =	vbroadcast v10, $0xF;
	v13 =	vsel vm10, v8, v13;
	v12 =	vadd.f32 v12, v8  }
0x157: {  	v8 =	vadd.f32 v11, v8  }
0x158: {  	v10 =	vbroadcast v9, $0xF;
	v11 =	vsel vm11, v13, v12  }
0x159: {  	v8 =	vsel vm12, v11, v8;
	v9 =	vadd.f32 v14, v11  }
0x15a: {  	_ = 	snop  }
0x15b: {  	v0 =	vadd.f32 v10, v8;
	v1, _, _ =	vpop (xrf2);
	v2 =	vsel vm13, v8, v9  }
0x15c: {  	v1 =	vadd.f32 v1, v2  }
0x15d: {  	v0 =	vsel vm14, v2, v0  }
0x15e: {  	v0 =	vsel vm15, v0, v1  }
0x15f: {  	s15 =	simm.s32 $0x0;
	[tilespmem:s18+$0xCD80] =	vst v0  }
0x160: {  	[tilespmem:s12], [sflag:$0x1] =	stream.linear.gather [hbm4b:s6+s15], $0xC800, $0x38;
	[tilespmem:$0xD280] =	vst v63  }
0x161: {  	_ =	swait.ge [sflag:s10], $0xC800  }
0x162: {  	[sflag:s10] =	ssyncset.done $0x0  }
0x163: {  	[sflag:s10] =	ssyncadd.s32 $0xFFFF3800  }
0x164: {  	v0 =	vld [tilespmem:$0x0]  }
0x165: {  	v1 =	vld [tilespmem:$0x10]  }
0x166: {  	v2 =	vld [tilespmem:$0x20]  }
0x167: {  	v3 =	vld [tilespmem:$0x30]  }
0x168: {  	v4 =	vld [tilespmem:$0x40]  }
0x169: {  	v5 =	vld [tilespmem:$0x50]  }
0x16a: {  	v6 =	vld [tilespmem:$0x60]  }
0x16b: {  	s15 =	simm.s32 $0x480;
	v7 =	vld [tilespmem:$0x70]  }
0x16c: {  	v10 =	vld [tilespmem:s15+$0x370]  }
0x16d: {  	v9 =	vld [tilespmem:s15+$0x330]  }
0x16e: {  	v8 =	vld [tilespmem:s15+$0x390]  }
0x16f: {  	v12 =	vld [tilespmem:s15+$0x360]  }
0x170: {  	v17 =	vld [tilespmem:s15+$0x250]  }
0x171: {  	v24 =	vld [tilespmem:s15+$0x270]  }
0x172: {  	v25 =	vld [tilespmem:s15+$0x260]  }
0x173: {  	v16 =	vld [tilespmem:s15+$0x350]  }
0x174: {  	v26 =	vld [tilespmem:s15+$0x1D0]  }
0x175: {  	v27 =	vld [tilespmem:s15+$0x1C0]  }
0x176: {  	v14 =	vld [tilespmem:s15+$0x340]  }
0x177: {  	v13 =	vld [tilespmem:s15+$0x310]  }
0x178: {  	v15 =	vld [tilespmem:s15+$0x320]  }
0x179: {  	v28 =	vld [tilespmem:s15+$0x2D0]  }
0x17a: {  	v18 =	vld [tilespmem:s15+$0x300]  }
0x17b: {  	v29 =	vld [tilespmem:s15+$0x2F0]  }
0x17c: {  	v30 =	vld [tilespmem:s15+$0x220]  }
0x17d: {  	v31 =	vld [tilespmem:s15+$0x2E0]  }
0x17e: {  	v32 =	vld [tilespmem:s15+$0x2C0]  }
0x17f: {  	v33 =	vld [tilespmem:s15+$0x2B0]  }
0x180: {  	v22 =	vld [tilespmem:s15+$0x170]  }
0x181: {  	v34 =	vld [tilespmem:s15+$0x2A0]  }
0x182: {  	v35 =	vld [tilespmem:s15+$0x290]  }
0x183: {  	v36 =	vld [tilespmem:s15+$0x280]  }
0x184: {  	v37 =	vld [tilespmem:s15+$0x150]  }
0x185: {  	v38 =	vld [tilespmem:s15+$0x240]  }
0x186: {  	v39 =	vld [tilespmem:s15+$0x160]  }
0x187: {  	v40 =	vld [tilespmem:s15+$0x140]  }
0x188: {  	v41 =	vld [tilespmem:s15+$0x230]  }
0x189: {  	v42 =	vld [tilespmem:s15+$0x130]  }
0x18a: {  	v43 =	vld [tilespmem:s15+$0x210]  }
0x18b: {  	v44 =	vld [tilespmem:s15+$0x1E0]  }
0x18c: {  	v45 =	vld [tilespmem:s15+$0x200]  }
0x18d: {  	v46 =	vld [tilespmem:s15+$0x1F0]  }
0x18e: {  	v47 =	vld [tilespmem:s15+$0x1B0]  }
0x18f: {  	v48 =	vld [tilespmem:s15+$0x1A0]  }
0x190: {  	v49 =	vld [tilespmem:s15+$0x190]  }
0x191: {  	v50 =	vld [tilespmem:s15+$0x180]  }
0x192: {  	v51 =	vld [tilespmem:s15+$0x110]  }
0x193: {  	v52 =	vld [tilespmem:s15+$0x120]  }
0x194: {  	v53 =	vld [tilespmem:s15+$0x100]  }
0x195: {  	v11 =	vld [tilespmem:s15+$0xFFFFFEF0]  }
0x196: {  	v19 =	vld [tilespmem:s15+$0xFFFFFF70]  }
0x197: {  	v23 =	vld [tilespmem:s15+$0xFFFFFF40]  }
0x198: {  	v21 =	vld [tilespmem:s15+$0xFFFFFFF0];
	v18 =	vmul.f32 v18, v0  }
0x199: {  	v20 =	vmul.f32 v13, v1;
	v13 =	vld [tilespmem:s15+$0xFFFFFF60];
	v15 =	vmul.f32 v15, v2  }
0x19a: {  	v62 =	vmul.f32 v9, v3;
	v9 =	vld [tilespmem:s15+$0x90];
	v54 =	vmul.f32 v14, v4  }
0x19b: {  	v36 =	vmul.f32 v36, v0;
	v35 =	vmul.f32 v35, v1;
	v14 =	vld [tilespmem:s15+$0xFFFFFE70]  }
0x19c: {  	v63 =	vmul.f32 v16, v5;
	v16 =	vld [tilespmem:s15+$0xFFFFFEE0];
	v34 =	vmul.f32 v34, v2  }
0x19d: {  	v12 =	vmul.f32 v12, v6;
	v56 =	vmul.f32 v41, v3;
	v41 =	vld [tilespmem:s15+$0xFFFFFFC0]  }
0x19e: {  	v33 =	vmul.f32 v33, v3;
	v57 =	vmul.f32 v49, v1;
	v49 =	vld [tilespmem:s15+$0xFFFFFFB0]  }
0x19f: {  	v45 =	vmul.f32 v45, v0;
	v60 =	vmul.f32 v48, v2;
	v48 =	vld [tilespmem:s15+$0xFFFFFEC0]  }
0x1a0: {  	v43 =	vmul.f32 v43, v1;
	v61 =	vmul.f32 v53, v0;
	v53 =	vld [tilespmem:s15+$0xFFFFFF80]  }
0x1a1: {  	v10 =	vmul.f32 v10, v7;
	v59 =	vmul.f32 v38, v4;
	v38 =	vld [tilespmem:s15+$0xFFFFFEA0]  }
0x1a2: {  	v32 =	vmul.f32 v32, v4;
	v30 =	vmul.f32 v30, v2;
	v18 =	vadd.f32 v20, v18;
	v20 =	vld [tilespmem:s15+$0xFFFFFF50]  }
0x1a3: {  	v28 =	vmul.f32 v28, v5;
	v31 =	vmul.f32 v31, v6;
	v35 =	vadd.f32 v35, v36;
	v36 =	vld [tilespmem:s15+$0xFFFFFFE0]  }
0x1a4: {  	v58 =	vmul.f32 v50, v0;
	v17 =	vmul.f32 v17, v5;
	v43 =	vadd.f32 v43, v45;
	v45 =	vld [tilespmem:s15+$0xFFFFFFA0]  }
0x1a5: {  	v29 =	vmul.f32 v29, v7;
	v15 =	vadd.f32 v15, v18;
	v34 =	vadd.f32 v34, v35;
	v35 =	vld [tilespmem:s15+$0xFFFFFFD0]  }
0x1a6: {  	v25 =	vmul.f32 v25, v6;
	v27 =	vmul.f32 v27, v4;
	v30 =	vadd.f32 v30, v43;
	v43 =	vld [tilespmem:s15+$0xFFFFFE30]  }
0x1a7: {  	v26 =	vmul.f32 v26, v5;
	v24 =	vmul.f32 v24, v7;
	v18 =	vadd.f32 v62, v15;
	v15 =	vld [tilespmem:s15+$0xFFFFFE60]  }
0x1a8: {  	v44 =	vmul.f32 v44, v6;
	v50 =	vmul.f32 v37, v5;
	v33 =	vadd.f32 v33, v34;
	v34 =	vld [tilespmem:s15+$0xFFFFFEB0]  }
0x1a9: {  	v22 =	vmul.f32 v22, v7;
	v30 =	vadd.f32 v56, v30;
	v62 =	vmul.f32 v51, v1;
	v51 =	vld [tilespmem:s15+$0xFFFFFE90]  }
0x1aa: {  	v19 =	vmul.f32 v19, v7;
	v18 =	vadd.f32 v54, v18;
	v55 =	vadd.f32 v32, v33;
	v32 =	vld [tilespmem:s15+$0xFFFFFE40]  }
0x1ab: {  	v23 =	vmul.f32 v23, v4;
	v21 =	vmul.f32 v21, v7;
	v33 =	vld [tilespmem:s15+$0xFFFFFF20]  }
0x1ac: {  	v30 =	vadd.f32 v59, v30;
	v59 =	vmul.f32 v42, v3;
	v42 =	vld [tilespmem:s15+$0xFFFFFF10];
	v54 =	vadd.f32 v63, v18  }
0x1ad: {  	v11 =	vmul.f32 v11, v7;
	v56 =	vadd.f32 v62, v61;
	v62 =	vmul.f32 v40, v4;
	v40 =	vld [tilespmem:s15+$0xFFFFFE20]  }
0x1ae: {  	v41 =	vmul.f32 v41, v4;
	v13 =	vmul.f32 v13, v6;
	v18 =	vld [tilespmem:s15+$0xFFFFFE50];
	v12 =	vadd.f32 v12, v54  }
0x1af: {  	v16 =	vmul.f32 v16, v6;
	v14 =	vmul.f32 v14, v7;
	v63 =	vld [tilespmem:s15+$0xFFFFFF90]  }
0x1b0: {  	v9 =	vmul.f32 v9, v1;
	v17 =	vadd.f32 v17, v30;
	v30 =	vld [tilespmem:s15+$0xFFFFFF30];
	v10 =	vadd.f32 v10, v12  }
0x1b1: {  	v54 =	vld [tilespmem:s15+$0xFFFFFED0];
	v12 =	vadd.f32 v28, v55;
	v28 =	vadd.f32 v57, v58;
	v57 =	vmul.f32 v52, v2  }
0x1b2: {  	v36 =	vmul.f32 v36, v6;
	v55 =	vmul.f32 v47, v3;
	v47 =	vld [tilespmem:s15+$0xFFFFFD00]  }
0x1b3: {  	v20 =	vmul.f32 v20, v5;
	v28 =	vadd.f32 v60, v28;
	v58 =	vadd.f32 v57, v56;
	v57 =	vld [tilespmem:s15+$0xFFFFFE10]  }
0x1b4: {  	v12 =	vadd.f32 v31, v12;
	v31 =	vmul.f32 v53, v0;
	v53 =	vmul.f32 v45, v2;
	v45 =	vld [tilespmem:s15+$0xFFFFFD10]  }
0x1b5: {  	v34 =	vmul.f32 v34, v3;
	v63 =	vmul.f32 v63, v1;
	v28 =	vadd.f32 v55, v28;
	v55 =	vld [tilespmem:s15+$0xFFFFFE80]  }
0x1b6: {  	v17 =	vadd.f32 v25, v17;
	v61 =	vadd.f32 v59, v58;
	v58 =	vmul.f32 v46, v7;
	v46 =	vld [tilespmem:s15+$0xFFFFFDF0]  }
0x1b7: {  	v15 =	vmul.f32 v15, v6;
	v52 =	vadd.f32 v63, v31;
	v63 =	vmul.f32 v33, v2;
	v33 =	vld [tilespmem:s15+$0xFFFFFDE0]  }
0x1b8: {  	v32 =	vmul.f32 v32, v4;
	v17 =	vadd.f32 v24, v17;
	v60 =	vadd.f32 v27, v28;
	v27 =	vld [tilespmem:s15+$0xFFFFFF00]  }
0x1b9: {  	v30 =	vmul.f32 v30, v3;
	v28 =	vadd.f32 v62, v61;
	v61 =	vmul.f32 v42, v1;
	v42 =	vld [tilespmem:s15+$0xFFFFFD70]  }
0x1ba: {  	v56 =	vmul.f32 v39, v6;
	v59 =	vmul.f32 v49, v3;
	v24 =	vadd.f32 v53, v52;
	v53 =	vld [tilespmem:s15+$0xFFFFFD40]  }
0x1bb: {  	v39 =	vmul.f32 v57, v1;
	v57 =	vmul.f32 v48, v4;
	v48 =	vld [tilespmem:s15+$0xFFFFFC90]  }
0x1bc: {  	v12 =	vadd.f32 v29, v12;
	v49 =	vmul.f32 v35, v5;
	v25 =	vadd.f32 v26, v60;
	v60 =	vld [tilespmem:s15+$0xFFFFFE00]  }
0x1bd: {  	v28 =	vadd.f32 v50, v28;
	v26 =	vadd.f32 v59, v24;
	v50 =	vmul.f32 v51, v1;
	v51 =	vld [tilespmem:s15+$0xFFFFFD50]  }
0x1be: {  	v31 =	vmul.f32 v55, v0;
	v55 =	vmul.f32 v38, v2;
	v38 =	vld [tilespmem:s15+$0xFFFFFD30];
	v25 =	vadd.f32 v44, v25  }
0x1bf: {  	v28 =	vadd.f32 v56, v28;
	v44 =	vld [tilespmem:s15+$0xFFFFFD60];
	v26 =	vadd.f32 v41, v26;
	v27 =	vmul.f32 v27, v0  }
0x1c0: {  	v18 =	vmul.f32 v18, v5;
	v41 =	vld [tilespmem:s15+$0xFFFFFDA0];
	v31 =	vadd.f32 v50, v31;
	v24 =	vadd.f32 v58, v25  }
0x1c1: {  	v56 =	vmul.f32 v40, v2;
	v26 =	vadd.f32 v49, v26;
	v49 =	vld [tilespmem:s15+$0xFFFFFC10];
	v62 =	vadd.f32 v61, v27  }
0x1c2: {  	v22 =	vadd.f32 v22, v28;
	v58 =	vmul.f32 v43, v3;
	v52 =	vmul.f32 v60, v0;
	v61 =	vld [tilespmem:s15+$0xFFFFFD90]  }
0x1c3: {  	v60 =	vmul.f32 v54, v5;
	v26 =	vadd.f32 v36, v26;
	v25 =	vadd.f32 v63, v62;
	v63 =	vld [tilespmem:s15+$0xFFFFFD80]  }
0x1c4: {  	v27 =	vmul.f32 v51, v5;
	v38 =	vmul.f32 v38, v3;
	v37 =	vadd.f32 v39, v52;
	v52 =	vld [tilespmem:s15+$0xFFFFFC80]  }
0x1c5: {  	v36 =	vld [tilespmem:s15+$0xFFFFFDC0];
	v29 =	vmul.f32 v44, v6;
	v21 =	vadd.f32 v21, v26;
	v25 =	vadd.f32 v30, v25  }
0x1c6: {  	v50 =	vld [tilespmem:s15+$0xFFFFFC00];
	v30 =	vadd.f32 v55, v31;
	v37 =	vadd.f32 v56, v37;
	v55 =	vmul.f32 v45, v1  }
0x1c7: {  	v31 =	vld [tilespmem:s15+$0xFFFFFDB0];
	v40 =	vmul.f32 v49, v1;
	v51 =	vmul.f32 v61, v1;
	v23 =	vadd.f32 v23, v25  }
0x1c8: {  	v28 =	vld [tilespmem:s15+$0xFFFFFDD0];
	v59 =	vadd.f32 v34, v30;
	v62 =	vadd.f32 v58, v37;
	v30 =	vmul.f32 v42, v7  }
0x1c9: {  	v44 =	vld [tilespmem:s15+$0xFFFFFC50];
	v54 =	vmul.f32 v63, v0;
	v43 =	vmul.f32 v52, v0;
	v20 =	vadd.f32 v20, v23  }
0x1ca: {  	v56 =	vld [tilespmem:s15+$0xFFFFFCA0];
	v26 =	vadd.f32 v57, v59;
	v57 =	vmul.f32 v36, v4;
	v59 =	vmul.f32 v41, v2  }
0x1cb: {  	v25 =	vld [tilespmem:s15+$0xFFFFFD20];
	v23 =	vadd.f32 v32, v62;
	v62 =	vmul.f32 v50, v0;
	v32 =	vmul.f32 v48, v1  }
0x1cc: {  	v61 =	vld [tilespmem:s15+$0xFFFFFC40];
	v31 =	vmul.f32 v31, v3;
	v13 =	vadd.f32 v13, v20;
	v26 =	vadd.f32 v60, v26  }
0x1cd: {  	v58 =	vld [tilespmem:s15+$0xFFFFFC30];
	v18 =	vadd.f32 v18, v23;
	v23 =	vmul.f32 v33, v6;
	v20 =	vmul.f32 v47, v0  }
0x1ce: {  	v16 =	vadd.f32 v16, v26;
	v26 =	vmul.f32 v28, v5;
	v28 =	vmul.f32 v53, v4;
	v53 =	vld [tilespmem:s15+$0xFFFFFC20]  }
0x1cf: {  	v37 =	vld [tilespmem:s15+$0xA0];
	v45 =	vadd.f32 v40, v62;
	v47 =	vmul.f32 v56, v2;
	v15 =	vadd.f32 v15, v18  }
0x1d0: {  	v60 =	vld [tilespmem:s15+$0xFFFFFCB0];
	v25 =	vmul.f32 v25, v2;
	v18 =	vadd.f32 v51, v54;
	v20 =	vadd.f32 v55, v20  }
0x1d1: {  	v63 =	vld [tilespmem:s15+$0xFFFFFCC0];
	v62 =	vmul.f32 v44, v5;
	v13 =	vadd.f32 v19, v13;
	v14 =	vadd.f32 v14, v15  }
0x1d2: {  	v48 =	vld [tilespmem:s15+$0xFFFFFC60];
	v49 =	vmul.f32 v58, v3;
	v15 =	vadd.f32 v59, v18;
	v20 =	vadd.f32 v25, v20  }
0x1d3: {  	v50 =	vld [tilespmem:s15+$0xFFFFFCE0];
	v19 =	vmul.f32 v46, v7;
	v18 =	vadd.f32 v32, v43;
	v35 =	vmul.f32 v53, v2  }
0x1d4: {  	v46 =	vld [tilespmem:s15+$0xFFFFFCD0];
	v55 =	vmul.f32 v61, v4;
	v15 =	vadd.f32 v31, v15;
	v20 =	vadd.f32 v38, v20  }
0x1d5: {  	(xrf2) =	vadd.scan.msk.f32 $0xffff, v10;
	v56 =	vld [tilespmem:s15+$0xFFFFFCF0];
	v52 =	vmul.f32 v60, v3;
	v51 =	vadd.f32 v47, v18;
	v25 =	vadd.f32 v35, v45  }
0x1d6: {  	(xrf2) =	vadd.scan.msk.f32 $0xffff, v12;
	v59 =	vmul.f32 v63, v4;
	v63 =	vld [tilespmem:s15+$0x0];
	v15 =	vadd.f32 v57, v15;
	v10 =	vadd.f32 v28, v20  }
0x1d7: {  	(xrf2) =	vadd.scan.msk.f32 $0xffff, v17;
	v34 =	vmul.f32 v48, v6;
	v60 =	vld [tilespmem:s15+$0x10];
	v58 =	vadd.f32 v52, v51;
	v54 =	vadd.f32 v49, v25  }
0x1d8: {  	(xrf2) =	vadd.scan.msk.f32 $0xffff, v24;
	v36 =	vmul.f32 v50, v6;
	v53 =	vld [tilespmem:s15+$0xFFFFFC70];
	v57 =	vadd.f32 v26, v15;
	v10 =	vadd.f32 v27, v10  }
0x1d9: {  	(xrf2) =	vadd.scan.msk.f32 $0xffff, v22;
	v33 =	vld [tilespmem:s15+$0x80];
	v15 =	vadd.f32 v59, v58;
	v27 =	vmul.f32 v46, v5;
	v61 =	vadd.f32 v55, v54  }
0x1da: {  	(xrf2) =	vadd.scan.msk.f32 $0xffff, v21;
	v11 =	vadd.f32 v11, v16;
	v39 =	vmul.f32 v56, v7;
	v35 =	vld [tilespmem:s15+$0x20];
	v12 =	vadd.f32 v23, v57  }
0x1db: {  	v40 =	vld [tilespmem:s15+$0x30];
	(xrf2) =	vadd.scan.msk.f32 $0xffff, v13;
	v43 =	vmul.f32 v63, v0;
	v15 =	vadd.f32 v27, v15;
	v17 =	vadd.f32 v62, v61  }
0x1dc: {  	v44 =	vld [tilespmem:s15+$0xB0];
	(xrf2) =	vadd.scan.msk.f32 $0xffff, v14;
	v42 =	vmul.f32 v60, v1;
	v10 =	vadd.f32 v29, v10;
	v12 =	vadd.f32 v19, v12  }
0x1dd: {  	v50 =	vld [tilespmem:s15+$0xC0];
	(xrf2) =	vadd.scan.msk.f32 $0xffff, v11;
	v38 =	vmul.f32 v53, v7;
	v11 =	vadd.f32 v36, v15;
	v41 =	vadd.f32 v34, v17  }
0x1de: {  	v45 =	vld [tilespmem:s15+$0x40];
	v46 =	vmul.f32 v33, v0;
	v48 =	vadd.f32 v42, v43;
	v10 =	vadd.f32 v30, v10  }
0x1df: {  	v31 =	vld [tilespmem:s15+$0x380];
	v49 =	vmul.f32 v35, v2;
	(xrf2) =	vadd.scan.msk.f32 $0xffff, v12;
	v11 =	vadd.f32 v39, v11;
	v47 =	vadd.f32 v38, v41  }
0x1e0: {  	v18, _, _ =	vpop (xrf2);
	v51 =	vmul.f32 v37, v2;
	v9 =	vadd.f32 v9, v46;
	(xrf2) =	vadd.scan.msk.f32 $0xffff, v10;
	v10 =	vld [tilespmem:s15+$0x50]  }
0x1e1: {  	v53 =	vmul.f32 v40, v3;
	v54 =	vld [tilespmem:s15+$0xD0];
	v19, _, _ =	vpop (xrf2);
	v52 =	vadd.f32 v49, v48;
	(xrf2) =	vadd.scan.msk.f32 $0xffff, v47  }
0x1e2: {  	v56 =	vmul.f32 v44, v3;
	v55 =	vld [tilespmem:s15+$0x60];
	v9 =	vadd.f32 v51, v9;
	v21, _, _ =	vpop (xrf2);
	(xrf2) =	vadd.scan.msk.f32 $0xffff, v11  }
0x1e3: {  	v58 =	vld [tilespmem:s15+$0xE0];
	v57 =	vmul.f32 v45, v4;
	v12 =	vadd.f32 v53, v52;
	v11, _, _ =	vpop (xrf2)  }
0x1e4: {  	v59 =	vld [tilespmem:s15+$0x70];
	v60 =	vmul.f32 v50, v4;
	v9 =	vadd.f32 v56, v9;
	v20, _, _ =	vpop (xrf2)  }
0x1e5: {  	v35 =	vld [tilespmem:s15+$0x3A0];
	v12 =	vadd.f32 v57, v12;
	v10 =	vmul.f32 v10, v5;
	v61, _, _ =	vpop (xrf2)  }
0x1e6: {  	v8 =	vmul.f32 v8, v1;
	v62 =	vld [tilespmem:s15+$0xF0];
	v9 =	vadd.f32 v60, v9;
	v63, _, _ =	vpop (xrf2)  }
0x1e7: {  	v46 =	vld [tilespmem:s15+$0x3C0];
	v14 =	vmul.f32 v54, v5;
	v33 =	vmul.f32 v55, v6;
	v10 =	vadd.f32 v10, v12;
	v32, _, _ =	vpop (xrf2)  }
0x1e8: {  	s18 =	simm.s32 $0x0;
	v25 =	vmul.f32 v31, v0;
	v36 =	vmul.f32 v58, v6;
	v41 =	vld [tilespmem:s15+$0x3B0];
	v34, _, _ =	vpop (xrf2)  }
0x1e9: {  	v39 =	vmul.f32 v59, v7;
	v38 =	vld [tilespmem:s18+$0xCA10];
	v9 =	vadd.f32 v14, v9;
	v10 =	vadd.f32 v33, v10;
	v37, _, _ =	vpop (xrf2)  }
0x1ea: {  	v8 =	vadd.f32 v8, v25;
	v45 =	vmul.f32 v35, v2;
	v40, _, _ =	vpop (xrf2)  }
0x1eb: {  	v13 =	vmul.f32 v62, v7;
	v47 =	vld [tilespmem:s15+$0x3D0];
	v9 =	vadd.f32 v36, v9;
	v10 =	vadd.f32 v39, v10;
	v42, _, _ =	vpop (xrf2)  }
0x1ec: {  	v8 =	vadd.f32 v45, v8;
	v43 =	vbroadcast v42, $0xF;
	v44, _, _ =	vpop (xrf2)  }
0x1ed: {  	v51 =	vld [tilespmem:s15+$0x3E0];
	v9 =	vadd.f32 v13, v9;
	v14 =	vmul.f32 v41, v3;
	(xrf2) =	vadd.scan.msk.f32 $0xffff, v10;
	v10 =	vbroadcast v44, $0xF  }
0x1ee: {  	v13 =	vmul.f32 v46, v4;
	v12 =	vadd.f32 v43, v38  }
0x1ef: {  	v8 =	vadd.f32 v14, v8;
	(xrf2) =	vadd.scan.msk.f32 $0xffff, v9;
	v9 =	vbroadcast v40, $0xF;
	v10 =	vadd.f32 v10, v38  }
0x1f0: {  	v54 =	vmul.f32 v47, v5;
	v15 =	vbroadcast v37, $0xF;
	v12 =	vsel vm0, v12, v38  }
0x1f1: {  	v55 =	vld [tilespmem:s15+$0x3F0];
	v8 =	vadd.f32 v13, v8;
	v9 =	vadd.f32 v9, v12;
	v10 =	vsel vm1, v12, v10  }
0x1f2: {  	v16 =	vmul.f32 v51, v6;
	v48 =	vbroadcast v32, $0xF;
	v49 =	vadd.f32 v15, v10  }
0x1f3: {  	v50 =	vbroadcast v34, $0xF;
	v8 =	vadd.f32 v54, v8;
	v9 =	vsel vm2, v10, v9  }
0x1f4: {  	v10 =	vadd.f32 v48, v10;
	v9 =	vsel vm3, v9, v49  }
0x1f5: {  	v52 =	vbroadcast v63, $0xF;
	v8 =	vadd.f32 v16, v8;
	v53 =	vadd.f32 v50, v9  }
0x1f6: {  	v9 =	vsel vm4, v9, v10;
	v10 =	vbroadcast v61, $0xF;
	v61 =	vmul.f32 v55, v7;
	_ =	sdelay $0x1  }
0x1f7: {  	v56, _, _ =	vpop (xrf2);
	v12 =	vadd.f32 v52, v9;
	v9 =	vsel vm5, v9, v53;
	v8 =	vadd.f32 v61, v8  }
0x1f8: {  	v57 =	vbroadcast v56, $0xF;
	v58, _, _ =	vpop (xrf2);
	v10 =	vadd.f32 v10, v9  }
0x1f9: {  	v14 =	vbroadcast v58, $0xF;
	v12 =	vsel vm6, v9, v12;
	(xrf2) =	vadd.scan.msk.f32 $0xffff, v8  }
0x1fa: {  	v9 =	vadd.f32 v57, v9;
	v10 =	vsel vm7, v12, v10  }
0x1fb: {  	v59 =	vbroadcast v20, $0xF;
	v60 =	vadd.f32 v14, v10  }
0x1fc: {  	v9 =	vsel vm8, v10, v9;
	v10 =	vbroadcast v11, $0xF  }
0x1fd: {  	v62 =	vbroadcast v21, $0xF;
	v11 =	vadd.f32 v59, v9;
	v9 =	vsel vm9, v9, v60  }
0x1fe: {  	v10 =	vadd.f32 v10, v9  }
0x1ff: {  	v63 =	vbroadcast v19, $0xF;
	v11 =	vsel vm10, v9, v11;
	v9 =	vadd.f32 v62, v9  }
0x200: {  	v11 =	vsel vm11, v11, v10  }
0x201: {  	s16 =	simm.s32 $0x40;
	v10 =	vbroadcast v18, $0xF;
	v8 =	vsel vm12, v11, v9;
	v9 =	vadd.f32 v63, v11  }
.LBB2_4:
0x202: {  	p0 =	sne.s32 s16, $0x600  }
0x203: {  	v10 =	vadd.f32 v10, v8;
	s15 =	sadd.s32 $0x800, s15;
	v11, _, _ =	vpop (xrf2);
	s17 =	smov.u32 s16;
	s16 =	sadd.s32 $0x40, s16  }
0x204: {  	v8 =	vsel vm13, v8, v9  }
0x205: {  	v9 =	vsel vm14, v8, v10;
	v8 =	vadd.f32 v11, v8;
	_ =	sdelay $0x1  }
0x206: {  	v8 =	vsel vm15, v9, v8  }
0x207: {  	[tilespmem:s18+$0xCF10] =	vst v8  }
0x208: {  	v8 =	vld [tilespmem:s15+$0x3B0]  }
0x209: {  	v14 =	vld [tilespmem:s15+$0x3F0]  }
0x20a: {  	v12 =	vld [tilespmem:s15+$0x3E0]  }
0x20b: {  	v15 =	vld [tilespmem:s15+$0x3D0]  }
0x20c: {  	v16 =	vld [tilespmem:s15+$0x3C0]  }
0x20d: {  	v18 =	vld [tilespmem:s15+$0x3A0]  }
0x20e: {  	v19 =	vld [tilespmem:s15+$0x370]  }
0x20f: {  	v20 =	vld [tilespmem:s15+$0x330]  }
0x210: {  	v10 =	vld [tilespmem:s15+$0x390]  }
0x211: {  	v21 =	vld [tilespmem:s15+$0x360]  }
0x212: {  	v13 =	vld [tilespmem:s15+$0x380]  }
0x213: {  	v9 =	vld [tilespmem:s15+$0x250]  }
0x214: {  	v11 =	vld [tilespmem:s15+$0x270]  }
0x215: {  	v17 =	vld [tilespmem:s15+$0x260];
	v22 =	vmul.f32 v10, v1  }
0x216: {  	v23 =	vld [tilespmem:s15+$0x350]  }
0x217: {  	v10 =	vld [tilespmem:s15+$0x1D0];
	v24 =	vmul.f32 v13, v0  }
0x218: {  	v13 =	vld [tilespmem:s15+$0x1C0]  }
0x219: {  	v18 =	vmul.f32 v18, v2;
	v25 =	vld [tilespmem:s15+$0x340];
	v22 =	vadd.f32 v22, v24  }
0x21a: {  	v24 =	vld [tilespmem:s15+$0x310]  }
0x21b: {  	v8 =	vmul.f32 v8, v3;
	v26 =	vld [tilespmem:s15+$0x320];
	v18 =	vadd.f32 v18, v22  }
0x21c: {  	v22 =	vld [tilespmem:s15+$0x2D0]  }
0x21d: {  	v16 =	vmul.f32 v16, v4;
	v27 =	vld [tilespmem:s15+$0x300];
	v8 =	vadd.f32 v8, v18  }
0x21e: {  	v18 =	vld [tilespmem:s15+$0x2F0]  }
0x21f: {  	v15 =	vmul.f32 v15, v5;
	v28 =	vld [tilespmem:s15+$0x220];
	v8 =	vadd.f32 v16, v8  }
0x220: {  	v16 =	vld [tilespmem:s15+$0x2E0]  }
0x221: {  	v29 =	vld [tilespmem:s15+$0x2C0];
	v8 =	vadd.f32 v15, v8;
	v15 =	vmul.f32 v12, v6  }
0x222: {  	v24 =	vmul.f32 v24, v1;
	v30 =	vld [tilespmem:s15+$0x2B0];
	v27 =	vmul.f32 v27, v0  }
0x223: {  	v14 =	vmul.f32 v14, v7;
	v12 =	vld [tilespmem:s15+$0x170];
	v8 =	vadd.f32 v15, v8  }
0x224: {  	v26 =	vmul.f32 v26, v2;
	v15 =	vld [tilespmem:s15+$0x2A0];
	v24 =	vadd.f32 v24, v27  }
0x225: {  	v27 =	vld [tilespmem:s15+$0x290];
	v8 =	vadd.f32 v14, v8  }
0x226: {  	v20 =	vmul.f32 v20, v3;
	v14 =	vld [tilespmem:s15+$0x280];
	v24 =	vadd.f32 v26, v24  }
0x227: {  	v26 =	vld [tilespmem:s15+$0x150]  }
0x228: {  	v31 =	vld [tilespmem:s15+$0x240];
	v20 =	vadd.f32 v20, v24;
	v24 =	vmul.f32 v25, v4  }
0x229: {  	v25 =	vld [tilespmem:s15+$0x160]  }
0x22a: {  	v23 =	vmul.f32 v23, v5;
	v32 =	vld [tilespmem:s15+$0x140];
	v20 =	vadd.f32 v24, v20  }
0x22b: {  	v27 =	vmul.f32 v27, v1;
	v24 =	vld [tilespmem:s15+$0x230];
	v14 =	vmul.f32 v14, v0  }
0x22c: {  	v21 =	vmul.f32 v21, v6;
	v33 =	vld [tilespmem:s15+$0x130];
	v20 =	vadd.f32 v23, v20  }
0x22d: {  	v15 =	vmul.f32 v15, v2;
	v23 =	vld [tilespmem:s15+$0x210];
	v14 =	vadd.f32 v27, v14  }
0x22e: {  	v19 =	vmul.f32 v19, v7;
	v27 =	vld [tilespmem:s15+$0x1E0];
	v20 =	vadd.f32 v21, v20  }
0x22f: {  	v21 =	vld [tilespmem:s15+$0x200];
	v14 =	vadd.f32 v15, v14;
	v15 =	vmul.f32 v30, v3  }
0x230: {  	v30 =	vld [tilespmem:s15+$0x1F0];
	v19 =	vadd.f32 v19, v20  }
0x231: {  	v20 =	vld [tilespmem:s15+$0x1B0];
	v14 =	vadd.f32 v15, v14;
	v15 =	vmul.f32 v29, v4  }
0x232: {  	v29 =	vld [tilespmem:s15+$0x1A0];
	(xrf2) =	vadd.scan.msk.f32 $0xffff, v19  }
0x233: {  	v19 =	vld [tilespmem:s15+$0x190];
	v14 =	vadd.f32 v15, v14;
	v15 =	vmul.f32 v22, v5  }
0x234: {  	v23 =	vmul.f32 v23, v1;
	v22 =	vld [tilespmem:s15+$0x180];
	v21 =	vmul.f32 v21, v0  }
0x235: {  	v34 =	vld [tilespmem:s15+$0x110];
	v14 =	vadd.f32 v15, v14;
	v15 =	vmul.f32 v16, v6  }
0x236: {  	v35 =	vld [tilespmem:s15+$0x120];
	v16 =	vadd.f32 v23, v21;
	v21 =	vmul.f32 v28, v2  }
0x237: {  	v18 =	vmul.f32 v18, v7;
	v23 =	vld [tilespmem:s15+$0x100];
	v14 =	vadd.f32 v15, v14  }
0x238: {  	v24 =	vmul.f32 v24, v3;
	v15 =	vld [tilespmem:s15+$0xFFFFFEF0];
	v19 =	vmul.f32 v19, v1;
	v21 =	vadd.f32 v21, v16  }
0x239: {  	v28 =	vld [tilespmem:s15+$0xFFFFFF70];
	v22 =	vmul.f32 v22, v0;
	v14 =	vadd.f32 v18, v14  }
0x23a: {  	v16 =	vld [tilespmem:s15+$0xFFFFFF60];
	v18 =	vadd.f32 v24, v21;
	v21 =	vmul.f32 v31, v4  }
0x23b: {  	v24 =	vld [tilespmem:s15+$0xFFFFFF50];
	v19 =	vadd.f32 v19, v22;
	v22 =	vmul.f32 v29, v2;
	v29 =	vmul.f32 v9, v5;
	(xrf2) =	vadd.scan.msk.f32 $0xffff, v14  }
0x23c: {  	v34 =	vmul.f32 v34, v1;
	v31 =	vld [tilespmem:s15+$0xFFFFFF40];
	v23 =	vmul.f32 v23, v0;
	v18 =	vadd.f32 v21, v18;
	v9, _, _ =	vpop (xrf2)  }
0x23d: {  	v20 =	vmul.f32 v20, v3;
	v21 =	vmul.f32 v17, v6;
	v14 =	vld [tilespmem:s15+$0x90];
	v19 =	vadd.f32 v22, v19  }
0x23e: {  	v22 =	vld [tilespmem:s15+$0xFFFFFFF0];
	v23 =	vadd.f32 v34, v23;
	v34 =	vmul.f32 v35, v2;
	v29 =	vadd.f32 v29, v18  }
0x23f: {  	v11 =	vmul.f32 v11, v7;
	v13 =	vmul.f32 v13, v4;
	v18 =	vld [tilespmem:s15+$0xFFFFFE60];
	v20 =	vadd.f32 v20, v19  }
0x240: {  	v33 =	vmul.f32 v33, v3;
	v17 =	vld [tilespmem:s15+$0xFFFFFE70];
	v23 =	vadd.f32 v34, v23;
	v21 =	vadd.f32 v21, v29  }
0x241: {  	v10 =	vmul.f32 v10, v5;
	v19 =	vld [tilespmem:s15+$0xFFFFFEE0];
	v13 =	vadd.f32 v13, v20  }
0x242: {  	v32 =	vmul.f32 v32, v4;
	v29 =	vld [tilespmem:s15+$0xFFFFFFE0];
	v23 =	vadd.f32 v33, v23;
	v11 =	vadd.f32 v11, v21  }
0x243: {  	v20 =	vld [tilespmem:s15+$0xFFFFFE50];
	v33 =	vadd.f32 v10, v13;
	v13 =	vmul.f32 v27, v6  }
0x244: {  	v26 =	vmul.f32 v26, v5;
	v21 =	vld [tilespmem:s15+$0xFFFFFFD0];
	v23 =	vadd.f32 v32, v23;
	(xrf2) =	vadd.scan.msk.f32 $0xffff, v11  }
0x245: {  	v27 =	vld [tilespmem:s15+$0xFFFFFED0];
	v11 =	vadd.f32 v13, v33;
	v13 =	vmul.f32 v30, v7;
	v10, _, _ =	vpop (xrf2)  }
0x246: {  	v25 =	vmul.f32 v25, v6;
	v30 =	vld [tilespmem:s15+$0xFFFFFEB0];
	v23 =	vadd.f32 v26, v23  }
0x247: {  	v26 =	vld [tilespmem:s15+$0xFFFFFFA0];
	v11 =	vadd.f32 v13, v11  }
0x248: {  	v12 =	vmul.f32 v12, v7;
	v32 =	vld [tilespmem:s15+$0xFFFFFE40];
	v13 =	vadd.f32 v25, v23  }
0x249: {  	v23 =	vld [tilespmem:s15+$0xFFFFFFC0];
	(xrf2) =	vadd.scan.msk.f32 $0xffff, v11  }
0x24a: {  	v25 =	vld [tilespmem:s15+$0xFFFFFFB0];
	v11 =	vadd.f32 v12, v13  }
0x24b: {  	v33 =	vld [tilespmem:s15+$0xFFFFFEC0]  }
0x24c: {  	v12 =	vld [tilespmem:s15+$0xFFFFFF90];
	(xrf2) =	vadd.scan.msk.f32 $0xffff, v11  }
0x24d: {  	v13 =	vld [tilespmem:s15+$0xFFFFFF80]  }
0x24e: {  	v34 =	vld [tilespmem:s15+$0xFFFFFE30];
	v11, _, _ =	vpop (xrf2)  }
0x24f: {  	v35 =	vld [tilespmem:s15+$0xFFFFFF30]  }
0x250: {  	v36 =	vld [tilespmem:s15+$0xFFFFFF20]  }
0x251: {  	v37 =	vld [tilespmem:s15+$0xFFFFFF10];
	v38 =	vmul.f32 v12, v1  }
0x252: {  	v39 =	vld [tilespmem:s15+$0xFFFFFF00];
	v13 =	vmul.f32 v13, v0  }
0x253: {  	v40 =	vld [tilespmem:s15+$0xFFFFFEA0];
	v12, _, _ =	vpop (xrf2)  }
0x254: {  	v26 =	vmul.f32 v26, v2;
	v41 =	vld [tilespmem:s15+$0xFFFFFE20];
	v43 =	vadd.f32 v38, v13  }
0x255: {  	v28 =	vmul.f32 v28, v7;
	v38 =	vld [tilespmem:s15+$0xFFFFFE90]  }
0x256: {  	v25 =	vmul.f32 v25, v3;
	v42 =	vld [tilespmem:s15+$0xFFFFFE80];
	v37 =	vmul.f32 v37, v1;
	v26 =	vadd.f32 v26, v43;
	v13, _, _ =	vpop (xrf2)  }
0x257: {  	v24 =	vmul.f32 v24, v5;
	v43 =	vld [tilespmem:s15+$0xFFFFFE10];
	v39 =	vmul.f32 v39, v0  }
0x258: {  	v31 =	vmul.f32 v31, v4;
	v23 =	vmul.f32 v23, v4;
	v44 =	vld [tilespmem:s15+$0xFFFFFE00];
	v25 =	vadd.f32 v25, v26  }
0x259: {  	v29 =	vmul.f32 v29, v6;
	v36 =	vmul.f32 v36, v2;
	v26 =	vld [tilespmem:s15+$0xFFFFFD70];
	v37 =	vadd.f32 v37, v39  }
0x25a: {  	v22 =	vmul.f32 v22, v7;
	v21 =	vmul.f32 v21, v5;
	v39 =	vld [tilespmem:s15+$0xFFFFFDF0];
	v23 =	vadd.f32 v23, v25  }
0x25b: {  	v38 =	vmul.f32 v38, v1;
	v25 =	vld [tilespmem:s15+$0xFFFFFD60];
	v42 =	vmul.f32 v42, v0;
	v36 =	vadd.f32 v36, v37  }
0x25c: {  	v35 =	vmul.f32 v35, v3;
	v40 =	vmul.f32 v40, v2;
	v37 =	vld [tilespmem:s15+$0xFFFFFDE0];
	v21 =	vadd.f32 v21, v23  }
0x25d: {  	v43 =	vmul.f32 v43, v1;
	v23 =	vld [tilespmem:s15+$0xFFFFFD50];
	v44 =	vmul.f32 v44, v0;
	v38 =	vadd.f32 v38, v42  }
0x25e: {  	v30 =	vmul.f32 v30, v3;
	v35 =	vadd.f32 v35, v36;
	v42 =	vld [tilespmem:s15+$0xFFFFFDD0];
	v21 =	vadd.f32 v29, v21  }
0x25f: {  	v41 =	vmul.f32 v41, v2;
	v29 =	vld [tilespmem:s15+$0xFFFFFD40];
	v36 =	vadd.f32 v43, v44;
	v38 =	vadd.f32 v40, v38  }
0x260: {  	v33 =	vmul.f32 v33, v4;
	v31 =	vadd.f32 v31, v35;
	v40 =	vld [tilespmem:s15+$0xFFFFFDC0];
	v21 =	vadd.f32 v22, v21  }
0x261: {  	v34 =	vmul.f32 v34, v3;
	v22 =	vld [tilespmem:s15+$0xFFFFFD30];
	v35 =	vadd.f32 v41, v36;
	v30 =	vadd.f32 v30, v38  }
0x262: {  	v16 =	vmul.f32 v16, v6;
	v27 =	vmul.f32 v27, v5;
	v24 =	vadd.f32 v24, v31;
	v36 =	vld [tilespmem:s15+$0xFFFFFDB0];
	(xrf2) =	vadd.scan.msk.f32 $0xffff, v21  }
0x263: {  	v32 =	vmul.f32 v32, v4;
	v21 =	vld [tilespmem:s15+$0xFFFFFD20];
	v31 =	vadd.f32 v34, v35;
	v30 =	vadd.f32 v33, v30  }
0x264: {  	v18 =	vmul.f32 v18, v6;
	v19 =	vmul.f32 v19, v6;
	v16 =	vadd.f32 v16, v24;
	v33 =	vld [tilespmem:s15+$0xFFFFFDA0]  }
0x265: {  	v20 =	vmul.f32 v20, v5;
	v24 =	vld [tilespmem:s15+$0xFFFFFD90];
	v31 =	vadd.f32 v32, v31;
	v27 =	vadd.f32 v27, v30  }
0x266: {  	v15 =	vmul.f32 v15, v7;
	v17 =	vmul.f32 v17, v7;
	v16 =	vadd.f32 v28, v16;
	v30 =	vld [tilespmem:s15+$0xFFFFFD80]  }
0x267: {  	v26 =	vmul.f32 v26, v7;
	v28 =	vld [tilespmem:s15+$0xFFFFFD10];
	v20 =	vadd.f32 v20, v31;
	v19 =	vadd.f32 v19, v27  }
0x268: {  	v25 =	vmul.f32 v25, v6;
	v31 =	vmul.f32 v39, v7;
	v27 =	vld [tilespmem:s15+$0xFFFFFD00];
	(xrf2) =	vadd.scan.msk.f32 $0xffff, v16  }
0x269: {  	v23 =	vmul.f32 v23, v5;
	v32 =	vmul.f32 v37, v6;
	v16 =	vld [tilespmem:s15+$0xFFFFFC90];
	v18 =	vadd.f32 v18, v20  }
0x26a: {  	v34 =	vmul.f32 v42, v5;
	v19 =	vadd.f32 v15, v19;
	v20 =	vld [tilespmem:s15+$0xFFFFFC10];
	v24 =	vmul.f32 v24, v1  }
0x26b: {  	v29 =	vmul.f32 v29, v4;
	v35 =	vld [tilespmem:s15+$0xFFFFFC00];
	v30 =	vmul.f32 v30, v0;
	v17 =	vadd.f32 v17, v18  }
0x26c: {  	v37 =	vmul.f32 v40, v4;
	v18 =	vld [tilespmem:s15+$0xFFFFFC80];
	v28 =	vmul.f32 v28, v1;
	v15, _, _ =	vpop (xrf2)  }
0x26d: {  	v38 =	vld [tilespmem:s15+$0xFFFFFC20];
	v27 =	vmul.f32 v27, v0;
	v24 =	vadd.f32 v24, v30;
	v30 =	vmul.f32 v33, v2;
	(xrf2) =	vadd.scan.msk.f32 $0xffff, v17  }
0x26e: {  	v22 =	vmul.f32 v22, v3;
	v33 =	vmul.f32 v36, v3;
	v17 =	vld [tilespmem:s15+$0xFFFFFCA0]  }
0x26f: {  	v21 =	vmul.f32 v21, v2;
	v36 =	vld [tilespmem:s15+$0xFFFFFC30];
	v27 =	vadd.f32 v28, v27;
	v24 =	vadd.f32 v30, v24  }
0x270: {  	v20 =	vmul.f32 v20, v1;
	v28 =	vmul.f32 v35, v0;
	v30 =	vld [tilespmem:s15+$0xFFFFFCB0];
	(xrf2) =	vadd.scan.msk.f32 $0xffff, v19  }
0x271: {  	v35 =	vmul.f32 v16, v1;
	v19 =	vld [tilespmem:s15+$0xFFFFFC40];
	v18 =	vmul.f32 v18, v0;
	v21 =	vadd.f32 v21, v27  }
0x272: {  	v24 =	vadd.f32 v33, v24;
	v20 =	vadd.f32 v20, v28;
	v27 =	vmul.f32 v38, v2;
	v28 =	vld [tilespmem:s15+$0xFFFFFCC0];
	v16, _, _ =	vpop (xrf2)  }
0x273: {  	v33 =	vld [tilespmem:s15+$0xFFFFFC50];
	v18 =	vadd.f32 v35, v18;
	v17 =	vmul.f32 v17, v2;
	v21 =	vadd.f32 v22, v21  }
0x274: {  	v24 =	vadd.f32 v37, v24;
	v20 =	vadd.f32 v27, v20;
	v22 =	vmul.f32 v36, v3;
	v27 =	vld [tilespmem:s15+$0xFFFFFCD0]  }
0x275: {  	v35 =	vld [tilespmem:s15+$0xFFFFFC60];
	v17 =	vadd.f32 v17, v18;
	v18 =	vmul.f32 v30, v3;
	v21 =	vadd.f32 v29, v21  }
0x276: {  	v24 =	vadd.f32 v34, v24;
	v20 =	vadd.f32 v22, v20;
	v19 =	vmul.f32 v19, v4;
	v22 =	vld [tilespmem:s15+$0xFFFFFCE0]  }
0x277: {  	v29 =	vld [tilespmem:s15+$0xFFFFFC70];
	v17 =	vadd.f32 v18, v17;
	v18 =	vmul.f32 v28, v4;
	v21 =	vadd.f32 v23, v21;
	v23, _, _ =	vpop (xrf2)  }
0x278: {  	v24 =	vadd.f32 v32, v24;
	v19 =	vadd.f32 v19, v20;
	v20 =	vmul.f32 v33, v5;
	v28 =	vld [tilespmem:s15+$0xFFFFFCF0]  }
0x279: {  	v17 =	vadd.f32 v18, v17;
	v18 =	vmul.f32 v27, v5;
	v21 =	vadd.f32 v25, v21;
	v25 =	vld [tilespmem:s15+$0x10]  }
0x27a: {  	v24 =	vadd.f32 v31, v24;
	v19 =	vadd.f32 v20, v19;
	v20 =	vmul.f32 v35, v6;
	v27 =	vld [tilespmem:s15+$0x0];
	v30, _, _ =	vpop (xrf2)  }
0x27b: {  	v17 =	vadd.f32 v18, v17;
	v18 =	vmul.f32 v22, v6;
	v21 =	vadd.f32 v26, v21;
	v22 =	vld [tilespmem:s15+$0x80]  }
0x27c: {  	v19 =	vadd.f32 v20, v19;
	v20 =	vmul.f32 v29, v7;
	v26 =	vld [tilespmem:s15+$0x20];
	(xrf2) =	vadd.scan.msk.f32 $0xffff, v24  }
0x27d: {  	v17 =	vadd.f32 v18, v17;
	v18 =	vmul.f32 v28, v7;
	v24 =	vld [tilespmem:s15+$0xA0]  }
0x27e: {  	v19 =	vadd.f32 v20, v19;
	v20 =	vmul.f32 v25, v1;
	v25 =	vld [tilespmem:s15+$0x30]  }
0x27f: {  	v17 =	vadd.f32 v18, v17;
	v18 =	vmul.f32 v27, v0;
	v27 =	vld [tilespmem:s15+$0xB0];
	(xrf2) =	vadd.scan.msk.f32 $0xffff, v21  }
0x280: {  	v14 =	vmul.f32 v14, v1;
	v21 =	vld [tilespmem:s15+$0x40];
	v22 =	vmul.f32 v22, v0  }
0x281: {  	v18 =	vadd.f32 v20, v18;
	v20 =	vmul.f32 v26, v2;
	v26 =	vld [tilespmem:s15+$0xC0]  }
0x282: {  	v28 =	vld [tilespmem:s15+$0x50];
	v14 =	vadd.f32 v14, v22;
	v22 =	vmul.f32 v24, v2;
	(xrf2) =	vadd.scan.msk.f32 $0xffff, v19  }
0x283: {  	v18 =	vadd.f32 v20, v18;
	v19 =	vmul.f32 v25, v3;
	v20 =	vld [tilespmem:s15+$0xD0]  }
0x284: {  	v24 =	vld [tilespmem:s15+$0x60];
	v14 =	vadd.f32 v22, v14;
	v22 =	vmul.f32 v27, v3  }
0x285: {  	v18 =	vadd.f32 v19, v18;
	v19 =	vmul.f32 v21, v4;
	v21 =	vld [tilespmem:s15+$0xE0];
	(xrf2) =	vadd.scan.msk.f32 $0xffff, v17  }
0x286: {  	v17 =	vld [tilespmem:s15+$0x70];
	v14 =	vadd.f32 v22, v14;
	v27 =	vmul.f32 v26, v4;
	v25, _, _ =	vpop (xrf2)  }
0x287: {  	v18 =	vadd.f32 v19, v18;
	v19 =	vmul.f32 v28, v5;
	v26 =	vld [tilespmem:s15+$0xF0]  }
0x288: {  	v14 =	vadd.f32 v27, v14;
	v20 =	vmul.f32 v20, v5  }
0x289: {  	v18 =	vadd.f32 v19, v18;
	v19 =	vmul.f32 v24, v6;
	v22, _, _ =	vpop (xrf2)  }
0x28a: {  	s18 =	sshra.s32 s17, $0x2;
	v14 =	vadd.f32 v20, v14;
	v24 =	vmul.f32 v21, v6  }
0x28b: {  	v21 =	vld [tilespmem:s18+$0xCA10];
	v18 =	vadd.f32 v19, v18;
	v17 =	vmul.f32 v17, v7  }
0x28c: {  	v14 =	vadd.f32 v24, v14;
	v19 =	vmul.f32 v26, v7;
	v20, _, _ =	vpop (xrf2)  }
0x28d: {  	v17 =	vadd.f32 v17, v18  }
0x28e: {  	v18 =	vbroadcast v20, $0xF;
	v14 =	vadd.f32 v19, v14  }
0x28f: {  	v19 =	vbroadcast v22, $0xF;
	v20, _, _ =	vpop (xrf2);
	(xrf2) =	vadd.scan.msk.f32 $0xffff, v17  }
0x290: {  	v17 =	vadd.f32 v18, v21;
	v18 =	vbroadcast v20, $0xF;
	v20 =	vbroadcast v25, $0xF;
	_ =	sdelay $0x1  }
0x291: {  	v17 =	vsel vm0, v17, v21;
	v18 =	vadd.f32 v18, v21;
	(xrf2) =	vadd.scan.msk.f32 $0xffff, v14  }
0x292: {  	v14 =	vadd.f32 v19, v17  }
0x293: {  	v17 =	vsel vm1, v17, v18;
	v18 =	vbroadcast v23, $0xF  }
0x294: {  	v14 =	vsel vm2, v17, v14;
	v19 =	vadd.f32 v20, v17;
	v20 =	vbroadcast v30, $0xF  }
0x295: {  	v17 =	vadd.f32 v18, v17  }
0x296: {  	v16 =	vbroadcast v16, $0xF;
	v14 =	vsel vm3, v14, v19  }
0x297: {  	v15 =	vbroadcast v15, $0xF;
	v17 =	vsel vm4, v14, v17;
	v14 =	vadd.f32 v20, v14  }
0x298: {  	v16 =	vadd.f32 v16, v17;
	v18, _, _ =	vpop (xrf2)  }
0x299: {  	v14 =	vsel vm5, v17, v14  }
0x29a: {  	v17 =	vbroadcast v18, $0xF;
	v16 =	vsel vm6, v14, v16;
	v15 =	vadd.f32 v15, v14  }
0x29b: {  	v18, _, _ =	vpop (xrf2);
	(xrf2) =	vadd.scan.msk.f32 $0xffff, v8  }
0x29c: {  	v14 =	vadd.f32 v17, v14;
	v8 =	vsel vm7, v16, v15;
	v15 =	vbroadcast v18, $0xF  }
0x29d: {  	v13 =	vbroadcast v13, $0xF  }
0x29e: {  	v12 =	vbroadcast v12, $0xF;
	v14 =	vsel vm8, v8, v14;
	v8 =	vadd.f32 v15, v8  }
0x29f: {  	v13 =	vadd.f32 v13, v14  }
.Ltmp1:
0x2a0: {  	v11 =	vbroadcast v11, $0xF;
	v8 =	vsel vm9, v14, v8;
	(pc) =	sbr.rel @p0 .LBB2_4-.Ltmp1, $4  }
0x2a1: {  	v14 =	vbroadcast v10, $0xF;
	v13 =	vsel vm10, v8, v13;
	v12 =	vadd.f32 v12, v8  }
0x2a2: {  	v8 =	vadd.f32 v11, v8  }
0x2a3: {  	v10 =	vbroadcast v9, $0xF;
	v11 =	vsel vm11, v13, v12  }
0x2a4: {  	v8 =	vsel vm12, v11, v8;
	v9 =	vadd.f32 v14, v11  }
0x2a5: {  	_ = 	snop  }
0x2a6: {  	v0 =	vadd.f32 v10, v8;
	v1, _, _ =	vpop (xrf2);
	v2 =	vsel vm13, v8, v9  }
0x2a7: {  	v1 =	vadd.f32 v1, v2  }
0x2a8: {  	v0 =	vsel vm14, v2, v0  }
0x2a9: {  	v0 =	vsel vm15, v0, v1  }
0x2aa: {  	s15 =	simm.s32 $0x0;
	[tilespmem:s18+$0xCF10] =	vst v0  }
0x2ab: {  	[tilespmem:s12], [sflag:$0x1] =	stream.linear.gather [hbm4b:s7+s15], $0xC800, $0x38;
	[tilespmem:$0xD280] =	vst v63  }
0x2ac: {  	_ =	swait.ge [sflag:s10], $0xC800  }
0x2ad: {  	[sflag:s10] =	ssyncset.done $0x0  }
0x2ae: {  	[sflag:s10] =	ssyncadd.s32 $0xFFFF3800  }
0x2af: {  	v0 =	vld [tilespmem:$0x0]  }
0x2b0: {  	v1 =	vld [tilespmem:$0x10]  }
0x2b1: {  	v2 =	vld [tilespmem:$0x20]  }
0x2b2: {  	v3 =	vld [tilespmem:$0x30]  }
0x2b3: {  	v4 =	vld [tilespmem:$0x40]  }
0x2b4: {  	v5 =	vld [tilespmem:$0x50]  }
0x2b5: {  	v6 =	vld [tilespmem:$0x60]  }
0x2b6: {  	s15 =	simm.s32 $0x480;
	v7 =	vld [tilespmem:$0x70]  }
0x2b7: {  	v10 =	vld [tilespmem:s15+$0x370]  }
0x2b8: {  	v9 =	vld [tilespmem:s15+$0x330]  }
0x2b9: {  	v8 =	vld [tilespmem:s15+$0x390]  }
0x2ba: {  	v12 =	vld [tilespmem:s15+$0x360]  }
0x2bb: {  	v17 =	vld [tilespmem:s15+$0x250]  }
0x2bc: {  	v24 =	vld [tilespmem:s15+$0x270]  }
0x2bd: {  	v25 =	vld [tilespmem:s15+$0x260]  }
0x2be: {  	v16 =	vld [tilespmem:s15+$0x350]  }
0x2bf: {  	v26 =	vld [tilespmem:s15+$0x1D0]  }
0x2c0: {  	v27 =	vld [tilespmem:s15+$0x1C0]  }
0x2c1: {  	v14 =	vld [tilespmem:s15+$0x340]  }
0x2c2: {  	v13 =	vld [tilespmem:s15+$0x310]  }
0x2c3: {  	v15 =	vld [tilespmem:s15+$0x320]  }
0x2c4: {  	v28 =	vld [tilespmem:s15+$0x2D0]  }
0x2c5: {  	v18 =	vld [tilespmem:s15+$0x300]  }
0x2c6: {  	v29 =	vld [tilespmem:s15+$0x2F0]  }
0x2c7: {  	v30 =	vld [tilespmem:s15+$0x220]  }
0x2c8: {  	v31 =	vld [tilespmem:s15+$0x2E0]  }
0x2c9: {  	v32 =	vld [tilespmem:s15+$0x2C0]  }
0x2ca: {  	v33 =	vld [tilespmem:s15+$0x2B0]  }
0x2cb: {  	v22 =	vld [tilespmem:s15+$0x170]  }
0x2cc: {  	v34 =	vld [tilespmem:s15+$0x2A0]  }
0x2cd: {  	v35 =	vld [tilespmem:s15+$0x290]  }
0x2ce: {  	v36 =	vld [tilespmem:s15+$0x280]  }
0x2cf: {  	v37 =	vld [tilespmem:s15+$0x150]  }
0x2d0: {  	v38 =	vld [tilespmem:s15+$0x240]  }
0x2d1: {  	v39 =	vld [tilespmem:s15+$0x160]  }
0x2d2: {  	v40 =	vld [tilespmem:s15+$0x140]  }
0x2d3: {  	v41 =	vld [tilespmem:s15+$0x230]  }
0x2d4: {  	v42 =	vld [tilespmem:s15+$0x130]  }
0x2d5: {  	v43 =	vld [tilespmem:s15+$0x210]  }
0x2d6: {  	v44 =	vld [tilespmem:s15+$0x1E0]  }
0x2d7: {  	v45 =	vld [tilespmem:s15+$0x200]  }
0x2d8: {  	v46 =	vld [tilespmem:s15+$0x1F0]  }
0x2d9: {  	v47 =	vld [tilespmem:s15+$0x1B0]  }
0x2da: {  	v48 =	vld [tilespmem:s15+$0x1A0]  }
0x2db: {  	v49 =	vld [tilespmem:s15+$0x190]  }
0x2dc: {  	v50 =	vld [tilespmem:s15+$0x180]  }
0x2dd: {  	v51 =	vld [tilespmem:s15+$0x110]  }
0x2de: {  	v52 =	vld [tilespmem:s15+$0x120]  }
0x2df: {  	v53 =	vld [tilespmem:s15+$0x100]  }
0x2e0: {  	v11 =	vld [tilespmem:s15+$0xFFFFFEF0]  }
0x2e1: {  	v19 =	vld [tilespmem:s15+$0xFFFFFF70]  }
0x2e2: {  	v23 =	vld [tilespmem:s15+$0xFFFFFF40]  }
0x2e3: {  	v21 =	vld [tilespmem:s15+$0xFFFFFFF0];
	v18 =	vmul.f32 v18, v0  }
0x2e4: {  	v20 =	vmul.f32 v13, v1;
	v13 =	vld [tilespmem:s15+$0xFFFFFF60];
	v15 =	vmul.f32 v15, v2  }
0x2e5: {  	v62 =	vmul.f32 v9, v3;
	v9 =	vld [tilespmem:s15+$0x90];
	v54 =	vmul.f32 v14, v4  }
0x2e6: {  	v36 =	vmul.f32 v36, v0;
	v35 =	vmul.f32 v35, v1;
	v14 =	vld [tilespmem:s15+$0xFFFFFE70]  }
0x2e7: {  	v63 =	vmul.f32 v16, v5;
	v16 =	vld [tilespmem:s15+$0xFFFFFEE0];
	v34 =	vmul.f32 v34, v2  }
0x2e8: {  	v12 =	vmul.f32 v12, v6;
	v56 =	vmul.f32 v41, v3;
	v41 =	vld [tilespmem:s15+$0xFFFFFFC0]  }
0x2e9: {  	v33 =	vmul.f32 v33, v3;
	v57 =	vmul.f32 v49, v1;
	v49 =	vld [tilespmem:s15+$0xFFFFFFB0]  }
0x2ea: {  	v45 =	vmul.f32 v45, v0;
	v60 =	vmul.f32 v48, v2;
	v48 =	vld [tilespmem:s15+$0xFFFFFEC0]  }
0x2eb: {  	v43 =	vmul.f32 v43, v1;
	v61 =	vmul.f32 v53, v0;
	v53 =	vld [tilespmem:s15+$0xFFFFFF80]  }
0x2ec: {  	v10 =	vmul.f32 v10, v7;
	v59 =	vmul.f32 v38, v4;
	v38 =	vld [tilespmem:s15+$0xFFFFFEA0]  }
0x2ed: {  	v32 =	vmul.f32 v32, v4;
	v30 =	vmul.f32 v30, v2;
	v18 =	vadd.f32 v20, v18;
	v20 =	vld [tilespmem:s15+$0xFFFFFF50]  }
0x2ee: {  	v28 =	vmul.f32 v28, v5;
	v31 =	vmul.f32 v31, v6;
	v35 =	vadd.f32 v35, v36;
	v36 =	vld [tilespmem:s15+$0xFFFFFFE0]  }
0x2ef: {  	v58 =	vmul.f32 v50, v0;
	v17 =	vmul.f32 v17, v5;
	v43 =	vadd.f32 v43, v45;
	v45 =	vld [tilespmem:s15+$0xFFFFFFA0]  }
0x2f0: {  	v29 =	vmul.f32 v29, v7;
	v15 =	vadd.f32 v15, v18;
	v34 =	vadd.f32 v34, v35;
	v35 =	vld [tilespmem:s15+$0xFFFFFFD0]  }
0x2f1: {  	v25 =	vmul.f32 v25, v6;
	v27 =	vmul.f32 v27, v4;
	v30 =	vadd.f32 v30, v43;
	v43 =	vld [tilespmem:s15+$0xFFFFFE30]  }
0x2f2: {  	v26 =	vmul.f32 v26, v5;
	v24 =	vmul.f32 v24, v7;
	v18 =	vadd.f32 v62, v15;
	v15 =	vld [tilespmem:s15+$0xFFFFFE60]  }
0x2f3: {  	v44 =	vmul.f32 v44, v6;
	v50 =	vmul.f32 v37, v5;
	v33 =	vadd.f32 v33, v34;
	v34 =	vld [tilespmem:s15+$0xFFFFFEB0]  }
0x2f4: {  	v22 =	vmul.f32 v22, v7;
	v30 =	vadd.f32 v56, v30;
	v62 =	vmul.f32 v51, v1;
	v51 =	vld [tilespmem:s15+$0xFFFFFE90]  }
0x2f5: {  	v19 =	vmul.f32 v19, v7;
	v18 =	vadd.f32 v54, v18;
	v55 =	vadd.f32 v32, v33;
	v32 =	vld [tilespmem:s15+$0xFFFFFE40]  }
0x2f6: {  	v23 =	vmul.f32 v23, v4;
	v21 =	vmul.f32 v21, v7;
	v33 =	vld [tilespmem:s15+$0xFFFFFF20]  }
0x2f7: {  	v30 =	vadd.f32 v59, v30;
	v59 =	vmul.f32 v42, v3;
	v42 =	vld [tilespmem:s15+$0xFFFFFF10];
	v54 =	vadd.f32 v63, v18  }
0x2f8: {  	v11 =	vmul.f32 v11, v7;
	v56 =	vadd.f32 v62, v61;
	v62 =	vmul.f32 v40, v4;
	v40 =	vld [tilespmem:s15+$0xFFFFFE20]  }
0x2f9: {  	v41 =	vmul.f32 v41, v4;
	v13 =	vmul.f32 v13, v6;
	v18 =	vld [tilespmem:s15+$0xFFFFFE50];
	v12 =	vadd.f32 v12, v54  }
0x2fa: {  	v16 =	vmul.f32 v16, v6;
	v14 =	vmul.f32 v14, v7;
	v63 =	vld [tilespmem:s15+$0xFFFFFF90]  }
0x2fb: {  	v9 =	vmul.f32 v9, v1;
	v17 =	vadd.f32 v17, v30;
	v30 =	vld [tilespmem:s15+$0xFFFFFF30];
	v10 =	vadd.f32 v10, v12  }
0x2fc: {  	v54 =	vld [tilespmem:s15+$0xFFFFFED0];
	v12 =	vadd.f32 v28, v55;
	v28 =	vadd.f32 v57, v58;
	v57 =	vmul.f32 v52, v2  }
0x2fd: {  	v36 =	vmul.f32 v36, v6;
	v55 =	vmul.f32 v47, v3;
	v47 =	vld [tilespmem:s15+$0xFFFFFD00]  }
0x2fe: {  	v20 =	vmul.f32 v20, v5;
	v28 =	vadd.f32 v60, v28;
	v58 =	vadd.f32 v57, v56;
	v57 =	vld [tilespmem:s15+$0xFFFFFE10]  }
0x2ff: {  	v12 =	vadd.f32 v31, v12;
	v31 =	vmul.f32 v53, v0;
	v53 =	vmul.f32 v45, v2;
	v45 =	vld [tilespmem:s15+$0xFFFFFD10]  }
0x300: {  	v34 =	vmul.f32 v34, v3;
	v63 =	vmul.f32 v63, v1;
	v28 =	vadd.f32 v55, v28;
	v55 =	vld [tilespmem:s15+$0xFFFFFE80]  }
0x301: {  	v17 =	vadd.f32 v25, v17;
	v61 =	vadd.f32 v59, v58;
	v58 =	vmul.f32 v46, v7;
	v46 =	vld [tilespmem:s15+$0xFFFFFDF0]  }
0x302: {  	v15 =	vmul.f32 v15, v6;
	v52 =	vadd.f32 v63, v31;
	v63 =	vmul.f32 v33, v2;
	v33 =	vld [tilespmem:s15+$0xFFFFFDE0]  }
0x303: {  	v32 =	vmul.f32 v32, v4;
	v17 =	vadd.f32 v24, v17;
	v60 =	vadd.f32 v27, v28;
	v27 =	vld [tilespmem:s15+$0xFFFFFF00]  }
0x304: {  	v30 =	vmul.f32 v30, v3;
	v28 =	vadd.f32 v62, v61;
	v61 =	vmul.f32 v42, v1;
	v42 =	vld [tilespmem:s15+$0xFFFFFD70]  }
0x305: {  	v56 =	vmul.f32 v39, v6;
	v59 =	vmul.f32 v49, v3;
	v24 =	vadd.f32 v53, v52;
	v53 =	vld [tilespmem:s15+$0xFFFFFD40]  }
0x306: {  	v39 =	vmul.f32 v57, v1;
	v57 =	vmul.f32 v48, v4;
	v48 =	vld [tilespmem:s15+$0xFFFFFC90]  }
0x307: {  	v12 =	vadd.f32 v29, v12;
	v49 =	vmul.f32 v35, v5;
	v25 =	vadd.f32 v26, v60;
	v60 =	vld [tilespmem:s15+$0xFFFFFE00]  }
0x308: {  	v28 =	vadd.f32 v50, v28;
	v26 =	vadd.f32 v59, v24;
	v50 =	vmul.f32 v51, v1;
	v51 =	vld [tilespmem:s15+$0xFFFFFD50]  }
0x309: {  	v31 =	vmul.f32 v55, v0;
	v55 =	vmul.f32 v38, v2;
	v38 =	vld [tilespmem:s15+$0xFFFFFD30];
	v25 =	vadd.f32 v44, v25  }
0x30a: {  	v28 =	vadd.f32 v56, v28;
	v44 =	vld [tilespmem:s15+$0xFFFFFD60];
	v26 =	vadd.f32 v41, v26;
	v27 =	vmul.f32 v27, v0  }
0x30b: {  	v18 =	vmul.f32 v18, v5;
	v41 =	vld [tilespmem:s15+$0xFFFFFDA0];
	v31 =	vadd.f32 v50, v31;
	v24 =	vadd.f32 v58, v25  }
0x30c: {  	v56 =	vmul.f32 v40, v2;
	v26 =	vadd.f32 v49, v26;
	v49 =	vld [tilespmem:s15+$0xFFFFFC10];
	v62 =	vadd.f32 v61, v27  }
0x30d: {  	v22 =	vadd.f32 v22, v28;
	v58 =	vmul.f32 v43, v3;
	v52 =	vmul.f32 v60, v0;
	v61 =	vld [tilespmem:s15+$0xFFFFFD90]  }
0x30e: {  	v60 =	vmul.f32 v54, v5;
	v26 =	vadd.f32 v36, v26;
	v25 =	vadd.f32 v63, v62;
	v63 =	vld [tilespmem:s15+$0xFFFFFD80]  }
0x30f: {  	v27 =	vmul.f32 v51, v5;
	v38 =	vmul.f32 v38, v3;
	v37 =	vadd.f32 v39, v52;
	v52 =	vld [tilespmem:s15+$0xFFFFFC80]  }
0x310: {  	v36 =	vld [tilespmem:s15+$0xFFFFFDC0];
	v29 =	vmul.f32 v44, v6;
	v21 =	vadd.f32 v21, v26;
	v25 =	vadd.f32 v30, v25  }
0x311: {  	v50 =	vld [tilespmem:s15+$0xFFFFFC00];
	v30 =	vadd.f32 v55, v31;
	v37 =	vadd.f32 v56, v37;
	v55 =	vmul.f32 v45, v1  }
0x312: {  	v31 =	vld [tilespmem:s15+$0xFFFFFDB0];
	v40 =	vmul.f32 v49, v1;
	v51 =	vmul.f32 v61, v1;
	v23 =	vadd.f32 v23, v25  }
0x313: {  	v28 =	vld [tilespmem:s15+$0xFFFFFDD0];
	v59 =	vadd.f32 v34, v30;
	v62 =	vadd.f32 v58, v37;
	v30 =	vmul.f32 v42, v7  }
0x314: {  	v44 =	vld [tilespmem:s15+$0xFFFFFC50];
	v54 =	vmul.f32 v63, v0;
	v43 =	vmul.f32 v52, v0;
	v20 =	vadd.f32 v20, v23  }
0x315: {  	v56 =	vld [tilespmem:s15+$0xFFFFFCA0];
	v26 =	vadd.f32 v57, v59;
	v57 =	vmul.f32 v36, v4;
	v59 =	vmul.f32 v41, v2  }
0x316: {  	v25 =	vld [tilespmem:s15+$0xFFFFFD20];
	v23 =	vadd.f32 v32, v62;
	v62 =	vmul.f32 v50, v0;
	v32 =	vmul.f32 v48, v1  }
0x317: {  	v61 =	vld [tilespmem:s15+$0xFFFFFC40];
	v31 =	vmul.f32 v31, v3;
	v13 =	vadd.f32 v13, v20;
	v26 =	vadd.f32 v60, v26  }
0x318: {  	v58 =	vld [tilespmem:s15+$0xFFFFFC30];
	v18 =	vadd.f32 v18, v23;
	v23 =	vmul.f32 v33, v6;
	v20 =	vmul.f32 v47, v0  }
0x319: {  	v16 =	vadd.f32 v16, v26;
	v26 =	vmul.f32 v28, v5;
	v28 =	vmul.f32 v53, v4;
	v53 =	vld [tilespmem:s15+$0xFFFFFC20]  }
0x31a: {  	v37 =	vld [tilespmem:s15+$0xA0];
	v45 =	vadd.f32 v40, v62;
	v47 =	vmul.f32 v56, v2;
	v15 =	vadd.f32 v15, v18  }
0x31b: {  	v60 =	vld [tilespmem:s15+$0xFFFFFCB0];
	v25 =	vmul.f32 v25, v2;
	v18 =	vadd.f32 v51, v54;
	v20 =	vadd.f32 v55, v20  }
0x31c: {  	v63 =	vld [tilespmem:s15+$0xFFFFFCC0];
	v62 =	vmul.f32 v44, v5;
	v13 =	vadd.f32 v19, v13;
	v14 =	vadd.f32 v14, v15  }
0x31d: {  	v48 =	vld [tilespmem:s15+$0xFFFFFC60];
	v49 =	vmul.f32 v58, v3;
	v15 =	vadd.f32 v59, v18;
	v20 =	vadd.f32 v25, v20  }
0x31e: {  	v50 =	vld [tilespmem:s15+$0xFFFFFCE0];
	v19 =	vmul.f32 v46, v7;
	v18 =	vadd.f32 v32, v43;
	v35 =	vmul.f32 v53, v2  }
0x31f: {  	v46 =	vld [tilespmem:s15+$0xFFFFFCD0];
	v55 =	vmul.f32 v61, v4;
	v15 =	vadd.f32 v31, v15;
	v20 =	vadd.f32 v38, v20  }
0x320: {  	(xrf2) =	vadd.scan.msk.f32 $0xffff, v10;
	v56 =	vld [tilespmem:s15+$0xFFFFFCF0];
	v52 =	vmul.f32 v60, v3;
	v51 =	vadd.f32 v47, v18;
	v25 =	vadd.f32 v35, v45  }
0x321: {  	(xrf2) =	vadd.scan.msk.f32 $0xffff, v12;
	v59 =	vmul.f32 v63, v4;
	v63 =	vld [tilespmem:s15+$0x0];
	v15 =	vadd.f32 v57, v15;
	v10 =	vadd.f32 v28, v20  }
0x322: {  	(xrf2) =	vadd.scan.msk.f32 $0xffff, v17;
	v34 =	vmul.f32 v48, v6;
	v60 =	vld [tilespmem:s15+$0x10];
	v58 =	vadd.f32 v52, v51;
	v54 =	vadd.f32 v49, v25  }
0x323: {  	(xrf2) =	vadd.scan.msk.f32 $0xffff, v24;
	v36 =	vmul.f32 v50, v6;
	v53 =	vld [tilespmem:s15+$0xFFFFFC70];
	v57 =	vadd.f32 v26, v15;
	v10 =	vadd.f32 v27, v10  }
0x324: {  	(xrf2) =	vadd.scan.msk.f32 $0xffff, v22;
	v33 =	vld [tilespmem:s15+$0x80];
	v15 =	vadd.f32 v59, v58;
	v27 =	vmul.f32 v46, v5;
	v61 =	vadd.f32 v55, v54  }
0x325: {  	(xrf2) =	vadd.scan.msk.f32 $0xffff, v21;
	v11 =	vadd.f32 v11, v16;
	v39 =	vmul.f32 v56, v7;
	v35 =	vld [tilespmem:s15+$0x20];
	v12 =	vadd.f32 v23, v57  }
0x326: {  	v40 =	vld [tilespmem:s15+$0x30];
	(xrf2) =	vadd.scan.msk.f32 $0xffff, v13;
	v43 =	vmul.f32 v63, v0;
	v15 =	vadd.f32 v27, v15;
	v17 =	vadd.f32 v62, v61  }
0x327: {  	v44 =	vld [tilespmem:s15+$0xB0];
	(xrf2) =	vadd.scan.msk.f32 $0xffff, v14;
	v42 =	vmul.f32 v60, v1;
	v10 =	vadd.f32 v29, v10;
	v12 =	vadd.f32 v19, v12  }
0x328: {  	v50 =	vld [tilespmem:s15+$0xC0];
	(xrf2) =	vadd.scan.msk.f32 $0xffff, v11;
	v38 =	vmul.f32 v53, v7;
	v11 =	vadd.f32 v36, v15;
	v41 =	vadd.f32 v34, v17  }
0x329: {  	v45 =	vld [tilespmem:s15+$0x40];
	v46 =	vmul.f32 v33, v0;
	v48 =	vadd.f32 v42, v43;
	v10 =	vadd.f32 v30, v10  }
0x32a: {  	v31 =	vld [tilespmem:s15+$0x380];
	v49 =	vmul.f32 v35, v2;
	(xrf2) =	vadd.scan.msk.f32 $0xffff, v12;
	v11 =	vadd.f32 v39, v11;
	v47 =	vadd.f32 v38, v41  }
0x32b: {  	v18, _, _ =	vpop (xrf2);
	v51 =	vmul.f32 v37, v2;
	v9 =	vadd.f32 v9, v46;
	(xrf2) =	vadd.scan.msk.f32 $0xffff, v10;
	v10 =	vld [tilespmem:s15+$0x50]  }
0x32c: {  	v53 =	vmul.f32 v40, v3;
	v54 =	vld [tilespmem:s15+$0xD0];
	v19, _, _ =	vpop (xrf2);
	v52 =	vadd.f32 v49, v48;
	(xrf2) =	vadd.scan.msk.f32 $0xffff, v47  }
0x32d: {  	v56 =	vmul.f32 v44, v3;
	v55 =	vld [tilespmem:s15+$0x60];
	v9 =	vadd.f32 v51, v9;
	v21, _, _ =	vpop (xrf2);
	(xrf2) =	vadd.scan.msk.f32 $0xffff, v11  }
0x32e: {  	v58 =	vld [tilespmem:s15+$0xE0];
	v57 =	vmul.f32 v45, v4;
	v12 =	vadd.f32 v53, v52;
	v11, _, _ =	vpop (xrf2)  }
0x32f: {  	v59 =	vld [tilespmem:s15+$0x70];
	v60 =	vmul.f32 v50, v4;
	v9 =	vadd.f32 v56, v9;
	v20, _, _ =	vpop (xrf2)  }
0x330: {  	v35 =	vld [tilespmem:s15+$0x3A0];
	v12 =	vadd.f32 v57, v12;
	v10 =	vmul.f32 v10, v5;
	v61, _, _ =	vpop (xrf2)  }
0x331: {  	v8 =	vmul.f32 v8, v1;
	v62 =	vld [tilespmem:s15+$0xF0];
	v9 =	vadd.f32 v60, v9;
	v63, _, _ =	vpop (xrf2)  }
0x332: {  	v46 =	vld [tilespmem:s15+$0x3C0];
	v14 =	vmul.f32 v54, v5;
	v33 =	vmul.f32 v55, v6;
	v10 =	vadd.f32 v10, v12;
	v32, _, _ =	vpop (xrf2)  }
0x333: {  	s18 =	simm.s32 $0x0;
	v25 =	vmul.f32 v31, v0;
	v36 =	vmul.f32 v58, v6;
	v41 =	vld [tilespmem:s15+$0x3B0];
	v34, _, _ =	vpop (xrf2)  }
0x334: {  	v39 =	vmul.f32 v59, v7;
	v38 =	vld [tilespmem:s18+$0xCBA0];
	v9 =	vadd.f32 v14, v9;
	v10 =	vadd.f32 v33, v10;
	v37, _, _ =	vpop (xrf2)  }
0x335: {  	v8 =	vadd.f32 v8, v25;
	v45 =	vmul.f32 v35, v2;
	v40, _, _ =	vpop (xrf2)  }
0x336: {  	v13 =	vmul.f32 v62, v7;
	v47 =	vld [tilespmem:s15+$0x3D0];
	v9 =	vadd.f32 v36, v9;
	v10 =	vadd.f32 v39, v10;
	v42, _, _ =	vpop (xrf2)  }
0x337: {  	v8 =	vadd.f32 v45, v8;
	v43 =	vbroadcast v42, $0xF;
	v44, _, _ =	vpop (xrf2)  }
0x338: {  	v51 =	vld [tilespmem:s15+$0x3E0];
	v9 =	vadd.f32 v13, v9;
	v14 =	vmul.f32 v41, v3;
	(xrf2) =	vadd.scan.msk.f32 $0xffff, v10;
	v10 =	vbroadcast v44, $0xF  }
0x339: {  	v13 =	vmul.f32 v46, v4;
	v12 =	vadd.f32 v43, v38  }
0x33a: {  	v8 =	vadd.f32 v14, v8;
	(xrf2) =	vadd.scan.msk.f32 $0xffff, v9;
	v9 =	vbroadcast v40, $0xF;
	v10 =	vadd.f32 v10, v38  }
0x33b: {  	v54 =	vmul.f32 v47, v5;
	v15 =	vbroadcast v37, $0xF;
	v12 =	vsel vm0, v12, v38  }
0x33c: {  	v55 =	vld [tilespmem:s15+$0x3F0];
	v8 =	vadd.f32 v13, v8;
	v9 =	vadd.f32 v9, v12;
	v10 =	vsel vm1, v12, v10  }
0x33d: {  	v16 =	vmul.f32 v51, v6;
	v48 =	vbroadcast v32, $0xF;
	v49 =	vadd.f32 v15, v10  }
0x33e: {  	v50 =	vbroadcast v34, $0xF;
	v8 =	vadd.f32 v54, v8;
	v9 =	vsel vm2, v10, v9  }
0x33f: {  	v10 =	vadd.f32 v48, v10;
	v9 =	vsel vm3, v9, v49  }
0x340: {  	v52 =	vbroadcast v63, $0xF;
	v8 =	vadd.f32 v16, v8;
	v53 =	vadd.f32 v50, v9  }
0x341: {  	v9 =	vsel vm4, v9, v10;
	v10 =	vbroadcast v61, $0xF;
	v61 =	vmul.f32 v55, v7;
	_ =	sdelay $0x1  }
0x342: {  	v56, _, _ =	vpop (xrf2);
	v12 =	vadd.f32 v52, v9;
	v9 =	vsel vm5, v9, v53;
	v8 =	vadd.f32 v61, v8  }
0x343: {  	v57 =	vbroadcast v56, $0xF;
	v58, _, _ =	vpop (xrf2);
	v10 =	vadd.f32 v10, v9  }
0x344: {  	v14 =	vbroadcast v58, $0xF;
	v12 =	vsel vm6, v9, v12;
	(xrf2) =	vadd.scan.msk.f32 $0xffff, v8  }
0x345: {  	v9 =	vadd.f32 v57, v9;
	v10 =	vsel vm7, v12, v10  }
0x346: {  	v59 =	vbroadcast v20, $0xF;
	v60 =	vadd.f32 v14, v10  }
0x347: {  	v9 =	vsel vm8, v10, v9;
	v10 =	vbroadcast v11, $0xF  }
0x348: {  	v62 =	vbroadcast v21, $0xF;
	v11 =	vadd.f32 v59, v9;
	v9 =	vsel vm9, v9, v60  }
0x349: {  	v10 =	vadd.f32 v10, v9  }
0x34a: {  	v63 =	vbroadcast v19, $0xF;
	v11 =	vsel vm10, v9, v11;
	v9 =	vadd.f32 v62, v9  }
0x34b: {  	v11 =	vsel vm11, v11, v10  }
0x34c: {  	s16 =	simm.s32 $0x40;
	v10 =	vbroadcast v18, $0xF;
	v8 =	vsel vm12, v11, v9;
	v9 =	vadd.f32 v63, v11  }
.LBB2_6:
0x34d: {  	p0 =	sne.s32 s16, $0x600  }
0x34e: {  	v10 =	vadd.f32 v10, v8;
	s15 =	sadd.s32 $0x800, s15;
	v11, _, _ =	vpop (xrf2);
	s17 =	smov.u32 s16;
	s16 =	sadd.s32 $0x40, s16  }
0x34f: {  	v8 =	vsel vm13, v8, v9  }
0x350: {  	v9 =	vsel vm14, v8, v10;
	v8 =	vadd.f32 v11, v8;
	_ =	sdelay $0x1  }
0x351: {  	v8 =	vsel vm15, v9, v8  }
0x352: {  	[tilespmem:s18+$0xD0A0] =	vst v8  }
0x353: {  	v8 =	vld [tilespmem:s15+$0x3B0]  }
0x354: {  	v14 =	vld [tilespmem:s15+$0x3F0]  }
0x355: {  	v12 =	vld [tilespmem:s15+$0x3E0]  }
0x356: {  	v15 =	vld [tilespmem:s15+$0x3D0]  }
0x357: {  	v16 =	vld [tilespmem:s15+$0x3C0]  }
0x358: {  	v18 =	vld [tilespmem:s15+$0x3A0]  }
0x359: {  	v19 =	vld [tilespmem:s15+$0x370]  }
0x35a: {  	v20 =	vld [tilespmem:s15+$0x330]  }
0x35b: {  	v10 =	vld [tilespmem:s15+$0x390]  }
0x35c: {  	v21 =	vld [tilespmem:s15+$0x360]  }
0x35d: {  	v13 =	vld [tilespmem:s15+$0x380]  }
0x35e: {  	v9 =	vld [tilespmem:s15+$0x250]  }
0x35f: {  	v11 =	vld [tilespmem:s15+$0x270]  }
0x360: {  	v17 =	vld [tilespmem:s15+$0x260];
	v22 =	vmul.f32 v10, v1  }
0x361: {  	v23 =	vld [tilespmem:s15+$0x350]  }
0x362: {  	v10 =	vld [tilespmem:s15+$0x1D0];
	v24 =	vmul.f32 v13, v0  }
0x363: {  	v13 =	vld [tilespmem:s15+$0x1C0]  }
0x364: {  	v18 =	vmul.f32 v18, v2;
	v25 =	vld [tilespmem:s15+$0x340];
	v22 =	vadd.f32 v22, v24  }
0x365: {  	v24 =	vld [tilespmem:s15+$0x310]  }
0x366: {  	v8 =	vmul.f32 v8, v3;
	v26 =	vld [tilespmem:s15+$0x320];
	v18 =	vadd.f32 v18, v22  }
0x367: {  	v22 =	vld [tilespmem:s15+$0x2D0]  }
0x368: {  	v16 =	vmul.f32 v16, v4;
	v27 =	vld [tilespmem:s15+$0x300];
	v8 =	vadd.f32 v8, v18  }
0x369: {  	v18 =	vld [tilespmem:s15+$0x2F0]  }
0x36a: {  	v15 =	vmul.f32 v15, v5;
	v28 =	vld [tilespmem:s15+$0x220];
	v8 =	vadd.f32 v16, v8  }
0x36b: {  	v16 =	vld [tilespmem:s15+$0x2E0]  }
0x36c: {  	v29 =	vld [tilespmem:s15+$0x2C0];
	v8 =	vadd.f32 v15, v8;
	v15 =	vmul.f32 v12, v6  }
0x36d: {  	v24 =	vmul.f32 v24, v1;
	v30 =	vld [tilespmem:s15+$0x2B0];
	v27 =	vmul.f32 v27, v0  }
0x36e: {  	v14 =	vmul.f32 v14, v7;
	v12 =	vld [tilespmem:s15+$0x170];
	v8 =	vadd.f32 v15, v8  }
0x36f: {  	v26 =	vmul.f32 v26, v2;
	v15 =	vld [tilespmem:s15+$0x2A0];
	v24 =	vadd.f32 v24, v27  }
0x370: {  	v27 =	vld [tilespmem:s15+$0x290];
	v8 =	vadd.f32 v14, v8  }
0x371: {  	v20 =	vmul.f32 v20, v3;
	v14 =	vld [tilespmem:s15+$0x280];
	v24 =	vadd.f32 v26, v24  }
0x372: {  	v26 =	vld [tilespmem:s15+$0x150]  }
0x373: {  	v31 =	vld [tilespmem:s15+$0x240];
	v20 =	vadd.f32 v20, v24;
	v24 =	vmul.f32 v25, v4  }
0x374: {  	v25 =	vld [tilespmem:s15+$0x160]  }
0x375: {  	v23 =	vmul.f32 v23, v5;
	v32 =	vld [tilespmem:s15+$0x140];
	v20 =	vadd.f32 v24, v20  }
0x376: {  	v27 =	vmul.f32 v27, v1;
	v24 =	vld [tilespmem:s15+$0x230];
	v14 =	vmul.f32 v14, v0  }
0x377: {  	v21 =	vmul.f32 v21, v6;
	v33 =	vld [tilespmem:s15+$0x130];
	v20 =	vadd.f32 v23, v20  }
0x378: {  	v15 =	vmul.f32 v15, v2;
	v23 =	vld [tilespmem:s15+$0x210];
	v14 =	vadd.f32 v27, v14  }
0x379: {  	v19 =	vmul.f32 v19, v7;
	v27 =	vld [tilespmem:s15+$0x1E0];
	v20 =	vadd.f32 v21, v20  }
0x37a: {  	v21 =	vld [tilespmem:s15+$0x200];
	v14 =	vadd.f32 v15, v14;
	v15 =	vmul.f32 v30, v3  }
0x37b: {  	v30 =	vld [tilespmem:s15+$0x1F0];
	v19 =	vadd.f32 v19, v20  }
0x37c: {  	v20 =	vld [tilespmem:s15+$0x1B0];
	v14 =	vadd.f32 v15, v14;
	v15 =	vmul.f32 v29, v4  }
0x37d: {  	v29 =	vld [tilespmem:s15+$0x1A0];
	(xrf2) =	vadd.scan.msk.f32 $0xffff, v19  }
0x37e: {  	v19 =	vld [tilespmem:s15+$0x190];
	v14 =	vadd.f32 v15, v14;
	v15 =	vmul.f32 v22, v5  }
0x37f: {  	v23 =	vmul.f32 v23, v1;
	v22 =	vld [tilespmem:s15+$0x180];
	v21 =	vmul.f32 v21, v0  }
0x380: {  	v34 =	vld [tilespmem:s15+$0x110];
	v14 =	vadd.f32 v15, v14;
	v15 =	vmul.f32 v16, v6  }
0x381: {  	v35 =	vld [tilespmem:s15+$0x120];
	v16 =	vadd.f32 v23, v21;
	v21 =	vmul.f32 v28, v2  }
0x382: {  	v18 =	vmul.f32 v18, v7;
	v23 =	vld [tilespmem:s15+$0x100];
	v14 =	vadd.f32 v15, v14  }
0x383: {  	v24 =	vmul.f32 v24, v3;
	v15 =	vld [tilespmem:s15+$0xFFFFFEF0];
	v19 =	vmul.f32 v19, v1;
	v21 =	vadd.f32 v21, v16  }
0x384: {  	v28 =	vld [tilespmem:s15+$0xFFFFFF70];
	v22 =	vmul.f32 v22, v0;
	v14 =	vadd.f32 v18, v14  }
0x385: {  	v16 =	vld [tilespmem:s15+$0xFFFFFF60];
	v18 =	vadd.f32 v24, v21;
	v21 =	vmul.f32 v31, v4  }
0x386: {  	v24 =	vld [tilespmem:s15+$0xFFFFFF50];
	v19 =	vadd.f32 v19, v22;
	v22 =	vmul.f32 v29, v2;
	v29 =	vmul.f32 v9, v5;
	(xrf2) =	vadd.scan.msk.f32 $0xffff, v14  }
0x387: {  	v34 =	vmul.f32 v34, v1;
	v31 =	vld [tilespmem:s15+$0xFFFFFF40];
	v23 =	vmul.f32 v23, v0;
	v18 =	vadd.f32 v21, v18;
	v9, _, _ =	vpop (xrf2)  }
0x388: {  	v20 =	vmul.f32 v20, v3;
	v21 =	vmul.f32 v17, v6;
	v14 =	vld [tilespmem:s15+$0x90];
	v19 =	vadd.f32 v22, v19  }
0x389: {  	v22 =	vld [tilespmem:s15+$0xFFFFFFF0];
	v23 =	vadd.f32 v34, v23;
	v34 =	vmul.f32 v35, v2;
	v29 =	vadd.f32 v29, v18  }
0x38a: {  	v11 =	vmul.f32 v11, v7;
	v13 =	vmul.f32 v13, v4;
	v18 =	vld [tilespmem:s15+$0xFFFFFE60];
	v20 =	vadd.f32 v20, v19  }
0x38b: {  	v33 =	vmul.f32 v33, v3;
	v17 =	vld [tilespmem:s15+$0xFFFFFE70];
	v23 =	vadd.f32 v34, v23;
	v21 =	vadd.f32 v21, v29  }
0x38c: {  	v10 =	vmul.f32 v10, v5;
	v19 =	vld [tilespmem:s15+$0xFFFFFEE0];
	v13 =	vadd.f32 v13, v20  }
0x38d: {  	v32 =	vmul.f32 v32, v4;
	v29 =	vld [tilespmem:s15+$0xFFFFFFE0];
	v23 =	vadd.f32 v33, v23;
	v11 =	vadd.f32 v11, v21  }
0x38e: {  	v20 =	vld [tilespmem:s15+$0xFFFFFE50];
	v33 =	vadd.f32 v10, v13;
	v13 =	vmul.f32 v27, v6  }
0x38f: {  	v26 =	vmul.f32 v26, v5;
	v21 =	vld [tilespmem:s15+$0xFFFFFFD0];
	v23 =	vadd.f32 v32, v23;
	(xrf2) =	vadd.scan.msk.f32 $0xffff, v11  }
0x390: {  	v27 =	vld [tilespmem:s15+$0xFFFFFED0];
	v11 =	vadd.f32 v13, v33;
	v13 =	vmul.f32 v30, v7;
	v10, _, _ =	vpop (xrf2)  }
0x391: {  	v25 =	vmul.f32 v25, v6;
	v30 =	vld [tilespmem:s15+$0xFFFFFEB0];
	v23 =	vadd.f32 v26, v23  }
0x392: {  	v26 =	vld [tilespmem:s15+$0xFFFFFFA0];
	v11 =	vadd.f32 v13, v11  }
0x393: {  	v12 =	vmul.f32 v12, v7;
	v32 =	vld [tilespmem:s15+$0xFFFFFE40];
	v13 =	vadd.f32 v25, v23  }
0x394: {  	v23 =	vld [tilespmem:s15+$0xFFFFFFC0];
	(xrf2) =	vadd.scan.msk.f32 $0xffff, v11  }
0x395: {  	v25 =	vld [tilespmem:s15+$0xFFFFFFB0];
	v11 =	vadd.f32 v12, v13  }
0x396: {  	v33 =	vld [tilespmem:s15+$0xFFFFFEC0]  }
0x397: {  	v12 =	vld [tilespmem:s15+$0xFFFFFF90];
	(xrf2) =	vadd.scan.msk.f32 $0xffff, v11  }
0x398: {  	v13 =	vld [tilespmem:s15+$0xFFFFFF80]  }
0x399: {  	v34 =	vld [tilespmem:s15+$0xFFFFFE30];
	v11, _, _ =	vpop (xrf2)  }
0x39a: {  	v35 =	vld [tilespmem:s15+$0xFFFFFF30]  }
0x39b: {  	v36 =	vld [tilespmem:s15+$0xFFFFFF20]  }
0x39c: {  	v37 =	vld [tilespmem:s15+$0xFFFFFF10];
	v38 =	vmul.f32 v12, v1  }
0x39d: {  	v39 =	vld [tilespmem:s15+$0xFFFFFF00];
	v13 =	vmul.f32 v13, v0  }
0x39e: {  	v40 =	vld [tilespmem:s15+$0xFFFFFEA0];
	v12, _, _ =	vpop (xrf2)  }
0x39f: {  	v26 =	vmul.f32 v26, v2;
	v41 =	vld [tilespmem:s15+$0xFFFFFE20];
	v43 =	vadd.f32 v38, v13  }
0x3a0: {  	v28 =	vmul.f32 v28, v7;
	v38 =	vld [tilespmem:s15+$0xFFFFFE90]  }
0x3a1: {  	v25 =	vmul.f32 v25, v3;
	v42 =	vld [tilespmem:s15+$0xFFFFFE80];
	v37 =	vmul.f32 v37, v1;
	v26 =	vadd.f32 v26, v43;
	v13, _, _ =	vpop (xrf2)  }
0x3a2: {  	v24 =	vmul.f32 v24, v5;
	v43 =	vld [tilespmem:s15+$0xFFFFFE10];
	v39 =	vmul.f32 v39, v0  }
0x3a3: {  	v31 =	vmul.f32 v31, v4;
	v23 =	vmul.f32 v23, v4;
	v44 =	vld [tilespmem:s15+$0xFFFFFE00];
	v25 =	vadd.f32 v25, v26  }
0x3a4: {  	v29 =	vmul.f32 v29, v6;
	v36 =	vmul.f32 v36, v2;
	v26 =	vld [tilespmem:s15+$0xFFFFFD70];
	v37 =	vadd.f32 v37, v39  }
0x3a5: {  	v22 =	vmul.f32 v22, v7;
	v21 =	vmul.f32 v21, v5;
	v39 =	vld [tilespmem:s15+$0xFFFFFDF0];
	v23 =	vadd.f32 v23, v25  }
0x3a6: {  	v38 =	vmul.f32 v38, v1;
	v25 =	vld [tilespmem:s15+$0xFFFFFD60];
	v42 =	vmul.f32 v42, v0;
	v36 =	vadd.f32 v36, v37  }
0x3a7: {  	v35 =	vmul.f32 v35, v3;
	v40 =	vmul.f32 v40, v2;
	v37 =	vld [tilespmem:s15+$0xFFFFFDE0];
	v21 =	vadd.f32 v21, v23  }
0x3a8: {  	v43 =	vmul.f32 v43, v1;
	v23 =	vld [tilespmem:s15+$0xFFFFFD50];
	v44 =	vmul.f32 v44, v0;
	v38 =	vadd.f32 v38, v42  }
0x3a9: {  	v30 =	vmul.f32 v30, v3;
	v35 =	vadd.f32 v35, v36;
	v42 =	vld [tilespmem:s15+$0xFFFFFDD0];
	v21 =	vadd.f32 v29, v21  }
0x3aa: {  	v41 =	vmul.f32 v41, v2;
	v29 =	vld [tilespmem:s15+$0xFFFFFD40];
	v36 =	vadd.f32 v43, v44;
	v38 =	vadd.f32 v40, v38  }
0x3ab: {  	v33 =	vmul.f32 v33, v4;
	v31 =	vadd.f32 v31, v35;
	v40 =	vld [tilespmem:s15+$0xFFFFFDC0];
	v21 =	vadd.f32 v22, v21  }
0x3ac: {  	v34 =	vmul.f32 v34, v3;
	v22 =	vld [tilespmem:s15+$0xFFFFFD30];
	v35 =	vadd.f32 v41, v36;
	v30 =	vadd.f32 v30, v38  }
0x3ad: {  	v16 =	vmul.f32 v16, v6;
	v27 =	vmul.f32 v27, v5;
	v24 =	vadd.f32 v24, v31;
	v36 =	vld [tilespmem:s15+$0xFFFFFDB0];
	(xrf2) =	vadd.scan.msk.f32 $0xffff, v21  }
0x3ae: {  	v32 =	vmul.f32 v32, v4;
	v21 =	vld [tilespmem:s15+$0xFFFFFD20];
	v31 =	vadd.f32 v34, v35;
	v30 =	vadd.f32 v33, v30  }
0x3af: {  	v18 =	vmul.f32 v18, v6;
	v19 =	vmul.f32 v19, v6;
	v16 =	vadd.f32 v16, v24;
	v33 =	vld [tilespmem:s15+$0xFFFFFDA0]  }
0x3b0: {  	v20 =	vmul.f32 v20, v5;
	v24 =	vld [tilespmem:s15+$0xFFFFFD90];
	v31 =	vadd.f32 v32, v31;
	v27 =	vadd.f32 v27, v30  }
0x3b1: {  	v15 =	vmul.f32 v15, v7;
	v17 =	vmul.f32 v17, v7;
	v16 =	vadd.f32 v28, v16;
	v30 =	vld [tilespmem:s15+$0xFFFFFD80]  }
0x3b2: {  	v26 =	vmul.f32 v26, v7;
	v28 =	vld [tilespmem:s15+$0xFFFFFD10];
	v20 =	vadd.f32 v20, v31;
	v19 =	vadd.f32 v19, v27  }
0x3b3: {  	v25 =	vmul.f32 v25, v6;
	v31 =	vmul.f32 v39, v7;
	v27 =	vld [tilespmem:s15+$0xFFFFFD00];
	(xrf2) =	vadd.scan.msk.f32 $0xffff, v16  }
0x3b4: {  	v23 =	vmul.f32 v23, v5;
	v32 =	vmul.f32 v37, v6;
	v16 =	vld [tilespmem:s15+$0xFFFFFC90];
	v18 =	vadd.f32 v18, v20  }
0x3b5: {  	v34 =	vmul.f32 v42, v5;
	v19 =	vadd.f32 v15, v19;
	v20 =	vld [tilespmem:s15+$0xFFFFFC10];
	v24 =	vmul.f32 v24, v1  }
0x3b6: {  	v29 =	vmul.f32 v29, v4;
	v35 =	vld [tilespmem:s15+$0xFFFFFC00];
	v30 =	vmul.f32 v30, v0;
	v17 =	vadd.f32 v17, v18  }
0x3b7: {  	v37 =	vmul.f32 v40, v4;
	v18 =	vld [tilespmem:s15+$0xFFFFFC80];
	v28 =	vmul.f32 v28, v1;
	v15, _, _ =	vpop (xrf2)  }
0x3b8: {  	v38 =	vld [tilespmem:s15+$0xFFFFFC20];
	v27 =	vmul.f32 v27, v0;
	v24 =	vadd.f32 v24, v30;
	v30 =	vmul.f32 v33, v2;
	(xrf2) =	vadd.scan.msk.f32 $0xffff, v17  }
0x3b9: {  	v22 =	vmul.f32 v22, v3;
	v33 =	vmul.f32 v36, v3;
	v17 =	vld [tilespmem:s15+$0xFFFFFCA0]  }
0x3ba: {  	v21 =	vmul.f32 v21, v2;
	v36 =	vld [tilespmem:s15+$0xFFFFFC30];
	v27 =	vadd.f32 v28, v27;
	v24 =	vadd.f32 v30, v24  }
0x3bb: {  	v20 =	vmul.f32 v20, v1;
	v28 =	vmul.f32 v35, v0;
	v30 =	vld [tilespmem:s15+$0xFFFFFCB0];
	(xrf2) =	vadd.scan.msk.f32 $0xffff, v19  }
0x3bc: {  	v35 =	vmul.f32 v16, v1;
	v19 =	vld [tilespmem:s15+$0xFFFFFC40];
	v18 =	vmul.f32 v18, v0;
	v21 =	vadd.f32 v21, v27  }
0x3bd: {  	v24 =	vadd.f32 v33, v24;
	v20 =	vadd.f32 v20, v28;
	v27 =	vmul.f32 v38, v2;
	v28 =	vld [tilespmem:s15+$0xFFFFFCC0];
	v16, _, _ =	vpop (xrf2)  }
0x3be: {  	v33 =	vld [tilespmem:s15+$0xFFFFFC50];
	v18 =	vadd.f32 v35, v18;
	v17 =	vmul.f32 v17, v2;
	v21 =	vadd.f32 v22, v21  }
0x3bf: {  	v24 =	vadd.f32 v37, v24;
	v20 =	vadd.f32 v27, v20;
	v22 =	vmul.f32 v36, v3;
	v27 =	vld [tilespmem:s15+$0xFFFFFCD0]  }
0x3c0: {  	v35 =	vld [tilespmem:s15+$0xFFFFFC60];
	v17 =	vadd.f32 v17, v18;
	v18 =	vmul.f32 v30, v3;
	v21 =	vadd.f32 v29, v21  }
0x3c1: {  	v24 =	vadd.f32 v34, v24;
	v20 =	vadd.f32 v22, v20;
	v19 =	vmul.f32 v19, v4;
	v22 =	vld [tilespmem:s15+$0xFFFFFCE0]  }
0x3c2: {  	v29 =	vld [tilespmem:s15+$0xFFFFFC70];
	v17 =	vadd.f32 v18, v17;
	v18 =	vmul.f32 v28, v4;
	v21 =	vadd.f32 v23, v21;
	v23, _, _ =	vpop (xrf2)  }
0x3c3: {  	v24 =	vadd.f32 v32, v24;
	v19 =	vadd.f32 v19, v20;
	v20 =	vmul.f32 v33, v5;
	v28 =	vld [tilespmem:s15+$0xFFFFFCF0]  }
0x3c4: {  	v17 =	vadd.f32 v18, v17;
	v18 =	vmul.f32 v27, v5;
	v21 =	vadd.f32 v25, v21;
	v25 =	vld [tilespmem:s15+$0x10]  }
0x3c5: {  	v24 =	vadd.f32 v31, v24;
	v19 =	vadd.f32 v20, v19;
	v20 =	vmul.f32 v35, v6;
	v27 =	vld [tilespmem:s15+$0x0];
	v30, _, _ =	vpop (xrf2)  }
0x3c6: {  	v17 =	vadd.f32 v18, v17;
	v18 =	vmul.f32 v22, v6;
	v21 =	vadd.f32 v26, v21;
	v22 =	vld [tilespmem:s15+$0x80]  }
0x3c7: {  	v19 =	vadd.f32 v20, v19;
	v20 =	vmul.f32 v29, v7;
	v26 =	vld [tilespmem:s15+$0x20];
	(xrf2) =	vadd.scan.msk.f32 $0xffff, v24  }
0x3c8: {  	v17 =	vadd.f32 v18, v17;
	v18 =	vmul.f32 v28, v7;
	v24 =	vld [tilespmem:s15+$0xA0]  }
0x3c9: {  	v19 =	vadd.f32 v20, v19;
	v20 =	vmul.f32 v25, v1;
	v25 =	vld [tilespmem:s15+$0x30]  }
0x3ca: {  	v17 =	vadd.f32 v18, v17;
	v18 =	vmul.f32 v27, v0;
	v27 =	vld [tilespmem:s15+$0xB0];
	(xrf2) =	vadd.scan.msk.f32 $0xffff, v21  }
0x3cb: {  	v14 =	vmul.f32 v14, v1;
	v21 =	vld [tilespmem:s15+$0x40];
	v22 =	vmul.f32 v22, v0  }
0x3cc: {  	v18 =	vadd.f32 v20, v18;
	v20 =	vmul.f32 v26, v2;
	v26 =	vld [tilespmem:s15+$0xC0]  }
0x3cd: {  	v28 =	vld [tilespmem:s15+$0x50];
	v14 =	vadd.f32 v14, v22;
	v22 =	vmul.f32 v24, v2;
	(xrf2) =	vadd.scan.msk.f32 $0xffff, v19  }
0x3ce: {  	v18 =	vadd.f32 v20, v18;
	v19 =	vmul.f32 v25, v3;
	v20 =	vld [tilespmem:s15+$0xD0]  }
0x3cf: {  	v24 =	vld [tilespmem:s15+$0x60];
	v14 =	vadd.f32 v22, v14;
	v22 =	vmul.f32 v27, v3  }
0x3d0: {  	v18 =	vadd.f32 v19, v18;
	v19 =	vmul.f32 v21, v4;
	v21 =	vld [tilespmem:s15+$0xE0];
	(xrf2) =	vadd.scan.msk.f32 $0xffff, v17  }
0x3d1: {  	v17 =	vld [tilespmem:s15+$0x70];
	v14 =	vadd.f32 v22, v14;
	v27 =	vmul.f32 v26, v4;
	v25, _, _ =	vpop (xrf2)  }
0x3d2: {  	v18 =	vadd.f32 v19, v18;
	v19 =	vmul.f32 v28, v5;
	v26 =	vld [tilespmem:s15+$0xF0]  }
0x3d3: {  	v14 =	vadd.f32 v27, v14;
	v20 =	vmul.f32 v20, v5  }
0x3d4: {  	v18 =	vadd.f32 v19, v18;
	v19 =	vmul.f32 v24, v6;
	v22, _, _ =	vpop (xrf2)  }
0x3d5: {  	s18 =	sshra.s32 s17, $0x2;
	v14 =	vadd.f32 v20, v14;
	v24 =	vmul.f32 v21, v6  }
0x3d6: {  	v21 =	vld [tilespmem:s18+$0xCBA0];
	v18 =	vadd.f32 v19, v18;
	v17 =	vmul.f32 v17, v7  }
0x3d7: {  	v14 =	vadd.f32 v24, v14;
	v19 =	vmul.f32 v26, v7;
	v20, _, _ =	vpop (xrf2)  }
0x3d8: {  	v17 =	vadd.f32 v17, v18  }
0x3d9: {  	v18 =	vbroadcast v20, $0xF;
	v14 =	vadd.f32 v19, v14  }
0x3da: {  	v19 =	vbroadcast v22, $0xF;
	v20, _, _ =	vpop (xrf2);
	(xrf2) =	vadd.scan.msk.f32 $0xffff, v17  }
0x3db: {  	v17 =	vadd.f32 v18, v21;
	v18 =	vbroadcast v20, $0xF;
	v20 =	vbroadcast v25, $0xF;
	_ =	sdelay $0x1  }
0x3dc: {  	v17 =	vsel vm0, v17, v21;
	v18 =	vadd.f32 v18, v21;
	(xrf2) =	vadd.scan.msk.f32 $0xffff, v14  }
0x3dd: {  	v14 =	vadd.f32 v19, v17  }
0x3de: {  	v17 =	vsel vm1, v17, v18;
	v18 =	vbroadcast v23, $0xF  }
0x3df: {  	v14 =	vsel vm2, v17, v14;
	v19 =	vadd.f32 v20, v17;
	v20 =	vbroadcast v30, $0xF  }
0x3e0: {  	v17 =	vadd.f32 v18, v17  }
0x3e1: {  	v16 =	vbroadcast v16, $0xF;
	v14 =	vsel vm3, v14, v19  }
0x3e2: {  	v15 =	vbroadcast v15, $0xF;
	v17 =	vsel vm4, v14, v17;
	v14 =	vadd.f32 v20, v14  }
0x3e3: {  	v16 =	vadd.f32 v16, v17;
	v18, _, _ =	vpop (xrf2)  }
0x3e4: {  	v14 =	vsel vm5, v17, v14  }
0x3e5: {  	v17 =	vbroadcast v18, $0xF;
	v16 =	vsel vm6, v14, v16;
	v15 =	vadd.f32 v15, v14  }
0x3e6: {  	v18, _, _ =	vpop (xrf2);
	(xrf2) =	vadd.scan.msk.f32 $0xffff, v8  }
0x3e7: {  	v14 =	vadd.f32 v17, v14;
	v8 =	vsel vm7, v16, v15;
	v15 =	vbroadcast v18, $0xF  }
0x3e8: {  	v13 =	vbroadcast v13, $0xF  }
0x3e9: {  	v12 =	vbroadcast v12, $0xF;
	v14 =	vsel vm8, v8, v14;
	v8 =	vadd.f32 v15, v8  }
0x3ea: {  	v13 =	vadd.f32 v13, v14  }
.Ltmp2:
0x3eb: {  	v11 =	vbroadcast v11, $0xF;
	v8 =	vsel vm9, v14, v8;
	(pc) =	sbr.rel @p0 .LBB2_6-.Ltmp2, $4  }
0x3ec: {  	v14 =	vbroadcast v10, $0xF;
	v13 =	vsel vm10, v8, v13;
	v12 =	vadd.f32 v12, v8  }
0x3ed: {  	v8 =	vadd.f32 v11, v8  }
0x3ee: {  	v10 =	vbroadcast v9, $0xF;
	v11 =	vsel vm11, v13, v12  }
0x3ef: {  	v8 =	vsel vm12, v11, v8;
	v9 =	vadd.f32 v14, v11  }
0x3f0: {  	_ = 	snop  }
0x3f1: {  	v0 =	vadd.f32 v10, v8;
	v1, _, _ =	vpop (xrf2);
	v2 =	vsel vm13, v8, v9  }
0x3f2: {  	v1 =	vadd.f32 v1, v2  }
0x3f3: {  	s14 =	sadd.s32 $0x1, s14;
	v0 =	vsel vm14, v2, v0  }
0x3f4: {  	p0 =	sne.s32 s14, s9;
	v0 =	vsel vm15, v0, v1  }
.Ltmp3:
0x3f5: {  	[tilespmem:s18+$0xD0A0] =	vst v0;
	(pc) =	sbr.rel @p0 .LBB2_1-.Ltmp3, $4  }
0x3f6: {  	[hbm4b:s8+s2] =	stream.linear.scatter [tilespmem:s13], [sflag:$0x1], $0x4B0, $0x38;
	[tilespmem:$0xD280] =	vst v63  }
0x3f7: {  	_ =	swait.ge [sflag:s10], $0x4B0  }
0x3f8: {  	[sflag:s10] =	ssyncset.done $0x0  }
0x3f9: {  	[sflag:s10] =	ssyncadd.s32 $0xFFFFFB50  }
0x3fa: {  	_ =	sfence.sel $0x180000  }
0x3fb: {  	[bflag:$0x0] =	sbarrier.arrive $0xFFFF  }
0x3fc: {  	p0 =	sne.s32 s0, $0x0;
	_ =	strace $0x90000047  }
0x3fd: {  	s0 =	sadd.s32 @!p0 $0x100000, s1;
	[bflag:$0x2] =	sbarrier.arrive $0xFFFF  }
0x3fe: {  	[sflag:s0] =	ssyncadd.tile.s32 @!p0 $0x1;
	_ =	shalt  }
.Lfunc_end2:
_tile_overlayer_lowered:
.L_overlay_start_2:
0x3ff: {  	(tag) =	ssettag $0x2  }
0x400: {  	s0 =	rddreg [dreg:$0x0];
	s2 =	stileid.u32  }
0x401: {  	s1 =	rddreg [dreg:$0x1];
	p0 =	sne.s32 s2, $0x0  }
0x402: {  	s3 =	rddreg [dreg:$0x2];
	[bflag:$0x3] =	sbarrier.arrive $0xFFFF;
	s2 =	simm.s32 @!p0 $0x1C01  }
0x403: {  	[timem:s3], [sflag:s2] =	dma.local @!p0 [hbm:s0], s1  }
0x404: {  	s0 =	simm.s32 @!p0 $0x1  }
0x405: {  	_ =	swait.ge @!p0 [sflag:s0], s1  }
0x406: {  	s1 =	ssub.s32 @!p0 $0x0, s1;
	[sflag:s0] =	ssyncset.done @!p0 $0x0  }
0x407: {  	[sflag:s0] =	ssyncadd.s32 @!p0 s1  }
0x408: {  	[bflag:$0x3] =	sbarrier.arrive $0xFFFF  }
0x409: {  	_ =	shalt  }

</sc_bundles>
